<compile_context>
chip_gen: v7x
topology: tpu7x:2x2x1
jax: 0.10.2.dev20260603
libtpu: 0.0.44.dev20260713+nightly
codegen_flags: <defaults>
</compile_context>

<pallas_src>
import jax
import jax.numpy as jnp
from jax import lax
from jax.experimental import pallas as pl
from jax.experimental.pallas import tpu as pltpu
from jax.experimental.pallas import tpu_sc as plsc

N = 10000
E = 320000
NPAD = 10240
NSC = 2
NSUB = 16
CH = 128
EP = 327680
RPT = NPAD // NSUB
EPS = E // (NSC * NSUB)
NIT = EP // (NSUB * CH)
BN = 1024


def _sc_mesh():
    return plsc.VectorSubcoreMesh(core_axis_name="c", subcore_axis_name="s")




def _deg_body(dst_hbm, out_hbm, dbuf, part):
    c = lax.axis_index("c")
    s = lax.axis_index("s")
    wid = c * NSUB + s
    pltpu.sync_copy(dst_hbm.at[wid], dbuf)
    z16 = jnp.zeros((16,), jnp.float32)

    def zero_body(i, _):
        part[pl.ds(i * 16, 16)] = z16
        return 0

    lax.fori_loop(0, NPAD // 16, zero_body, 0)
    ones = jnp.ones((16,), jnp.float32)

    def cnt_body(i, _):
        iv = dbuf[pl.ds(i * 16, 16)]
        plsc.addupdate_scatter(part, [iv], ones)
        return 0

    lax.fori_loop(0, EPS // 16, cnt_body, 0)
    pltpu.sync_copy(part, out_hbm.at[wid])


def _degree_counts(dst_r):
    return pl.kernel(
        _deg_body,
        out_type=jax.ShapeDtypeStruct((NSC * NSUB, NPAD), jnp.float32),
        mesh=_sc_mesh(),
        compiler_params=pltpu.CompilerParams(needs_layout_passes=False),
        scratch_types=[
            pltpu.VMEM((EPS,), jnp.int32),
            pltpu.VMEM((NPAD,), jnp.float32),
        ],
    )(dst_r)


DH = 64


NB = 4
NG = NIT // NB


def _agg_body(xs_hbm, srcr2_hbm, dstr_hbm, out_hbm,
              didx, sidx, zbuf, acc, *ring):
    rows = ring[:NB]
    sems = ring[NB:]
    c = lax.axis_index("c")
    s = lax.axis_index("s")
    pltpu.sync_copy(srcr2_hbm.at[c, s], sidx)
    pltpu.sync_copy(dstr_hbm.at[s], didx)
    z16 = jnp.zeros((16,), jnp.float32)

    def zrow(i, _):
        def zcol(j, _):
            zbuf[i, pl.ds(j * 16, 16)] = z16
            return 0

        lax.fori_loop(0, DH // 16, zcol, 0)
        return 0

    lax.fori_loop(0, CH, zrow, 0)

    def zacc(k, _):
        pltpu.sync_copy(zbuf, acc.at[pl.ds(s * RPT + k * CH, CH)])
        return 0

    lax.fori_loop(0, RPT // CH, zacc, 0)
    plsc.subcore_barrier()

    for b in range(NB):
        pltpu.async_copy(xs_hbm.at[sidx.at[b]], rows[b], sems[b])

    def _slot(i, b):
        pltpu.make_async_copy(xs_hbm.at[sidx.at[i]], rows[b], sems[b]).wait()
        pltpu.sync_copy(rows[b], acc.at[didx.at[i]], add=True)

        @pl.when(i + NB < NIT)
        def _():
            pltpu.async_copy(xs_hbm.at[sidx.at[i + NB]], rows[b], sems[b])

    def grp(p, _):
        base = p * NB
        for b in range(NB):
            _slot(base + b, b)
        return 0

    lax.fori_loop(0, NG, grp, 0)
    plsc.subcore_barrier()
    pltpu.sync_copy(acc.at[pl.ds(s * RPT, RPT)],
                    out_hbm.at[pl.ds(c * NPAD + s * RPT, RPT)])


def _aggregate(xs, srcr2, dstr):
    return pl.kernel(
        _agg_body,
        out_type=jax.ShapeDtypeStruct((2 * NPAD, DH), jnp.float32),
        mesh=_sc_mesh(),
        compiler_params=pltpu.CompilerParams(
            needs_layout_passes=False, use_tc_tiling_on_sc=False),
        scratch_types=(
            [pltpu.VMEM((NIT, CH), jnp.int32),
             pltpu.VMEM((NIT, CH), jnp.int32),
             pltpu.VMEM((CH, DH), jnp.float32),
             pltpu.VMEM_SHARED((NPAD, DH), jnp.float32)]
            + [pltpu.VMEM((CH, DH), jnp.float32) for _ in range(NB)]
            + [pltpu.SemaphoreType.DMA for _ in range(NB)]
        ),
    )(xs.reshape(2 * NPAD, DH), srcr2, dstr).reshape(2, NPAD, DH)



_F32 = jnp.float32
_GRID = NPAD // BN


def _dot(a, b):
    return jnp.dot(a, b, preferred_element_type=_F32)


def _kdeg(p_ref, o_ref):
    o_ref[...] = lax.rsqrt(jnp.sum(p_ref[...], axis=0) + 1.0)


def _k0(x_ref, d_ref, o_ref):
    d = d_ref[...]
    o_ref[0] = x_ref[0] * d
    o_ref[1] = x_ref[1] * d


def _k12(a_ref, x_ref, d64_ref, w1_ref, b1_ref, w2_ref, oa_ref, ob_ref):
    d64 = d64_ref[...]
    z0 = (a_ref[0] + x_ref[0]) * d64
    z1 = (a_ref[1] + x_ref[1]) * d64
    y1 = jnp.maximum(
        _dot(z0, w1_ref[0:64, :]) + _dot(z1, w1_ref[64:128, :]) + b1_ref[...],
        0.0)
    oa_ref[0] = _dot(y1, w2_ref[0]) * d64
    oa_ref[1] = _dot(y1, w2_ref[1]) * d64
    ob_ref[0] = _dot(y1, w2_ref[2]) * d64
    ob_ref[1] = _dot(y1, w2_ref[3]) * d64


def _k23(aa_ref, ab_ref, ha_ref, hb_ref, d64_ref, b2_ref, w3_ref, o_ref):
    d64 = d64_ref[...]
    y2 = [
        jnp.maximum((aa_ref[0] + ha_ref[0]) * d64 + b2_ref[0], 0.0),
        jnp.maximum((aa_ref[1] + ha_ref[1]) * d64 + b2_ref[1], 0.0),
        jnp.maximum((ab_ref[0] + hb_ref[0]) * d64 + b2_ref[2], 0.0),
        jnp.maximum((ab_ref[1] + hb_ref[1]) * d64 + b2_ref[3], 0.0),
    ]
    for co in range(2):
        o_ref[co] = sum(_dot(y2[q], w3_ref[q, co]) for q in range(4)) * d64


def _k34(a_ref, h_ref, d64_ref, b3_ref, o_ref):
    d64 = d64_ref[...]
    o_ref[0] = jnp.maximum((a_ref[0] + h_ref[0]) * d64 + b3_ref[0], 0.0) * d64
    o_ref[1] = jnp.maximum((a_ref[1] + h_ref[1]) * d64 + b3_ref[1], 0.0) * d64


def _k4(a_ref, x_ref, d64_ref, w4_ref, b4_ref, o_ref):
    i = pl.program_id(0)
    d64 = d64_ref[...]
    z0 = (a_ref[0] + x_ref[0]) * d64
    z1 = (a_ref[1] + x_ref[1]) * d64
    y4 = jnp.maximum(
        _dot(z0, w4_ref[0:64, :]) + _dot(z1, w4_ref[64:128, :]) + b4_ref[...],
        0.0)
    row = i * BN + lax.broadcasted_iota(jnp.int32, (BN, 1), 0)
    y4 = jnp.where(row < N, y4, 0.0)
    part = jnp.sum(y4, axis=0, keepdims=True) * (1.0 / N)

    @pl.when(i == 0)
    def _():
        o_ref[...] = part

    @pl.when(i > 0)
    def _():
        o_ref[...] = o_ref[...] + part


def _split_spec(dh):
    return pl.BlockSpec((2, BN, dh), lambda i: (0, i, 0))


def _col_spec(dh):
    return pl.BlockSpec((BN, dh), lambda i: (i, 0))


def _full_spec(shape):
    nd = len(shape)
    return pl.BlockSpec(shape, lambda i, _n=nd: (0,) * _n)


def _tc_call(body, in_specs, out_specs, out_shape, acc=False):
    sem = ("arbitrary",) if acc else ("parallel",)
    return pl.pallas_call(
        body,
        grid=(_GRID,),
        in_specs=in_specs,
        out_specs=out_specs,
        out_shape=out_shape,
        compiler_params=pltpu.CompilerParams(dimension_semantics=sem),
    )




def kernel(x, edge_index, edge_attr, W1, b1, W2, b2, W3, b3, W4, b4):
    del edge_attr
    src = edge_index[0]
    dst = edge_index[1]

    degp = _degree_counts(dst.reshape(NSC * NSUB, EPS))
    dinv2d = pl.pallas_call(
        _kdeg,
        out_shape=jax.ShapeDtypeStruct((NPAD // 128, 128), _F32),
    )(degp.reshape(NSC * NSUB, NPAD // 128, 128))
    dinv = dinv2d.reshape(NPAD)
    d64 = jnp.broadcast_to(dinv[:, None], (NPAD, 64))

    srcp = jnp.concatenate([src, jnp.zeros((EP - E,), src.dtype)])
    dstp = jnp.concatenate([dst, jnp.full((EP - E,), NPAD - 1, dst.dtype)])
    srcr2 = jnp.stack([srcp, srcp + NPAD]).reshape(NSC, NSUB, NIT, CH)
    dstr = dstp.reshape(NSUB, NIT, CH)
    x_pad = jnp.pad(x, ((0, NPAD - N), (0, 0)))
    x_split = x_pad.reshape(NPAD, 2, 64).transpose(1, 0, 2)
    b1r = b1.reshape(1, 512)
    w2q = W2.reshape(512, 4, 64).transpose(1, 0, 2)
    b2q = b2.reshape(4, 1, 64)
    w3q = W3.reshape(4, 64, 2, 64).transpose(0, 2, 1, 3)
    b3s = b3.reshape(2, 1, 64)
    b4r = b4.reshape(1, 200)
    sds = jax.ShapeDtypeStruct((2, NPAD, 64), _F32)

    xs1 = _tc_call(
        _k0,
        [_split_spec(64), _col_spec(64)],
        _split_spec(64),
        sds,
    )(x_split, d64)
    a1 = _aggregate(xs1, srcr2, dstr)
    h2a, h2b = _tc_call(
        _k12,
        [_split_spec(64), _split_spec(64), _col_spec(64),
         _full_spec((128, 512)), _full_spec((1, 512)), _full_spec((4, 512, 64))],
        [_split_spec(64), _split_spec(64)],
        [sds, sds],
    )(a1, xs1, d64, W1, b1r, w2q)

    a2a = _aggregate(h2a, srcr2, dstr)
    a2b = _aggregate(h2b, srcr2, dstr)
    h3 = _tc_call(
        _k23,
        [_split_spec(64), _split_spec(64), _split_spec(64), _split_spec(64),
         _col_spec(64), _full_spec((4, 1, 64)), _full_spec((4, 2, 64, 64))],
        _split_spec(64),
        sds,
    )(a2a, a2b, h2a, h2b, d64, b2q, w3q)

    a3 = _aggregate(h3, srcr2, dstr)
    xs4 = _tc_call(
        _k34,
        [_split_spec(64), _split_spec(64), _col_spec(64), _full_spec((2, 1, 64))],
        _split_spec(64),
        sds,
    )(a3, h3, d64, b3s)

    a4 = _aggregate(xs4, srcr2, dstr)
    out = _tc_call(
        _k4,
        [_split_spec(64), _split_spec(64), _col_spec(64),
         _full_spec((128, 200)), _full_spec((1, 200))],
        pl.BlockSpec((1, 200), lambda i: (0, 0)),
        jax.ShapeDtypeStruct((1, 200), _F32),
        acc=True,
    )(a4, xs4, d64, W4, b4r)
    return out

# --- scband reference (transcript-rebuilt; emitter-appended) ---
"""Pipeline reference for scband-node-only-75900662055232 (READ-ONLY COPY).

The authoritative reference and input builder live on the scoring server;
editing this copy changes nothing except your own understanding.
"""

import jax, jax.numpy as jnp
import numpy as np

N = 10000
E = 320000
D_IN = 128
H = 256
D_OUT = 200


def _glorot(key, shape):
    fan_in, fan_out = shape
    limit = float(np.sqrt(6.0 / (fan_in + fan_out)))
    return jax.random.uniform(key, shape, jnp.float32, -limit, limit)


def setup_inputs(seed: int = 0) -> dict:
    key = jax.random.key(seed)
    ks = jax.random.split(key, 8)
    x = jax.random.normal(ks[0], (N, D_IN), dtype=jnp.float32)
    edge_index = jax.random.randint(ks[1], (2, E), 0, N, dtype=jnp.int32)
    edge_attr = jax.random.normal(ks[2], (E, 4), dtype=jnp.float32)
    dims = [(D_IN, 2 * H), (2 * H, H), (H, H // 2), (H // 2, D_OUT)]
    inp = {"x": x, "edge_index": edge_index, "edge_attr": edge_attr}
    for i, (din, dout) in enumerate(dims):
        inp[f"W{i+1}"] = _glorot(ks[3 + i], (din, dout))
        inp[f"b{i+1}"] = jnp.zeros((dout,), dtype=jnp.float32)
    return inp


def _gcn_conv(x, W, b, src, dst):
    # PyG GCNConv: add self-loops, symmetric normalization, linear transform,
    # scatter-add aggregation, bias.
    n = x.shape[0]
    loop = jnp.arange(n, dtype=src.dtype)
    s = jnp.concatenate([src, loop])
    d = jnp.concatenate([dst, loop])
    deg = jnp.zeros((n,), dtype=x.dtype).at[d].add(1.0)
    dinv = jnp.where(deg > 0, deg ** -0.5, 0.0)
    norm = dinv[s] * dinv[d]
    h = x @ W
    msg = h[s] * norm[:, None]
    out = jnp.zeros((n, W.shape[1]), dtype=x.dtype).at[d].add(msg)
    return out + b


def reference(x, edge_index, edge_attr, W1, b1, W2, b2, W3, b3, W4, b4):
    src = edge_index[0]
    dst = edge_index[1]
    out = jax.nn.relu(_gcn_conv(x, W1, b1, src, dst))
    out = jax.nn.relu(_gcn_conv(out, W2, b2, src, dst))
    out = jax.nn.relu(_gcn_conv(out, W3, b3, src, dst))
    out = jax.nn.relu(_gcn_conv(out, W4, b4, src, dst))
    out = jnp.mean(out, axis=0, keepdims=True)
    return out

if __name__ == "__main__":
    import jax
    _d = setup_inputs()
    print(jax.jit(kernel)(*tuple(_d.values())))

</pallas_src>

<mosaic_0001>
#map = affine_map<(d0, d1) -> (0, 0)>
module attributes {stable_mosaic.version = 14 : i64} {
  func.func @_deg_body(%arg0: i32, %arg1: i32, %arg2: memref<32x10000xi32, #tpu.memory_space<hbm>>, %arg3: memref<32x10240xf32, #tpu.memory_space<hbm>>, %arg4: memref<10000xi32, #tpu.memory_space<vmem>>, %arg5: memref<10240xf32, #tpu.memory_space<vmem>>) attributes {dimension_semantics = [#tpu.dimension_semantics<core_parallel>, #tpu.dimension_semantics<subcore_parallel>], iteration_bounds = array<i64: 2, 16>, scalar_prefetch = 0 : i64, scratch_operands = 2 : i64, tpu.core_type = #tpu.core_type<sc_vector_subcore>, window_params = [{transform_indices = #map}, {transform_indices = #map}]} {
    %mul3A = arith.constant 16 : i32
    %mul3A_0 = arith.muli %arg0, %mul3A : i32
    %add3A = arith.addi %mul3A_0, %arg1 : i32
    "tpu.region"() ({
      %run_scoped3A = tpu.sem_alloc : memref<!tpu.dma_semaphore, #tpu.memory_space<semaphore_mem>>
      %dma_start3A = arith.constant 0 : i32
      %dma_start3A_17 = tpu.memref_slice %arg2[%add3A, %dma_start3A] : memref<32x10000xi32, #tpu.memory_space<hbm>> -> memref<1x10000xi32, #tpu.memory_space<hbm>>
      %dma_start3A_18 = tpu.memref_squeeze %dma_start3A_17 : memref<1x10000xi32, #tpu.memory_space<hbm>> -> memref<10000xi32, #tpu.memory_space<hbm>>
      %dma_start3A_19 = arith.constant 0 : i32
      %dma_start3A_20 = tpu.memref_slice %arg2[%add3A, %dma_start3A_19] : memref<32x10000xi32, #tpu.memory_space<hbm>> -> memref<1x10000xi32, #tpu.memory_space<hbm>>
      %dma_start3A_21 = tpu.memref_squeeze %dma_start3A_20 : memref<1x10000xi32, #tpu.memory_space<hbm>> -> memref<10000xi32, #tpu.memory_space<hbm>>
      tpu.enqueue_dma source(%dma_start3A_21 : memref<10000xi32, #tpu.memory_space<hbm>>) target(%arg4 : memref<10000xi32, #tpu.memory_space<vmem>>) target_semaphore(%run_scoped3A : memref<!tpu.dma_semaphore, #tpu.memory_space<semaphore_mem>>)
      %dma_wait3A = arith.constant 0 : i32
      %dma_wait3A_22 = tpu.memref_slice %arg2[%add3A, %dma_wait3A] : memref<32x10000xi32, #tpu.memory_space<hbm>> -> memref<1x10000xi32, #tpu.memory_space<hbm>>
      %dma_wait3A_23 = tpu.memref_squeeze %dma_wait3A_22 : memref<1x10000xi32, #tpu.memory_space<hbm>> -> memref<10000xi32, #tpu.memory_space<hbm>>
      %dma_wait3A_24 = arith.constant 0 : i32
      %dma_wait3A_25 = tpu.memref_slice %arg2[%add3A, %dma_wait3A_24] : memref<32x10000xi32, #tpu.memory_space<hbm>> -> memref<1x10000xi32, #tpu.memory_space<hbm>>
      %dma_wait3A_26 = tpu.memref_squeeze %dma_wait3A_25 : memref<1x10000xi32, #tpu.memory_space<hbm>> -> memref<10000xi32, #tpu.memory_space<hbm>>
      tpu.wait_dma2 semaphore(%run_scoped3A : memref<!tpu.dma_semaphore, #tpu.memory_space<semaphore_mem>>) src(%dma_wait3A_26 : memref<10000xi32, #tpu.memory_space<hbm>>) dst(%arg4 : memref<10000xi32, #tpu.memory_space<vmem>>)
      tpu.yield
    }) : () -> ()
    %broadcast_in_dim3A = arith.constant 0.000000e+00 : f32
    %broadcast_in_dim3A_1 = vector.broadcast %broadcast_in_dim3A : f32 to vector<16xf32>
    %scan3A = arith.constant 0 : i32
    %scan3A_2 = arith.constant 0 : i32
    %scan3A_3 = arith.constant 640 : i32
    %scan3A_4 = arith.addi %scan3A_2, %scan3A_3 : i32
    %scan3A_5 = arith.constant 1 : i32
    %scan3A_6 = scf.for %scan3A_17 = %scan3A_2 to %scan3A_4 step %scan3A_5 iter_args(%scan3A_18 = %scan3A) -> (i32)  : i32 {
      %mul3A_19 = arith.constant 16 : i32
      %mul3A_20 = arith.muli %scan3A_17, %mul3A_19 : i32
      %swap3A = arith.index_cast %mul3A_20 : i32 to index
      %swap3A_21 = tpu.vector_load %arg5[%swap3A] {strides = array<i32>} : memref<10240xf32, #tpu.memory_space<vmem>>, vector<16xf32>,
      tpu.vector_store %arg5[%swap3A], %broadcast_in_dim3A_1 {strides = array<i32>} : memref<10240xf32, #tpu.memory_space<vmem>>, vector<16xf32>,
      %scan3A_22 = arith.constant 0 : i32
      scf.yield %scan3A_22 : i32
    }
    %scan3A_7 = arith.constant 640 : i32
    %broadcast_in_dim3A_8 = arith.constant 1.000000e+00 : f32
    %broadcast_in_dim3A_9 = vector.broadcast %broadcast_in_dim3A_8 : f32 to vector<16xf32>
    %scan3A_10 = arith.constant 0 : i32
    %scan3A_11 = arith.constant 0 : i32
    %scan3A_12 = arith.constant 625 : i32
    %scan3A_13 = arith.addi %scan3A_11, %scan3A_12 : i32
    %scan3A_14 = arith.constant 1 : i32
    %scan3A_15 = scf.for %scan3A_17 = %scan3A_11 to %scan3A_13 step %scan3A_14 iter_args(%scan3A_18 = %scan3A_10) -> (i32)  : i32 {
      %mul3A_19 = arith.constant 16 : i32
      %mul3A_20 = arith.muli %scan3A_17, %mul3A_19 : i32
      %get3A = arith.index_cast %mul3A_20 : i32 to index
      %get3A_21 = tpu.vector_load %arg4[%get3A] {strides = array<i32>} : memref<10000xi32, #tpu.memory_space<vmem>>, vector<16xi32>,
      tpu.vector_store_idx %arg5[%get3A_21], %broadcast_in_dim3A_9 {add = true} : memref<10240xf32, #tpu.memory_space<vmem>>[vector<16xi32>], vector<16xf32>,
      %scan3A_22 = arith.constant 0 : i32
      scf.yield %scan3A_22 : i32
    }
    %scan3A_16 = arith.constant 625 : i32
    "tpu.region"() ({
      %run_scoped3A = tpu.sem_alloc : memref<!tpu.dma_semaphore, #tpu.memory_space<semaphore_mem>>
      %dma_start3A = arith.constant 0 : i32
      %dma_start3A_17 = tpu.memref_slice %arg3[%add3A, %dma_start3A] : memref<32x10240xf32, #tpu.memory_space<hbm>> -> memref<1x10240xf32, #tpu.memory_space<hbm>>
      %dma_start3A_18 = tpu.memref_squeeze %dma_start3A_17 : memref<1x10240xf32, #tpu.memory_space<hbm>> -> memref<10240xf32, #tpu.memory_space<hbm>>
      %dma_start3A_19 = arith.constant 0 : i32
      %dma_start3A_20 = tpu.memref_slice %arg3[%add3A, %dma_start3A_19] : memref<32x10240xf32, #tpu.memory_space<hbm>> -> memref<1x10240xf32, #tpu.memory_space<hbm>>
      %dma_start3A_21 = tpu.memref_squeeze %dma_start3A_20 : memref<1x10240xf32, #tpu.memory_space<hbm>> -> memref<10240xf32, #tpu.memory_space<hbm>>
      tpu.enqueue_dma source(%arg5 : memref<10240xf32, #tpu.memory_space<vmem>>) target(%dma_start3A_21 : memref<10240xf32, #tpu.memory_space<hbm>>) target_semaphore(%run_scoped3A : memref<!tpu.dma_semaphore, #tpu.memory_space<semaphore_mem>>)
      %dma_wait3A = arith.constant 0 : i32
      %dma_wait3A_22 = tpu.memref_slice %arg3[%add3A, %dma_wait3A] : memref<32x10240xf32, #tpu.memory_space<hbm>> -> memref<1x10240xf32, #tpu.memory_space<hbm>>
      %dma_wait3A_23 = tpu.memref_squeeze %dma_wait3A_22 : memref<1x10240xf32, #tpu.memory_space<hbm>> -> memref<10240xf32, #tpu.memory_space<hbm>>
      %dma_wait3A_24 = arith.constant 0 : i32
      %dma_wait3A_25 = tpu.memref_slice %arg3[%add3A, %dma_wait3A_24] : memref<32x10240xf32, #tpu.memory_space<hbm>> -> memref<1x10240xf32, #tpu.memory_space<hbm>>
      %dma_wait3A_26 = tpu.memref_squeeze %dma_wait3A_25 : memref<1x10240xf32, #tpu.memory_space<hbm>> -> memref<10240xf32, #tpu.memory_space<hbm>>
      tpu.wait_dma2 semaphore(%run_scoped3A : memref<!tpu.dma_semaphore, #tpu.memory_space<semaphore_mem>>) src(%arg5 : memref<10240xf32, #tpu.memory_space<vmem>>) dst(%dma_wait3A_26 : memref<10240xf32, #tpu.memory_space<hbm>>)
      tpu.yield
    }) : () -> ()
    return
  }
}

#map = affine_map<(d0, d1) -> (0, 0)>
#map1 = affine_map<(d0, d1) -> (0, 0, 0, 0)>
#map2 = affine_map<(d0, d1) -> (0, 0, 0)>
module attributes {stable_mosaic.version = 14 : i64} {
  func.func @_agg_body(%arg0: i32, %arg1: i32, %arg2: memref<20480x64xf32, #tpu.memory_space<hbm>>, %arg3: memref<2x16x160x128xi32, #tpu.memory_space<hbm>>, %arg4: memref<16x160x128xi32, #tpu.memory_space<hbm>>, %arg5: memref<20480x64xf32, #tpu.memory_space<hbm>>, %arg6: memref<160x128xi32, #tpu.memory_space<vmem>>, %arg7: memref<160x128xi32, #tpu.memory_space<vmem>>, %arg8: memref<128x64xf32, #tpu.memory_space<vmem>>, %arg9: memref<10240x64xf32, #tpu.memory_space<vmem_shared>>, %arg10: memref<128x64xf32, #tpu.memory_space<vmem>>, %arg11: memref<128x64xf32, #tpu.memory_space<vmem>>, %arg12: memref<128x64xf32, #tpu.memory_space<vmem>>, %arg13: memref<128x64xf32, #tpu.memory_space<vmem>>, %arg14: memref<!tpu.dma_semaphore, #tpu.memory_space<semaphore_mem>>, %arg15: memref<!tpu.dma_semaphore, #tpu.memory_space<semaphore_mem>>, %arg16: memref<!tpu.dma_semaphore, #tpu.memory_space<semaphore_mem>>, %arg17: memref<!tpu.dma_semaphore, #tpu.memory_space<semaphore_mem>>) attributes {dimension_semantics = [#tpu.dimension_semantics<core_parallel>, #tpu.dimension_semantics<subcore_parallel>], iteration_bounds = array<i64: 2, 16>, scalar_prefetch = 0 : i64, scratch_operands = 12 : i64, tpu.core_type = #tpu.core_type<sc_vector_subcore>, window_params = [{transform_indices = #map}, {transform_indices = #map1}, {transform_indices = #map2}, {transform_indices = #map}]} {
    "tpu.region"() ({
      %run_scoped3A = tpu.sem_alloc : memref<!tpu.dma_semaphore, #tpu.memory_space<semaphore_mem>>
      %dma_start3A_54 = arith.constant 0 : i32
      %dma_start3A_55 = arith.constant 0 : i32
      %dma_start3A_56 = tpu.memref_slice %arg3[%arg0, %arg1, %dma_start3A_54, %dma_start3A_55] : memref<2x16x160x128xi32, #tpu.memory_space<hbm>> -> memref<1x1x160x128xi32, #tpu.memory_space<hbm>>
      %dma_start3A_57 = tpu.memref_squeeze %dma_start3A_56 : memref<1x1x160x128xi32, #tpu.memory_space<hbm>> -> memref<160x128xi32, #tpu.memory_space<hbm>>
      %dma_start3A_58 = arith.constant 0 : i32
      %dma_start3A_59 = arith.constant 0 : i32
      %dma_start3A_60 = tpu.memref_slice %arg3[%arg0, %arg1, %dma_start3A_58, %dma_start3A_59] : memref<2x16x160x128xi32, #tpu.memory_space<hbm>> -> memref<1x1x160x128xi32, #tpu.memory_space<hbm>>
      %dma_start3A_61 = tpu.memref_squeeze %dma_start3A_60 : memref<1x1x160x128xi32, #tpu.memory_space<hbm>> -> memref<160x128xi32, #tpu.memory_space<hbm>>
      tpu.enqueue_dma source(%dma_start3A_61 : memref<160x128xi32, #tpu.memory_space<hbm>>) target(%arg7 : memref<160x128xi32, #tpu.memory_space<vmem>>) target_semaphore(%run_scoped3A : memref<!tpu.dma_semaphore, #tpu.memory_space<semaphore_mem>>)
      %dma_wait3A = arith.constant 0 : i32
      %dma_wait3A_62 = arith.constant 0 : i32
      %dma_wait3A_63 = tpu.memref_slice %arg3[%arg0, %arg1, %dma_wait3A, %dma_wait3A_62] : memref<2x16x160x128xi32, #tpu.memory_space<hbm>> -> memref<1x1x160x128xi32, #tpu.memory_space<hbm>>
      %dma_wait3A_64 = tpu.memref_squeeze %dma_wait3A_63 : memref<1x1x160x128xi32, #tpu.memory_space<hbm>> -> memref<160x128xi32, #tpu.memory_space<hbm>>
      %dma_wait3A_65 = arith.constant 0 : i32
      %dma_wait3A_66 = arith.constant 0 : i32
      %dma_wait3A_67 = tpu.memref_slice %arg3[%arg0, %arg1, %dma_wait3A_65, %dma_wait3A_66] : memref<2x16x160x128xi32, #tpu.memory_space<hbm>> -> memref<1x1x160x128xi32, #tpu.memory_space<hbm>>
      %dma_wait3A_68 = tpu.memref_squeeze %dma_wait3A_67 : memref<1x1x160x128xi32, #tpu.memory_space<hbm>> -> memref<160x128xi32, #tpu.memory_space<hbm>>
      tpu.wait_dma2 semaphore(%run_scoped3A : memref<!tpu.dma_semaphore, #tpu.memory_space<semaphore_mem>>) src(%dma_wait3A_68 : memref<160x128xi32, #tpu.memory_space<hbm>>) dst(%arg7 : memref<160x128xi32, #tpu.memory_space<vmem>>)
      tpu.yield
    }) : () -> ()
    "tpu.region"() ({
      %run_scoped3A = tpu.sem_alloc : memref<!tpu.dma_semaphore, #tpu.memory_space<semaphore_mem>>
      %dma_start3A_54 = arith.constant 0 : i32
      %dma_start3A_55 = arith.constant 0 : i32
      %dma_start3A_56 = tpu.memref_slice %arg4[%arg1, %dma_start3A_54, %dma_start3A_55] : memref<16x160x128xi32, #tpu.memory_space<hbm>> -> memref<1x160x128xi32, #tpu.memory_space<hbm>>
      %dma_start3A_57 = tpu.memref_squeeze %dma_start3A_56 : memref<1x160x128xi32, #tpu.memory_space<hbm>> -> memref<160x128xi32, #tpu.memory_space<hbm>>
      %dma_start3A_58 = arith.constant 0 : i32
      %dma_start3A_59 = arith.constant 0 : i32
      %dma_start3A_60 = tpu.memref_slice %arg4[%arg1, %dma_start3A_58, %dma_start3A_59] : memref<16x160x128xi32, #tpu.memory_space<hbm>> -> memref<1x160x128xi32, #tpu.memory_space<hbm>>
      %dma_start3A_61 = tpu.memref_squeeze %dma_start3A_60 : memref<1x160x128xi32, #tpu.memory_space<hbm>> -> memref<160x128xi32, #tpu.memory_space<hbm>>
      tpu.enqueue_dma source(%dma_start3A_61 : memref<160x128xi32, #tpu.memory_space<hbm>>) target(%arg6 : memref<160x128xi32, #tpu.memory_space<vmem>>) target_semaphore(%run_scoped3A : memref<!tpu.dma_semaphore, #tpu.memory_space<semaphore_mem>>)
      %dma_wait3A = arith.constant 0 : i32
      %dma_wait3A_62 = arith.constant 0 : i32
      %dma_wait3A_63 = tpu.memref_slice %arg4[%arg1, %dma_wait3A, %dma_wait3A_62] : memref<16x160x128xi32, #tpu.memory_space<hbm>> -> memref<1x160x128xi32, #tpu.memory_space<hbm>>
      %dma_wait3A_64 = tpu.memref_squeeze %dma_wait3A_63 : memref<1x160x128xi32, #tpu.memory_space<hbm>> -> memref<160x128xi32, #tpu.memory_space<hbm>>
      %dma_wait3A_65 = arith.constant 0 : i32
      %dma_wait3A_66 = arith.constant 0 : i32
      %dma_wait3A_67 = tpu.memref_slice %arg4[%arg1, %dma_wait3A_65, %dma_wait3A_66] : memref<16x160x128xi32, #tpu.memory_space<hbm>> -> memref<1x160x128xi32, #tpu.memory_space<hbm>>
      %dma_wait3A_68 = tpu.memref_squeeze %dma_wait3A_67 : memref<1x160x128xi32, #tpu.memory_space<hbm>> -> memref<160x128xi32, #tpu.memory_space<hbm>>
      tpu.wait_dma2 semaphore(%run_scoped3A : memref<!tpu.dma_semaphore, #tpu.memory_space<semaphore_mem>>) src(%dma_wait3A_68 : memref<160x128xi32, #tpu.memory_space<hbm>>) dst(%arg6 : memref<160x128xi32, #tpu.memory_space<vmem>>)
      tpu.yield
    }) : () -> ()
    %broadcast_in_dim3A = arith.constant 0.000000e+00 : f32
    %broadcast_in_dim3A_0 = vector.broadcast %broadcast_in_dim3A : f32 to vector<16xf32>
    %scan3A = arith.constant 0 : i32
    %scan3A_1 = arith.constant 0 : i32
    %scan3A_2 = arith.constant 128 : i32
    %scan3A_3 = arith.addi %scan3A_1, %scan3A_2 : i32
    %scan3A_4 = arith.constant 1 : i32
    %scan3A_5 = scf.for %scan3A_54 = %scan3A_1 to %scan3A_3 step %scan3A_4 iter_args(%scan3A_55 = %scan3A) -> (i32)  : i32 {
      %scan3A_56 = arith.constant 0 : i32
      %scan3A_57 = arith.constant 0 : i32
      %scan3A_58 = arith.constant 4 : i32
      %scan3A_59 = arith.addi %scan3A_57, %scan3A_58 : i32
      %scan3A_60 = arith.constant 1 : i32
      %scan3A_61 = scf.for %scan3A_64 = %scan3A_57 to %scan3A_59 step %scan3A_60 iter_args(%scan3A_65 = %scan3A_56) -> (i32)  : i32 {
        %mul3A_66 = arith.constant 16 : i32
        %mul3A_67 = arith.muli %scan3A_64, %mul3A_66 : i32
        %swap3A = arith.index_cast %scan3A_54 : i32 to index
        %swap3A_68 = arith.index_cast %mul3A_67 : i32 to index
        %swap3A_69 = tpu.vector_load %arg8[%swap3A, %swap3A_68] {strides = array<i32>} : memref<128x64xf32, #tpu.memory_space<vmem>>, vector<16xf32>,
        tpu.vector_store %arg8[%swap3A, %swap3A_68], %broadcast_in_dim3A_0 {strides = array<i32>} : memref<128x64xf32, #tpu.memory_space<vmem>>, vector<16xf32>,
        %scan3A_70 = arith.constant 0 : i32
        scf.yield %scan3A_70 : i32
      }
      %scan3A_62 = arith.constant 4 : i32
      %scan3A_63 = arith.constant 0 : i32
      scf.yield %scan3A_63 : i32
    }
    %scan3A_6 = arith.constant 128 : i32
    %scan3A_7 = arith.constant 0 : i32
    %scan3A_8 = arith.constant 0 : i32
    %scan3A_9 = arith.constant 5 : i32
    %scan3A_10 = arith.addi %scan3A_8, %scan3A_9 : i32
    %scan3A_11 = arith.constant 1 : i32
    %scan3A_12 = scf.for %scan3A_54 = %scan3A_8 to %scan3A_10 step %scan3A_11 iter_args(%scan3A_55 = %scan3A_7) -> (i32)  : i32 {
      %mul3A_56 = arith.constant 640 : i32
      %mul3A_57 = arith.muli %arg1, %mul3A_56 : i32
      %mul3A_58 = arith.constant 128 : i32
      %mul3A_59 = arith.muli %scan3A_54, %mul3A_58 : i32
      %add3A_60 = arith.addi %mul3A_57, %mul3A_59 : i32
      "tpu.region"() ({
        %run_scoped3A = tpu.sem_alloc : memref<!tpu.dma_semaphore, #tpu.memory_space<semaphore_mem>>
        %dma_start3A_62 = arith.constant 0 : i32
        %dma_start3A_63 = tpu.memref_slice %arg9[%add3A_60, %dma_start3A_62] : memref<10240x64xf32, #tpu.memory_space<vmem_shared>> -> memref<128x64xf32, #tpu.memory_space<vmem_shared>>
        %dma_start3A_64 = arith.constant 0 : i32
        %dma_start3A_65 = tpu.memref_slice %arg9[%add3A_60, %dma_start3A_64] : memref<10240x64xf32, #tpu.memory_space<vmem_shared>> -> memref<128x64xf32, #tpu.memory_space<vmem_shared>>
        tpu.enqueue_dma source(%arg8 : memref<128x64xf32, #tpu.memory_space<vmem>>) target(%dma_start3A_65 : memref<128x64xf32, #tpu.memory_space<vmem_shared>>) target_semaphore(%run_scoped3A : memref<!tpu.dma_semaphore, #tpu.memory_space<semaphore_mem>>)
        %dma_wait3A = arith.constant 0 : i32
        %dma_wait3A_66 = tpu.memref_slice %arg9[%add3A_60, %dma_wait3A] : memref<10240x64xf32, #tpu.memory_space<vmem_shared>> -> memref<128x64xf32, #tpu.memory_space<vmem_shared>>
        %dma_wait3A_67 = arith.constant 0 : i32
        %dma_wait3A_68 = tpu.memref_slice %arg9[%add3A_60, %dma_wait3A_67] : memref<10240x64xf32, #tpu.memory_space<vmem_shared>> -> memref<128x64xf32, #tpu.memory_space<vmem_shared>>
        tpu.wait_dma2 semaphore(%run_scoped3A : memref<!tpu.dma_semaphore, #tpu.memory_space<semaphore_mem>>) src(%arg8 : memref<128x64xf32, #tpu.memory_space<vmem>>) dst(%dma_wait3A_68 : memref<128x64xf32, #tpu.memory_space<vmem_shared>>)
        tpu.yield
      }) : () -> ()
      %scan3A_61 = arith.constant 0 : i32
      scf.yield %scan3A_61 : i32
    }
    %scan3A_13 = arith.constant 5 : i32
    %barrier3A = arith.constant 0 : index
    tpu.barrier barrier_id(%barrier3A)
    %dma_start3A = arith.constant 0 : i32
    %dma_start3A_14 = arith.constant 0 : i32
    %dma_start3A_15 = tpu.memref_slice %arg7[%dma_start3A, %dma_start3A_14] : memref<160x128xi32, #tpu.memory_space<vmem>> -> memref<1x128xi32, #tpu.memory_space<vmem>>
    %dma_start3A_16 = tpu.memref_squeeze %dma_start3A_15 : memref<1x128xi32, #tpu.memory_space<vmem>> -> memref<128xi32, #tpu.memory_space<vmem>>
    %dma_start3A_17 = arith.constant 0 : i32
    %dma_start3A_18 = arith.constant 0 : i32
    %dma_start3A_19 = tpu.memref_slice %arg2[%dma_start3A_17, %dma_start3A_18] : memref<20480x64xf32, #tpu.memory_space<hbm>> -> memref<20480x64xf32, #tpu.memory_space<hbm>>
    tpu.enqueue_indirect_dma source(%dma_start3A_19 : memref<20480x64xf32, #tpu.memory_space<hbm>>) target(%arg10 : memref<128x64xf32, #tpu.memory_space<vmem>>) offsets(%dma_start3A_16 : memref<128xi32, #tpu.memory_space<vmem>>) semaphore(%arg14 : memref<!tpu.dma_semaphore, #tpu.memory_space<semaphore_mem>>)
    %dma_start3A_20 = arith.constant 1 : i32
    %dma_start3A_21 = arith.constant 0 : i32
    %dma_start3A_22 = tpu.memref_slice %arg7[%dma_start3A_20, %dma_start3A_21] : memref<160x128xi32, #tpu.memory_space<vmem>> -> memref<1x128xi32, #tpu.memory_space<vmem>>
    %dma_start3A_23 = tpu.memref_squeeze %dma_start3A_22 : memref<1x128xi32, #tpu.memory_space<vmem>> -> memref<128xi32, #tpu.memory_space<vmem>>
    %dma_start3A_24 = arith.constant 0 : i32
    %dma_start3A_25 = arith.constant 0 : i32
    %dma_start3A_26 = tpu.memref_slice %arg2[%dma_start3A_24, %dma_start3A_25] : memref<20480x64xf32, #tpu.memory_space<hbm>> -> memref<20480x64xf32, #tpu.memory_space<hbm>>
    tpu.enqueue_indirect_dma source(%dma_start3A_26 : memref<20480x64xf32, #tpu.memory_space<hbm>>) target(%arg11 : memref<128x64xf32, #tpu.memory_space<vmem>>) offsets(%dma_start3A_23 : memref<128xi32, #tpu.memory_space<vmem>>) semaphore(%arg15 : memref<!tpu.dma_semaphore, #tpu.memory_space<semaphore_mem>>)
    %dma_start3A_27 = arith.constant 2 : i32
    %dma_start3A_28 = arith.constant 0 : i32
    %dma_start3A_29 = tpu.memref_slice %arg7[%dma_start3A_27, %dma_start3A_28] : memref<160x128xi32, #tpu.memory_space<vmem>> -> memref<1x128xi32, #tpu.memory_space<vmem>>
    %dma_start3A_30 = tpu.memref_squeeze %dma_start3A_29 : memref<1x128xi32, #tpu.memory_space<vmem>> -> memref<128xi32, #tpu.memory_space<vmem>>
    %dma_start3A_31 = arith.constant 0 : i32
    %dma_start3A_32 = arith.constant 0 : i32
    %dma_start3A_33 = tpu.memref_slice %arg2[%dma_start3A_31, %dma_start3A_32] : memref<20480x64xf32, #tpu.memory_space<hbm>> -> memref<20480x64xf32, #tpu.memory_space<hbm>>
    tpu.enqueue_indirect_dma source(%dma_start3A_33 : memref<20480x64xf32, #tpu.memory_space<hbm>>) target(%arg12 : memref<128x64xf32, #tpu.memory_space<vmem>>) offsets(%dma_start3A_30 : memref<128xi32, #tpu.memory_space<vmem>>) semaphore(%arg16 : memref<!tpu.dma_semaphore, #tpu.memory_space<semaphore_mem>>)
    %dma_start3A_34 = arith.constant 3 : i32
    %dma_start3A_35 = arith.constant 0 : i32
    %dma_start3A_36 = tpu.memref_slice %arg7[%dma_start3A_34, %dma_start3A_35] : memref<160x128xi32, #tpu.memory_space<vmem>> -> memref<1x128xi32, #tpu.memory_space<vmem>>
    %dma_start3A_37 = tpu.memref_squeeze %dma_start3A_36 : memref<1x128xi32, #tpu.memory_space<vmem>> -> memref<128xi32, #tpu.memory_space<vmem>>
    %dma_start3A_38 = arith.constant 0 : i32
    %dma_start3A_39 = arith.constant 0 : i32
    %dma_start3A_40 = tpu.memref_slice %arg2[%dma_start3A_38, %dma_start3A_39] : memref<20480x64xf32, #tpu.memory_space<hbm>> -> memref<20480x64xf32, #tpu.memory_space<hbm>>
    tpu.enqueue_indirect_dma source(%dma_start3A_40 : memref<20480x64xf32, #tpu.memory_space<hbm>>) target(%arg13 : memref<128x64xf32, #tpu.memory_space<vmem>>) offsets(%dma_start3A_37 : memref<128xi32, #tpu.memory_space<vmem>>) semaphore(%arg17 : memref<!tpu.dma_semaphore, #tpu.memory_space<semaphore_mem>>)
    %scan3A_41 = arith.constant 0 : i32
    %scan3A_42 = arith.constant 0 : i32
    %scan3A_43 = arith.constant 40 : i32
    %scan3A_44 = arith.addi %scan3A_42, %scan3A_43 : i32
    %scan3A_45 = arith.constant 1 : i32
    %scan3A_46 = scf.for %scan3A_54 = %scan3A_42 to %scan3A_44 step %scan3A_45 iter_args(%scan3A_55 = %scan3A_41) -> (i32)  : i32 {
      %mul3A_56 = arith.constant 4 : i32
      %mul3A_57 = arith.muli %scan3A_54, %mul3A_56 : i32
      %add3A_58 = arith.constant 0 : i32
      %add3A_59 = arith.addi %mul3A_57, %add3A_58 : i32
      %dma_wait3A = arith.constant 0 : i32
      %dma_wait3A_60 = tpu.memref_slice %arg7[%add3A_59, %dma_wait3A] : memref<160x128xi32, #tpu.memory_space<vmem>> -> memref<1x128xi32, #tpu.memory_space<vmem>>
      %dma_wait3A_61 = tpu.memref_squeeze %dma_wait3A_60 : memref<1x128xi32, #tpu.memory_space<vmem>> -> memref<128xi32, #tpu.memory_space<vmem>>
      %dma_wait3A_62 = arith.constant 0 : i32
      %dma_wait3A_63 = arith.constant 0 : i32
      %dma_wait3A_64 = tpu.memref_slice %arg2[%dma_wait3A_62, %dma_wait3A_63] : memref<20480x64xf32, #tpu.memory_space<hbm>> -> memref<20480x64xf32, #tpu.memory_space<hbm>>
      tpu.wait_indirect_dma semaphore(%arg14 : memref<!tpu.dma_semaphore, #tpu.memory_space<semaphore_mem>>) src(%dma_wait3A_64 : memref<20480x64xf32, #tpu.memory_space<hbm>>) dst(%arg10 : memref<128x64xf32, #tpu.memory_space<vmem>>)
      "tpu.region"() ({
        %run_scoped3A = tpu.sem_alloc : memref<!tpu.dma_semaphore, #tpu.memory_space<semaphore_mem>>
        %dma_start3A_115 = arith.constant 0 : i32
        %dma_start3A_116 = tpu.memref_slice %arg6[%add3A_59, %dma_start3A_115] : memref<160x128xi32, #tpu.memory_space<vmem>> -> memref<1x128xi32, #tpu.memory_space<vmem>>
        %dma_start3A_117 = tpu.memref_squeeze %dma_start3A_116 : memref<1x128xi32, #tpu.memory_space<vmem>> -> memref<128xi32, #tpu.memory_space<vmem>>
        %dma_start3A_118 = arith.constant 0 : i32
        %dma_start3A_119 = arith.constant 0 : i32
        %dma_start3A_120 = tpu.memref_slice %arg9[%dma_start3A_118, %dma_start3A_119] : memref<10240x64xf32, #tpu.memory_space<vmem_shared>> -> memref<10240x64xf32, #tpu.memory_space<vmem_shared>>
        tpu.enqueue_indirect_dma source(%arg10 : memref<128x64xf32, #tpu.memory_space<vmem>>) target(%dma_start3A_120 : memref<10240x64xf32, #tpu.memory_space<vmem_shared>>) offsets(%dma_start3A_117 : memref<128xi32, #tpu.memory_space<vmem>>) semaphore(%run_scoped3A : memref<!tpu.dma_semaphore, #tpu.memory_space<semaphore_mem>>) {add = true}
        %dma_wait3A_121 = arith.constant 0 : i32
        %dma_wait3A_122 = tpu.memref_slice %arg6[%add3A_59, %dma_wait3A_121] : memref<160x128xi32, #tpu.memory_space<vmem>> -> memref<1x128xi32, #tpu.memory_space<vmem>>
        %dma_wait3A_123 = tpu.memref_squeeze %dma_wait3A_122 : memref<1x128xi32, #tpu.memory_space<vmem>> -> memref<128xi32, #tpu.memory_space<vmem>>
        %dma_wait3A_124 = arith.constant 0 : i32
        %dma_wait3A_125 = arith.constant 0 : i32
        %dma_wait3A_126 = tpu.memref_slice %arg9[%dma_wait3A_124, %dma_wait3A_125] : memref<10240x64xf32, #tpu.memory_space<vmem_shared>> -> memref<10240x64xf32, #tpu.memory_space<vmem_shared>>
        tpu.wait_indirect_dma semaphore(%run_scoped3A : memref<!tpu.dma_semaphore, #tpu.memory_space<semaphore_mem>>) src(%arg10 : memref<128x64xf32, #tpu.memory_space<vmem>>) dst(%dma_wait3A_126 : memref<10240x64xf32, #tpu.memory_space<vmem_shared>>)
        tpu.yield
      }) : () -> ()
      %add3A_65 = arith.constant 4 : i32
      %add3A_66 = arith.addi %add3A_59, %add3A_65 : i32
      %lt3A = arith.constant 160 : i32
      %lt3A_67 = arith.cmpi slt, %add3A_66, %lt3A : i32
      %convert_element_type3A = arith.extui %lt3A_67 : i1 to i32
      %cond3A = arith.constant 0 : i32
      %cond3A_68 = arith.cmpi ne, %convert_element_type3A, %cond3A : i32
      scf.if %cond3A_68 {
        %add3A_115 = arith.constant 4 : i32
        %add3A_116 = arith.addi %add3A_59, %add3A_115 : i32
        %dma_start3A_117 = arith.constant 0 : i32
        %dma_start3A_118 = tpu.memref_slice %arg7[%add3A_116, %dma_start3A_117] : memref<160x128xi32, #tpu.memory_space<vmem>> -> memref<1x128xi32, #tpu.memory_space<vmem>>
        %dma_start3A_119 = tpu.memref_squeeze %dma_start3A_118 : memref<1x128xi32, #tpu.memory_space<vmem>> -> memref<128xi32, #tpu.memory_space<vmem>>
        %dma_start3A_120 = arith.constant 0 : i32
        %dma_start3A_121 = arith.constant 0 : i32
        %dma_start3A_122 = tpu.memref_slice %arg2[%dma_start3A_120, %dma_start3A_121] : memref<20480x64xf32, #tpu.memory_space<hbm>> -> memref<20480x64xf32, #tpu.memory_space<hbm>>
        tpu.enqueue_indirect_dma source(%dma_start3A_122 : memref<20480x64xf32, #tpu.memory_space<hbm>>) target(%arg10 : memref<128x64xf32, #tpu.memory_space<vmem>>) offsets(%dma_start3A_119 : memref<128xi32, #tpu.memory_space<vmem>>) semaphore(%arg14 : memref<!tpu.dma_semaphore, #tpu.memory_space<semaphore_mem>>)
      } else {
      }
      %add3A_69 = arith.constant 1 : i32
      %add3A_70 = arith.addi %mul3A_57, %add3A_69 : i32
      %dma_wait3A_71 = arith.constant 0 : i32
      %dma_wait3A_72 = tpu.memref_slice %arg7[%add3A_70, %dma_wait3A_71] : memref<160x128xi32, #tpu.memory_space<vmem>> -> memref<1x128xi32, #tpu.memory_space<vmem>>
      %dma_wait3A_73 = tpu.memref_squeeze %dma_wait3A_72 : memref<1x128xi32, #tpu.memory_space<vmem>> -> memref<128xi32, #tpu.memory_space<vmem>>
      %dma_wait3A_74 = arith.constant 0 : i32
      %dma_wait3A_75 = arith.constant 0 : i32
      %dma_wait3A_76 = tpu.memref_slice %arg2[%dma_wait3A_74, %dma_wait3A_75] : memref<20480x64xf32, #tpu.memory_space<hbm>> -> memref<20480x64xf32, #tpu.memory_space<hbm>>
      tpu.wait_indirect_dma semaphore(%arg15 : memref<!tpu.dma_semaphore, #tpu.memory_space<semaphore_mem>>) src(%dma_wait3A_76 : memref<20480x64xf32, #tpu.memory_space<hbm>>) dst(%arg11 : memref<128x64xf32, #tpu.memory_space<vmem>>)
      "tpu.region"() ({
        %run_scoped3A = tpu.sem_alloc : memref<!tpu.dma_semaphore, #tpu.memory_space<semaphore_mem>>
        %dma_start3A_115 = arith.constant 0 : i32
        %dma_start3A_116 = tpu.memref_slice %arg6[%add3A_70, %dma_start3A_115] : memref<160x128xi32, #tpu.memory_space<vmem>> -> memref<1x128xi32, #tpu.memory_space<vmem>>
        %dma_start3A_117 = tpu.memref_squeeze %dma_start3A_116 : memref<1x128xi32, #tpu.memory_space<vmem>> -> memref<128xi32, #tpu.memory_space<vmem>>
        %dma_start3A_118 = arith.constant 0 : i32
        %dma_start3A_119 = arith.constant 0 : i32
        %dma_start3A_120 = tpu.memref_slice %arg9[%dma_start3A_118, %dma_start3A_119] : memref<10240x64xf32, #tpu.memory_space<vmem_shared>> -> memref<10240x64xf32, #tpu.memory_space<vmem_shared>>
        tpu.enqueue_indirect_dma source(%arg11 : memref<128x64xf32, #tpu.memory_space<vmem>>) target(%dma_start3A_120 : memref<10240x64xf32, #tpu.memory_space<vmem_shared>>) offsets(%dma_start3A_117 : memref<128xi32, #tpu.memory_space<vmem>>) semaphore(%run_scoped3A : memref<!tpu.dma_semaphore, #tpu.memory_space<semaphore_mem>>) {add = true}
        %dma_wait3A_121 = arith.constant 0 : i32
        %dma_wait3A_122 = tpu.memref_slice %arg6[%add3A_70, %dma_wait3A_121] : memref<160x128xi32, #tpu.memory_space<vmem>> -> memref<1x128xi32, #tpu.memory_space<vmem>>
        %dma_wait3A_123 = tpu.memref_squeeze %dma_wait3A_122 : memref<1x128xi32, #tpu.memory_space<vmem>> -> memref<128xi32, #tpu.memory_space<vmem>>
        %dma_wait3A_124 = arith.constant 0 : i32
        %dma_wait3A_125 = arith.constant 0 : i32
        %dma_wait3A_126 = tpu.memref_slice %arg9[%dma_wait3A_124, %dma_wait3A_125] : memref<10240x64xf32, #tpu.memory_space<vmem_shared>> -> memref<10240x64xf32, #tpu.memory_space<vmem_shared>>
        tpu.wait_indirect_dma semaphore(%run_scoped3A : memref<!tpu.dma_semaphore, #tpu.memory_space<semaphore_mem>>) src(%arg11 : memref<128x64xf32, #tpu.memory_space<vmem>>) dst(%dma_wait3A_126 : memref<10240x64xf32, #tpu.memory_space<vmem_shared>>)
        tpu.yield
      }) : () -> ()
      %add3A_77 = arith.constant 4 : i32
      %add3A_78 = arith.addi %add3A_70, %add3A_77 : i32
      %lt3A_79 = arith.constant 160 : i32
      %lt3A_80 = arith.cmpi slt, %add3A_78, %lt3A_79 : i32
      %convert_element_type3A_81 = arith.extui %lt3A_80 : i1 to i32
      %cond3A_82 = arith.constant 0 : i32
      %cond3A_83 = arith.cmpi ne, %convert_element_type3A_81, %cond3A_82 : i32
      scf.if %cond3A_83 {
        %add3A_115 = arith.constant 4 : i32
        %add3A_116 = arith.addi %add3A_70, %add3A_115 : i32
        %dma_start3A_117 = arith.constant 0 : i32
        %dma_start3A_118 = tpu.memref_slice %arg7[%add3A_116, %dma_start3A_117] : memref<160x128xi32, #tpu.memory_space<vmem>> -> memref<1x128xi32, #tpu.memory_space<vmem>>
        %dma_start3A_119 = tpu.memref_squeeze %dma_start3A_118 : memref<1x128xi32, #tpu.memory_space<vmem>> -> memref<128xi32, #tpu.memory_space<vmem>>
        %dma_start3A_120 = arith.constant 0 : i32
        %dma_start3A_121 = arith.constant 0 : i32
        %dma_start3A_122 = tpu.memref_slice %arg2[%dma_start3A_120, %dma_start3A_121] : memref<20480x64xf32, #tpu.memory_space<hbm>> -> memref<20480x64xf32, #tpu.memory_space<hbm>>
        tpu.enqueue_indirect_dma source(%dma_start3A_122 : memref<20480x64xf32, #tpu.memory_space<hbm>>) target(%arg11 : memref<128x64xf32, #tpu.memory_space<vmem>>) offsets(%dma_start3A_119 : memref<128xi32, #tpu.memory_space<vmem>>) semaphore(%arg15 : memref<!tpu.dma_semaphore, #tpu.memory_space<semaphore_mem>>)
      } else {
      }
      %add3A_84 = arith.constant 2 : i32
      %add3A_85 = arith.addi %mul3A_57, %add3A_84 : i32
      %dma_wait3A_86 = arith.constant 0 : i32
      %dma_wait3A_87 = tpu.memref_slice %arg7[%add3A_85, %dma_wait3A_86] : memref<160x128xi32, #tpu.memory_space<vmem>> -> memref<1x128xi32, #tpu.memory_space<vmem>>
      %dma_wait3A_88 = tpu.memref_squeeze %dma_wait3A_87 : memref<1x128xi32, #tpu.memory_space<vmem>> -> memref<128xi32, #tpu.memory_space<vmem>>
      %dma_wait3A_89 = arith.constant 0 : i32
      %dma_wait3A_90 = arith.constant 0 : i32
      %dma_wait3A_91 = tpu.memref_slice %arg2[%dma_wait3A_89, %dma_wait3A_90] : memref<20480x64xf32, #tpu.memory_space<hbm>> -> memref<20480x64xf32, #tpu.memory_space<hbm>>
      tpu.wait_indirect_dma semaphore(%arg16 : memref<!tpu.dma_semaphore, #tpu.memory_space<semaphore_mem>>) src(%dma_wait3A_91 : memref<20480x64xf32, #tpu.memory_space<hbm>>) dst(%arg12 : memref<128x64xf32, #tpu.memory_space<vmem>>)
      "tpu.region"() ({
        %run_scoped3A = tpu.sem_alloc : memref<!tpu.dma_semaphore, #tpu.memory_space<semaphore_mem>>
        %dma_start3A_115 = arith.constant 0 : i32
        %dma_start3A_116 = tpu.memref_slice %arg6[%add3A_85, %dma_start3A_115] : memref<160x128xi32, #tpu.memory_space<vmem>> -> memref<1x128xi32, #tpu.memory_space<vmem>>
        %dma_start3A_117 = tpu.memref_squeeze %dma_start3A_116 : memref<1x128xi32, #tpu.memory_space<vmem>> -> memref<128xi32, #tpu.memory_space<vmem>>
        %dma_start3A_118 = arith.constant 0 : i32
        %dma_start3A_119 = arith.constant 0 : i32
        %dma_start3A_120 = tpu.memref_slice %arg9[%dma_start3A_118, %dma_start3A_119] : memref<10240x64xf32, #tpu.memory_space<vmem_shared>> -> memref<10240x64xf32, #tpu.memory_space<vmem_shared>>
        tpu.enqueue_indirect_dma source(%arg12 : memref<128x64xf32, #tpu.memory_space<vmem>>) target(%dma_start3A_120 : memref<10240x64xf32, #tpu.memory_space<vmem_shared>>) offsets(%dma_start3A_117 : memref<128xi32, #tpu.memory_space<vmem>>) semaphore(%run_scoped3A : memref<!tpu.dma_semaphore, #tpu.memory_space<semaphore_mem>>) {add = true}
        %dma_wait3A_121 = arith.constant 0 : i32
        %dma_wait3A_122 = tpu.memref_slice %arg6[%add3A_85, %dma_wait3A_121] : memref<160x128xi32, #tpu.memory_space<vmem>> -> memref<1x128xi32, #tpu.memory_space<vmem>>
        %dma_wait3A_123 = tpu.memref_squeeze %dma_wait3A_122 : memref<1x128xi32, #tpu.memory_space<vmem>> -> memref<128xi32, #tpu.memory_space<vmem>>
        %dma_wait3A_124 = arith.constant 0 : i32
        %dma_wait3A_125 = arith.constant 0 : i32
        %dma_wait3A_126 = tpu.memref_slice %arg9[%dma_wait3A_124, %dma_wait3A_125] : memref<10240x64xf32, #tpu.memory_space<vmem_shared>> -> memref<10240x64xf32, #tpu.memory_space<vmem_shared>>
        tpu.wait_indirect_dma semaphore(%run_scoped3A : memref<!tpu.dma_semaphore, #tpu.memory_space<semaphore_mem>>) src(%arg12 : memref<128x64xf32, #tpu.memory_space<vmem>>) dst(%dma_wait3A_126 : memref<10240x64xf32, #tpu.memory_space<vmem_shared>>)
        tpu.yield
      }) : () -> ()
      %add3A_92 = arith.constant 4 : i32
      %add3A_93 = arith.addi %add3A_85, %add3A_92 : i32
      %lt3A_94 = arith.constant 160 : i32
      %lt3A_95 = arith.cmpi slt, %add3A_93, %lt3A_94 : i32
      %convert_element_type3A_96 = arith.extui %lt3A_95 : i1 to i32
      %cond3A_97 = arith.constant 0 : i32
      %cond3A_98 = arith.cmpi ne, %convert_element_type3A_96, %cond3A_97 : i32
      scf.if %cond3A_98 {
        %add3A_115 = arith.constant 4 : i32
        %add3A_116 = arith.addi %add3A_85, %add3A_115 : i32
        %dma_start3A_117 = arith.constant 0 : i32
        %dma_start3A_118 = tpu.memref_slice %arg7[%add3A_116, %dma_start3A_117] : memref<160x128xi32, #tpu.memory_space<vmem>> -> memref<1x128xi32, #tpu.memory_space<vmem>>
        %dma_start3A_119 = tpu.memref_squeeze %dma_start3A_118 : memref<1x128xi32, #tpu.memory_space<vmem>> -> memref<128xi32, #tpu.memory_space<vmem>>
        %dma_start3A_120 = arith.constant 0 : i32
        %dma_start3A_121 = arith.constant 0 : i32
        %dma_start3A_122 = tpu.memref_slice %arg2[%dma_start3A_120, %dma_start3A_121] : memref<20480x64xf32, #tpu.memory_space<hbm>> -> memref<20480x64xf32, #tpu.memory_space<hbm>>
        tpu.enqueue_indirect_dma source(%dma_start3A_122 : memref<20480x64xf32, #tpu.memory_space<hbm>>) target(%arg12 : memref<128x64xf32, #tpu.memory_space<vmem>>) offsets(%dma_start3A_119 : memref<128xi32, #tpu.memory_space<vmem>>) semaphore(%arg16 : memref<!tpu.dma_semaphore, #tpu.memory_space<semaphore_mem>>)
      } else {
      }
      %add3A_99 = arith.constant 3 : i32
      %add3A_100 = arith.addi %mul3A_57, %add3A_99 : i32
      %dma_wait3A_101 = arith.constant 0 : i32
      %dma_wait3A_102 = tpu.memref_slice %arg7[%add3A_100, %dma_wait3A_101] : memref<160x128xi32, #tpu.memory_space<vmem>> -> memref<1x128xi32, #tpu.memory_space<vmem>>
      %dma_wait3A_103 = tpu.memref_squeeze %dma_wait3A_102 : memref<1x128xi32, #tpu.memory_space<vmem>> -> memref<128xi32, #tpu.memory_space<vmem>>
      %dma_wait3A_104 = arith.constant 0 : i32
      %dma_wait3A_105 = arith.constant 0 : i32
      %dma_wait3A_106 = tpu.memref_slice %arg2[%dma_wait3A_104, %dma_wait3A_105] : memref<20480x64xf32, #tpu.memory_space<hbm>> -> memref<20480x64xf32, #tpu.memory_space<hbm>>
      tpu.wait_indirect_dma semaphore(%arg17 : memref<!tpu.dma_semaphore, #tpu.memory_space<semaphore_mem>>) src(%dma_wait3A_106 : memref<20480x64xf32, #tpu.memory_space<hbm>>) dst(%arg13 : memref<128x64xf32, #tpu.memory_space<vmem>>)
      "tpu.region"() ({
        %run_scoped3A = tpu.sem_alloc : memref<!tpu.dma_semaphore, #tpu.memory_space<semaphore_mem>>
        %dma_start3A_115 = arith.constant 0 : i32
        %dma_start3A_116 = tpu.memref_slice %arg6[%add3A_100, %dma_start3A_115] : memref<160x128xi32, #tpu.memory_space<vmem>> -> memref<1x128xi32, #tpu.memory_space<vmem>>
        %dma_start3A_117 = tpu.memref_squeeze %dma_start3A_116 : memref<1x128xi32, #tpu.memory_space<vmem>> -> memref<128xi32, #tpu.memory_space<vmem>>
        %dma_start3A_118 = arith.constant 0 : i32
        %dma_start3A_119 = arith.constant 0 : i32
        %dma_start3A_120 = tpu.memref_slice %arg9[%dma_start3A_118, %dma_start3A_119] : memref<10240x64xf32, #tpu.memory_space<vmem_shared>> -> memref<10240x64xf32, #tpu.memory_space<vmem_shared>>
        tpu.enqueue_indirect_dma source(%arg13 : memref<128x64xf32, #tpu.memory_space<vmem>>) target(%dma_start3A_120 : memref<10240x64xf32, #tpu.memory_space<vmem_shared>>) offsets(%dma_start3A_117 : memref<128xi32, #tpu.memory_space<vmem>>) semaphore(%run_scoped3A : memref<!tpu.dma_semaphore, #tpu.memory_space<semaphore_mem>>) {add = true}
        %dma_wait3A_121 = arith.constant 0 : i32
        %dma_wait3A_122 = tpu.memref_slice %arg6[%add3A_100, %dma_wait3A_121] : memref<160x128xi32, #tpu.memory_space<vmem>> -> memref<1x128xi32, #tpu.memory_space<vmem>>
        %dma_wait3A_123 = tpu.memref_squeeze %dma_wait3A_122 : memref<1x128xi32, #tpu.memory_space<vmem>> -> memref<128xi32, #tpu.memory_space<vmem>>
        %dma_wait3A_124 = arith.constant 0 : i32
        %dma_wait3A_125 = arith.constant 0 : i32
        %dma_wait3A_126 = tpu.memref_slice %arg9[%dma_wait3A_124, %dma_wait3A_125] : memref<10240x64xf32, #tpu.memory_space<vmem_shared>> -> memref<10240x64xf32, #tpu.memory_space<vmem_shared>>
        tpu.wait_indirect_dma semaphore(%run_scoped3A : memref<!tpu.dma_semaphore, #tpu.memory_space<semaphore_mem>>) src(%arg13 : memref<128x64xf32, #tpu.memory_space<vmem>>) dst(%dma_wait3A_126 : memref<10240x64xf32, #tpu.memory_space<vmem_shared>>)
        tpu.yield
      }) : () -> ()
      %add3A_107 = arith.constant 4 : i32
      %add3A_108 = arith.addi %add3A_100, %add3A_107 : i32
      %lt3A_109 = arith.constant 160 : i32
      %lt3A_110 = arith.cmpi slt, %add3A_108, %lt3A_109 : i32
      %convert_element_type3A_111 = arith.extui %lt3A_110 : i1 to i32
      %cond3A_112 = arith.constant 0 : i32
      %cond3A_113 = arith.cmpi ne, %convert_element_type3A_111, %cond3A_112 : i32
      scf.if %cond3A_113 {
        %add3A_115 = arith.constant 4 : i32
        %add3A_116 = arith.addi %add3A_100, %add3A_115 : i32
        %dma_start3A_117 = arith.constant 0 : i32
        %dma_start3A_118 = tpu.memref_slice %arg7[%add3A_116, %dma_start3A_117] : memref<160x128xi32, #tpu.memory_space<vmem>> -> memref<1x128xi32, #tpu.memory_space<vmem>>
        %dma_start3A_119 = tpu.memref_squeeze %dma_start3A_118 : memref<1x128xi32, #tpu.memory_space<vmem>> -> memref<128xi32, #tpu.memory_space<vmem>>
        %dma_start3A_120 = arith.constant 0 : i32
        %dma_start3A_121 = arith.constant 0 : i32
        %dma_start3A_122 = tpu.memref_slice %arg2[%dma_start3A_120, %dma_start3A_121] : memref<20480x64xf32, #tpu.memory_space<hbm>> -> memref<20480x64xf32, #tpu.memory_space<hbm>>
        tpu.enqueue_indirect_dma source(%dma_start3A_122 : memref<20480x64xf32, #tpu.memory_space<hbm>>) target(%arg13 : memref<128x64xf32, #tpu.memory_space<vmem>>) offsets(%dma_start3A_119 : memref<128xi32, #tpu.memory_space<vmem>>) semaphore(%arg17 : memref<!tpu.dma_semaphore, #tpu.memory_space<semaphore_mem>>)
      } else {
      }
      %scan3A_114 = arith.constant 0 : i32
      scf.yield %scan3A_114 : i32
    }
    %scan3A_47 = arith.constant 40 : i32
    %barrier3A_48 = arith.constant 0 : index
    tpu.barrier barrier_id(%barrier3A_48)
    %mul3A = arith.constant 640 : i32
    %mul3A_49 = arith.muli %arg1, %mul3A : i32
    %mul3A_50 = arith.constant 10240 : i32
    %mul3A_51 = arith.muli %arg0, %mul3A_50 : i32
    %mul3A_52 = arith.constant 640 : i32
    %mul3A_53 = arith.muli %arg1, %mul3A_52 : i32
    %add3A = arith.addi %mul3A_51, %mul3A_53 : i32
    "tpu.region"() ({
      %run_scoped3A = tpu.sem_alloc : memref<!tpu.dma_semaphore, #tpu.memory_space<semaphore_mem>>
      %dma_start3A_54 = arith.constant 0 : i32
      %dma_start3A_55 = tpu.memref_slice %arg5[%add3A, %dma_start3A_54] : memref<20480x64xf32, #tpu.memory_space<hbm>> -> memref<640x64xf32, #tpu.memory_space<hbm>>
      %dma_start3A_56 = arith.constant 0 : i32
      %dma_start3A_57 = tpu.memref_slice %arg9[%mul3A_49, %dma_start3A_56] : memref<10240x64xf32, #tpu.memory_space<vmem_shared>> -> memref<640x64xf32, #tpu.memory_space<vmem_shared>>
      tpu.enqueue_dma source(%dma_start3A_57 : memref<640x64xf32, #tpu.memory_space<vmem_shared>>) target(%dma_start3A_55 : memref<640x64xf32, #tpu.memory_space<hbm>>) target_semaphore(%run_scoped3A : memref<!tpu.dma_semaphore, #tpu.memory_space<semaphore_mem>>)
      %dma_wait3A = arith.constant 0 : i32
      %dma_wait3A_58 = tpu.memref_slice %arg5[%add3A, %dma_wait3A] : memref<20480x64xf32, #tpu.memory_space<hbm>> -> memref<640x64xf32, #tpu.memory_space<hbm>>
      %dma_wait3A_59 = arith.constant 0 : i32
      %dma_wait3A_60 = tpu.memref_slice %arg9[%mul3A_49, %dma_wait3A_59] : memref<10240x64xf32, #tpu.memory_space<vmem_shared>> -> memref<640x64xf32, #tpu.memory_space<vmem_shared>>
      tpu.wait_dma2 semaphore(%run_scoped3A : memref<!tpu.dma_semaphore, #tpu.memory_space<semaphore_mem>>) src(%dma_wait3A_60 : memref<640x64xf32, #tpu.memory_space<vmem_shared>>) dst(%dma_wait3A_58 : memref<640x64xf32, #tpu.memory_space<hbm>>)
      tpu.yield
    }) : () -> ()
    return
  }
}

#map = affine_map<(d0, d1) -> (0, 0)>
#map1 = affine_map<(d0, d1) -> (0, 0, 0, 0)>
#map2 = affine_map<(d0, d1) -> (0, 0, 0)>
module attributes {stable_mosaic.version = 14 : i64} {
  func.func @_agg_body(%arg0: i32, %arg1: i32, %arg2: memref<20480x64xf32, #tpu.memory_space<hbm>>, %arg3: memref<2x16x160x128xi32, #tpu.memory_space<hbm>>, %arg4: memref<16x160x128xi32, #tpu.memory_space<hbm>>, %arg5: memref<20480x64xf32, #tpu.memory_space<hbm>>, %arg6: memref<160x128xi32, #tpu.memory_space<vmem>>, %arg7: memref<160x128xi32, #tpu.memory_space<vmem>>, %arg8: memref<128x64xf32, #tpu.memory_space<vmem>>, %arg9: memref<10240x64xf32, #tpu.memory_space<vmem_shared>>, %arg10: memref<128x64xf32, #tpu.memory_space<vmem>>, %arg11: memref<128x64xf32, #tpu.memory_space<vmem>>, %arg12: memref<128x64xf32, #tpu.memory_space<vmem>>, %arg13: memref<128x64xf32, #tpu.memory_space<vmem>>, %arg14: memref<!tpu.dma_semaphore, #tpu.memory_space<semaphore_mem>>, %arg15: memref<!tpu.dma_semaphore, #tpu.memory_space<semaphore_mem>>, %arg16: memref<!tpu.dma_semaphore, #tpu.memory_space<semaphore_mem>>, %arg17: memref<!tpu.dma_semaphore, #tpu.memory_space<semaphore_mem>>) attributes {dimension_semantics = [#tpu.dimension_semantics<core_parallel>, #tpu.dimension_semantics<subcore_parallel>], iteration_bounds = array<i64: 2, 16>, scalar_prefetch = 0 : i64, scratch_operands = 12 : i64, tpu.core_type = #tpu.core_type<sc_vector_subcore>, window_params = [{transform_indices = #map}, {transform_indices = #map1}, {transform_indices = #map2}, {transform_indices = #map}]} {
    "tpu.region"() ({
      %run_scoped3A = tpu.sem_alloc : memref<!tpu.dma_semaphore, #tpu.memory_space<semaphore_mem>>
      %dma_start3A_54 = arith.constant 0 : i32
      %dma_start3A_55 = arith.constant 0 : i32
      %dma_start3A_56 = tpu.memref_slice %arg3[%arg0, %arg1, %dma_start3A_54, %dma_start3A_55] : memref<2x16x160x128xi32, #tpu.memory_space<hbm>> -> memref<1x1x160x128xi32, #tpu.memory_space<hbm>>
      %dma_start3A_57 = tpu.memref_squeeze %dma_start3A_56 : memref<1x1x160x128xi32, #tpu.memory_space<hbm>> -> memref<160x128xi32, #tpu.memory_space<hbm>>
      %dma_start3A_58 = arith.constant 0 : i32
      %dma_start3A_59 = arith.constant 0 : i32
      %dma_start3A_60 = tpu.memref_slice %arg3[%arg0, %arg1, %dma_start3A_58, %dma_start3A_59] : memref<2x16x160x128xi32, #tpu.memory_space<hbm>> -> memref<1x1x160x128xi32, #tpu.memory_space<hbm>>
      %dma_start3A_61 = tpu.memref_squeeze %dma_start3A_60 : memref<1x1x160x128xi32, #tpu.memory_space<hbm>> -> memref<160x128xi32, #tpu.memory_space<hbm>>
      tpu.enqueue_dma source(%dma_start3A_61 : memref<160x128xi32, #tpu.memory_space<hbm>>) target(%arg7 : memref<160x128xi32, #tpu.memory_space<vmem>>) target_semaphore(%run_scoped3A : memref<!tpu.dma_semaphore, #tpu.memory_space<semaphore_mem>>)
      %dma_wait3A = arith.constant 0 : i32
      %dma_wait3A_62 = arith.constant 0 : i32
      %dma_wait3A_63 = tpu.memref_slice %arg3[%arg0, %arg1, %dma_wait3A, %dma_wait3A_62] : memref<2x16x160x128xi32, #tpu.memory_space<hbm>> -> memref<1x1x160x128xi32, #tpu.memory_space<hbm>>
      %dma_wait3A_64 = tpu.memref_squeeze %dma_wait3A_63 : memref<1x1x160x128xi32, #tpu.memory_space<hbm>> -> memref<160x128xi32, #tpu.memory_space<hbm>>
      %dma_wait3A_65 = arith.constant 0 : i32
      %dma_wait3A_66 = arith.constant 0 : i32
      %dma_wait3A_67 = tpu.memref_slice %arg3[%arg0, %arg1, %dma_wait3A_65, %dma_wait3A_66] : memref<2x16x160x128xi32, #tpu.memory_space<hbm>> -> memref<1x1x160x128xi32, #tpu.memory_space<hbm>>
      %dma_wait3A_68 = tpu.memref_squeeze %dma_wait3A_67 : memref<1x1x160x128xi32, #tpu.memory_space<hbm>> -> memref<160x128xi32, #tpu.memory_space<hbm>>
      tpu.wait_dma2 semaphore(%run_scoped3A : memref<!tpu.dma_semaphore, #tpu.memory_space<semaphore_mem>>) src(%dma_wait3A_68 : memref<160x128xi32, #tpu.memory_space<hbm>>) dst(%arg7 : memref<160x128xi32, #tpu.memory_space<vmem>>)
      tpu.yield
    }) : () -> ()
    "tpu.region"() ({
      %run_scoped3A = tpu.sem_alloc : memref<!tpu.dma_semaphore, #tpu.memory_space<semaphore_mem>>
      %dma_start3A_54 = arith.constant 0 : i32
      %dma_start3A_55 = arith.constant 0 : i32
      %dma_start3A_56 = tpu.memref_slice %arg4[%arg1, %dma_start3A_54, %dma_start3A_55] : memref<16x160x128xi32, #tpu.memory_space<hbm>> -> memref<1x160x128xi32, #tpu.memory_space<hbm>>
      %dma_start3A_57 = tpu.memref_squeeze %dma_start3A_56 : memref<1x160x128xi32, #tpu.memory_space<hbm>> -> memref<160x128xi32, #tpu.memory_space<hbm>>
      %dma_start3A_58 = arith.constant 0 : i32
      %dma_start3A_59 = arith.constant 0 : i32
      %dma_start3A_60 = tpu.memref_slice %arg4[%arg1, %dma_start3A_58, %dma_start3A_59] : memref<16x160x128xi32, #tpu.memory_space<hbm>> -> memref<1x160x128xi32, #tpu.memory_space<hbm>>
      %dma_start3A_61 = tpu.memref_squeeze %dma_start3A_60 : memref<1x160x128xi32, #tpu.memory_space<hbm>> -> memref<160x128xi32, #tpu.memory_space<hbm>>
      tpu.enqueue_dma source(%dma_start3A_61 : memref<160x128xi32, #tpu.memory_space<hbm>>) target(%arg6 : memref<160x128xi32, #tpu.memory_space<vmem>>) target_semaphore(%run_scoped3A : memref<!tpu.dma_semaphore, #tpu.memory_space<semaphore_mem>>)
      %dma_wait3A = arith.constant 0 : i32
      %dma_wait3A_62 = arith.constant 0 : i32
      %dma_wait3A_63 = tpu.memref_slice %arg4[%arg1, %dma_wait3A, %dma_wait3A_62] : memref<16x160x128xi32, #tpu.memory_space<hbm>> -> memref<1x160x128xi32, #tpu.memory_space<hbm>>
      %dma_wait3A_64 = tpu.memref_squeeze %dma_wait3A_63 : memref<1x160x128xi32, #tpu.memory_space<hbm>> -> memref<160x128xi32, #tpu.memory_space<hbm>>
      %dma_wait3A_65 = arith.constant 0 : i32
      %dma_wait3A_66 = arith.constant 0 : i32
      %dma_wait3A_67 = tpu.memref_slice %arg4[%arg1, %dma_wait3A_65, %dma_wait3A_66] : memref<16x160x128xi32, #tpu.memory_space<hbm>> -> memref<1x160x128xi32, #tpu.memory_space<hbm>>
      %dma_wait3A_68 = tpu.memref_squeeze %dma_wait3A_67 : memref<1x160x128xi32, #tpu.memory_space<hbm>> -> memref<160x128xi32, #tpu.memory_space<hbm>>
      tpu.wait_dma2 semaphore(%run_scoped3A : memref<!tpu.dma_semaphore, #tpu.memory_space<semaphore_mem>>) src(%dma_wait3A_68 : memref<160x128xi32, #tpu.memory_space<hbm>>) dst(%arg6 : memref<160x128xi32, #tpu.memory_space<vmem>>)
      tpu.yield
    }) : () -> ()
    %broadcast_in_dim3A = arith.constant 0.000000e+00 : f32
    %broadcast_in_dim3A_0 = vector.broadcast %broadcast_in_dim3A : f32 to vector<16xf32>
    %scan3A = arith.constant 0 : i32
    %scan3A_1 = arith.constant 0 : i32
    %scan3A_2 = arith.constant 128 : i32
    %scan3A_3 = arith.addi %scan3A_1, %scan3A_2 : i32
    %scan3A_4 = arith.constant 1 : i32
    %scan3A_5 = scf.for %scan3A_54 = %scan3A_1 to %scan3A_3 step %scan3A_4 iter_args(%scan3A_55 = %scan3A) -> (i32)  : i32 {
      %scan3A_56 = arith.constant 0 : i32
      %scan3A_57 = arith.constant 0 : i32
      %scan3A_58 = arith.constant 4 : i32
      %scan3A_59 = arith.addi %scan3A_57, %scan3A_58 : i32
      %scan3A_60 = arith.constant 1 : i32
      %scan3A_61 = scf.for %scan3A_64 = %scan3A_57 to %scan3A_59 step %scan3A_60 iter_args(%scan3A_65 = %scan3A_56) -> (i32)  : i32 {
        %mul3A_66 = arith.constant 16 : i32
        %mul3A_67 = arith.muli %scan3A_64, %mul3A_66 : i32
        %swap3A = arith.index_cast %scan3A_54 : i32 to index
        %swap3A_68 = arith.index_cast %mul3A_67 : i32 to index
        %swap3A_69 = tpu.vector_load %arg8[%swap3A, %swap3A_68] {strides = array<i32>} : memref<128x64xf32, #tpu.memory_space<vmem>>, vector<16xf32>,
        tpu.vector_store %arg8[%swap3A, %swap3A_68], %broadcast_in_dim3A_0 {strides = array<i32>} : memref<128x64xf32, #tpu.memory_space<vmem>>, vector<16xf32>,
        %scan3A_70 = arith.constant 0 : i32
        scf.yield %scan3A_70 : i32
      }
      %scan3A_62 = arith.constant 4 : i32
      %scan3A_63 = arith.constant 0 : i32
      scf.yield %scan3A_63 : i32
    }
    %scan3A_6 = arith.constant 128 : i32
    %scan3A_7 = arith.constant 0 : i32
    %scan3A_8 = arith.constant 0 : i32
    %scan3A_9 = arith.constant 5 : i32
    %scan3A_10 = arith.addi %scan3A_8, %scan3A_9 : i32
    %scan3A_11 = arith.constant 1 : i32
    %scan3A_12 = scf.for %scan3A_54 = %scan3A_8 to %scan3A_10 step %scan3A_11 iter_args(%scan3A_55 = %scan3A_7) -> (i32)  : i32 {
      %mul3A_56 = arith.constant 640 : i32
      %mul3A_57 = arith.muli %arg1, %mul3A_56 : i32
      %mul3A_58 = arith.constant 128 : i32
      %mul3A_59 = arith.muli %scan3A_54, %mul3A_58 : i32
      %add3A_60 = arith.addi %mul3A_57, %mul3A_59 : i32
      "tpu.region"() ({
        %run_scoped3A = tpu.sem_alloc : memref<!tpu.dma_semaphore, #tpu.memory_space<semaphore_mem>>
        %dma_start3A_62 = arith.constant 0 : i32
        %dma_start3A_63 = tpu.memref_slice %arg9[%add3A_60, %dma_start3A_62] : memref<10240x64xf32, #tpu.memory_space<vmem_shared>> -> memref<128x64xf32, #tpu.memory_space<vmem_shared>>
        %dma_start3A_64 = arith.constant 0 : i32
        %dma_start3A_65 = tpu.memref_slice %arg9[%add3A_60, %dma_start3A_64] : memref<10240x64xf32, #tpu.memory_space<vmem_shared>> -> memref<128x64xf32, #tpu.memory_space<vmem_shared>>
        tpu.enqueue_dma source(%arg8 : memref<128x64xf32, #tpu.memory_space<vmem>>) target(%dma_start3A_65 : memref<128x64xf32, #tpu.memory_space<vmem_shared>>) target_semaphore(%run_scoped3A : memref<!tpu.dma_semaphore, #tpu.memory_space<semaphore_mem>>)
        %dma_wait3A = arith.constant 0 : i32
        %dma_wait3A_66 = tpu.memref_slice %arg9[%add3A_60, %dma_wait3A] : memref<10240x64xf32, #tpu.memory_space<vmem_shared>> -> memref<128x64xf32, #tpu.memory_space<vmem_shared>>
        %dma_wait3A_67 = arith.constant 0 : i32
        %dma_wait3A_68 = tpu.memref_slice %arg9[%add3A_60, %dma_wait3A_67] : memref<10240x64xf32, #tpu.memory_space<vmem_shared>> -> memref<128x64xf32, #tpu.memory_space<vmem_shared>>
        tpu.wait_dma2 semaphore(%run_scoped3A : memref<!tpu.dma_semaphore, #tpu.memory_space<semaphore_mem>>) src(%arg8 : memref<128x64xf32, #tpu.memory_space<vmem>>) dst(%dma_wait3A_68 : memref<128x64xf32, #tpu.memory_space<vmem_shared>>)
        tpu.yield
      }) : () -> ()
      %scan3A_61 = arith.constant 0 : i32
      scf.yield %scan3A_61 : i32
    }
    %scan3A_13 = arith.constant 5 : i32
    %barrier3A = arith.constant 0 : index
    tpu.barrier barrier_id(%barrier3A)
    %dma_start3A = arith.constant 0 : i32
    %dma_start3A_14 = arith.constant 0 : i32
    %dma_start3A_15 = tpu.memref_slice %arg7[%dma_start3A, %dma_start3A_14] : memref<160x128xi32, #tpu.memory_space<vmem>> -> memref<1x128xi32, #tpu.memory_space<vmem>>
    %dma_start3A_16 = tpu.memref_squeeze %dma_start3A_15 : memref<1x128xi32, #tpu.memory_space<vmem>> -> memref<128xi32, #tpu.memory_space<vmem>>
    %dma_start3A_17 = arith.constant 0 : i32
    %dma_start3A_18 = arith.constant 0 : i32
    %dma_start3A_19 = tpu.memref_slice %arg2[%dma_start3A_17, %dma_start3A_18] : memref<20480x64xf32, #tpu.memory_space<hbm>> -> memref<20480x64xf32, #tpu.memory_space<hbm>>
    tpu.enqueue_indirect_dma source(%dma_start3A_19 : memref<20480x64xf32, #tpu.memory_space<hbm>>) target(%arg10 : memref<128x64xf32, #tpu.memory_space<vmem>>) offsets(%dma_start3A_16 : memref<128xi32, #tpu.memory_space<vmem>>) semaphore(%arg14 : memref<!tpu.dma_semaphore, #tpu.memory_space<semaphore_mem>>)
    %dma_start3A_20 = arith.constant 1 : i32
    %dma_start3A_21 = arith.constant 0 : i32
    %dma_start3A_22 = tpu.memref_slice %arg7[%dma_start3A_20, %dma_start3A_21] : memref<160x128xi32, #tpu.memory_space<vmem>> -> memref<1x128xi32, #tpu.memory_space<vmem>>
    %dma_start3A_23 = tpu.memref_squeeze %dma_start3A_22 : memref<1x128xi32, #tpu.memory_space<vmem>> -> memref<128xi32, #tpu.memory_space<vmem>>
    %dma_start3A_24 = arith.constant 0 : i32
    %dma_start3A_25 = arith.constant 0 : i32
    %dma_start3A_26 = tpu.memref_slice %arg2[%dma_start3A_24, %dma_start3A_25] : memref<20480x64xf32, #tpu.memory_space<hbm>> -> memref<20480x64xf32, #tpu.memory_space<hbm>>
    tpu.enqueue_indirect_dma source(%dma_start3A_26 : memref<20480x64xf32, #tpu.memory_space<hbm>>) target(%arg11 : memref<128x64xf32, #tpu.memory_space<vmem>>) offsets(%dma_start3A_23 : memref<128xi32, #tpu.memory_space<vmem>>) semaphore(%arg15 : memref<!tpu.dma_semaphore, #tpu.memory_space<semaphore_mem>>)
    %dma_start3A_27 = arith.constant 2 : i32
    %dma_start3A_28 = arith.constant 0 : i32
    %dma_start3A_29 = tpu.memref_slice %arg7[%dma_start3A_27, %dma_start3A_28] : memref<160x128xi32, #tpu.memory_space<vmem>> -> memref<1x128xi32, #tpu.memory_space<vmem>>
    %dma_start3A_30 = tpu.memref_squeeze %dma_start3A_29 : memref<1x128xi32, #tpu.memory_space<vmem>> -> memref<128xi32, #tpu.memory_space<vmem>>
    %dma_start3A_31 = arith.constant 0 : i32
    %dma_start3A_32 = arith.constant 0 : i32
    %dma_start3A_33 = tpu.memref_slice %arg2[%dma_start3A_31, %dma_start3A_32] : memref<20480x64xf32, #tpu.memory_space<hbm>> -> memref<20480x64xf32, #tpu.memory_space<hbm>>
    tpu.enqueue_indirect_dma source(%dma_start3A_33 : memref<20480x64xf32, #tpu.memory_space<hbm>>) target(%arg12 : memref<128x64xf32, #tpu.memory_space<vmem>>) offsets(%dma_start3A_30 : memref<128xi32, #tpu.memory_space<vmem>>) semaphore(%arg16 : memref<!tpu.dma_semaphore, #tpu.memory_space<semaphore_mem>>)
    %dma_start3A_34 = arith.constant 3 : i32
    %dma_start3A_35 = arith.constant 0 : i32
    %dma_start3A_36 = tpu.memref_slice %arg7[%dma_start3A_34, %dma_start3A_35] : memref<160x128xi32, #tpu.memory_space<vmem>> -> memref<1x128xi32, #tpu.memory_space<vmem>>
    %dma_start3A_37 = tpu.memref_squeeze %dma_start3A_36 : memref<1x128xi32, #tpu.memory_space<vmem>> -> memref<128xi32, #tpu.memory_space<vmem>>
    %dma_start3A_38 = arith.constant 0 : i32
    %dma_start3A_39 = arith.constant 0 : i32
    %dma_start3A_40 = tpu.memref_slice %arg2[%dma_start3A_38, %dma_start3A_39] : memref<20480x64xf32, #tpu.memory_space<hbm>> -> memref<20480x64xf32, #tpu.memory_space<hbm>>
    tpu.enqueue_indirect_dma source(%dma_start3A_40 : memref<20480x64xf32, #tpu.memory_space<hbm>>) target(%arg13 : memref<128x64xf32, #tpu.memory_space<vmem>>) offsets(%dma_start3A_37 : memref<128xi32, #tpu.memory_space<vmem>>) semaphore(%arg17 : memref<!tpu.dma_semaphore, #tpu.memory_space<semaphore_mem>>)
    %scan3A_41 = arith.constant 0 : i32
    %scan3A_42 = arith.constant 0 : i32
    %scan3A_43 = arith.constant 40 : i32
    %scan3A_44 = arith.addi %scan3A_42, %scan3A_43 : i32
    %scan3A_45 = arith.constant 1 : i32
    %scan3A_46 = scf.for %scan3A_54 = %scan3A_42 to %scan3A_44 step %scan3A_45 iter_args(%scan3A_55 = %scan3A_41) -> (i32)  : i32 {
      %mul3A_56 = arith.constant 4 : i32
      %mul3A_57 = arith.muli %scan3A_54, %mul3A_56 : i32
      %add3A_58 = arith.constant 0 : i32
      %add3A_59 = arith.addi %mul3A_57, %add3A_58 : i32
      %dma_wait3A = arith.constant 0 : i32
      %dma_wait3A_60 = tpu.memref_slice %arg7[%add3A_59, %dma_wait3A] : memref<160x128xi32, #tpu.memory_space<vmem>> -> memref<1x128xi32, #tpu.memory_space<vmem>>
      %dma_wait3A_61 = tpu.memref_squeeze %dma_wait3A_60 : memref<1x128xi32, #tpu.memory_space<vmem>> -> memref<128xi32, #tpu.memory_space<vmem>>
      %dma_wait3A_62 = arith.constant 0 : i32
      %dma_wait3A_63 = arith.constant 0 : i32
      %dma_wait3A_64 = tpu.memref_slice %arg2[%dma_wait3A_62, %dma_wait3A_63] : memref<20480x64xf32, #tpu.memory_space<hbm>> -> memref<20480x64xf32, #tpu.memory_space<hbm>>
      tpu.wait_indirect_dma semaphore(%arg14 : memref<!tpu.dma_semaphore, #tpu.memory_space<semaphore_mem>>) src(%dma_wait3A_64 : memref<20480x64xf32, #tpu.memory_space<hbm>>) dst(%arg10 : memref<128x64xf32, #tpu.memory_space<vmem>>)
      "tpu.region"() ({
        %run_scoped3A = tpu.sem_alloc : memref<!tpu.dma_semaphore, #tpu.memory_space<semaphore_mem>>
        %dma_start3A_115 = arith.constant 0 : i32
        %dma_start3A_116 = tpu.memref_slice %arg6[%add3A_59, %dma_start3A_115] : memref<160x128xi32, #tpu.memory_space<vmem>> -> memref<1x128xi32, #tpu.memory_space<vmem>>
        %dma_start3A_117 = tpu.memref_squeeze %dma_start3A_116 : memref<1x128xi32, #tpu.memory_space<vmem>> -> memref<128xi32, #tpu.memory_space<vmem>>
        %dma_start3A_118 = arith.constant 0 : i32
        %dma_start3A_119 = arith.constant 0 : i32
        %dma_start3A_120 = tpu.memref_slice %arg9[%dma_start3A_118, %dma_start3A_119] : memref<10240x64xf32, #tpu.memory_space<vmem_shared>> -> memref<10240x64xf32, #tpu.memory_space<vmem_shared>>
        tpu.enqueue_indirect_dma source(%arg10 : memref<128x64xf32, #tpu.memory_space<vmem>>) target(%dma_start3A_120 : memref<10240x64xf32, #tpu.memory_space<vmem_shared>>) offsets(%dma_start3A_117 : memref<128xi32, #tpu.memory_space<vmem>>) semaphore(%run_scoped3A : memref<!tpu.dma_semaphore, #tpu.memory_space<semaphore_mem>>) {add = true}
        %dma_wait3A_121 = arith.constant 0 : i32
        %dma_wait3A_122 = tpu.memref_slice %arg6[%add3A_59, %dma_wait3A_121] : memref<160x128xi32, #tpu.memory_space<vmem>> -> memref<1x128xi32, #tpu.memory_space<vmem>>
        %dma_wait3A_123 = tpu.memref_squeeze %dma_wait3A_122 : memref<1x128xi32, #tpu.memory_space<vmem>> -> memref<128xi32, #tpu.memory_space<vmem>>
        %dma_wait3A_124 = arith.constant 0 : i32
        %dma_wait3A_125 = arith.constant 0 : i32
        %dma_wait3A_126 = tpu.memref_slice %arg9[%dma_wait3A_124, %dma_wait3A_125] : memref<10240x64xf32, #tpu.memory_space<vmem_shared>> -> memref<10240x64xf32, #tpu.memory_space<vmem_shared>>
        tpu.wait_indirect_dma semaphore(%run_scoped3A : memref<!tpu.dma_semaphore, #tpu.memory_space<semaphore_mem>>) src(%arg10 : memref<128x64xf32, #tpu.memory_space<vmem>>) dst(%dma_wait3A_126 : memref<10240x64xf32, #tpu.memory_space<vmem_shared>>)
        tpu.yield
      }) : () -> ()
      %add3A_65 = arith.constant 4 : i32
      %add3A_66 = arith.addi %add3A_59, %add3A_65 : i32
      %lt3A = arith.constant 160 : i32
      %lt3A_67 = arith.cmpi slt, %add3A_66, %lt3A : i32
      %convert_element_type3A = arith.extui %lt3A_67 : i1 to i32
      %cond3A = arith.constant 0 : i32
      %cond3A_68 = arith.cmpi ne, %convert_element_type3A, %cond3A : i32
      scf.if %cond3A_68 {
        %add3A_115 = arith.constant 4 : i32
        %add3A_116 = arith.addi %add3A_59, %add3A_115 : i32
        %dma_start3A_117 = arith.constant 0 : i32
        %dma_start3A_118 = tpu.memref_slice %arg7[%add3A_116, %dma_start3A_117] : memref<160x128xi32, #tpu.memory_space<vmem>> -> memref<1x128xi32, #tpu.memory_space<vmem>>
        %dma_start3A_119 = tpu.memref_squeeze %dma_start3A_118 : memref<1x128xi32, #tpu.memory_space<vmem>> -> memref<128xi32, #tpu.memory_space<vmem>>
        %dma_start3A_120 = arith.constant 0 : i32
        %dma_start3A_121 = arith.constant 0 : i32
        %dma_start3A_122 = tpu.memref_slice %arg2[%dma_start3A_120, %dma_start3A_121] : memref<20480x64xf32, #tpu.memory_space<hbm>> -> memref<20480x64xf32, #tpu.memory_space<hbm>>
        tpu.enqueue_indirect_dma source(%dma_start3A_122 : memref<20480x64xf32, #tpu.memory_space<hbm>>) target(%arg10 : memref<128x64xf32, #tpu.memory_space<vmem>>) offsets(%dma_start3A_119 : memref<128xi32, #tpu.memory_space<vmem>>) semaphore(%arg14 : memref<!tpu.dma_semaphore, #tpu.memory_space<semaphore_mem>>)
      } else {
      }
      %add3A_69 = arith.constant 1 : i32
      %add3A_70 = arith.addi %mul3A_57, %add3A_69 : i32
      %dma_wait3A_71 = arith.constant 0 : i32
      %dma_wait3A_72 = tpu.memref_slice %arg7[%add3A_70, %dma_wait3A_71] : memref<160x128xi32, #tpu.memory_space<vmem>> -> memref<1x128xi32, #tpu.memory_space<vmem>>
      %dma_wait3A_73 = tpu.memref_squeeze %dma_wait3A_72 : memref<1x128xi32, #tpu.memory_space<vmem>> -> memref<128xi32, #tpu.memory_space<vmem>>
      %dma_wait3A_74 = arith.constant 0 : i32
      %dma_wait3A_75 = arith.constant 0 : i32
      %dma_wait3A_76 = tpu.memref_slice %arg2[%dma_wait3A_74, %dma_wait3A_75] : memref<20480x64xf32, #tpu.memory_space<hbm>> -> memref<20480x64xf32, #tpu.memory_space<hbm>>
      tpu.wait_indirect_dma semaphore(%arg15 : memref<!tpu.dma_semaphore, #tpu.memory_space<semaphore_mem>>) src(%dma_wait3A_76 : memref<20480x64xf32, #tpu.memory_space<hbm>>) dst(%arg11 : memref<128x64xf32, #tpu.memory_space<vmem>>)
      "tpu.region"() ({
        %run_scoped3A = tpu.sem_alloc : memref<!tpu.dma_semaphore, #tpu.memory_space<semaphore_mem>>
        %dma_start3A_115 = arith.constant 0 : i32
        %dma_start3A_116 = tpu.memref_slice %arg6[%add3A_70, %dma_start3A_115] : memref<160x128xi32, #tpu.memory_space<vmem>> -> memref<1x128xi32, #tpu.memory_space<vmem>>
        %dma_start3A_117 = tpu.memref_squeeze %dma_start3A_116 : memref<1x128xi32, #tpu.memory_space<vmem>> -> memref<128xi32, #tpu.memory_space<vmem>>
        %dma_start3A_118 = arith.constant 0 : i32
        %dma_start3A_119 = arith.constant 0 : i32
        %dma_start3A_120 = tpu.memref_slice %arg9[%dma_start3A_118, %dma_start3A_119] : memref<10240x64xf32, #tpu.memory_space<vmem_shared>> -> memref<10240x64xf32, #tpu.memory_space<vmem_shared>>
        tpu.enqueue_indirect_dma source(%arg11 : memref<128x64xf32, #tpu.memory_space<vmem>>) target(%dma_start3A_120 : memref<10240x64xf32, #tpu.memory_space<vmem_shared>>) offsets(%dma_start3A_117 : memref<128xi32, #tpu.memory_space<vmem>>) semaphore(%run_scoped3A : memref<!tpu.dma_semaphore, #tpu.memory_space<semaphore_mem>>) {add = true}
        %dma_wait3A_121 = arith.constant 0 : i32
        %dma_wait3A_122 = tpu.memref_slice %arg6[%add3A_70, %dma_wait3A_121] : memref<160x128xi32, #tpu.memory_space<vmem>> -> memref<1x128xi32, #tpu.memory_space<vmem>>
        %dma_wait3A_123 = tpu.memref_squeeze %dma_wait3A_122 : memref<1x128xi32, #tpu.memory_space<vmem>> -> memref<128xi32, #tpu.memory_space<vmem>>
        %dma_wait3A_124 = arith.constant 0 : i32
        %dma_wait3A_125 = arith.constant 0 : i32
        %dma_wait3A_126 = tpu.memref_slice %arg9[%dma_wait3A_124, %dma_wait3A_125] : memref<10240x64xf32, #tpu.memory_space<vmem_shared>> -> memref<10240x64xf32, #tpu.memory_space<vmem_shared>>
        tpu.wait_indirect_dma semaphore(%run_scoped3A : memref<!tpu.dma_semaphore, #tpu.memory_space<semaphore_mem>>) src(%arg11 : memref<128x64xf32, #tpu.memory_space<vmem>>) dst(%dma_wait3A_126 : memref<10240x64xf32, #tpu.memory_space<vmem_shared>>)
        tpu.yield
      }) : () -> ()
      %add3A_77 = arith.constant 4 : i32
      %add3A_78 = arith.addi %add3A_70, %add3A_77 : i32
      %lt3A_79 = arith.constant 160 : i32
      %lt3A_80 = arith.cmpi slt, %add3A_78, %lt3A_79 : i32
      %convert_element_type3A_81 = arith.extui %lt3A_80 : i1 to i32
      %cond3A_82 = arith.constant 0 : i32
      %cond3A_83 = arith.cmpi ne, %convert_element_type3A_81, %cond3A_82 : i32
      scf.if %cond3A_83 {
        %add3A_115 = arith.constant 4 : i32
        %add3A_116 = arith.addi %add3A_70, %add3A_115 : i32
        %dma_start3A_117 = arith.constant 0 : i32
        %dma_start3A_118 = tpu.memref_slice %arg7[%add3A_116, %dma_start3A_117] : memref<160x128xi32, #tpu.memory_space<vmem>> -> memref<1x128xi32, #tpu.memory_space<vmem>>
        %dma_start3A_119 = tpu.memref_squeeze %dma_start3A_118 : memref<1x128xi32, #tpu.memory_space<vmem>> -> memref<128xi32, #tpu.memory_space<vmem>>
        %dma_start3A_120 = arith.constant 0 : i32
        %dma_start3A_121 = arith.constant 0 : i32
        %dma_start3A_122 = tpu.memref_slice %arg2[%dma_start3A_120, %dma_start3A_121] : memref<20480x64xf32, #tpu.memory_space<hbm>> -> memref<20480x64xf32, #tpu.memory_space<hbm>>
        tpu.enqueue_indirect_dma source(%dma_start3A_122 : memref<20480x64xf32, #tpu.memory_space<hbm>>) target(%arg11 : memref<128x64xf32, #tpu.memory_space<vmem>>) offsets(%dma_start3A_119 : memref<128xi32, #tpu.memory_space<vmem>>) semaphore(%arg15 : memref<!tpu.dma_semaphore, #tpu.memory_space<semaphore_mem>>)
      } else {
      }
      %add3A_84 = arith.constant 2 : i32
      %add3A_85 = arith.addi %mul3A_57, %add3A_84 : i32
      %dma_wait3A_86 = arith.constant 0 : i32
      %dma_wait3A_87 = tpu.memref_slice %arg7[%add3A_85, %dma_wait3A_86] : memref<160x128xi32, #tpu.memory_space<vmem>> -> memref<1x128xi32, #tpu.memory_space<vmem>>
      %dma_wait3A_88 = tpu.memref_squeeze %dma_wait3A_87 : memref<1x128xi32, #tpu.memory_space<vmem>> -> memref<128xi32, #tpu.memory_space<vmem>>
      %dma_wait3A_89 = arith.constant 0 : i32
      %dma_wait3A_90 = arith.constant 0 : i32
      %dma_wait3A_91 = tpu.memref_slice %arg2[%dma_wait3A_89, %dma_wait3A_90] : memref<20480x64xf32, #tpu.memory_space<hbm>> -> memref<20480x64xf32, #tpu.memory_space<hbm>>
      tpu.wait_indirect_dma semaphore(%arg16 : memref<!tpu.dma_semaphore, #tpu.memory_space<semaphore_mem>>) src(%dma_wait3A_91 : memref<20480x64xf32, #tpu.memory_space<hbm>>) dst(%arg12 : memref<128x64xf32, #tpu.memory_space<vmem>>)
      "tpu.region"() ({
        %run_scoped3A = tpu.sem_alloc : memref<!tpu.dma_semaphore, #tpu.memory_space<semaphore_mem>>
        %dma_start3A_115 = arith.constant 0 : i32
        %dma_start3A_116 = tpu.memref_slice %arg6[%add3A_85, %dma_start3A_115] : memref<160x128xi32, #tpu.memory_space<vmem>> -> memref<1x128xi32, #tpu.memory_space<vmem>>
        %dma_start3A_117 = tpu.memref_squeeze %dma_start3A_116 : memref<1x128xi32, #tpu.memory_space<vmem>> -> memref<128xi32, #tpu.memory_space<vmem>>
        %dma_start3A_118 = arith.constant 0 : i32
        %dma_start3A_119 = arith.constant 0 : i32
        %dma_start3A_120 = tpu.memref_slice %arg9[%dma_start3A_118, %dma_start3A_119] : memref<10240x64xf32, #tpu.memory_space<vmem_shared>> -> memref<10240x64xf32, #tpu.memory_space<vmem_shared>>
        tpu.enqueue_indirect_dma source(%arg12 : memref<128x64xf32, #tpu.memory_space<vmem>>) target(%dma_start3A_120 : memref<10240x64xf32, #tpu.memory_space<vmem_shared>>) offsets(%dma_start3A_117 : memref<128xi32, #tpu.memory_space<vmem>>) semaphore(%run_scoped3A : memref<!tpu.dma_semaphore, #tpu.memory_space<semaphore_mem>>) {add = true}
        %dma_wait3A_121 = arith.constant 0 : i32
        %dma_wait3A_122 = tpu.memref_slice %arg6[%add3A_85, %dma_wait3A_121] : memref<160x128xi32, #tpu.memory_space<vmem>> -> memref<1x128xi32, #tpu.memory_space<vmem>>
        %dma_wait3A_123 = tpu.memref_squeeze %dma_wait3A_122 : memref<1x128xi32, #tpu.memory_space<vmem>> -> memref<128xi32, #tpu.memory_space<vmem>>
        %dma_wait3A_124 = arith.constant 0 : i32
        %dma_wait3A_125 = arith.constant 0 : i32
        %dma_wait3A_126 = tpu.memref_slice %arg9[%dma_wait3A_124, %dma_wait3A_125] : memref<10240x64xf32, #tpu.memory_space<vmem_shared>> -> memref<10240x64xf32, #tpu.memory_space<vmem_shared>>
        tpu.wait_indirect_dma semaphore(%run_scoped3A : memref<!tpu.dma_semaphore, #tpu.memory_space<semaphore_mem>>) src(%arg12 : memref<128x64xf32, #tpu.memory_space<vmem>>) dst(%dma_wait3A_126 : memref<10240x64xf32, #tpu.memory_space<vmem_shared>>)
        tpu.yield
      }) : () -> ()
      %add3A_92 = arith.constant 4 : i32
      %add3A_93 = arith.addi %add3A_85, %add3A_92 : i32
      %lt3A_94 = arith.constant 160 : i32
      %lt3A_95 = arith.cmpi slt, %add3A_93, %lt3A_94 : i32
      %convert_element_type3A_96 = arith.extui %lt3A_95 : i1 to i32
      %cond3A_97 = arith.constant 0 : i32
      %cond3A_98 = arith.cmpi ne, %convert_element_type3A_96, %cond3A_97 : i32
      scf.if %cond3A_98 {
        %add3A_115 = arith.constant 4 : i32
        %add3A_116 = arith.addi %add3A_85, %add3A_115 : i32
        %dma_start3A_117 = arith.constant 0 : i32
        %dma_start3A_118 = tpu.memref_slice %arg7[%add3A_116, %dma_start3A_117] : memref<160x128xi32, #tpu.memory_space<vmem>> -> memref<1x128xi32, #tpu.memory_space<vmem>>
        %dma_start3A_119 = tpu.memref_squeeze %dma_start3A_118 : memref<1x128xi32, #tpu.memory_space<vmem>> -> memref<128xi32, #tpu.memory_space<vmem>>
        %dma_start3A_120 = arith.constant 0 : i32
        %dma_start3A_121 = arith.constant 0 : i32
        %dma_start3A_122 = tpu.memref_slice %arg2[%dma_start3A_120, %dma_start3A_121] : memref<20480x64xf32, #tpu.memory_space<hbm>> -> memref<20480x64xf32, #tpu.memory_space<hbm>>
        tpu.enqueue_indirect_dma source(%dma_start3A_122 : memref<20480x64xf32, #tpu.memory_space<hbm>>) target(%arg12 : memref<128x64xf32, #tpu.memory_space<vmem>>) offsets(%dma_start3A_119 : memref<128xi32, #tpu.memory_space<vmem>>) semaphore(%arg16 : memref<!tpu.dma_semaphore, #tpu.memory_space<semaphore_mem>>)
      } else {
      }
      %add3A_99 = arith.constant 3 : i32
      %add3A_100 = arith.addi %mul3A_57, %add3A_99 : i32
      %dma_wait3A_101 = arith.constant 0 : i32
      %dma_wait3A_102 = tpu.memref_slice %arg7[%add3A_100, %dma_wait3A_101] : memref<160x128xi32, #tpu.memory_space<vmem>> -> memref<1x128xi32, #tpu.memory_space<vmem>>
      %dma_wait3A_103 = tpu.memref_squeeze %dma_wait3A_102 : memref<1x128xi32, #tpu.memory_space<vmem>> -> memref<128xi32, #tpu.memory_space<vmem>>
      %dma_wait3A_104 = arith.constant 0 : i32
      %dma_wait3A_105 = arith.constant 0 : i32
      %dma_wait3A_106 = tpu.memref_slice %arg2[%dma_wait3A_104, %dma_wait3A_105] : memref<20480x64xf32, #tpu.memory_space<hbm>> -> memref<20480x64xf32, #tpu.memory_space<hbm>>
      tpu.wait_indirect_dma semaphore(%arg17 : memref<!tpu.dma_semaphore, #tpu.memory_space<semaphore_mem>>) src(%dma_wait3A_106 : memref<20480x64xf32, #tpu.memory_space<hbm>>) dst(%arg13 : memref<128x64xf32, #tpu.memory_space<vmem>>)
      "tpu.region"() ({
        %run_scoped3A = tpu.sem_alloc : memref<!tpu.dma_semaphore, #tpu.memory_space<semaphore_mem>>
        %dma_start3A_115 = arith.constant 0 : i32
        %dma_start3A_116 = tpu.memref_slice %arg6[%add3A_100, %dma_start3A_115] : memref<160x128xi32, #tpu.memory_space<vmem>> -> memref<1x128xi32, #tpu.memory_space<vmem>>
        %dma_start3A_117 = tpu.memref_squeeze %dma_start3A_116 : memref<1x128xi32, #tpu.memory_space<vmem>> -> memref<128xi32, #tpu.memory_space<vmem>>
        %dma_start3A_118 = arith.constant 0 : i32
        %dma_start3A_119 = arith.constant 0 : i32
        %dma_start3A_120 = tpu.memref_slice %arg9[%dma_start3A_118, %dma_start3A_119] : memref<10240x64xf32, #tpu.memory_space<vmem_shared>> -> memref<10240x64xf32, #tpu.memory_space<vmem_shared>>
        tpu.enqueue_indirect_dma source(%arg13 : memref<128x64xf32, #tpu.memory_space<vmem>>) target(%dma_start3A_120 : memref<10240x64xf32, #tpu.memory_space<vmem_shared>>) offsets(%dma_start3A_117 : memref<128xi32, #tpu.memory_space<vmem>>) semaphore(%run_scoped3A : memref<!tpu.dma_semaphore, #tpu.memory_space<semaphore_mem>>) {add = true}
        %dma_wait3A_121 = arith.constant 0 : i32
        %dma_wait3A_122 = tpu.memref_slice %arg6[%add3A_100, %dma_wait3A_121] : memref<160x128xi32, #tpu.memory_space<vmem>> -> memref<1x128xi32, #tpu.memory_space<vmem>>
        %dma_wait3A_123 = tpu.memref_squeeze %dma_wait3A_122 : memref<1x128xi32, #tpu.memory_space<vmem>> -> memref<128xi32, #tpu.memory_space<vmem>>
        %dma_wait3A_124 = arith.constant 0 : i32
        %dma_wait3A_125 = arith.constant 0 : i32
        %dma_wait3A_126 = tpu.memref_slice %arg9[%dma_wait3A_124, %dma_wait3A_125] : memref<10240x64xf32, #tpu.memory_space<vmem_shared>> -> memref<10240x64xf32, #tpu.memory_space<vmem_shared>>
        tpu.wait_indirect_dma semaphore(%run_scoped3A : memref<!tpu.dma_semaphore, #tpu.memory_space<semaphore_mem>>) src(%arg13 : memref<128x64xf32, #tpu.memory_space<vmem>>) dst(%dma_wait3A_126 : memref<10240x64xf32, #tpu.memory_space<vmem_shared>>)
        tpu.yield
      }) : () -> ()
      %add3A_107 = arith.constant 4 : i32
      %add3A_108 = arith.addi %add3A_100, %add3A_107 : i32
      %lt3A_109 = arith.constant 160 : i32
      %lt3A_110 = arith.cmpi slt, %add3A_108, %lt3A_109 : i32
      %convert_element_type3A_111 = arith.extui %lt3A_110 : i1 to i32
      %cond3A_112 = arith.constant 0 : i32
      %cond3A_113 = arith.cmpi ne, %convert_element_type3A_111, %cond3A_112 : i32
      scf.if %cond3A_113 {
        %add3A_115 = arith.constant 4 : i32
        %add3A_116 = arith.addi %add3A_100, %add3A_115 : i32
        %dma_start3A_117 = arith.constant 0 : i32
        %dma_start3A_118 = tpu.memref_slice %arg7[%add3A_116, %dma_start3A_117] : memref<160x128xi32, #tpu.memory_space<vmem>> -> memref<1x128xi32, #tpu.memory_space<vmem>>
        %dma_start3A_119 = tpu.memref_squeeze %dma_start3A_118 : memref<1x128xi32, #tpu.memory_space<vmem>> -> memref<128xi32, #tpu.memory_space<vmem>>
        %dma_start3A_120 = arith.constant 0 : i32
        %dma_start3A_121 = arith.constant 0 : i32
        %dma_start3A_122 = tpu.memref_slice %arg2[%dma_start3A_120, %dma_start3A_121] : memref<20480x64xf32, #tpu.memory_space<hbm>> -> memref<20480x64xf32, #tpu.memory_space<hbm>>
        tpu.enqueue_indirect_dma source(%dma_start3A_122 : memref<20480x64xf32, #tpu.memory_space<hbm>>) target(%arg13 : memref<128x64xf32, #tpu.memory_space<vmem>>) offsets(%dma_start3A_119 : memref<128xi32, #tpu.memory_space<vmem>>) semaphore(%arg17 : memref<!tpu.dma_semaphore, #tpu.memory_space<semaphore_mem>>)
      } else {
      }
      %scan3A_114 = arith.constant 0 : i32
      scf.yield %scan3A_114 : i32
    }
    %scan3A_47 = arith.constant 40 : i32
    %barrier3A_48 = arith.constant 0 : index
    tpu.barrier barrier_id(%barrier3A_48)
    %mul3A = arith.constant 640 : i32
    %mul3A_49 = arith.muli %arg1, %mul3A : i32
    %mul3A_50 = arith.constant 10240 : i32
    %mul3A_51 = arith.muli %arg0, %mul3A_50 : i32
    %mul3A_52 = arith.constant 640 : i32
    %mul3A_53 = arith.muli %arg1, %mul3A_52 : i32
    %add3A = arith.addi %mul3A_51, %mul3A_53 : i32
    "tpu.region"() ({
      %run_scoped3A = tpu.sem_alloc : memref<!tpu.dma_semaphore, #tpu.memory_space<semaphore_mem>>
      %dma_start3A_54 = arith.constant 0 : i32
      %dma_start3A_55 = tpu.memref_slice %arg5[%add3A, %dma_start3A_54] : memref<20480x64xf32, #tpu.memory_space<hbm>> -> memref<640x64xf32, #tpu.memory_space<hbm>>
      %dma_start3A_56 = arith.constant 0 : i32
      %dma_start3A_57 = tpu.memref_slice %arg9[%mul3A_49, %dma_start3A_56] : memref<10240x64xf32, #tpu.memory_space<vmem_shared>> -> memref<640x64xf32, #tpu.memory_space<vmem_shared>>
      tpu.enqueue_dma source(%dma_start3A_57 : memref<640x64xf32, #tpu.memory_space<vmem_shared>>) target(%dma_start3A_55 : memref<640x64xf32, #tpu.memory_space<hbm>>) target_semaphore(%run_scoped3A : memref<!tpu.dma_semaphore, #tpu.memory_space<semaphore_mem>>)
      %dma_wait3A = arith.constant 0 : i32
      %dma_wait3A_58 = tpu.memref_slice %arg5[%add3A, %dma_wait3A] : memref<20480x64xf32, #tpu.memory_space<hbm>> -> memref<640x64xf32, #tpu.memory_space<hbm>>
      %dma_wait3A_59 = arith.constant 0 : i32
      %dma_wait3A_60 = tpu.memref_slice %arg9[%mul3A_49, %dma_wait3A_59] : memref<10240x64xf32, #tpu.memory_space<vmem_shared>> -> memref<640x64xf32, #tpu.memory_space<vmem_shared>>
      tpu.wait_dma2 semaphore(%run_scoped3A : memref<!tpu.dma_semaphore, #tpu.memory_space<semaphore_mem>>) src(%dma_wait3A_60 : memref<640x64xf32, #tpu.memory_space<vmem_shared>>) dst(%dma_wait3A_58 : memref<640x64xf32, #tpu.memory_space<hbm>>)
      tpu.yield
    }) : () -> ()
    return
  }
}

#map = affine_map<(d0, d1) -> (0, 0)>
#map1 = affine_map<(d0, d1) -> (0, 0, 0, 0)>
#map2 = affine_map<(d0, d1) -> (0, 0, 0)>
module attributes {stable_mosaic.version = 14 : i64} {
  func.func @_agg_body(%arg0: i32, %arg1: i32, %arg2: memref<20480x64xf32, #tpu.memory_space<hbm>>, %arg3: memref<2x16x160x128xi32, #tpu.memory_space<hbm>>, %arg4: memref<16x160x128xi32, #tpu.memory_space<hbm>>, %arg5: memref<20480x64xf32, #tpu.memory_space<hbm>>, %arg6: memref<160x128xi32, #tpu.memory_space<vmem>>, %arg7: memref<160x128xi32, #tpu.memory_space<vmem>>, %arg8: memref<128x64xf32, #tpu.memory_space<vmem>>, %arg9: memref<10240x64xf32, #tpu.memory_space<vmem_shared>>, %arg10: memref<128x64xf32, #tpu.memory_space<vmem>>, %arg11: memref<128x64xf32, #tpu.memory_space<vmem>>, %arg12: memref<128x64xf32, #tpu.memory_space<vmem>>, %arg13: memref<128x64xf32, #tpu.memory_space<vmem>>, %arg14: memref<!tpu.dma_semaphore, #tpu.memory_space<semaphore_mem>>, %arg15: memref<!tpu.dma_semaphore, #tpu.memory_space<semaphore_mem>>, %arg16: memref<!tpu.dma_semaphore, #tpu.memory_space<semaphore_mem>>, %arg17: memref<!tpu.dma_semaphore, #tpu.memory_space<semaphore_mem>>) attributes {dimension_semantics = [#tpu.dimension_semantics<core_parallel>, #tpu.dimension_semantics<subcore_parallel>], iteration_bounds = array<i64: 2, 16>, scalar_prefetch = 0 : i64, scratch_operands = 12 : i64, tpu.core_type = #tpu.core_type<sc_vector_subcore>, window_params = [{transform_indices = #map}, {transform_indices = #map1}, {transform_indices = #map2}, {transform_indices = #map}]} {
    "tpu.region"() ({
      %run_scoped3A = tpu.sem_alloc : memref<!tpu.dma_semaphore, #tpu.memory_space<semaphore_mem>>
      %dma_start3A_54 = arith.constant 0 : i32
      %dma_start3A_55 = arith.constant 0 : i32
      %dma_start3A_56 = tpu.memref_slice %arg3[%arg0, %arg1, %dma_start3A_54, %dma_start3A_55] : memref<2x16x160x128xi32, #tpu.memory_space<hbm>> -> memref<1x1x160x128xi32, #tpu.memory_space<hbm>>
      %dma_start3A_57 = tpu.memref_squeeze %dma_start3A_56 : memref<1x1x160x128xi32, #tpu.memory_space<hbm>> -> memref<160x128xi32, #tpu.memory_space<hbm>>
      %dma_start3A_58 = arith.constant 0 : i32
      %dma_start3A_59 = arith.constant 0 : i32
      %dma_start3A_60 = tpu.memref_slice %arg3[%arg0, %arg1, %dma_start3A_58, %dma_start3A_59] : memref<2x16x160x128xi32, #tpu.memory_space<hbm>> -> memref<1x1x160x128xi32, #tpu.memory_space<hbm>>
      %dma_start3A_61 = tpu.memref_squeeze %dma_start3A_60 : memref<1x1x160x128xi32, #tpu.memory_space<hbm>> -> memref<160x128xi32, #tpu.memory_space<hbm>>
      tpu.enqueue_dma source(%dma_start3A_61 : memref<160x128xi32, #tpu.memory_space<hbm>>) target(%arg7 : memref<160x128xi32, #tpu.memory_space<vmem>>) target_semaphore(%run_scoped3A : memref<!tpu.dma_semaphore, #tpu.memory_space<semaphore_mem>>)
      %dma_wait3A = arith.constant 0 : i32
      %dma_wait3A_62 = arith.constant 0 : i32
      %dma_wait3A_63 = tpu.memref_slice %arg3[%arg0, %arg1, %dma_wait3A, %dma_wait3A_62] : memref<2x16x160x128xi32, #tpu.memory_space<hbm>> -> memref<1x1x160x128xi32, #tpu.memory_space<hbm>>
      %dma_wait3A_64 = tpu.memref_squeeze %dma_wait3A_63 : memref<1x1x160x128xi32, #tpu.memory_space<hbm>> -> memref<160x128xi32, #tpu.memory_space<hbm>>
      %dma_wait3A_65 = arith.constant 0 : i32
      %dma_wait3A_66 = arith.constant 0 : i32
      %dma_wait3A_67 = tpu.memref_slice %arg3[%arg0, %arg1, %dma_wait3A_65, %dma_wait3A_66] : memref<2x16x160x128xi32, #tpu.memory_space<hbm>> -> memref<1x1x160x128xi32, #tpu.memory_space<hbm>>
      %dma_wait3A_68 = tpu.memref_squeeze %dma_wait3A_67 : memref<1x1x160x128xi32, #tpu.memory_space<hbm>> -> memref<160x128xi32, #tpu.memory_space<hbm>>
      tpu.wait_dma2 semaphore(%run_scoped3A : memref<!tpu.dma_semaphore, #tpu.memory_space<semaphore_mem>>) src(%dma_wait3A_68 : memref<160x128xi32, #tpu.memory_space<hbm>>) dst(%arg7 : memref<160x128xi32, #tpu.memory_space<vmem>>)
      tpu.yield
    }) : () -> ()
    "tpu.region"() ({
      %run_scoped3A = tpu.sem_alloc : memref<!tpu.dma_semaphore, #tpu.memory_space<semaphore_mem>>
      %dma_start3A_54 = arith.constant 0 : i32
      %dma_start3A_55 = arith.constant 0 : i32
      %dma_start3A_56 = tpu.memref_slice %arg4[%arg1, %dma_start3A_54, %dma_start3A_55] : memref<16x160x128xi32, #tpu.memory_space<hbm>> -> memref<1x160x128xi32, #tpu.memory_space<hbm>>
      %dma_start3A_57 = tpu.memref_squeeze %dma_start3A_56 : memref<1x160x128xi32, #tpu.memory_space<hbm>> -> memref<160x128xi32, #tpu.memory_space<hbm>>
      %dma_start3A_58 = arith.constant 0 : i32
      %dma_start3A_59 = arith.constant 0 : i32
      %dma_start3A_60 = tpu.memref_slice %arg4[%arg1, %dma_start3A_58, %dma_start3A_59] : memref<16x160x128xi32, #tpu.memory_space<hbm>> -> memref<1x160x128xi32, #tpu.memory_space<hbm>>
      %dma_start3A_61 = tpu.memref_squeeze %dma_start3A_60 : memref<1x160x128xi32, #tpu.memory_space<hbm>> -> memref<160x128xi32, #tpu.memory_space<hbm>>
      tpu.enqueue_dma source(%dma_start3A_61 : memref<160x128xi32, #tpu.memory_space<hbm>>) target(%arg6 : memref<160x128xi32, #tpu.memory_space<vmem>>) target_semaphore(%run_scoped3A : memref<!tpu.dma_semaphore, #tpu.memory_space<semaphore_mem>>)
      %dma_wait3A = arith.constant 0 : i32
      %dma_wait3A_62 = arith.constant 0 : i32
      %dma_wait3A_63 = tpu.memref_slice %arg4[%arg1, %dma_wait3A, %dma_wait3A_62] : memref<16x160x128xi32, #tpu.memory_space<hbm>> -> memref<1x160x128xi32, #tpu.memory_space<hbm>>
      %dma_wait3A_64 = tpu.memref_squeeze %dma_wait3A_63 : memref<1x160x128xi32, #tpu.memory_space<hbm>> -> memref<160x128xi32, #tpu.memory_space<hbm>>
      %dma_wait3A_65 = arith.constant 0 : i32
      %dma_wait3A_66 = arith.constant 0 : i32
      %dma_wait3A_67 = tpu.memref_slice %arg4[%arg1, %dma_wait3A_65, %dma_wait3A_66] : memref<16x160x128xi32, #tpu.memory_space<hbm>> -> memref<1x160x128xi32, #tpu.memory_space<hbm>>
      %dma_wait3A_68 = tpu.memref_squeeze %dma_wait3A_67 : memref<1x160x128xi32, #tpu.memory_space<hbm>> -> memref<160x128xi32, #tpu.memory_space<hbm>>
      tpu.wait_dma2 semaphore(%run_scoped3A : memref<!tpu.dma_semaphore, #tpu.memory_space<semaphore_mem>>) src(%dma_wait3A_68 : memref<160x128xi32, #tpu.memory_space<hbm>>) dst(%arg6 : memref<160x128xi32, #tpu.memory_space<vmem>>)
      tpu.yield
    }) : () -> ()
    %broadcast_in_dim3A = arith.constant 0.000000e+00 : f32
    %broadcast_in_dim3A_0 = vector.broadcast %broadcast_in_dim3A : f32 to vector<16xf32>
    %scan3A = arith.constant 0 : i32
    %scan3A_1 = arith.constant 0 : i32
    %scan3A_2 = arith.constant 128 : i32
    %scan3A_3 = arith.addi %scan3A_1, %scan3A_2 : i32
    %scan3A_4 = arith.constant 1 : i32
    %scan3A_5 = scf.for %scan3A_54 = %scan3A_1 to %scan3A_3 step %scan3A_4 iter_args(%scan3A_55 = %scan3A) -> (i32)  : i32 {
      %scan3A_56 = arith.constant 0 : i32
      %scan3A_57 = arith.constant 0 : i32
      %scan3A_58 = arith.constant 4 : i32
      %scan3A_59 = arith.addi %scan3A_57, %scan3A_58 : i32
      %scan3A_60 = arith.constant 1 : i32
      %scan3A_61 = scf.for %scan3A_64 = %scan3A_57 to %scan3A_59 step %scan3A_60 iter_args(%scan3A_65 = %scan3A_56) -> (i32)  : i32 {
        %mul3A_66 = arith.constant 16 : i32
        %mul3A_67 = arith.muli %scan3A_64, %mul3A_66 : i32
        %swap3A = arith.index_cast %scan3A_54 : i32 to index
        %swap3A_68 = arith.index_cast %mul3A_67 : i32 to index
        %swap3A_69 = tpu.vector_load %arg8[%swap3A, %swap3A_68] {strides = array<i32>} : memref<128x64xf32, #tpu.memory_space<vmem>>, vector<16xf32>,
        tpu.vector_store %arg8[%swap3A, %swap3A_68], %broadcast_in_dim3A_0 {strides = array<i32>} : memref<128x64xf32, #tpu.memory_space<vmem>>, vector<16xf32>,
        %scan3A_70 = arith.constant 0 : i32
        scf.yield %scan3A_70 : i32
      }
      %scan3A_62 = arith.constant 4 : i32
      %scan3A_63 = arith.constant 0 : i32
      scf.yield %scan3A_63 : i32
    }
    %scan3A_6 = arith.constant 128 : i32
    %scan3A_7 = arith.constant 0 : i32
    %scan3A_8 = arith.constant 0 : i32
    %scan3A_9 = arith.constant 5 : i32
    %scan3A_10 = arith.addi %scan3A_8, %scan3A_9 : i32
    %scan3A_11 = arith.constant 1 : i32
    %scan3A_12 = scf.for %scan3A_54 = %scan3A_8 to %scan3A_10 step %scan3A_11 iter_args(%scan3A_55 = %scan3A_7) -> (i32)  : i32 {
      %mul3A_56 = arith.constant 640 : i32
      %mul3A_57 = arith.muli %arg1, %mul3A_56 : i32
      %mul3A_58 = arith.constant 128 : i32
      %mul3A_59 = arith.muli %scan3A_54, %mul3A_58 : i32
      %add3A_60 = arith.addi %mul3A_57, %mul3A_59 : i32
      "tpu.region"() ({
        %run_scoped3A = tpu.sem_alloc : memref<!tpu.dma_semaphore, #tpu.memory_space<semaphore_mem>>
        %dma_start3A_62 = arith.constant 0 : i32
        %dma_start3A_63 = tpu.memref_slice %arg9[%add3A_60, %dma_start3A_62] : memref<10240x64xf32, #tpu.memory_space<vmem_shared>> -> memref<128x64xf32, #tpu.memory_space<vmem_shared>>
        %dma_start3A_64 = arith.constant 0 : i32
        %dma_start3A_65 = tpu.memref_slice %arg9[%add3A_60, %dma_start3A_64] : memref<10240x64xf32, #tpu.memory_space<vmem_shared>> -> memref<128x64xf32, #tpu.memory_space<vmem_shared>>
        tpu.enqueue_dma source(%arg8 : memref<128x64xf32, #tpu.memory_space<vmem>>) target(%dma_start3A_65 : memref<128x64xf32, #tpu.memory_space<vmem_shared>>) target_semaphore(%run_scoped3A : memref<!tpu.dma_semaphore, #tpu.memory_space<semaphore_mem>>)
        %dma_wait3A = arith.constant 0 : i32
        %dma_wait3A_66 = tpu.memref_slice %arg9[%add3A_60, %dma_wait3A] : memref<10240x64xf32, #tpu.memory_space<vmem_shared>> -> memref<128x64xf32, #tpu.memory_space<vmem_shared>>
        %dma_wait3A_67 = arith.constant 0 : i32
        %dma_wait3A_68 = tpu.memref_slice %arg9[%add3A_60, %dma_wait3A_67] : memref<10240x64xf32, #tpu.memory_space<vmem_shared>> -> memref<128x64xf32, #tpu.memory_space<vmem_shared>>
        tpu.wait_dma2 semaphore(%run_scoped3A : memref<!tpu.dma_semaphore, #tpu.memory_space<semaphore_mem>>) src(%arg8 : memref<128x64xf32, #tpu.memory_space<vmem>>) dst(%dma_wait3A_68 : memref<128x64xf32, #tpu.memory_space<vmem_shared>>)
        tpu.yield
      }) : () -> ()
      %scan3A_61 = arith.constant 0 : i32
      scf.yield %scan3A_61 : i32
    }
    %scan3A_13 = arith.constant 5 : i32
    %barrier3A = arith.constant 0 : index
    tpu.barrier barrier_id(%barrier3A)
    %dma_start3A = arith.constant 0 : i32
    %dma_start3A_14 = arith.constant 0 : i32
    %dma_start3A_15 = tpu.memref_slice %arg7[%dma_start3A, %dma_start3A_14] : memref<160x128xi32, #tpu.memory_space<vmem>> -> memref<1x128xi32, #tpu.memory_space<vmem>>
    %dma_start3A_16 = tpu.memref_squeeze %dma_start3A_15 : memref<1x128xi32, #tpu.memory_space<vmem>> -> memref<128xi32, #tpu.memory_space<vmem>>
    %dma_start3A_17 = arith.constant 0 : i32
    %dma_start3A_18 = arith.constant 0 : i32
    %dma_start3A_19 = tpu.memref_slice %arg2[%dma_start3A_17, %dma_start3A_18] : memref<20480x64xf32, #tpu.memory_space<hbm>> -> memref<20480x64xf32, #tpu.memory_space<hbm>>
    tpu.enqueue_indirect_dma source(%dma_start3A_19 : memref<20480x64xf32, #tpu.memory_space<hbm>>) target(%arg10 : memref<128x64xf32, #tpu.memory_space<vmem>>) offsets(%dma_start3A_16 : memref<128xi32, #tpu.memory_space<vmem>>) semaphore(%arg14 : memref<!tpu.dma_semaphore, #tpu.memory_space<semaphore_mem>>)
    %dma_start3A_20 = arith.constant 1 : i32
    %dma_start3A_21 = arith.constant 0 : i32
    %dma_start3A_22 = tpu.memref_slice %arg7[%dma_start3A_20, %dma_start3A_21] : memref<160x128xi32, #tpu.memory_space<vmem>> -> memref<1x128xi32, #tpu.memory_space<vmem>>
    %dma_start3A_23 = tpu.memref_squeeze %dma_start3A_22 : memref<1x128xi32, #tpu.memory_space<vmem>> -> memref<128xi32, #tpu.memory_space<vmem>>
    %dma_start3A_24 = arith.constant 0 : i32
    %dma_start3A_25 = arith.constant 0 : i32
    %dma_start3A_26 = tpu.memref_slice %arg2[%dma_start3A_24, %dma_start3A_25] : memref<20480x64xf32, #tpu.memory_space<hbm>> -> memref<20480x64xf32, #tpu.memory_space<hbm>>
    tpu.enqueue_indirect_dma source(%dma_start3A_26 : memref<20480x64xf32, #tpu.memory_space<hbm>>) target(%arg11 : memref<128x64xf32, #tpu.memory_space<vmem>>) offsets(%dma_start3A_23 : memref<128xi32, #tpu.memory_space<vmem>>) semaphore(%arg15 : memref<!tpu.dma_semaphore, #tpu.memory_space<semaphore_mem>>)
    %dma_start3A_27 = arith.constant 2 : i32
    %dma_start3A_28 = arith.constant 0 : i32
    %dma_start3A_29 = tpu.memref_slice %arg7[%dma_start3A_27, %dma_start3A_28] : memref<160x128xi32, #tpu.memory_space<vmem>> -> memref<1x128xi32, #tpu.memory_space<vmem>>
    %dma_start3A_30 = tpu.memref_squeeze %dma_start3A_29 : memref<1x128xi32, #tpu.memory_space<vmem>> -> memref<128xi32, #tpu.memory_space<vmem>>
    %dma_start3A_31 = arith.constant 0 : i32
    %dma_start3A_32 = arith.constant 0 : i32
    %dma_start3A_33 = tpu.memref_slice %arg2[%dma_start3A_31, %dma_start3A_32] : memref<20480x64xf32, #tpu.memory_space<hbm>> -> memref<20480x64xf32, #tpu.memory_space<hbm>>
    tpu.enqueue_indirect_dma source(%dma_start3A_33 : memref<20480x64xf32, #tpu.memory_space<hbm>>) target(%arg12 : memref<128x64xf32, #tpu.memory_space<vmem>>) offsets(%dma_start3A_30 : memref<128xi32, #tpu.memory_space<vmem>>) semaphore(%arg16 : memref<!tpu.dma_semaphore, #tpu.memory_space<semaphore_mem>>)
    %dma_start3A_34 = arith.constant 3 : i32
    %dma_start3A_35 = arith.constant 0 : i32
    %dma_start3A_36 = tpu.memref_slice %arg7[%dma_start3A_34, %dma_start3A_35] : memref<160x128xi32, #tpu.memory_space<vmem>> -> memref<1x128xi32, #tpu.memory_space<vmem>>
    %dma_start3A_37 = tpu.memref_squeeze %dma_start3A_36 : memref<1x128xi32, #tpu.memory_space<vmem>> -> memref<128xi32, #tpu.memory_space<vmem>>
    %dma_start3A_38 = arith.constant 0 : i32
    %dma_start3A_39 = arith.constant 0 : i32
    %dma_start3A_40 = tpu.memref_slice %arg2[%dma_start3A_38, %dma_start3A_39] : memref<20480x64xf32, #tpu.memory_space<hbm>> -> memref<20480x64xf32, #tpu.memory_space<hbm>>
    tpu.enqueue_indirect_dma source(%dma_start3A_40 : memref<20480x64xf32, #tpu.memory_space<hbm>>) target(%arg13 : memref<128x64xf32, #tpu.memory_space<vmem>>) offsets(%dma_start3A_37 : memref<128xi32, #tpu.memory_space<vmem>>) semaphore(%arg17 : memref<!tpu.dma_semaphore, #tpu.memory_space<semaphore_mem>>)
    %scan3A_41 = arith.constant 0 : i32
    %scan3A_42 = arith.constant 0 : i32
    %scan3A_43 = arith.constant 40 : i32
    %scan3A_44 = arith.addi %scan3A_42, %scan3A_43 : i32
    %scan3A_45 = arith.constant 1 : i32
    %scan3A_46 = scf.for %scan3A_54 = %scan3A_42 to %scan3A_44 step %scan3A_45 iter_args(%scan3A_55 = %scan3A_41) -> (i32)  : i32 {
      %mul3A_56 = arith.constant 4 : i32
      %mul3A_57 = arith.muli %scan3A_54, %mul3A_56 : i32
      %add3A_58 = arith.constant 0 : i32
      %add3A_59 = arith.addi %mul3A_57, %add3A_58 : i32
      %dma_wait3A = arith.constant 0 : i32
      %dma_wait3A_60 = tpu.memref_slice %arg7[%add3A_59, %dma_wait3A] : memref<160x128xi32, #tpu.memory_space<vmem>> -> memref<1x128xi32, #tpu.memory_space<vmem>>
      %dma_wait3A_61 = tpu.memref_squeeze %dma_wait3A_60 : memref<1x128xi32, #tpu.memory_space<vmem>> -> memref<128xi32, #tpu.memory_space<vmem>>
      %dma_wait3A_62 = arith.constant 0 : i32
      %dma_wait3A_63 = arith.constant 0 : i32
      %dma_wait3A_64 = tpu.memref_slice %arg2[%dma_wait3A_62, %dma_wait3A_63] : memref<20480x64xf32, #tpu.memory_space<hbm>> -> memref<20480x64xf32, #tpu.memory_space<hbm>>
      tpu.wait_indirect_dma semaphore(%arg14 : memref<!tpu.dma_semaphore, #tpu.memory_space<semaphore_mem>>) src(%dma_wait3A_64 : memref<20480x64xf32, #tpu.memory_space<hbm>>) dst(%arg10 : memref<128x64xf32, #tpu.memory_space<vmem>>)
      "tpu.region"() ({
        %run_scoped3A = tpu.sem_alloc : memref<!tpu.dma_semaphore, #tpu.memory_space<semaphore_mem>>
        %dma_start3A_115 = arith.constant 0 : i32
        %dma_start3A_116 = tpu.memref_slice %arg6[%add3A_59, %dma_start3A_115] : memref<160x128xi32, #tpu.memory_space<vmem>> -> memref<1x128xi32, #tpu.memory_space<vmem>>
        %dma_start3A_117 = tpu.memref_squeeze %dma_start3A_116 : memref<1x128xi32, #tpu.memory_space<vmem>> -> memref<128xi32, #tpu.memory_space<vmem>>
        %dma_start3A_118 = arith.constant 0 : i32
        %dma_start3A_119 = arith.constant 0 : i32
        %dma_start3A_120 = tpu.memref_slice %arg9[%dma_start3A_118, %dma_start3A_119] : memref<10240x64xf32, #tpu.memory_space<vmem_shared>> -> memref<10240x64xf32, #tpu.memory_space<vmem_shared>>
        tpu.enqueue_indirect_dma source(%arg10 : memref<128x64xf32, #tpu.memory_space<vmem>>) target(%dma_start3A_120 : memref<10240x64xf32, #tpu.memory_space<vmem_shared>>) offsets(%dma_start3A_117 : memref<128xi32, #tpu.memory_space<vmem>>) semaphore(%run_scoped3A : memref<!tpu.dma_semaphore, #tpu.memory_space<semaphore_mem>>) {add = true}
        %dma_wait3A_121 = arith.constant 0 : i32
        %dma_wait3A_122 = tpu.memref_slice %arg6[%add3A_59, %dma_wait3A_121] : memref<160x128xi32, #tpu.memory_space<vmem>> -> memref<1x128xi32, #tpu.memory_space<vmem>>
        %dma_wait3A_123 = tpu.memref_squeeze %dma_wait3A_122 : memref<1x128xi32, #tpu.memory_space<vmem>> -> memref<128xi32, #tpu.memory_space<vmem>>
        %dma_wait3A_124 = arith.constant 0 : i32
        %dma_wait3A_125 = arith.constant 0 : i32
        %dma_wait3A_126 = tpu.memref_slice %arg9[%dma_wait3A_124, %dma_wait3A_125] : memref<10240x64xf32, #tpu.memory_space<vmem_shared>> -> memref<10240x64xf32, #tpu.memory_space<vmem_shared>>
        tpu.wait_indirect_dma semaphore(%run_scoped3A : memref<!tpu.dma_semaphore, #tpu.memory_space<semaphore_mem>>) src(%arg10 : memref<128x64xf32, #tpu.memory_space<vmem>>) dst(%dma_wait3A_126 : memref<10240x64xf32, #tpu.memory_space<vmem_shared>>)
        tpu.yield
      }) : () -> ()
      %add3A_65 = arith.constant 4 : i32
      %add3A_66 = arith.addi %add3A_59, %add3A_65 : i32
      %lt3A = arith.constant 160 : i32
      %lt3A_67 = arith.cmpi slt, %add3A_66, %lt3A : i32
      %convert_element_type3A = arith.extui %lt3A_67 : i1 to i32
      %cond3A = arith.constant 0 : i32
      %cond3A_68 = arith.cmpi ne, %convert_element_type3A, %cond3A : i32
      scf.if %cond3A_68 {
        %add3A_115 = arith.constant 4 : i32
        %add3A_116 = arith.addi %add3A_59, %add3A_115 : i32
        %dma_start3A_117 = arith.constant 0 : i32
        %dma_start3A_118 = tpu.memref_slice %arg7[%add3A_116, %dma_start3A_117] : memref<160x128xi32, #tpu.memory_space<vmem>> -> memref<1x128xi32, #tpu.memory_space<vmem>>
        %dma_start3A_119 = tpu.memref_squeeze %dma_start3A_118 : memref<1x128xi32, #tpu.memory_space<vmem>> -> memref<128xi32, #tpu.memory_space<vmem>>
        %dma_start3A_120 = arith.constant 0 : i32
        %dma_start3A_121 = arith.constant 0 : i32
        %dma_start3A_122 = tpu.memref_slice %arg2[%dma_start3A_120, %dma_start3A_121] : memref<20480x64xf32, #tpu.memory_space<hbm>> -> memref<20480x64xf32, #tpu.memory_space<hbm>>
        tpu.enqueue_indirect_dma source(%dma_start3A_122 : memref<20480x64xf32, #tpu.memory_space<hbm>>) target(%arg10 : memref<128x64xf32, #tpu.memory_space<vmem>>) offsets(%dma_start3A_119 : memref<128xi32, #tpu.memory_space<vmem>>) semaphore(%arg14 : memref<!tpu.dma_semaphore, #tpu.memory_space<semaphore_mem>>)
      } else {
      }
      %add3A_69 = arith.constant 1 : i32
      %add3A_70 = arith.addi %mul3A_57, %add3A_69 : i32
      %dma_wait3A_71 = arith.constant 0 : i32
      %dma_wait3A_72 = tpu.memref_slice %arg7[%add3A_70, %dma_wait3A_71] : memref<160x128xi32, #tpu.memory_space<vmem>> -> memref<1x128xi32, #tpu.memory_space<vmem>>
      %dma_wait3A_73 = tpu.memref_squeeze %dma_wait3A_72 : memref<1x128xi32, #tpu.memory_space<vmem>> -> memref<128xi32, #tpu.memory_space<vmem>>
      %dma_wait3A_74 = arith.constant 0 : i32
      %dma_wait3A_75 = arith.constant 0 : i32
      %dma_wait3A_76 = tpu.memref_slice %arg2[%dma_wait3A_74, %dma_wait3A_75] : memref<20480x64xf32, #tpu.memory_space<hbm>> -> memref<20480x64xf32, #tpu.memory_space<hbm>>
      tpu.wait_indirect_dma semaphore(%arg15 : memref<!tpu.dma_semaphore, #tpu.memory_space<semaphore_mem>>) src(%dma_wait3A_76 : memref<20480x64xf32, #tpu.memory_space<hbm>>) dst(%arg11 : memref<128x64xf32, #tpu.memory_space<vmem>>)
      "tpu.region"() ({
        %run_scoped3A = tpu.sem_alloc : memref<!tpu.dma_semaphore, #tpu.memory_space<semaphore_mem>>
        %dma_start3A_115 = arith.constant 0 : i32
        %dma_start3A_116 = tpu.memref_slice %arg6[%add3A_70, %dma_start3A_115] : memref<160x128xi32, #tpu.memory_space<vmem>> -> memref<1x128xi32, #tpu.memory_space<vmem>>
        %dma_start3A_117 = tpu.memref_squeeze %dma_start3A_116 : memref<1x128xi32, #tpu.memory_space<vmem>> -> memref<128xi32, #tpu.memory_space<vmem>>
        %dma_start3A_118 = arith.constant 0 : i32
        %dma_start3A_119 = arith.constant 0 : i32
        %dma_start3A_120 = tpu.memref_slice %arg9[%dma_start3A_118, %dma_start3A_119] : memref<10240x64xf32, #tpu.memory_space<vmem_shared>> -> memref<10240x64xf32, #tpu.memory_space<vmem_shared>>
        tpu.enqueue_indirect_dma source(%arg11 : memref<128x64xf32, #tpu.memory_space<vmem>>) target(%dma_start3A_120 : memref<10240x64xf32, #tpu.memory_space<vmem_shared>>) offsets(%dma_start3A_117 : memref<128xi32, #tpu.memory_space<vmem>>) semaphore(%run_scoped3A : memref<!tpu.dma_semaphore, #tpu.memory_space<semaphore_mem>>) {add = true}
        %dma_wait3A_121 = arith.constant 0 : i32
        %dma_wait3A_122 = tpu.memref_slice %arg6[%add3A_70, %dma_wait3A_121] : memref<160x128xi32, #tpu.memory_space<vmem>> -> memref<1x128xi32, #tpu.memory_space<vmem>>
        %dma_wait3A_123 = tpu.memref_squeeze %dma_wait3A_122 : memref<1x128xi32, #tpu.memory_space<vmem>> -> memref<128xi32, #tpu.memory_space<vmem>>
        %dma_wait3A_124 = arith.constant 0 : i32
        %dma_wait3A_125 = arith.constant 0 : i32
        %dma_wait3A_126 = tpu.memref_slice %arg9[%dma_wait3A_124, %dma_wait3A_125] : memref<10240x64xf32, #tpu.memory_space<vmem_shared>> -> memref<10240x64xf32, #tpu.memory_space<vmem_shared>>
        tpu.wait_indirect_dma semaphore(%run_scoped3A : memref<!tpu.dma_semaphore, #tpu.memory_space<semaphore_mem>>) src(%arg11 : memref<128x64xf32, #tpu.memory_space<vmem>>) dst(%dma_wait3A_126 : memref<10240x64xf32, #tpu.memory_space<vmem_shared>>)
        tpu.yield
      }) : () -> ()
      %add3A_77 = arith.constant 4 : i32
      %add3A_78 = arith.addi %add3A_70, %add3A_77 : i32
      %lt3A_79 = arith.constant 160 : i32
      %lt3A_80 = arith.cmpi slt, %add3A_78, %lt3A_79 : i32
      %convert_element_type3A_81 = arith.extui %lt3A_80 : i1 to i32
      %cond3A_82 = arith.constant 0 : i32
      %cond3A_83 = arith.cmpi ne, %convert_element_type3A_81, %cond3A_82 : i32
      scf.if %cond3A_83 {
        %add3A_115 = arith.constant 4 : i32
        %add3A_116 = arith.addi %add3A_70, %add3A_115 : i32
        %dma_start3A_117 = arith.constant 0 : i32
        %dma_start3A_118 = tpu.memref_slice %arg7[%add3A_116, %dma_start3A_117] : memref<160x128xi32, #tpu.memory_space<vmem>> -> memref<1x128xi32, #tpu.memory_space<vmem>>
        %dma_start3A_119 = tpu.memref_squeeze %dma_start3A_118 : memref<1x128xi32, #tpu.memory_space<vmem>> -> memref<128xi32, #tpu.memory_space<vmem>>
        %dma_start3A_120 = arith.constant 0 : i32
        %dma_start3A_121 = arith.constant 0 : i32
        %dma_start3A_122 = tpu.memref_slice %arg2[%dma_start3A_120, %dma_start3A_121] : memref<20480x64xf32, #tpu.memory_space<hbm>> -> memref<20480x64xf32, #tpu.memory_space<hbm>>
        tpu.enqueue_indirect_dma source(%dma_start3A_122 : memref<20480x64xf32, #tpu.memory_space<hbm>>) target(%arg11 : memref<128x64xf32, #tpu.memory_space<vmem>>) offsets(%dma_start3A_119 : memref<128xi32, #tpu.memory_space<vmem>>) semaphore(%arg15 : memref<!tpu.dma_semaphore, #tpu.memory_space<semaphore_mem>>)
      } else {
      }
      %add3A_84 = arith.constant 2 : i32
      %add3A_85 = arith.addi %mul3A_57, %add3A_84 : i32
      %dma_wait3A_86 = arith.constant 0 : i32
      %dma_wait3A_87 = tpu.memref_slice %arg7[%add3A_85, %dma_wait3A_86] : memref<160x128xi32, #tpu.memory_space<vmem>> -> memref<1x128xi32, #tpu.memory_space<vmem>>
      %dma_wait3A_88 = tpu.memref_squeeze %dma_wait3A_87 : memref<1x128xi32, #tpu.memory_space<vmem>> -> memref<128xi32, #tpu.memory_space<vmem>>
      %dma_wait3A_89 = arith.constant 0 : i32
      %dma_wait3A_90 = arith.constant 0 : i32
      %dma_wait3A_91 = tpu.memref_slice %arg2[%dma_wait3A_89, %dma_wait3A_90] : memref<20480x64xf32, #tpu.memory_space<hbm>> -> memref<20480x64xf32, #tpu.memory_space<hbm>>
      tpu.wait_indirect_dma semaphore(%arg16 : memref<!tpu.dma_semaphore, #tpu.memory_space<semaphore_mem>>) src(%dma_wait3A_91 : memref<20480x64xf32, #tpu.memory_space<hbm>>) dst(%arg12 : memref<128x64xf32, #tpu.memory_space<vmem>>)
      "tpu.region"() ({
        %run_scoped3A = tpu.sem_alloc : memref<!tpu.dma_semaphore, #tpu.memory_space<semaphore_mem>>
        %dma_start3A_115 = arith.constant 0 : i32
        %dma_start3A_116 = tpu.memref_slice %arg6[%add3A_85, %dma_start3A_115] : memref<160x128xi32, #tpu.memory_space<vmem>> -> memref<1x128xi32, #tpu.memory_space<vmem>>
        %dma_start3A_117 = tpu.memref_squeeze %dma_start3A_116 : memref<1x128xi32, #tpu.memory_space<vmem>> -> memref<128xi32, #tpu.memory_space<vmem>>
        %dma_start3A_118 = arith.constant 0 : i32
        %dma_start3A_119 = arith.constant 0 : i32
        %dma_start3A_120 = tpu.memref_slice %arg9[%dma_start3A_118, %dma_start3A_119] : memref<10240x64xf32, #tpu.memory_space<vmem_shared>> -> memref<10240x64xf32, #tpu.memory_space<vmem_shared>>
        tpu.enqueue_indirect_dma source(%arg12 : memref<128x64xf32, #tpu.memory_space<vmem>>) target(%dma_start3A_120 : memref<10240x64xf32, #tpu.memory_space<vmem_shared>>) offsets(%dma_start3A_117 : memref<128xi32, #tpu.memory_space<vmem>>) semaphore(%run_scoped3A : memref<!tpu.dma_semaphore, #tpu.memory_space<semaphore_mem>>) {add = true}
        %dma_wait3A_121 = arith.constant 0 : i32
        %dma_wait3A_122 = tpu.memref_slice %arg6[%add3A_85, %dma_wait3A_121] : memref<160x128xi32, #tpu.memory_space<vmem>> -> memref<1x128xi32, #tpu.memory_space<vmem>>
        %dma_wait3A_123 = tpu.memref_squeeze %dma_wait3A_122 : memref<1x128xi32, #tpu.memory_space<vmem>> -> memref<128xi32, #tpu.memory_space<vmem>>
        %dma_wait3A_124 = arith.constant 0 : i32
        %dma_wait3A_125 = arith.constant 0 : i32
        %dma_wait3A_126 = tpu.memref_slice %arg9[%dma_wait3A_124, %dma_wait3A_125] : memref<10240x64xf32, #tpu.memory_space<vmem_shared>> -> memref<10240x64xf32, #tpu.memory_space<vmem_shared>>
        tpu.wait_indirect_dma semaphore(%run_scoped3A : memref<!tpu.dma_semaphore, #tpu.memory_space<semaphore_mem>>) src(%arg12 : memref<128x64xf32, #tpu.memory_space<vmem>>) dst(%dma_wait3A_126 : memref<10240x64xf32, #tpu.memory_space<vmem_shared>>)
        tpu.yield
      }) : () -> ()
      %add3A_92 = arith.constant 4 : i32
      %add3A_93 = arith.addi %add3A_85, %add3A_92 : i32
      %lt3A_94 = arith.constant 160 : i32
      %lt3A_95 = arith.cmpi slt, %add3A_93, %lt3A_94 : i32
      %convert_element_type3A_96 = arith.extui %lt3A_95 : i1 to i32
      %cond3A_97 = arith.constant 0 : i32
      %cond3A_98 = arith.cmpi ne, %convert_element_type3A_96, %cond3A_97 : i32
      scf.if %cond3A_98 {
        %add3A_115 = arith.constant 4 : i32
        %add3A_116 = arith.addi %add3A_85, %add3A_115 : i32
        %dma_start3A_117 = arith.constant 0 : i32
        %dma_start3A_118 = tpu.memref_slice %arg7[%add3A_116, %dma_start3A_117] : memref<160x128xi32, #tpu.memory_space<vmem>> -> memref<1x128xi32, #tpu.memory_space<vmem>>
        %dma_start3A_119 = tpu.memref_squeeze %dma_start3A_118 : memref<1x128xi32, #tpu.memory_space<vmem>> -> memref<128xi32, #tpu.memory_space<vmem>>
        %dma_start3A_120 = arith.constant 0 : i32
        %dma_start3A_121 = arith.constant 0 : i32
        %dma_start3A_122 = tpu.memref_slice %arg2[%dma_start3A_120, %dma_start3A_121] : memref<20480x64xf32, #tpu.memory_space<hbm>> -> memref<20480x64xf32, #tpu.memory_space<hbm>>
        tpu.enqueue_indirect_dma source(%dma_start3A_122 : memref<20480x64xf32, #tpu.memory_space<hbm>>) target(%arg12 : memref<128x64xf32, #tpu.memory_space<vmem>>) offsets(%dma_start3A_119 : memref<128xi32, #tpu.memory_space<vmem>>) semaphore(%arg16 : memref<!tpu.dma_semaphore, #tpu.memory_space<semaphore_mem>>)
      } else {
      }
      %add3A_99 = arith.constant 3 : i32
      %add3A_100 = arith.addi %mul3A_57, %add3A_99 : i32
      %dma_wait3A_101 = arith.constant 0 : i32
      %dma_wait3A_102 = tpu.memref_slice %arg7[%add3A_100, %dma_wait3A_101] : memref<160x128xi32, #tpu.memory_space<vmem>> -> memref<1x128xi32, #tpu.memory_space<vmem>>
      %dma_wait3A_103 = tpu.memref_squeeze %dma_wait3A_102 : memref<1x128xi32, #tpu.memory_space<vmem>> -> memref<128xi32, #tpu.memory_space<vmem>>
      %dma_wait3A_104 = arith.constant 0 : i32
      %dma_wait3A_105 = arith.constant 0 : i32
      %dma_wait3A_106 = tpu.memref_slice %arg2[%dma_wait3A_104, %dma_wait3A_105] : memref<20480x64xf32, #tpu.memory_space<hbm>> -> memref<20480x64xf32, #tpu.memory_space<hbm>>
      tpu.wait_indirect_dma semaphore(%arg17 : memref<!tpu.dma_semaphore, #tpu.memory_space<semaphore_mem>>) src(%dma_wait3A_106 : memref<20480x64xf32, #tpu.memory_space<hbm>>) dst(%arg13 : memref<128x64xf32, #tpu.memory_space<vmem>>)
      "tpu.region"() ({
        %run_scoped3A = tpu.sem_alloc : memref<!tpu.dma_semaphore, #tpu.memory_space<semaphore_mem>>
        %dma_start3A_115 = arith.constant 0 : i32
        %dma_start3A_116 = tpu.memref_slice %arg6[%add3A_100, %dma_start3A_115] : memref<160x128xi32, #tpu.memory_space<vmem>> -> memref<1x128xi32, #tpu.memory_space<vmem>>
        %dma_start3A_117 = tpu.memref_squeeze %dma_start3A_116 : memref<1x128xi32, #tpu.memory_space<vmem>> -> memref<128xi32, #tpu.memory_space<vmem>>
        %dma_start3A_118 = arith.constant 0 : i32
        %dma_start3A_119 = arith.constant 0 : i32
        %dma_start3A_120 = tpu.memref_slice %arg9[%dma_start3A_118, %dma_start3A_119] : memref<10240x64xf32, #tpu.memory_space<vmem_shared>> -> memref<10240x64xf32, #tpu.memory_space<vmem_shared>>
        tpu.enqueue_indirect_dma source(%arg13 : memref<128x64xf32, #tpu.memory_space<vmem>>) target(%dma_start3A_120 : memref<10240x64xf32, #tpu.memory_space<vmem_shared>>) offsets(%dma_start3A_117 : memref<128xi32, #tpu.memory_space<vmem>>) semaphore(%run_scoped3A : memref<!tpu.dma_semaphore, #tpu.memory_space<semaphore_mem>>) {add = true}
        %dma_wait3A_121 = arith.constant 0 : i32
        %dma_wait3A_122 = tpu.memref_slice %arg6[%add3A_100, %dma_wait3A_121] : memref<160x128xi32, #tpu.memory_space<vmem>> -> memref<1x128xi32, #tpu.memory_space<vmem>>
        %dma_wait3A_123 = tpu.memref_squeeze %dma_wait3A_122 : memref<1x128xi32, #tpu.memory_space<vmem>> -> memref<128xi32, #tpu.memory_space<vmem>>
        %dma_wait3A_124 = arith.constant 0 : i32
        %dma_wait3A_125 = arith.constant 0 : i32
        %dma_wait3A_126 = tpu.memref_slice %arg9[%dma_wait3A_124, %dma_wait3A_125] : memref<10240x64xf32, #tpu.memory_space<vmem_shared>> -> memref<10240x64xf32, #tpu.memory_space<vmem_shared>>
        tpu.wait_indirect_dma semaphore(%run_scoped3A : memref<!tpu.dma_semaphore, #tpu.memory_space<semaphore_mem>>) src(%arg13 : memref<128x64xf32, #tpu.memory_space<vmem>>) dst(%dma_wait3A_126 : memref<10240x64xf32, #tpu.memory_space<vmem_shared>>)
        tpu.yield
      }) : () -> ()
      %add3A_107 = arith.constant 4 : i32
      %add3A_108 = arith.addi %add3A_100, %add3A_107 : i32
      %lt3A_109 = arith.constant 160 : i32
      %lt3A_110 = arith.cmpi slt, %add3A_108, %lt3A_109 : i32
      %convert_element_type3A_111 = arith.extui %lt3A_110 : i1 to i32
      %cond3A_112 = arith.constant 0 : i32
      %cond3A_113 = arith.cmpi ne, %convert_element_type3A_111, %cond3A_112 : i32
      scf.if %cond3A_113 {
        %add3A_115 = arith.constant 4 : i32
        %add3A_116 = arith.addi %add3A_100, %add3A_115 : i32
        %dma_start3A_117 = arith.constant 0 : i32
        %dma_start3A_118 = tpu.memref_slice %arg7[%add3A_116, %dma_start3A_117] : memref<160x128xi32, #tpu.memory_space<vmem>> -> memref<1x128xi32, #tpu.memory_space<vmem>>
        %dma_start3A_119 = tpu.memref_squeeze %dma_start3A_118 : memref<1x128xi32, #tpu.memory_space<vmem>> -> memref<128xi32, #tpu.memory_space<vmem>>
        %dma_start3A_120 = arith.constant 0 : i32
        %dma_start3A_121 = arith.constant 0 : i32
        %dma_start3A_122 = tpu.memref_slice %arg2[%dma_start3A_120, %dma_start3A_121] : memref<20480x64xf32, #tpu.memory_space<hbm>> -> memref<20480x64xf32, #tpu.memory_space<hbm>>
        tpu.enqueue_indirect_dma source(%dma_start3A_122 : memref<20480x64xf32, #tpu.memory_space<hbm>>) target(%arg13 : memref<128x64xf32, #tpu.memory_space<vmem>>) offsets(%dma_start3A_119 : memref<128xi32, #tpu.memory_space<vmem>>) semaphore(%arg17 : memref<!tpu.dma_semaphore, #tpu.memory_space<semaphore_mem>>)
      } else {
      }
      %scan3A_114 = arith.constant 0 : i32
      scf.yield %scan3A_114 : i32
    }
    %scan3A_47 = arith.constant 40 : i32
    %barrier3A_48 = arith.constant 0 : index
    tpu.barrier barrier_id(%barrier3A_48)
    %mul3A = arith.constant 640 : i32
    %mul3A_49 = arith.muli %arg1, %mul3A : i32
    %mul3A_50 = arith.constant 10240 : i32
    %mul3A_51 = arith.muli %arg0, %mul3A_50 : i32
    %mul3A_52 = arith.constant 640 : i32
    %mul3A_53 = arith.muli %arg1, %mul3A_52 : i32
    %add3A = arith.addi %mul3A_51, %mul3A_53 : i32
    "tpu.region"() ({
      %run_scoped3A = tpu.sem_alloc : memref<!tpu.dma_semaphore, #tpu.memory_space<semaphore_mem>>
      %dma_start3A_54 = arith.constant 0 : i32
      %dma_start3A_55 = tpu.memref_slice %arg5[%add3A, %dma_start3A_54] : memref<20480x64xf32, #tpu.memory_space<hbm>> -> memref<640x64xf32, #tpu.memory_space<hbm>>
      %dma_start3A_56 = arith.constant 0 : i32
      %dma_start3A_57 = tpu.memref_slice %arg9[%mul3A_49, %dma_start3A_56] : memref<10240x64xf32, #tpu.memory_space<vmem_shared>> -> memref<640x64xf32, #tpu.memory_space<vmem_shared>>
      tpu.enqueue_dma source(%dma_start3A_57 : memref<640x64xf32, #tpu.memory_space<vmem_shared>>) target(%dma_start3A_55 : memref<640x64xf32, #tpu.memory_space<hbm>>) target_semaphore(%run_scoped3A : memref<!tpu.dma_semaphore, #tpu.memory_space<semaphore_mem>>)
      %dma_wait3A = arith.constant 0 : i32
      %dma_wait3A_58 = tpu.memref_slice %arg5[%add3A, %dma_wait3A] : memref<20480x64xf32, #tpu.memory_space<hbm>> -> memref<640x64xf32, #tpu.memory_space<hbm>>
      %dma_wait3A_59 = arith.constant 0 : i32
      %dma_wait3A_60 = tpu.memref_slice %arg9[%mul3A_49, %dma_wait3A_59] : memref<10240x64xf32, #tpu.memory_space<vmem_shared>> -> memref<640x64xf32, #tpu.memory_space<vmem_shared>>
      tpu.wait_dma2 semaphore(%run_scoped3A : memref<!tpu.dma_semaphore, #tpu.memory_space<semaphore_mem>>) src(%dma_wait3A_60 : memref<640x64xf32, #tpu.memory_space<vmem_shared>>) dst(%dma_wait3A_58 : memref<640x64xf32, #tpu.memory_space<hbm>>)
      tpu.yield
    }) : () -> ()
    return
  }
}

#map = affine_map<(d0, d1) -> (0, 0)>
#map1 = affine_map<(d0, d1) -> (0, 0, 0, 0)>
#map2 = affine_map<(d0, d1) -> (0, 0, 0)>
module attributes {stable_mosaic.version = 14 : i64} {
  func.func @_agg_body(%arg0: i32, %arg1: i32, %arg2: memref<20480x64xf32, #tpu.memory_space<hbm>>, %arg3: memref<2x16x160x128xi32, #tpu.memory_space<hbm>>, %arg4: memref<16x160x128xi32, #tpu.memory_space<hbm>>, %arg5: memref<20480x64xf32, #tpu.memory_space<hbm>>, %arg6: memref<160x128xi32, #tpu.memory_space<vmem>>, %arg7: memref<160x128xi32, #tpu.memory_space<vmem>>, %arg8: memref<128x64xf32, #tpu.memory_space<vmem>>, %arg9: memref<10240x64xf32, #tpu.memory_space<vmem_shared>>, %arg10: memref<128x64xf32, #tpu.memory_space<vmem>>, %arg11: memref<128x64xf32, #tpu.memory_space<vmem>>, %arg12: memref<128x64xf32, #tpu.memory_space<vmem>>, %arg13: memref<128x64xf32, #tpu.memory_space<vmem>>, %arg14: memref<!tpu.dma_semaphore, #tpu.memory_space<semaphore_mem>>, %arg15: memref<!tpu.dma_semaphore, #tpu.memory_space<semaphore_mem>>, %arg16: memref<!tpu.dma_semaphore, #tpu.memory_space<semaphore_mem>>, %arg17: memref<!tpu.dma_semaphore, #tpu.memory_space<semaphore_mem>>) attributes {dimension_semantics = [#tpu.dimension_semantics<core_parallel>, #tpu.dimension_semantics<subcore_parallel>], iteration_bounds = array<i64: 2, 16>, scalar_prefetch = 0 : i64, scratch_operands = 12 : i64, tpu.core_type = #tpu.core_type<sc_vector_subcore>, window_params = [{transform_indices = #map}, {transform_indices = #map1}, {transform_indices = #map2}, {transform_indices = #map}]} {
    "tpu.region"() ({
      %run_scoped3A = tpu.sem_alloc : memref<!tpu.dma_semaphore, #tpu.memory_space<semaphore_mem>>
      %dma_start3A_54 = arith.constant 0 : i32
      %dma_start3A_55 = arith.constant 0 : i32
      %dma_start3A_56 = tpu.memref_slice %arg3[%arg0, %arg1, %dma_start3A_54, %dma_start3A_55] : memref<2x16x160x128xi32, #tpu.memory_space<hbm>> -> memref<1x1x160x128xi32, #tpu.memory_space<hbm>>
      %dma_start3A_57 = tpu.memref_squeeze %dma_start3A_56 : memref<1x1x160x128xi32, #tpu.memory_space<hbm>> -> memref<160x128xi32, #tpu.memory_space<hbm>>
      %dma_start3A_58 = arith.constant 0 : i32
      %dma_start3A_59 = arith.constant 0 : i32
      %dma_start3A_60 = tpu.memref_slice %arg3[%arg0, %arg1, %dma_start3A_58, %dma_start3A_59] : memref<2x16x160x128xi32, #tpu.memory_space<hbm>> -> memref<1x1x160x128xi32, #tpu.memory_space<hbm>>
      %dma_start3A_61 = tpu.memref_squeeze %dma_start3A_60 : memref<1x1x160x128xi32, #tpu.memory_space<hbm>> -> memref<160x128xi32, #tpu.memory_space<hbm>>
      tpu.enqueue_dma source(%dma_start3A_61 : memref<160x128xi32, #tpu.memory_space<hbm>>) target(%arg7 : memref<160x128xi32, #tpu.memory_space<vmem>>) target_semaphore(%run_scoped3A : memref<!tpu.dma_semaphore, #tpu.memory_space<semaphore_mem>>)
      %dma_wait3A = arith.constant 0 : i32
      %dma_wait3A_62 = arith.constant 0 : i32
      %dma_wait3A_63 = tpu.memref_slice %arg3[%arg0, %arg1, %dma_wait3A, %dma_wait3A_62] : memref<2x16x160x128xi32, #tpu.memory_space<hbm>> -> memref<1x1x160x128xi32, #tpu.memory_space<hbm>>
      %dma_wait3A_64 = tpu.memref_squeeze %dma_wait3A_63 : memref<1x1x160x128xi32, #tpu.memory_space<hbm>> -> memref<160x128xi32, #tpu.memory_space<hbm>>
      %dma_wait3A_65 = arith.constant 0 : i32
      %dma_wait3A_66 = arith.constant 0 : i32
      %dma_wait3A_67 = tpu.memref_slice %arg3[%arg0, %arg1, %dma_wait3A_65, %dma_wait3A_66] : memref<2x16x160x128xi32, #tpu.memory_space<hbm>> -> memref<1x1x160x128xi32, #tpu.memory_space<hbm>>
      %dma_wait3A_68 = tpu.memref_squeeze %dma_wait3A_67 : memref<1x1x160x128xi32, #tpu.memory_space<hbm>> -> memref<160x128xi32, #tpu.memory_space<hbm>>
      tpu.wait_dma2 semaphore(%run_scoped3A : memref<!tpu.dma_semaphore, #tpu.memory_space<semaphore_mem>>) src(%dma_wait3A_68 : memref<160x128xi32, #tpu.memory_space<hbm>>) dst(%arg7 : memref<160x128xi32, #tpu.memory_space<vmem>>)
      tpu.yield
    }) : () -> ()
    "tpu.region"() ({
      %run_scoped3A = tpu.sem_alloc : memref<!tpu.dma_semaphore, #tpu.memory_space<semaphore_mem>>
      %dma_start3A_54 = arith.constant 0 : i32
      %dma_start3A_55 = arith.constant 0 : i32
      %dma_start3A_56 = tpu.memref_slice %arg4[%arg1, %dma_start3A_54, %dma_start3A_55] : memref<16x160x128xi32, #tpu.memory_space<hbm>> -> memref<1x160x128xi32, #tpu.memory_space<hbm>>
      %dma_start3A_57 = tpu.memref_squeeze %dma_start3A_56 : memref<1x160x128xi32, #tpu.memory_space<hbm>> -> memref<160x128xi32, #tpu.memory_space<hbm>>
      %dma_start3A_58 = arith.constant 0 : i32
      %dma_start3A_59 = arith.constant 0 : i32
      %dma_start3A_60 = tpu.memref_slice %arg4[%arg1, %dma_start3A_58, %dma_start3A_59] : memref<16x160x128xi32, #tpu.memory_space<hbm>> -> memref<1x160x128xi32, #tpu.memory_space<hbm>>
      %dma_start3A_61 = tpu.memref_squeeze %dma_start3A_60 : memref<1x160x128xi32, #tpu.memory_space<hbm>> -> memref<160x128xi32, #tpu.memory_space<hbm>>
      tpu.enqueue_dma source(%dma_start3A_61 : memref<160x128xi32, #tpu.memory_space<hbm>>) target(%arg6 : memref<160x128xi32, #tpu.memory_space<vmem>>) target_semaphore(%run_scoped3A : memref<!tpu.dma_semaphore, #tpu.memory_space<semaphore_mem>>)
      %dma_wait3A = arith.constant 0 : i32
      %dma_wait3A_62 = arith.constant 0 : i32
      %dma_wait3A_63 = tpu.memref_slice %arg4[%arg1, %dma_wait3A, %dma_wait3A_62] : memref<16x160x128xi32, #tpu.memory_space<hbm>> -> memref<1x160x128xi32, #tpu.memory_space<hbm>>
      %dma_wait3A_64 = tpu.memref_squeeze %dma_wait3A_63 : memref<1x160x128xi32, #tpu.memory_space<hbm>> -> memref<160x128xi32, #tpu.memory_space<hbm>>
      %dma_wait3A_65 = arith.constant 0 : i32
      %dma_wait3A_66 = arith.constant 0 : i32
      %dma_wait3A_67 = tpu.memref_slice %arg4[%arg1, %dma_wait3A_65, %dma_wait3A_66] : memref<16x160x128xi32, #tpu.memory_space<hbm>> -> memref<1x160x128xi32, #tpu.memory_space<hbm>>
      %dma_wait3A_68 = tpu.memref_squeeze %dma_wait3A_67 : memref<1x160x128xi32, #tpu.memory_space<hbm>> -> memref<160x128xi32, #tpu.memory_space<hbm>>
      tpu.wait_dma2 semaphore(%run_scoped3A : memref<!tpu.dma_semaphore, #tpu.memory_space<semaphore_mem>>) src(%dma_wait3A_68 : memref<160x128xi32, #tpu.memory_space<hbm>>) dst(%arg6 : memref<160x128xi32, #tpu.memory_space<vmem>>)
      tpu.yield
    }) : () -> ()
    %broadcast_in_dim3A = arith.constant 0.000000e+00 : f32
    %broadcast_in_dim3A_0 = vector.broadcast %broadcast_in_dim3A : f32 to vector<16xf32>
    %scan3A = arith.constant 0 : i32
    %scan3A_1 = arith.constant 0 : i32
    %scan3A_2 = arith.constant 128 : i32
    %scan3A_3 = arith.addi %scan3A_1, %scan3A_2 : i32
    %scan3A_4 = arith.constant 1 : i32
    %scan3A_5 = scf.for %scan3A_54 = %scan3A_1 to %scan3A_3 step %scan3A_4 iter_args(%scan3A_55 = %scan3A) -> (i32)  : i32 {
      %scan3A_56 = arith.constant 0 : i32
      %scan3A_57 = arith.constant 0 : i32
      %scan3A_58 = arith.constant 4 : i32
      %scan3A_59 = arith.addi %scan3A_57, %scan3A_58 : i32
      %scan3A_60 = arith.constant 1 : i32
      %scan3A_61 = scf.for %scan3A_64 = %scan3A_57 to %scan3A_59 step %scan3A_60 iter_args(%scan3A_65 = %scan3A_56) -> (i32)  : i32 {
        %mul3A_66 = arith.constant 16 : i32
        %mul3A_67 = arith.muli %scan3A_64, %mul3A_66 : i32
        %swap3A = arith.index_cast %scan3A_54 : i32 to index
        %swap3A_68 = arith.index_cast %mul3A_67 : i32 to index
        %swap3A_69 = tpu.vector_load %arg8[%swap3A, %swap3A_68] {strides = array<i32>} : memref<128x64xf32, #tpu.memory_space<vmem>>, vector<16xf32>,
        tpu.vector_store %arg8[%swap3A, %swap3A_68], %broadcast_in_dim3A_0 {strides = array<i32>} : memref<128x64xf32, #tpu.memory_space<vmem>>, vector<16xf32>,
        %scan3A_70 = arith.constant 0 : i32
        scf.yield %scan3A_70 : i32
      }
      %scan3A_62 = arith.constant 4 : i32
      %scan3A_63 = arith.constant 0 : i32
      scf.yield %scan3A_63 : i32
    }
    %scan3A_6 = arith.constant 128 : i32
    %scan3A_7 = arith.constant 0 : i32
    %scan3A_8 = arith.constant 0 : i32
    %scan3A_9 = arith.constant 5 : i32
    %scan3A_10 = arith.addi %scan3A_8, %scan3A_9 : i32
    %scan3A_11 = arith.constant 1 : i32
    %scan3A_12 = scf.for %scan3A_54 = %scan3A_8 to %scan3A_10 step %scan3A_11 iter_args(%scan3A_55 = %scan3A_7) -> (i32)  : i32 {
      %mul3A_56 = arith.constant 640 : i32
      %mul3A_57 = arith.muli %arg1, %mul3A_56 : i32
      %mul3A_58 = arith.constant 128 : i32
      %mul3A_59 = arith.muli %scan3A_54, %mul3A_58 : i32
      %add3A_60 = arith.addi %mul3A_57, %mul3A_59 : i32
      "tpu.region"() ({
        %run_scoped3A = tpu.sem_alloc : memref<!tpu.dma_semaphore, #tpu.memory_space<semaphore_mem>>
        %dma_start3A_62 = arith.constant 0 : i32
        %dma_start3A_63 = tpu.memref_slice %arg9[%add3A_60, %dma_start3A_62] : memref<10240x64xf32, #tpu.memory_space<vmem_shared>> -> memref<128x64xf32, #tpu.memory_space<vmem_shared>>
        %dma_start3A_64 = arith.constant 0 : i32
        %dma_start3A_65 = tpu.memref_slice %arg9[%add3A_60, %dma_start3A_64] : memref<10240x64xf32, #tpu.memory_space<vmem_shared>> -> memref<128x64xf32, #tpu.memory_space<vmem_shared>>
        tpu.enqueue_dma source(%arg8 : memref<128x64xf32, #tpu.memory_space<vmem>>) target(%dma_start3A_65 : memref<128x64xf32, #tpu.memory_space<vmem_shared>>) target_semaphore(%run_scoped3A : memref<!tpu.dma_semaphore, #tpu.memory_space<semaphore_mem>>)
        %dma_wait3A = arith.constant 0 : i32
        %dma_wait3A_66 = tpu.memref_slice %arg9[%add3A_60, %dma_wait3A] : memref<10240x64xf32, #tpu.memory_space<vmem_shared>> -> memref<128x64xf32, #tpu.memory_space<vmem_shared>>
        %dma_wait3A_67 = arith.constant 0 : i32
        %dma_wait3A_68 = tpu.memref_slice %arg9[%add3A_60, %dma_wait3A_67] : memref<10240x64xf32, #tpu.memory_space<vmem_shared>> -> memref<128x64xf32, #tpu.memory_space<vmem_shared>>
        tpu.wait_dma2 semaphore(%run_scoped3A : memref<!tpu.dma_semaphore, #tpu.memory_space<semaphore_mem>>) src(%arg8 : memref<128x64xf32, #tpu.memory_space<vmem>>) dst(%dma_wait3A_68 : memref<128x64xf32, #tpu.memory_space<vmem_shared>>)
        tpu.yield
      }) : () -> ()
      %scan3A_61 = arith.constant 0 : i32
      scf.yield %scan3A_61 : i32
    }
    %scan3A_13 = arith.constant 5 : i32
    %barrier3A = arith.constant 0 : index
    tpu.barrier barrier_id(%barrier3A)
    %dma_start3A = arith.constant 0 : i32
    %dma_start3A_14 = arith.constant 0 : i32
    %dma_start3A_15 = tpu.memref_slice %arg7[%dma_start3A, %dma_start3A_14] : memref<160x128xi32, #tpu.memory_space<vmem>> -> memref<1x128xi32, #tpu.memory_space<vmem>>
    %dma_start3A_16 = tpu.memref_squeeze %dma_start3A_15 : memref<1x128xi32, #tpu.memory_space<vmem>> -> memref<128xi32, #tpu.memory_space<vmem>>
    %dma_start3A_17 = arith.constant 0 : i32
    %dma_start3A_18 = arith.constant 0 : i32
    %dma_start3A_19 = tpu.memref_slice %arg2[%dma_start3A_17, %dma_start3A_18] : memref<20480x64xf32, #tpu.memory_space<hbm>> -> memref<20480x64xf32, #tpu.memory_space<hbm>>
    tpu.enqueue_indirect_dma source(%dma_start3A_19 : memref<20480x64xf32, #tpu.memory_space<hbm>>) target(%arg10 : memref<128x64xf32, #tpu.memory_space<vmem>>) offsets(%dma_start3A_16 : memref<128xi32, #tpu.memory_space<vmem>>) semaphore(%arg14 : memref<!tpu.dma_semaphore, #tpu.memory_space<semaphore_mem>>)
    %dma_start3A_20 = arith.constant 1 : i32
    %dma_start3A_21 = arith.constant 0 : i32
    %dma_start3A_22 = tpu.memref_slice %arg7[%dma_start3A_20, %dma_start3A_21] : memref<160x128xi32, #tpu.memory_space<vmem>> -> memref<1x128xi32, #tpu.memory_space<vmem>>
    %dma_start3A_23 = tpu.memref_squeeze %dma_start3A_22 : memref<1x128xi32, #tpu.memory_space<vmem>> -> memref<128xi32, #tpu.memory_space<vmem>>
    %dma_start3A_24 = arith.constant 0 : i32
    %dma_start3A_25 = arith.constant 0 : i32
    %dma_start3A_26 = tpu.memref_slice %arg2[%dma_start3A_24, %dma_start3A_25] : memref<20480x64xf32, #tpu.memory_space<hbm>> -> memref<20480x64xf32, #tpu.memory_space<hbm>>
    tpu.enqueue_indirect_dma source(%dma_start3A_26 : memref<20480x64xf32, #tpu.memory_space<hbm>>) target(%arg11 : memref<128x64xf32, #tpu.memory_space<vmem>>) offsets(%dma_start3A_23 : memref<128xi32, #tpu.memory_space<vmem>>) semaphore(%arg15 : memref<!tpu.dma_semaphore, #tpu.memory_space<semaphore_mem>>)
    %dma_start3A_27 = arith.constant 2 : i32
    %dma_start3A_28 = arith.constant 0 : i32
    %dma_start3A_29 = tpu.memref_slice %arg7[%dma_start3A_27, %dma_start3A_28] : memref<160x128xi32, #tpu.memory_space<vmem>> -> memref<1x128xi32, #tpu.memory_space<vmem>>
    %dma_start3A_30 = tpu.memref_squeeze %dma_start3A_29 : memref<1x128xi32, #tpu.memory_space<vmem>> -> memref<128xi32, #tpu.memory_space<vmem>>
    %dma_start3A_31 = arith.constant 0 : i32
    %dma_start3A_32 = arith.constant 0 : i32
    %dma_start3A_33 = tpu.memref_slice %arg2[%dma_start3A_31, %dma_start3A_32] : memref<20480x64xf32, #tpu.memory_space<hbm>> -> memref<20480x64xf32, #tpu.memory_space<hbm>>
    tpu.enqueue_indirect_dma source(%dma_start3A_33 : memref<20480x64xf32, #tpu.memory_space<hbm>>) target(%arg12 : memref<128x64xf32, #tpu.memory_space<vmem>>) offsets(%dma_start3A_30 : memref<128xi32, #tpu.memory_space<vmem>>) semaphore(%arg16 : memref<!tpu.dma_semaphore, #tpu.memory_space<semaphore_mem>>)
    %dma_start3A_34 = arith.constant 3 : i32
    %dma_start3A_35 = arith.constant 0 : i32
    %dma_start3A_36 = tpu.memref_slice %arg7[%dma_start3A_34, %dma_start3A_35] : memref<160x128xi32, #tpu.memory_space<vmem>> -> memref<1x128xi32, #tpu.memory_space<vmem>>
    %dma_start3A_37 = tpu.memref_squeeze %dma_start3A_36 : memref<1x128xi32, #tpu.memory_space<vmem>> -> memref<128xi32, #tpu.memory_space<vmem>>
    %dma_start3A_38 = arith.constant 0 : i32
    %dma_start3A_39 = arith.constant 0 : i32
    %dma_start3A_40 = tpu.memref_slice %arg2[%dma_start3A_38, %dma_start3A_39] : memref<20480x64xf32, #tpu.memory_space<hbm>> -> memref<20480x64xf32, #tpu.memory_space<hbm>>
    tpu.enqueue_indirect_dma source(%dma_start3A_40 : memref<20480x64xf32, #tpu.memory_space<hbm>>) target(%arg13 : memref<128x64xf32, #tpu.memory_space<vmem>>) offsets(%dma_start3A_37 : memref<128xi32, #tpu.memory_space<vmem>>) semaphore(%arg17 : memref<!tpu.dma_semaphore, #tpu.memory_space<semaphore_mem>>)
    %scan3A_41 = arith.constant 0 : i32
    %scan3A_42 = arith.constant 0 : i32
    %scan3A_43 = arith.constant 40 : i32
    %scan3A_44 = arith.addi %scan3A_42, %scan3A_43 : i32
    %scan3A_45 = arith.constant 1 : i32
    %scan3A_46 = scf.for %scan3A_54 = %scan3A_42 to %scan3A_44 step %scan3A_45 iter_args(%scan3A_55 = %scan3A_41) -> (i32)  : i32 {
      %mul3A_56 = arith.constant 4 : i32
      %mul3A_57 = arith.muli %scan3A_54, %mul3A_56 : i32
      %add3A_58 = arith.constant 0 : i32
      %add3A_59 = arith.addi %mul3A_57, %add3A_58 : i32
      %dma_wait3A = arith.constant 0 : i32
      %dma_wait3A_60 = tpu.memref_slice %arg7[%add3A_59, %dma_wait3A] : memref<160x128xi32, #tpu.memory_space<vmem>> -> memref<1x128xi32, #tpu.memory_space<vmem>>
      %dma_wait3A_61 = tpu.memref_squeeze %dma_wait3A_60 : memref<1x128xi32, #tpu.memory_space<vmem>> -> memref<128xi32, #tpu.memory_space<vmem>>
      %dma_wait3A_62 = arith.constant 0 : i32
      %dma_wait3A_63 = arith.constant 0 : i32
      %dma_wait3A_64 = tpu.memref_slice %arg2[%dma_wait3A_62, %dma_wait3A_63] : memref<20480x64xf32, #tpu.memory_space<hbm>> -> memref<20480x64xf32, #tpu.memory_space<hbm>>
      tpu.wait_indirect_dma semaphore(%arg14 : memref<!tpu.dma_semaphore, #tpu.memory_space<semaphore_mem>>) src(%dma_wait3A_64 : memref<20480x64xf32, #tpu.memory_space<hbm>>) dst(%arg10 : memref<128x64xf32, #tpu.memory_space<vmem>>)
      "tpu.region"() ({
        %run_scoped3A = tpu.sem_alloc : memref<!tpu.dma_semaphore, #tpu.memory_space<semaphore_mem>>
        %dma_start3A_115 = arith.constant 0 : i32
        %dma_start3A_116 = tpu.memref_slice %arg6[%add3A_59, %dma_start3A_115] : memref<160x128xi32, #tpu.memory_space<vmem>> -> memref<1x128xi32, #tpu.memory_space<vmem>>
        %dma_start3A_117 = tpu.memref_squeeze %dma_start3A_116 : memref<1x128xi32, #tpu.memory_space<vmem>> -> memref<128xi32, #tpu.memory_space<vmem>>
        %dma_start3A_118 = arith.constant 0 : i32
        %dma_start3A_119 = arith.constant 0 : i32
        %dma_start3A_120 = tpu.memref_slice %arg9[%dma_start3A_118, %dma_start3A_119] : memref<10240x64xf32, #tpu.memory_space<vmem_shared>> -> memref<10240x64xf32, #tpu.memory_space<vmem_shared>>
        tpu.enqueue_indirect_dma source(%arg10 : memref<128x64xf32, #tpu.memory_space<vmem>>) target(%dma_start3A_120 : memref<10240x64xf32, #tpu.memory_space<vmem_shared>>) offsets(%dma_start3A_117 : memref<128xi32, #tpu.memory_space<vmem>>) semaphore(%run_scoped3A : memref<!tpu.dma_semaphore, #tpu.memory_space<semaphore_mem>>) {add = true}
        %dma_wait3A_121 = arith.constant 0 : i32
        %dma_wait3A_122 = tpu.memref_slice %arg6[%add3A_59, %dma_wait3A_121] : memref<160x128xi32, #tpu.memory_space<vmem>> -> memref<1x128xi32, #tpu.memory_space<vmem>>
        %dma_wait3A_123 = tpu.memref_squeeze %dma_wait3A_122 : memref<1x128xi32, #tpu.memory_space<vmem>> -> memref<128xi32, #tpu.memory_space<vmem>>
        %dma_wait3A_124 = arith.constant 0 : i32
        %dma_wait3A_125 = arith.constant 0 : i32
        %dma_wait3A_126 = tpu.memref_slice %arg9[%dma_wait3A_124, %dma_wait3A_125] : memref<10240x64xf32, #tpu.memory_space<vmem_shared>> -> memref<10240x64xf32, #tpu.memory_space<vmem_shared>>
        tpu.wait_indirect_dma semaphore(%run_scoped3A : memref<!tpu.dma_semaphore, #tpu.memory_space<semaphore_mem>>) src(%arg10 : memref<128x64xf32, #tpu.memory_space<vmem>>) dst(%dma_wait3A_126 : memref<10240x64xf32, #tpu.memory_space<vmem_shared>>)
        tpu.yield
      }) : () -> ()
      %add3A_65 = arith.constant 4 : i32
      %add3A_66 = arith.addi %add3A_59, %add3A_65 : i32
      %lt3A = arith.constant 160 : i32
      %lt3A_67 = arith.cmpi slt, %add3A_66, %lt3A : i32
      %convert_element_type3A = arith.extui %lt3A_67 : i1 to i32
      %cond3A = arith.constant 0 : i32
      %cond3A_68 = arith.cmpi ne, %convert_element_type3A, %cond3A : i32
      scf.if %cond3A_68 {
        %add3A_115 = arith.constant 4 : i32
        %add3A_116 = arith.addi %add3A_59, %add3A_115 : i32
        %dma_start3A_117 = arith.constant 0 : i32
        %dma_start3A_118 = tpu.memref_slice %arg7[%add3A_116, %dma_start3A_117] : memref<160x128xi32, #tpu.memory_space<vmem>> -> memref<1x128xi32, #tpu.memory_space<vmem>>
        %dma_start3A_119 = tpu.memref_squeeze %dma_start3A_118 : memref<1x128xi32, #tpu.memory_space<vmem>> -> memref<128xi32, #tpu.memory_space<vmem>>
        %dma_start3A_120 = arith.constant 0 : i32
        %dma_start3A_121 = arith.constant 0 : i32
        %dma_start3A_122 = tpu.memref_slice %arg2[%dma_start3A_120, %dma_start3A_121] : memref<20480x64xf32, #tpu.memory_space<hbm>> -> memref<20480x64xf32, #tpu.memory_space<hbm>>
        tpu.enqueue_indirect_dma source(%dma_start3A_122 : memref<20480x64xf32, #tpu.memory_space<hbm>>) target(%arg10 : memref<128x64xf32, #tpu.memory_space<vmem>>) offsets(%dma_start3A_119 : memref<128xi32, #tpu.memory_space<vmem>>) semaphore(%arg14 : memref<!tpu.dma_semaphore, #tpu.memory_space<semaphore_mem>>)
      } else {
      }
      %add3A_69 = arith.constant 1 : i32
      %add3A_70 = arith.addi %mul3A_57, %add3A_69 : i32
      %dma_wait3A_71 = arith.constant 0 : i32
      %dma_wait3A_72 = tpu.memref_slice %arg7[%add3A_70, %dma_wait3A_71] : memref<160x128xi32, #tpu.memory_space<vmem>> -> memref<1x128xi32, #tpu.memory_space<vmem>>
      %dma_wait3A_73 = tpu.memref_squeeze %dma_wait3A_72 : memref<1x128xi32, #tpu.memory_space<vmem>> -> memref<128xi32, #tpu.memory_space<vmem>>
      %dma_wait3A_74 = arith.constant 0 : i32
      %dma_wait3A_75 = arith.constant 0 : i32
      %dma_wait3A_76 = tpu.memref_slice %arg2[%dma_wait3A_74, %dma_wait3A_75] : memref<20480x64xf32, #tpu.memory_space<hbm>> -> memref<20480x64xf32, #tpu.memory_space<hbm>>
      tpu.wait_indirect_dma semaphore(%arg15 : memref<!tpu.dma_semaphore, #tpu.memory_space<semaphore_mem>>) src(%dma_wait3A_76 : memref<20480x64xf32, #tpu.memory_space<hbm>>) dst(%arg11 : memref<128x64xf32, #tpu.memory_space<vmem>>)
      "tpu.region"() ({
        %run_scoped3A = tpu.sem_alloc : memref<!tpu.dma_semaphore, #tpu.memory_space<semaphore_mem>>
        %dma_start3A_115 = arith.constant 0 : i32
        %dma_start3A_116 = tpu.memref_slice %arg6[%add3A_70, %dma_start3A_115] : memref<160x128xi32, #tpu.memory_space<vmem>> -> memref<1x128xi32, #tpu.memory_space<vmem>>
        %dma_start3A_117 = tpu.memref_squeeze %dma_start3A_116 : memref<1x128xi32, #tpu.memory_space<vmem>> -> memref<128xi32, #tpu.memory_space<vmem>>
        %dma_start3A_118 = arith.constant 0 : i32
        %dma_start3A_119 = arith.constant 0 : i32
        %dma_start3A_120 = tpu.memref_slice %arg9[%dma_start3A_118, %dma_start3A_119] : memref<10240x64xf32, #tpu.memory_space<vmem_shared>> -> memref<10240x64xf32, #tpu.memory_space<vmem_shared>>
        tpu.enqueue_indirect_dma source(%arg11 : memref<128x64xf32, #tpu.memory_space<vmem>>) target(%dma_start3A_120 : memref<10240x64xf32, #tpu.memory_space<vmem_shared>>) offsets(%dma_start3A_117 : memref<128xi32, #tpu.memory_space<vmem>>) semaphore(%run_scoped3A : memref<!tpu.dma_semaphore, #tpu.memory_space<semaphore_mem>>) {add = true}
        %dma_wait3A_121 = arith.constant 0 : i32
        %dma_wait3A_122 = tpu.memref_slice %arg6[%add3A_70, %dma_wait3A_121] : memref<160x128xi32, #tpu.memory_space<vmem>> -> memref<1x128xi32, #tpu.memory_space<vmem>>
        %dma_wait3A_123 = tpu.memref_squeeze %dma_wait3A_122 : memref<1x128xi32, #tpu.memory_space<vmem>> -> memref<128xi32, #tpu.memory_space<vmem>>
        %dma_wait3A_124 = arith.constant 0 : i32
        %dma_wait3A_125 = arith.constant 0 : i32
        %dma_wait3A_126 = tpu.memref_slice %arg9[%dma_wait3A_124, %dma_wait3A_125] : memref<10240x64xf32, #tpu.memory_space<vmem_shared>> -> memref<10240x64xf32, #tpu.memory_space<vmem_shared>>
        tpu.wait_indirect_dma semaphore(%run_scoped3A : memref<!tpu.dma_semaphore, #tpu.memory_space<semaphore_mem>>) src(%arg11 : memref<128x64xf32, #tpu.memory_space<vmem>>) dst(%dma_wait3A_126 : memref<10240x64xf32, #tpu.memory_space<vmem_shared>>)
        tpu.yield
      }) : () -> ()
      %add3A_77 = arith.constant 4 : i32
      %add3A_78 = arith.addi %add3A_70, %add3A_77 : i32
      %lt3A_79 = arith.constant 160 : i32
      %lt3A_80 = arith.cmpi slt, %add3A_78, %lt3A_79 : i32
      %convert_element_type3A_81 = arith.extui %lt3A_80 : i1 to i32
      %cond3A_82 = arith.constant 0 : i32
      %cond3A_83 = arith.cmpi ne, %convert_element_type3A_81, %cond3A_82 : i32
      scf.if %cond3A_83 {
        %add3A_115 = arith.constant 4 : i32
        %add3A_116 = arith.addi %add3A_70, %add3A_115 : i32
        %dma_start3A_117 = arith.constant 0 : i32
        %dma_start3A_118 = tpu.memref_slice %arg7[%add3A_116, %dma_start3A_117] : memref<160x128xi32, #tpu.memory_space<vmem>> -> memref<1x128xi32, #tpu.memory_space<vmem>>
        %dma_start3A_119 = tpu.memref_squeeze %dma_start3A_118 : memref<1x128xi32, #tpu.memory_space<vmem>> -> memref<128xi32, #tpu.memory_space<vmem>>
        %dma_start3A_120 = arith.constant 0 : i32
        %dma_start3A_121 = arith.constant 0 : i32
        %dma_start3A_122 = tpu.memref_slice %arg2[%dma_start3A_120, %dma_start3A_121] : memref<20480x64xf32, #tpu.memory_space<hbm>> -> memref<20480x64xf32, #tpu.memory_space<hbm>>
        tpu.enqueue_indirect_dma source(%dma_start3A_122 : memref<20480x64xf32, #tpu.memory_space<hbm>>) target(%arg11 : memref<128x64xf32, #tpu.memory_space<vmem>>) offsets(%dma_start3A_119 : memref<128xi32, #tpu.memory_space<vmem>>) semaphore(%arg15 : memref<!tpu.dma_semaphore, #tpu.memory_space<semaphore_mem>>)
      } else {
      }
      %add3A_84 = arith.constant 2 : i32
      %add3A_85 = arith.addi %mul3A_57, %add3A_84 : i32
      %dma_wait3A_86 = arith.constant 0 : i32
      %dma_wait3A_87 = tpu.memref_slice %arg7[%add3A_85, %dma_wait3A_86] : memref<160x128xi32, #tpu.memory_space<vmem>> -> memref<1x128xi32, #tpu.memory_space<vmem>>
      %dma_wait3A_88 = tpu.memref_squeeze %dma_wait3A_87 : memref<1x128xi32, #tpu.memory_space<vmem>> -> memref<128xi32, #tpu.memory_space<vmem>>
      %dma_wait3A_89 = arith.constant 0 : i32
      %dma_wait3A_90 = arith.constant 0 : i32
      %dma_wait3A_91 = tpu.memref_slice %arg2[%dma_wait3A_89, %dma_wait3A_90] : memref<20480x64xf32, #tpu.memory_space<hbm>> -> memref<20480x64xf32, #tpu.memory_space<hbm>>
      tpu.wait_indirect_dma semaphore(%arg16 : memref<!tpu.dma_semaphore, #tpu.memory_space<semaphore_mem>>) src(%dma_wait3A_91 : memref<20480x64xf32, #tpu.memory_space<hbm>>) dst(%arg12 : memref<128x64xf32, #tpu.memory_space<vmem>>)
      "tpu.region"() ({
        %run_scoped3A = tpu.sem_alloc : memref<!tpu.dma_semaphore, #tpu.memory_space<semaphore_mem>>
        %dma_start3A_115 = arith.constant 0 : i32
        %dma_start3A_116 = tpu.memref_slice %arg6[%add3A_85, %dma_start3A_115] : memref<160x128xi32, #tpu.memory_space<vmem>> -> memref<1x128xi32, #tpu.memory_space<vmem>>
        %dma_start3A_117 = tpu.memref_squeeze %dma_start3A_116 : memref<1x128xi32, #tpu.memory_space<vmem>> -> memref<128xi32, #tpu.memory_space<vmem>>
        %dma_start3A_118 = arith.constant 0 : i32
        %dma_start3A_119 = arith.constant 0 : i32
        %dma_start3A_120 = tpu.memref_slice %arg9[%dma_start3A_118, %dma_start3A_119] : memref<10240x64xf32, #tpu.memory_space<vmem_shared>> -> memref<10240x64xf32, #tpu.memory_space<vmem_shared>>
        tpu.enqueue_indirect_dma source(%arg12 : memref<128x64xf32, #tpu.memory_space<vmem>>) target(%dma_start3A_120 : memref<10240x64xf32, #tpu.memory_space<vmem_shared>>) offsets(%dma_start3A_117 : memref<128xi32, #tpu.memory_space<vmem>>) semaphore(%run_scoped3A : memref<!tpu.dma_semaphore, #tpu.memory_space<semaphore_mem>>) {add = true}
        %dma_wait3A_121 = arith.constant 0 : i32
        %dma_wait3A_122 = tpu.memref_slice %arg6[%add3A_85, %dma_wait3A_121] : memref<160x128xi32, #tpu.memory_space<vmem>> -> memref<1x128xi32, #tpu.memory_space<vmem>>
        %dma_wait3A_123 = tpu.memref_squeeze %dma_wait3A_122 : memref<1x128xi32, #tpu.memory_space<vmem>> -> memref<128xi32, #tpu.memory_space<vmem>>
        %dma_wait3A_124 = arith.constant 0 : i32
        %dma_wait3A_125 = arith.constant 0 : i32
        %dma_wait3A_126 = tpu.memref_slice %arg9[%dma_wait3A_124, %dma_wait3A_125] : memref<10240x64xf32, #tpu.memory_space<vmem_shared>> -> memref<10240x64xf32, #tpu.memory_space<vmem_shared>>
        tpu.wait_indirect_dma semaphore(%run_scoped3A : memref<!tpu.dma_semaphore, #tpu.memory_space<semaphore_mem>>) src(%arg12 : memref<128x64xf32, #tpu.memory_space<vmem>>) dst(%dma_wait3A_126 : memref<10240x64xf32, #tpu.memory_space<vmem_shared>>)
        tpu.yield
      }) : () -> ()
      %add3A_92 = arith.constant 4 : i32
      %add3A_93 = arith.addi %add3A_85, %add3A_92 : i32
      %lt3A_94 = arith.constant 160 : i32
      %lt3A_95 = arith.cmpi slt, %add3A_93, %lt3A_94 : i32
      %convert_element_type3A_96 = arith.extui %lt3A_95 : i1 to i32
      %cond3A_97 = arith.constant 0 : i32
      %cond3A_98 = arith.cmpi ne, %convert_element_type3A_96, %cond3A_97 : i32
      scf.if %cond3A_98 {
        %add3A_115 = arith.constant 4 : i32
        %add3A_116 = arith.addi %add3A_85, %add3A_115 : i32
        %dma_start3A_117 = arith.constant 0 : i32
        %dma_start3A_118 = tpu.memref_slice %arg7[%add3A_116, %dma_start3A_117] : memref<160x128xi32, #tpu.memory_space<vmem>> -> memref<1x128xi32, #tpu.memory_space<vmem>>
        %dma_start3A_119 = tpu.memref_squeeze %dma_start3A_118 : memref<1x128xi32, #tpu.memory_space<vmem>> -> memref<128xi32, #tpu.memory_space<vmem>>
        %dma_start3A_120 = arith.constant 0 : i32
        %dma_start3A_121 = arith.constant 0 : i32
        %dma_start3A_122 = tpu.memref_slice %arg2[%dma_start3A_120, %dma_start3A_121] : memref<20480x64xf32, #tpu.memory_space<hbm>> -> memref<20480x64xf32, #tpu.memory_space<hbm>>
        tpu.enqueue_indirect_dma source(%dma_start3A_122 : memref<20480x64xf32, #tpu.memory_space<hbm>>) target(%arg12 : memref<128x64xf32, #tpu.memory_space<vmem>>) offsets(%dma_start3A_119 : memref<128xi32, #tpu.memory_space<vmem>>) semaphore(%arg16 : memref<!tpu.dma_semaphore, #tpu.memory_space<semaphore_mem>>)
      } else {
      }
      %add3A_99 = arith.constant 3 : i32
      %add3A_100 = arith.addi %mul3A_57, %add3A_99 : i32
      %dma_wait3A_101 = arith.constant 0 : i32
      %dma_wait3A_102 = tpu.memref_slice %arg7[%add3A_100, %dma_wait3A_101] : memref<160x128xi32, #tpu.memory_space<vmem>> -> memref<1x128xi32, #tpu.memory_space<vmem>>
      %dma_wait3A_103 = tpu.memref_squeeze %dma_wait3A_102 : memref<1x128xi32, #tpu.memory_space<vmem>> -> memref<128xi32, #tpu.memory_space<vmem>>
      %dma_wait3A_104 = arith.constant 0 : i32
      %dma_wait3A_105 = arith.constant 0 : i32
      %dma_wait3A_106 = tpu.memref_slice %arg2[%dma_wait3A_104, %dma_wait3A_105] : memref<20480x64xf32, #tpu.memory_space<hbm>> -> memref<20480x64xf32, #tpu.memory_space<hbm>>
      tpu.wait_indirect_dma semaphore(%arg17 : memref<!tpu.dma_semaphore, #tpu.memory_space<semaphore_mem>>) src(%dma_wait3A_106 : memref<20480x64xf32, #tpu.memory_space<hbm>>) dst(%arg13 : memref<128x64xf32, #tpu.memory_space<vmem>>)
      "tpu.region"() ({
        %run_scoped3A = tpu.sem_alloc : memref<!tpu.dma_semaphore, #tpu.memory_space<semaphore_mem>>
        %dma_start3A_115 = arith.constant 0 : i32
        %dma_start3A_116 = tpu.memref_slice %arg6[%add3A_100, %dma_start3A_115] : memref<160x128xi32, #tpu.memory_space<vmem>> -> memref<1x128xi32, #tpu.memory_space<vmem>>
        %dma_start3A_117 = tpu.memref_squeeze %dma_start3A_116 : memref<1x128xi32, #tpu.memory_space<vmem>> -> memref<128xi32, #tpu.memory_space<vmem>>
        %dma_start3A_118 = arith.constant 0 : i32
        %dma_start3A_119 = arith.constant 0 : i32
        %dma_start3A_120 = tpu.memref_slice %arg9[%dma_start3A_118, %dma_start3A_119] : memref<10240x64xf32, #tpu.memory_space<vmem_shared>> -> memref<10240x64xf32, #tpu.memory_space<vmem_shared>>
        tpu.enqueue_indirect_dma source(%arg13 : memref<128x64xf32, #tpu.memory_space<vmem>>) target(%dma_start3A_120 : memref<10240x64xf32, #tpu.memory_space<vmem_shared>>) offsets(%dma_start3A_117 : memref<128xi32, #tpu.memory_space<vmem>>) semaphore(%run_scoped3A : memref<!tpu.dma_semaphore, #tpu.memory_space<semaphore_mem>>) {add = true}
        %dma_wait3A_121 = arith.constant 0 : i32
        %dma_wait3A_122 = tpu.memref_slice %arg6[%add3A_100, %dma_wait3A_121] : memref<160x128xi32, #tpu.memory_space<vmem>> -> memref<1x128xi32, #tpu.memory_space<vmem>>
        %dma_wait3A_123 = tpu.memref_squeeze %dma_wait3A_122 : memref<1x128xi32, #tpu.memory_space<vmem>> -> memref<128xi32, #tpu.memory_space<vmem>>
        %dma_wait3A_124 = arith.constant 0 : i32
        %dma_wait3A_125 = arith.constant 0 : i32
        %dma_wait3A_126 = tpu.memref_slice %arg9[%dma_wait3A_124, %dma_wait3A_125] : memref<10240x64xf32, #tpu.memory_space<vmem_shared>> -> memref<10240x64xf32, #tpu.memory_space<vmem_shared>>
        tpu.wait_indirect_dma semaphore(%run_scoped3A : memref<!tpu.dma_semaphore, #tpu.memory_space<semaphore_mem>>) src(%arg13 : memref<128x64xf32, #tpu.memory_space<vmem>>) dst(%dma_wait3A_126 : memref<10240x64xf32, #tpu.memory_space<vmem_shared>>)
        tpu.yield
      }) : () -> ()
      %add3A_107 = arith.constant 4 : i32
      %add3A_108 = arith.addi %add3A_100, %add3A_107 : i32
      %lt3A_109 = arith.constant 160 : i32
      %lt3A_110 = arith.cmpi slt, %add3A_108, %lt3A_109 : i32
      %convert_element_type3A_111 = arith.extui %lt3A_110 : i1 to i32
      %cond3A_112 = arith.constant 0 : i32
      %cond3A_113 = arith.cmpi ne, %convert_element_type3A_111, %cond3A_112 : i32
      scf.if %cond3A_113 {
        %add3A_115 = arith.constant 4 : i32
        %add3A_116 = arith.addi %add3A_100, %add3A_115 : i32
        %dma_start3A_117 = arith.constant 0 : i32
        %dma_start3A_118 = tpu.memref_slice %arg7[%add3A_116, %dma_start3A_117] : memref<160x128xi32, #tpu.memory_space<vmem>> -> memref<1x128xi32, #tpu.memory_space<vmem>>
        %dma_start3A_119 = tpu.memref_squeeze %dma_start3A_118 : memref<1x128xi32, #tpu.memory_space<vmem>> -> memref<128xi32, #tpu.memory_space<vmem>>
        %dma_start3A_120 = arith.constant 0 : i32
        %dma_start3A_121 = arith.constant 0 : i32
        %dma_start3A_122 = tpu.memref_slice %arg2[%dma_start3A_120, %dma_start3A_121] : memref<20480x64xf32, #tpu.memory_space<hbm>> -> memref<20480x64xf32, #tpu.memory_space<hbm>>
        tpu.enqueue_indirect_dma source(%dma_start3A_122 : memref<20480x64xf32, #tpu.memory_space<hbm>>) target(%arg13 : memref<128x64xf32, #tpu.memory_space<vmem>>) offsets(%dma_start3A_119 : memref<128xi32, #tpu.memory_space<vmem>>) semaphore(%arg17 : memref<!tpu.dma_semaphore, #tpu.memory_space<semaphore_mem>>)
      } else {
      }
      %scan3A_114 = arith.constant 0 : i32
      scf.yield %scan3A_114 : i32
    }
    %scan3A_47 = arith.constant 40 : i32
    %barrier3A_48 = arith.constant 0 : index
    tpu.barrier barrier_id(%barrier3A_48)
    %mul3A = arith.constant 640 : i32
    %mul3A_49 = arith.muli %arg1, %mul3A : i32
    %mul3A_50 = arith.constant 10240 : i32
    %mul3A_51 = arith.muli %arg0, %mul3A_50 : i32
    %mul3A_52 = arith.constant 640 : i32
    %mul3A_53 = arith.muli %arg1, %mul3A_52 : i32
    %add3A = arith.addi %mul3A_51, %mul3A_53 : i32
    "tpu.region"() ({
      %run_scoped3A = tpu.sem_alloc : memref<!tpu.dma_semaphore, #tpu.memory_space<semaphore_mem>>
      %dma_start3A_54 = arith.constant 0 : i32
      %dma_start3A_55 = tpu.memref_slice %arg5[%add3A, %dma_start3A_54] : memref<20480x64xf32, #tpu.memory_space<hbm>> -> memref<640x64xf32, #tpu.memory_space<hbm>>
      %dma_start3A_56 = arith.constant 0 : i32
      %dma_start3A_57 = tpu.memref_slice %arg9[%mul3A_49, %dma_start3A_56] : memref<10240x64xf32, #tpu.memory_space<vmem_shared>> -> memref<640x64xf32, #tpu.memory_space<vmem_shared>>
      tpu.enqueue_dma source(%dma_start3A_57 : memref<640x64xf32, #tpu.memory_space<vmem_shared>>) target(%dma_start3A_55 : memref<640x64xf32, #tpu.memory_space<hbm>>) target_semaphore(%run_scoped3A : memref<!tpu.dma_semaphore, #tpu.memory_space<semaphore_mem>>)
      %dma_wait3A = arith.constant 0 : i32
      %dma_wait3A_58 = tpu.memref_slice %arg5[%add3A, %dma_wait3A] : memref<20480x64xf32, #tpu.memory_space<hbm>> -> memref<640x64xf32, #tpu.memory_space<hbm>>
      %dma_wait3A_59 = arith.constant 0 : i32
      %dma_wait3A_60 = tpu.memref_slice %arg9[%mul3A_49, %dma_wait3A_59] : memref<10240x64xf32, #tpu.memory_space<vmem_shared>> -> memref<640x64xf32, #tpu.memory_space<vmem_shared>>
      tpu.wait_dma2 semaphore(%run_scoped3A : memref<!tpu.dma_semaphore, #tpu.memory_space<semaphore_mem>>) src(%dma_wait3A_60 : memref<640x64xf32, #tpu.memory_space<vmem_shared>>) dst(%dma_wait3A_58 : memref<640x64xf32, #tpu.memory_space<hbm>>)
      tpu.yield
    }) : () -> ()
    return
  }
}

#map = affine_map<(d0, d1) -> (0, 0)>
#map1 = affine_map<(d0, d1) -> (0, 0, 0, 0)>
#map2 = affine_map<(d0, d1) -> (0, 0, 0)>
module attributes {stable_mosaic.version = 14 : i64} {
  func.func @_agg_body(%arg0: i32, %arg1: i32, %arg2: memref<20480x64xf32, #tpu.memory_space<hbm>>, %arg3: memref<2x16x160x128xi32, #tpu.memory_space<hbm>>, %arg4: memref<16x160x128xi32, #tpu.memory_space<hbm>>, %arg5: memref<20480x64xf32, #tpu.memory_space<hbm>>, %arg6: memref<160x128xi32, #tpu.memory_space<vmem>>, %arg7: memref<160x128xi32, #tpu.memory_space<vmem>>, %arg8: memref<128x64xf32, #tpu.memory_space<vmem>>, %arg9: memref<10240x64xf32, #tpu.memory_space<vmem_shared>>, %arg10: memref<128x64xf32, #tpu.memory_space<vmem>>, %arg11: memref<128x64xf32, #tpu.memory_space<vmem>>, %arg12: memref<128x64xf32, #tpu.memory_space<vmem>>, %arg13: memref<128x64xf32, #tpu.memory_space<vmem>>, %arg14: memref<!tpu.dma_semaphore, #tpu.memory_space<semaphore_mem>>, %arg15: memref<!tpu.dma_semaphore, #tpu.memory_space<semaphore_mem>>, %arg16: memref<!tpu.dma_semaphore, #tpu.memory_space<semaphore_mem>>, %arg17: memref<!tpu.dma_semaphore, #tpu.memory_space<semaphore_mem>>) attributes {dimension_semantics = [#tpu.dimension_semantics<core_parallel>, #tpu.dimension_semantics<subcore_parallel>], iteration_bounds = array<i64: 2, 16>, scalar_prefetch = 0 : i64, scratch_operands = 12 : i64, tpu.core_type = #tpu.core_type<sc_vector_subcore>, window_params = [{transform_indices = #map}, {transform_indices = #map1}, {transform_indices = #map2}, {transform_indices = #map}]} {
    "tpu.region"() ({
      %run_scoped3A = tpu.sem_alloc : memref<!tpu.dma_semaphore, #tpu.memory_space<semaphore_mem>>
      %dma_start3A_54 = arith.constant 0 : i32
      %dma_start3A_55 = arith.constant 0 : i32
      %dma_start3A_56 = tpu.memref_slice %arg3[%arg0, %arg1, %dma_start3A_54, %dma_start3A_55] : memref<2x16x160x128xi32, #tpu.memory_space<hbm>> -> memref<1x1x160x128xi32, #tpu.memory_space<hbm>>
      %dma_start3A_57 = tpu.memref_squeeze %dma_start3A_56 : memref<1x1x160x128xi32, #tpu.memory_space<hbm>> -> memref<160x128xi32, #tpu.memory_space<hbm>>
      %dma_start3A_58 = arith.constant 0 : i32
      %dma_start3A_59 = arith.constant 0 : i32
      %dma_start3A_60 = tpu.memref_slice %arg3[%arg0, %arg1, %dma_start3A_58, %dma_start3A_59] : memref<2x16x160x128xi32, #tpu.memory_space<hbm>> -> memref<1x1x160x128xi32, #tpu.memory_space<hbm>>
      %dma_start3A_61 = tpu.memref_squeeze %dma_start3A_60 : memref<1x1x160x128xi32, #tpu.memory_space<hbm>> -> memref<160x128xi32, #tpu.memory_space<hbm>>
      tpu.enqueue_dma source(%dma_start3A_61 : memref<160x128xi32, #tpu.memory_space<hbm>>) target(%arg7 : memref<160x128xi32, #tpu.memory_space<vmem>>) target_semaphore(%run_scoped3A : memref<!tpu.dma_semaphore, #tpu.memory_space<semaphore_mem>>)
      %dma_wait3A = arith.constant 0 : i32
      %dma_wait3A_62 = arith.constant 0 : i32
      %dma_wait3A_63 = tpu.memref_slice %arg3[%arg0, %arg1, %dma_wait3A, %dma_wait3A_62] : memref<2x16x160x128xi32, #tpu.memory_space<hbm>> -> memref<1x1x160x128xi32, #tpu.memory_space<hbm>>
      %dma_wait3A_64 = tpu.memref_squeeze %dma_wait3A_63 : memref<1x1x160x128xi32, #tpu.memory_space<hbm>> -> memref<160x128xi32, #tpu.memory_space<hbm>>
      %dma_wait3A_65 = arith.constant 0 : i32
      %dma_wait3A_66 = arith.constant 0 : i32
      %dma_wait3A_67 = tpu.memref_slice %arg3[%arg0, %arg1, %dma_wait3A_65, %dma_wait3A_66] : memref<2x16x160x128xi32, #tpu.memory_space<hbm>> -> memref<1x1x160x128xi32, #tpu.memory_space<hbm>>
      %dma_wait3A_68 = tpu.memref_squeeze %dma_wait3A_67 : memref<1x1x160x128xi32, #tpu.memory_space<hbm>> -> memref<160x128xi32, #tpu.memory_space<hbm>>
      tpu.wait_dma2 semaphore(%run_scoped3A : memref<!tpu.dma_semaphore, #tpu.memory_space<semaphore_mem>>) src(%dma_wait3A_68 : memref<160x128xi32, #tpu.memory_space<hbm>>) dst(%arg7 : memref<160x128xi32, #tpu.memory_space<vmem>>)
      tpu.yield
    }) : () -> ()
    "tpu.region"() ({
      %run_scoped3A = tpu.sem_alloc : memref<!tpu.dma_semaphore, #tpu.memory_space<semaphore_mem>>
      %dma_start3A_54 = arith.constant 0 : i32
      %dma_start3A_55 = arith.constant 0 : i32
      %dma_start3A_56 = tpu.memref_slice %arg4[%arg1, %dma_start3A_54, %dma_start3A_55] : memref<16x160x128xi32, #tpu.memory_space<hbm>> -> memref<1x160x128xi32, #tpu.memory_space<hbm>>
      %dma_start3A_57 = tpu.memref_squeeze %dma_start3A_56 : memref<1x160x128xi32, #tpu.memory_space<hbm>> -> memref<160x128xi32, #tpu.memory_space<hbm>>
      %dma_start3A_58 = arith.constant 0 : i32
      %dma_start3A_59 = arith.constant 0 : i32
      %dma_start3A_60 = tpu.memref_slice %arg4[%arg1, %dma_start3A_58, %dma_start3A_59] : memref<16x160x128xi32, #tpu.memory_space<hbm>> -> memref<1x160x128xi32, #tpu.memory_space<hbm>>
      %dma_start3A_61 = tpu.memref_squeeze %dma_start3A_60 : memref<1x160x128xi32, #tpu.memory_space<hbm>> -> memref<160x128xi32, #tpu.memory_space<hbm>>
      tpu.enqueue_dma source(%dma_start3A_61 : memref<160x128xi32, #tpu.memory_space<hbm>>) target(%arg6 : memref<160x128xi32, #tpu.memory_space<vmem>>) target_semaphore(%run_scoped3A : memref<!tpu.dma_semaphore, #tpu.memory_space<semaphore_mem>>)
      %dma_wait3A = arith.constant 0 : i32
      %dma_wait3A_62 = arith.constant 0 : i32
      %dma_wait3A_63 = tpu.memref_slice %arg4[%arg1, %dma_wait3A, %dma_wait3A_62] : memref<16x160x128xi32, #tpu.memory_space<hbm>> -> memref<1x160x128xi32, #tpu.memory_space<hbm>>
      %dma_wait3A_64 = tpu.memref_squeeze %dma_wait3A_63 : memref<1x160x128xi32, #tpu.memory_space<hbm>> -> memref<160x128xi32, #tpu.memory_space<hbm>>
      %dma_wait3A_65 = arith.constant 0 : i32
      %dma_wait3A_66 = arith.constant 0 : i32
      %dma_wait3A_67 = tpu.memref_slice %arg4[%arg1, %dma_wait3A_65, %dma_wait3A_66] : memref<16x160x128xi32, #tpu.memory_space<hbm>> -> memref<1x160x128xi32, #tpu.memory_space<hbm>>
      %dma_wait3A_68 = tpu.memref_squeeze %dma_wait3A_67 : memref<1x160x128xi32, #tpu.memory_space<hbm>> -> memref<160x128xi32, #tpu.memory_space<hbm>>
      tpu.wait_dma2 semaphore(%run_scoped3A : memref<!tpu.dma_semaphore, #tpu.memory_space<semaphore_mem>>) src(%dma_wait3A_68 : memref<160x128xi32, #tpu.memory_space<hbm>>) dst(%arg6 : memref<160x128xi32, #tpu.memory_space<vmem>>)
      tpu.yield
    }) : () -> ()
    %broadcast_in_dim3A = arith.constant 0.000000e+00 : f32
    %broadcast_in_dim3A_0 = vector.broadcast %broadcast_in_dim3A : f32 to vector<16xf32>
    %scan3A = arith.constant 0 : i32
    %scan3A_1 = arith.constant 0 : i32
    %scan3A_2 = arith.constant 128 : i32
    %scan3A_3 = arith.addi %scan3A_1, %scan3A_2 : i32
    %scan3A_4 = arith.constant 1 : i32
    %scan3A_5 = scf.for %scan3A_54 = %scan3A_1 to %scan3A_3 step %scan3A_4 iter_args(%scan3A_55 = %scan3A) -> (i32)  : i32 {
      %scan3A_56 = arith.constant 0 : i32
      %scan3A_57 = arith.constant 0 : i32
      %scan3A_58 = arith.constant 4 : i32
      %scan3A_59 = arith.addi %scan3A_57, %scan3A_58 : i32
      %scan3A_60 = arith.constant 1 : i32
      %scan3A_61 = scf.for %scan3A_64 = %scan3A_57 to %scan3A_59 step %scan3A_60 iter_args(%scan3A_65 = %scan3A_56) -> (i32)  : i32 {
        %mul3A_66 = arith.constant 16 : i32
        %mul3A_67 = arith.muli %scan3A_64, %mul3A_66 : i32
        %swap3A = arith.index_cast %scan3A_54 : i32 to index
        %swap3A_68 = arith.index_cast %mul3A_67 : i32 to index
        %swap3A_69 = tpu.vector_load %arg8[%swap3A, %swap3A_68] {strides = array<i32>} : memref<128x64xf32, #tpu.memory_space<vmem>>, vector<16xf32>,
        tpu.vector_store %arg8[%swap3A, %swap3A_68], %broadcast_in_dim3A_0 {strides = array<i32>} : memref<128x64xf32, #tpu.memory_space<vmem>>, vector<16xf32>,
        %scan3A_70 = arith.constant 0 : i32
        scf.yield %scan3A_70 : i32
      }
      %scan3A_62 = arith.constant 4 : i32
      %scan3A_63 = arith.constant 0 : i32
      scf.yield %scan3A_63 : i32
    }
    %scan3A_6 = arith.constant 128 : i32
    %scan3A_7 = arith.constant 0 : i32
    %scan3A_8 = arith.constant 0 : i32
    %scan3A_9 = arith.constant 5 : i32
    %scan3A_10 = arith.addi %scan3A_8, %scan3A_9 : i32
    %scan3A_11 = arith.constant 1 : i32
    %scan3A_12 = scf.for %scan3A_54 = %scan3A_8 to %scan3A_10 step %scan3A_11 iter_args(%scan3A_55 = %scan3A_7) -> (i32)  : i32 {
      %mul3A_56 = arith.constant 640 : i32
      %mul3A_57 = arith.muli %arg1, %mul3A_56 : i32
      %mul3A_58 = arith.constant 128 : i32
      %mul3A_59 = arith.muli %scan3A_54, %mul3A_58 : i32
      %add3A_60 = arith.addi %mul3A_57, %mul3A_59 : i32
      "tpu.region"() ({
        %run_scoped3A = tpu.sem_alloc : memref<!tpu.dma_semaphore, #tpu.memory_space<semaphore_mem>>
        %dma_start3A_62 = arith.constant 0 : i32
        %dma_start3A_63 = tpu.memref_slice %arg9[%add3A_60, %dma_start3A_62] : memref<10240x64xf32, #tpu.memory_space<vmem_shared>> -> memref<128x64xf32, #tpu.memory_space<vmem_shared>>
        %dma_start3A_64 = arith.constant 0 : i32
        %dma_start3A_65 = tpu.memref_slice %arg9[%add3A_60, %dma_start3A_64] : memref<10240x64xf32, #tpu.memory_space<vmem_shared>> -> memref<128x64xf32, #tpu.memory_space<vmem_shared>>
        tpu.enqueue_dma source(%arg8 : memref<128x64xf32, #tpu.memory_space<vmem>>) target(%dma_start3A_65 : memref<128x64xf32, #tpu.memory_space<vmem_shared>>) target_semaphore(%run_scoped3A : memref<!tpu.dma_semaphore, #tpu.memory_space<semaphore_mem>>)
        %dma_wait3A = arith.constant 0 : i32
        %dma_wait3A_66 = tpu.memref_slice %arg9[%add3A_60, %dma_wait3A] : memref<10240x64xf32, #tpu.memory_space<vmem_shared>> -> memref<128x64xf32, #tpu.memory_space<vmem_shared>>
        %dma_wait3A_67 = arith.constant 0 : i32
        %dma_wait3A_68 = tpu.memref_slice %arg9[%add3A_60, %dma_wait3A_67] : memref<10240x64xf32, #tpu.memory_space<vmem_shared>> -> memref<128x64xf32, #tpu.memory_space<vmem_shared>>
        tpu.wait_dma2 semaphore(%run_scoped3A : memref<!tpu.dma_semaphore, #tpu.memory_space<semaphore_mem>>) src(%arg8 : memref<128x64xf32, #tpu.memory_space<vmem>>) dst(%dma_wait3A_68 : memref<128x64xf32, #tpu.memory_space<vmem_shared>>)
        tpu.yield
      }) : () -> ()
      %scan3A_61 = arith.constant 0 : i32
      scf.yield %scan3A_61 : i32
    }
    %scan3A_13 = arith.constant 5 : i32
    %barrier3A = arith.constant 0 : index
    tpu.barrier barrier_id(%barrier3A)
    %dma_start3A = arith.constant 0 : i32
    %dma_start3A_14 = arith.constant 0 : i32
    %dma_start3A_15 = tpu.memref_slice %arg7[%dma_start3A, %dma_start3A_14] : memref<160x128xi32, #tpu.memory_space<vmem>> -> memref<1x128xi32, #tpu.memory_space<vmem>>
    %dma_start3A_16 = tpu.memref_squeeze %dma_start3A_15 : memref<1x128xi32, #tpu.memory_space<vmem>> -> memref<128xi32, #tpu.memory_space<vmem>>
    %dma_start3A_17 = arith.constant 0 : i32
    %dma_start3A_18 = arith.constant 0 : i32
    %dma_start3A_19 = tpu.memref_slice %arg2[%dma_start3A_17, %dma_start3A_18] : memref<20480x64xf32, #tpu.memory_space<hbm>> -> memref<20480x64xf32, #tpu.memory_space<hbm>>
    tpu.enqueue_indirect_dma source(%dma_start3A_19 : memref<20480x64xf32, #tpu.memory_space<hbm>>) target(%arg10 : memref<128x64xf32, #tpu.memory_space<vmem>>) offsets(%dma_start3A_16 : memref<128xi32, #tpu.memory_space<vmem>>) semaphore(%arg14 : memref<!tpu.dma_semaphore, #tpu.memory_space<semaphore_mem>>)
    %dma_start3A_20 = arith.constant 1 : i32
    %dma_start3A_21 = arith.constant 0 : i32
    %dma_start3A_22 = tpu.memref_slice %arg7[%dma_start3A_20, %dma_start3A_21] : memref<160x128xi32, #tpu.memory_space<vmem>> -> memref<1x128xi32, #tpu.memory_space<vmem>>
    %dma_start3A_23 = tpu.memref_squeeze %dma_start3A_22 : memref<1x128xi32, #tpu.memory_space<vmem>> -> memref<128xi32, #tpu.memory_space<vmem>>
    %dma_start3A_24 = arith.constant 0 : i32
    %dma_start3A_25 = arith.constant 0 : i32
    %dma_start3A_26 = tpu.memref_slice %arg2[%dma_start3A_24, %dma_start3A_25] : memref<20480x64xf32, #tpu.memory_space<hbm>> -> memref<20480x64xf32, #tpu.memory_space<hbm>>
    tpu.enqueue_indirect_dma source(%dma_start3A_26 : memref<20480x64xf32, #tpu.memory_space<hbm>>) target(%arg11 : memref<128x64xf32, #tpu.memory_space<vmem>>) offsets(%dma_start3A_23 : memref<128xi32, #tpu.memory_space<vmem>>) semaphore(%arg15 : memref<!tpu.dma_semaphore, #tpu.memory_space<semaphore_mem>>)
    %dma_start3A_27 = arith.constant 2 : i32
    %dma_start3A_28 = arith.constant 0 : i32
    %dma_start3A_29 = tpu.memref_slice %arg7[%dma_start3A_27, %dma_start3A_28] : memref<160x128xi32, #tpu.memory_space<vmem>> -> memref<1x128xi32, #tpu.memory_space<vmem>>
    %dma_start3A_30 = tpu.memref_squeeze %dma_start3A_29 : memref<1x128xi32, #tpu.memory_space<vmem>> -> memref<128xi32, #tpu.memory_space<vmem>>
    %dma_start3A_31 = arith.constant 0 : i32
    %dma_start3A_32 = arith.constant 0 : i32
    %dma_start3A_33 = tpu.memref_slice %arg2[%dma_start3A_31, %dma_start3A_32] : memref<20480x64xf32, #tpu.memory_space<hbm>> -> memref<20480x64xf32, #tpu.memory_space<hbm>>
    tpu.enqueue_indirect_dma source(%dma_start3A_33 : memref<20480x64xf32, #tpu.memory_space<hbm>>) target(%arg12 : memref<128x64xf32, #tpu.memory_space<vmem>>) offsets(%dma_start3A_30 : memref<128xi32, #tpu.memory_space<vmem>>) semaphore(%arg16 : memref<!tpu.dma_semaphore, #tpu.memory_space<semaphore_mem>>)
    %dma_start3A_34 = arith.constant 3 : i32
    %dma_start3A_35 = arith.constant 0 : i32
    %dma_start3A_36 = tpu.memref_slice %arg7[%dma_start3A_34, %dma_start3A_35] : memref<160x128xi32, #tpu.memory_space<vmem>> -> memref<1x128xi32, #tpu.memory_space<vmem>>
    %dma_start3A_37 = tpu.memref_squeeze %dma_start3A_36 : memref<1x128xi32, #tpu.memory_space<vmem>> -> memref<128xi32, #tpu.memory_space<vmem>>
    %dma_start3A_38 = arith.constant 0 : i32
    %dma_start3A_39 = arith.constant 0 : i32
    %dma_start3A_40 = tpu.memref_slice %arg2[%dma_start3A_38, %dma_start3A_39] : memref<20480x64xf32, #tpu.memory_space<hbm>> -> memref<20480x64xf32, #tpu.memory_space<hbm>>
    tpu.enqueue_indirect_dma source(%dma_start3A_40 : memref<20480x64xf32, #tpu.memory_space<hbm>>) target(%arg13 : memref<128x64xf32, #tpu.memory_space<vmem>>) offsets(%dma_start3A_37 : memref<128xi32, #tpu.memory_space<vmem>>) semaphore(%arg17 : memref<!tpu.dma_semaphore, #tpu.memory_space<semaphore_mem>>)
    %scan3A_41 = arith.constant 0 : i32
    %scan3A_42 = arith.constant 0 : i32
    %scan3A_43 = arith.constant 40 : i32
    %scan3A_44 = arith.addi %scan3A_42, %scan3A_43 : i32
    %scan3A_45 = arith.constant 1 : i32
    %scan3A_46 = scf.for %scan3A_54 = %scan3A_42 to %scan3A_44 step %scan3A_45 iter_args(%scan3A_55 = %scan3A_41) -> (i32)  : i32 {
      %mul3A_56 = arith.constant 4 : i32
      %mul3A_57 = arith.muli %scan3A_54, %mul3A_56 : i32
      %add3A_58 = arith.constant 0 : i32
      %add3A_59 = arith.addi %mul3A_57, %add3A_58 : i32
      %dma_wait3A = arith.constant 0 : i32
      %dma_wait3A_60 = tpu.memref_slice %arg7[%add3A_59, %dma_wait3A] : memref<160x128xi32, #tpu.memory_space<vmem>> -> memref<1x128xi32, #tpu.memory_space<vmem>>
      %dma_wait3A_61 = tpu.memref_squeeze %dma_wait3A_60 : memref<1x128xi32, #tpu.memory_space<vmem>> -> memref<128xi32, #tpu.memory_space<vmem>>
      %dma_wait3A_62 = arith.constant 0 : i32
      %dma_wait3A_63 = arith.constant 0 : i32
      %dma_wait3A_64 = tpu.memref_slice %arg2[%dma_wait3A_62, %dma_wait3A_63] : memref<20480x64xf32, #tpu.memory_space<hbm>> -> memref<20480x64xf32, #tpu.memory_space<hbm>>
      tpu.wait_indirect_dma semaphore(%arg14 : memref<!tpu.dma_semaphore, #tpu.memory_space<semaphore_mem>>) src(%dma_wait3A_64 : memref<20480x64xf32, #tpu.memory_space<hbm>>) dst(%arg10 : memref<128x64xf32, #tpu.memory_space<vmem>>)
      "tpu.region"() ({
        %run_scoped3A = tpu.sem_alloc : memref<!tpu.dma_semaphore, #tpu.memory_space<semaphore_mem>>
        %dma_start3A_115 = arith.constant 0 : i32
        %dma_start3A_116 = tpu.memref_slice %arg6[%add3A_59, %dma_start3A_115] : memref<160x128xi32, #tpu.memory_space<vmem>> -> memref<1x128xi32, #tpu.memory_space<vmem>>
        %dma_start3A_117 = tpu.memref_squeeze %dma_start3A_116 : memref<1x128xi32, #tpu.memory_space<vmem>> -> memref<128xi32, #tpu.memory_space<vmem>>
        %dma_start3A_118 = arith.constant 0 : i32
        %dma_start3A_119 = arith.constant 0 : i32
        %dma_start3A_120 = tpu.memref_slice %arg9[%dma_start3A_118, %dma_start3A_119] : memref<10240x64xf32, #tpu.memory_space<vmem_shared>> -> memref<10240x64xf32, #tpu.memory_space<vmem_shared>>
        tpu.enqueue_indirect_dma source(%arg10 : memref<128x64xf32, #tpu.memory_space<vmem>>) target(%dma_start3A_120 : memref<10240x64xf32, #tpu.memory_space<vmem_shared>>) offsets(%dma_start3A_117 : memref<128xi32, #tpu.memory_space<vmem>>) semaphore(%run_scoped3A : memref<!tpu.dma_semaphore, #tpu.memory_space<semaphore_mem>>) {add = true}
        %dma_wait3A_121 = arith.constant 0 : i32
        %dma_wait3A_122 = tpu.memref_slice %arg6[%add3A_59, %dma_wait3A_121] : memref<160x128xi32, #tpu.memory_space<vmem>> -> memref<1x128xi32, #tpu.memory_space<vmem>>
        %dma_wait3A_123 = tpu.memref_squeeze %dma_wait3A_122 : memref<1x128xi32, #tpu.memory_space<vmem>> -> memref<128xi32, #tpu.memory_space<vmem>>
        %dma_wait3A_124 = arith.constant 0 : i32
        %dma_wait3A_125 = arith.constant 0 : i32
        %dma_wait3A_126 = tpu.memref_slice %arg9[%dma_wait3A_124, %dma_wait3A_125] : memref<10240x64xf32, #tpu.memory_space<vmem_shared>> -> memref<10240x64xf32, #tpu.memory_space<vmem_shared>>
        tpu.wait_indirect_dma semaphore(%run_scoped3A : memref<!tpu.dma_semaphore, #tpu.memory_space<semaphore_mem>>) src(%arg10 : memref<128x64xf32, #tpu.memory_space<vmem>>) dst(%dma_wait3A_126 : memref<10240x64xf32, #tpu.memory_space<vmem_shared>>)
        tpu.yield
      }) : () -> ()
      %add3A_65 = arith.constant 4 : i32
      %add3A_66 = arith.addi %add3A_59, %add3A_65 : i32
      %lt3A = arith.constant 160 : i32
      %lt3A_67 = arith.cmpi slt, %add3A_66, %lt3A : i32
      %convert_element_type3A = arith.extui %lt3A_67 : i1 to i32
      %cond3A = arith.constant 0 : i32
      %cond3A_68 = arith.cmpi ne, %convert_element_type3A, %cond3A : i32
      scf.if %cond3A_68 {
        %add3A_115 = arith.constant 4 : i32
        %add3A_116 = arith.addi %add3A_59, %add3A_115 : i32
        %dma_start3A_117 = arith.constant 0 : i32
        %dma_start3A_118 = tpu.memref_slice %arg7[%add3A_116, %dma_start3A_117] : memref<160x128xi32, #tpu.memory_space<vmem>> -> memref<1x128xi32, #tpu.memory_space<vmem>>
        %dma_start3A_119 = tpu.memref_squeeze %dma_start3A_118 : memref<1x128xi32, #tpu.memory_space<vmem>> -> memref<128xi32, #tpu.memory_space<vmem>>
        %dma_start3A_120 = arith.constant 0 : i32
        %dma_start3A_121 = arith.constant 0 : i32
        %dma_start3A_122 = tpu.memref_slice %arg2[%dma_start3A_120, %dma_start3A_121] : memref<20480x64xf32, #tpu.memory_space<hbm>> -> memref<20480x64xf32, #tpu.memory_space<hbm>>
        tpu.enqueue_indirect_dma source(%dma_start3A_122 : memref<20480x64xf32, #tpu.memory_space<hbm>>) target(%arg10 : memref<128x64xf32, #tpu.memory_space<vmem>>) offsets(%dma_start3A_119 : memref<128xi32, #tpu.memory_space<vmem>>) semaphore(%arg14 : memref<!tpu.dma_semaphore, #tpu.memory_space<semaphore_mem>>)
      } else {
      }
      %add3A_69 = arith.constant 1 : i32
      %add3A_70 = arith.addi %mul3A_57, %add3A_69 : i32
      %dma_wait3A_71 = arith.constant 0 : i32
      %dma_wait3A_72 = tpu.memref_slice %arg7[%add3A_70, %dma_wait3A_71] : memref<160x128xi32, #tpu.memory_space<vmem>> -> memref<1x128xi32, #tpu.memory_space<vmem>>
      %dma_wait3A_73 = tpu.memref_squeeze %dma_wait3A_72 : memref<1x128xi32, #tpu.memory_space<vmem>> -> memref<128xi32, #tpu.memory_space<vmem>>
      %dma_wait3A_74 = arith.constant 0 : i32
      %dma_wait3A_75 = arith.constant 0 : i32
      %dma_wait3A_76 = tpu.memref_slice %arg2[%dma_wait3A_74, %dma_wait3A_75] : memref<20480x64xf32, #tpu.memory_space<hbm>> -> memref<20480x64xf32, #tpu.memory_space<hbm>>
      tpu.wait_indirect_dma semaphore(%arg15 : memref<!tpu.dma_semaphore, #tpu.memory_space<semaphore_mem>>) src(%dma_wait3A_76 : memref<20480x64xf32, #tpu.memory_space<hbm>>) dst(%arg11 : memref<128x64xf32, #tpu.memory_space<vmem>>)
      "tpu.region"() ({
        %run_scoped3A = tpu.sem_alloc : memref<!tpu.dma_semaphore, #tpu.memory_space<semaphore_mem>>
        %dma_start3A_115 = arith.constant 0 : i32
        %dma_start3A_116 = tpu.memref_slice %arg6[%add3A_70, %dma_start3A_115] : memref<160x128xi32, #tpu.memory_space<vmem>> -> memref<1x128xi32, #tpu.memory_space<vmem>>
        %dma_start3A_117 = tpu.memref_squeeze %dma_start3A_116 : memref<1x128xi32, #tpu.memory_space<vmem>> -> memref<128xi32, #tpu.memory_space<vmem>>
        %dma_start3A_118 = arith.constant 0 : i32
        %dma_start3A_119 = arith.constant 0 : i32
        %dma_start3A_120 = tpu.memref_slice %arg9[%dma_start3A_118, %dma_start3A_119] : memref<10240x64xf32, #tpu.memory_space<vmem_shared>> -> memref<10240x64xf32, #tpu.memory_space<vmem_shared>>
        tpu.enqueue_indirect_dma source(%arg11 : memref<128x64xf32, #tpu.memory_space<vmem>>) target(%dma_start3A_120 : memref<10240x64xf32, #tpu.memory_space<vmem_shared>>) offsets(%dma_start3A_117 : memref<128xi32, #tpu.memory_space<vmem>>) semaphore(%run_scoped3A : memref<!tpu.dma_semaphore, #tpu.memory_space<semaphore_mem>>) {add = true}
        %dma_wait3A_121 = arith.constant 0 : i32
        %dma_wait3A_122 = tpu.memref_slice %arg6[%add3A_70, %dma_wait3A_121] : memref<160x128xi32, #tpu.memory_space<vmem>> -> memref<1x128xi32, #tpu.memory_space<vmem>>
        %dma_wait3A_123 = tpu.memref_squeeze %dma_wait3A_122 : memref<1x128xi32, #tpu.memory_space<vmem>> -> memref<128xi32, #tpu.memory_space<vmem>>
        %dma_wait3A_124 = arith.constant 0 : i32
        %dma_wait3A_125 = arith.constant 0 : i32
        %dma_wait3A_126 = tpu.memref_slice %arg9[%dma_wait3A_124, %dma_wait3A_125] : memref<10240x64xf32, #tpu.memory_space<vmem_shared>> -> memref<10240x64xf32, #tpu.memory_space<vmem_shared>>
        tpu.wait_indirect_dma semaphore(%run_scoped3A : memref<!tpu.dma_semaphore, #tpu.memory_space<semaphore_mem>>) src(%arg11 : memref<128x64xf32, #tpu.memory_space<vmem>>) dst(%dma_wait3A_126 : memref<10240x64xf32, #tpu.memory_space<vmem_shared>>)
        tpu.yield
      }) : () -> ()
      %add3A_77 = arith.constant 4 : i32
      %add3A_78 = arith.addi %add3A_70, %add3A_77 : i32
      %lt3A_79 = arith.constant 160 : i32
      %lt3A_80 = arith.cmpi slt, %add3A_78, %lt3A_79 : i32
      %convert_element_type3A_81 = arith.extui %lt3A_80 : i1 to i32
      %cond3A_82 = arith.constant 0 : i32
      %cond3A_83 = arith.cmpi ne, %convert_element_type3A_81, %cond3A_82 : i32
      scf.if %cond3A_83 {
        %add3A_115 = arith.constant 4 : i32
        %add3A_116 = arith.addi %add3A_70, %add3A_115 : i32
        %dma_start3A_117 = arith.constant 0 : i32
        %dma_start3A_118 = tpu.memref_slice %arg7[%add3A_116, %dma_start3A_117] : memref<160x128xi32, #tpu.memory_space<vmem>> -> memref<1x128xi32, #tpu.memory_space<vmem>>
        %dma_start3A_119 = tpu.memref_squeeze %dma_start3A_118 : memref<1x128xi32, #tpu.memory_space<vmem>> -> memref<128xi32, #tpu.memory_space<vmem>>
        %dma_start3A_120 = arith.constant 0 : i32
        %dma_start3A_121 = arith.constant 0 : i32
        %dma_start3A_122 = tpu.memref_slice %arg2[%dma_start3A_120, %dma_start3A_121] : memref<20480x64xf32, #tpu.memory_space<hbm>> -> memref<20480x64xf32, #tpu.memory_space<hbm>>
        tpu.enqueue_indirect_dma source(%dma_start3A_122 : memref<20480x64xf32, #tpu.memory_space<hbm>>) target(%arg11 : memref<128x64xf32, #tpu.memory_space<vmem>>) offsets(%dma_start3A_119 : memref<128xi32, #tpu.memory_space<vmem>>) semaphore(%arg15 : memref<!tpu.dma_semaphore, #tpu.memory_space<semaphore_mem>>)
      } else {
      }
      %add3A_84 = arith.constant 2 : i32
      %add3A_85 = arith.addi %mul3A_57, %add3A_84 : i32
      %dma_wait3A_86 = arith.constant 0 : i32
      %dma_wait3A_87 = tpu.memref_slice %arg7[%add3A_85, %dma_wait3A_86] : memref<160x128xi32, #tpu.memory_space<vmem>> -> memref<1x128xi32, #tpu.memory_space<vmem>>
      %dma_wait3A_88 = tpu.memref_squeeze %dma_wait3A_87 : memref<1x128xi32, #tpu.memory_space<vmem>> -> memref<128xi32, #tpu.memory_space<vmem>>
      %dma_wait3A_89 = arith.constant 0 : i32
      %dma_wait3A_90 = arith.constant 0 : i32
      %dma_wait3A_91 = tpu.memref_slice %arg2[%dma_wait3A_89, %dma_wait3A_90] : memref<20480x64xf32, #tpu.memory_space<hbm>> -> memref<20480x64xf32, #tpu.memory_space<hbm>>
      tpu.wait_indirect_dma semaphore(%arg16 : memref<!tpu.dma_semaphore, #tpu.memory_space<semaphore_mem>>) src(%dma_wait3A_91 : memref<20480x64xf32, #tpu.memory_space<hbm>>) dst(%arg12 : memref<128x64xf32, #tpu.memory_space<vmem>>)
      "tpu.region"() ({
        %run_scoped3A = tpu.sem_alloc : memref<!tpu.dma_semaphore, #tpu.memory_space<semaphore_mem>>
        %dma_start3A_115 = arith.constant 0 : i32
        %dma_start3A_116 = tpu.memref_slice %arg6[%add3A_85, %dma_start3A_115] : memref<160x128xi32, #tpu.memory_space<vmem>> -> memref<1x128xi32, #tpu.memory_space<vmem>>
        %dma_start3A_117 = tpu.memref_squeeze %dma_start3A_116 : memref<1x128xi32, #tpu.memory_space<vmem>> -> memref<128xi32, #tpu.memory_space<vmem>>
        %dma_start3A_118 = arith.constant 0 : i32
        %dma_start3A_119 = arith.constant 0 : i32
        %dma_start3A_120 = tpu.memref_slice %arg9[%dma_start3A_118, %dma_start3A_119] : memref<10240x64xf32, #tpu.memory_space<vmem_shared>> -> memref<10240x64xf32, #tpu.memory_space<vmem_shared>>
        tpu.enqueue_indirect_dma source(%arg12 : memref<128x64xf32, #tpu.memory_space<vmem>>) target(%dma_start3A_120 : memref<10240x64xf32, #tpu.memory_space<vmem_shared>>) offsets(%dma_start3A_117 : memref<128xi32, #tpu.memory_space<vmem>>) semaphore(%run_scoped3A : memref<!tpu.dma_semaphore, #tpu.memory_space<semaphore_mem>>) {add = true}
        %dma_wait3A_121 = arith.constant 0 : i32
        %dma_wait3A_122 = tpu.memref_slice %arg6[%add3A_85, %dma_wait3A_121] : memref<160x128xi32, #tpu.memory_space<vmem>> -> memref<1x128xi32, #tpu.memory_space<vmem>>
        %dma_wait3A_123 = tpu.memref_squeeze %dma_wait3A_122 : memref<1x128xi32, #tpu.memory_space<vmem>> -> memref<128xi32, #tpu.memory_space<vmem>>
        %dma_wait3A_124 = arith.constant 0 : i32
        %dma_wait3A_125 = arith.constant 0 : i32
        %dma_wait3A_126 = tpu.memref_slice %arg9[%dma_wait3A_124, %dma_wait3A_125] : memref<10240x64xf32, #tpu.memory_space<vmem_shared>> -> memref<10240x64xf32, #tpu.memory_space<vmem_shared>>
        tpu.wait_indirect_dma semaphore(%run_scoped3A : memref<!tpu.dma_semaphore, #tpu.memory_space<semaphore_mem>>) src(%arg12 : memref<128x64xf32, #tpu.memory_space<vmem>>) dst(%dma_wait3A_126 : memref<10240x64xf32, #tpu.memory_space<vmem_shared>>)
        tpu.yield
      }) : () -> ()
      %add3A_92 = arith.constant 4 : i32
      %add3A_93 = arith.addi %add3A_85, %add3A_92 : i32
      %lt3A_94 = arith.constant 160 : i32
      %lt3A_95 = arith.cmpi slt, %add3A_93, %lt3A_94 : i32
      %convert_element_type3A_96 = arith.extui %lt3A_95 : i1 to i32
      %cond3A_97 = arith.constant 0 : i32
      %cond3A_98 = arith.cmpi ne, %convert_element_type3A_96, %cond3A_97 : i32
      scf.if %cond3A_98 {
        %add3A_115 = arith.constant 4 : i32
        %add3A_116 = arith.addi %add3A_85, %add3A_115 : i32
        %dma_start3A_117 = arith.constant 0 : i32
        %dma_start3A_118 = tpu.memref_slice %arg7[%add3A_116, %dma_start3A_117] : memref<160x128xi32, #tpu.memory_space<vmem>> -> memref<1x128xi32, #tpu.memory_space<vmem>>
        %dma_start3A_119 = tpu.memref_squeeze %dma_start3A_118 : memref<1x128xi32, #tpu.memory_space<vmem>> -> memref<128xi32, #tpu.memory_space<vmem>>
        %dma_start3A_120 = arith.constant 0 : i32
        %dma_start3A_121 = arith.constant 0 : i32
        %dma_start3A_122 = tpu.memref_slice %arg2[%dma_start3A_120, %dma_start3A_121] : memref<20480x64xf32, #tpu.memory_space<hbm>> -> memref<20480x64xf32, #tpu.memory_space<hbm>>
        tpu.enqueue_indirect_dma source(%dma_start3A_122 : memref<20480x64xf32, #tpu.memory_space<hbm>>) target(%arg12 : memref<128x64xf32, #tpu.memory_space<vmem>>) offsets(%dma_start3A_119 : memref<128xi32, #tpu.memory_space<vmem>>) semaphore(%arg16 : memref<!tpu.dma_semaphore, #tpu.memory_space<semaphore_mem>>)
      } else {
      }
      %add3A_99 = arith.constant 3 : i32
      %add3A_100 = arith.addi %mul3A_57, %add3A_99 : i32
      %dma_wait3A_101 = arith.constant 0 : i32
      %dma_wait3A_102 = tpu.memref_slice %arg7[%add3A_100, %dma_wait3A_101] : memref<160x128xi32, #tpu.memory_space<vmem>> -> memref<1x128xi32, #tpu.memory_space<vmem>>
      %dma_wait3A_103 = tpu.memref_squeeze %dma_wait3A_102 : memref<1x128xi32, #tpu.memory_space<vmem>> -> memref<128xi32, #tpu.memory_space<vmem>>
      %dma_wait3A_104 = arith.constant 0 : i32
      %dma_wait3A_105 = arith.constant 0 : i32
      %dma_wait3A_106 = tpu.memref_slice %arg2[%dma_wait3A_104, %dma_wait3A_105] : memref<20480x64xf32, #tpu.memory_space<hbm>> -> memref<20480x64xf32, #tpu.memory_space<hbm>>
      tpu.wait_indirect_dma semaphore(%arg17 : memref<!tpu.dma_semaphore, #tpu.memory_space<semaphore_mem>>) src(%dma_wait3A_106 : memref<20480x64xf32, #tpu.memory_space<hbm>>) dst(%arg13 : memref<128x64xf32, #tpu.memory_space<vmem>>)
      "tpu.region"() ({
        %run_scoped3A = tpu.sem_alloc : memref<!tpu.dma_semaphore, #tpu.memory_space<semaphore_mem>>
        %dma_start3A_115 = arith.constant 0 : i32
        %dma_start3A_116 = tpu.memref_slice %arg6[%add3A_100, %dma_start3A_115] : memref<160x128xi32, #tpu.memory_space<vmem>> -> memref<1x128xi32, #tpu.memory_space<vmem>>
        %dma_start3A_117 = tpu.memref_squeeze %dma_start3A_116 : memref<1x128xi32, #tpu.memory_space<vmem>> -> memref<128xi32, #tpu.memory_space<vmem>>
        %dma_start3A_118 = arith.constant 0 : i32
        %dma_start3A_119 = arith.constant 0 : i32
        %dma_start3A_120 = tpu.memref_slice %arg9[%dma_start3A_118, %dma_start3A_119] : memref<10240x64xf32, #tpu.memory_space<vmem_shared>> -> memref<10240x64xf32, #tpu.memory_space<vmem_shared>>
        tpu.enqueue_indirect_dma source(%arg13 : memref<128x64xf32, #tpu.memory_space<vmem>>) target(%dma_start3A_120 : memref<10240x64xf32, #tpu.memory_space<vmem_shared>>) offsets(%dma_start3A_117 : memref<128xi32, #tpu.memory_space<vmem>>) semaphore(%run_scoped3A : memref<!tpu.dma_semaphore, #tpu.memory_space<semaphore_mem>>) {add = true}
        %dma_wait3A_121 = arith.constant 0 : i32
        %dma_wait3A_122 = tpu.memref_slice %arg6[%add3A_100, %dma_wait3A_121] : memref<160x128xi32, #tpu.memory_space<vmem>> -> memref<1x128xi32, #tpu.memory_space<vmem>>
        %dma_wait3A_123 = tpu.memref_squeeze %dma_wait3A_122 : memref<1x128xi32, #tpu.memory_space<vmem>> -> memref<128xi32, #tpu.memory_space<vmem>>
        %dma_wait3A_124 = arith.constant 0 : i32
        %dma_wait3A_125 = arith.constant 0 : i32
        %dma_wait3A_126 = tpu.memref_slice %arg9[%dma_wait3A_124, %dma_wait3A_125] : memref<10240x64xf32, #tpu.memory_space<vmem_shared>> -> memref<10240x64xf32, #tpu.memory_space<vmem_shared>>
        tpu.wait_indirect_dma semaphore(%run_scoped3A : memref<!tpu.dma_semaphore, #tpu.memory_space<semaphore_mem>>) src(%arg13 : memref<128x64xf32, #tpu.memory_space<vmem>>) dst(%dma_wait3A_126 : memref<10240x64xf32, #tpu.memory_space<vmem_shared>>)
        tpu.yield
      }) : () -> ()
      %add3A_107 = arith.constant 4 : i32
      %add3A_108 = arith.addi %add3A_100, %add3A_107 : i32
      %lt3A_109 = arith.constant 160 : i32
      %lt3A_110 = arith.cmpi slt, %add3A_108, %lt3A_109 : i32
      %convert_element_type3A_111 = arith.extui %lt3A_110 : i1 to i32
      %cond3A_112 = arith.constant 0 : i32
      %cond3A_113 = arith.cmpi ne, %convert_element_type3A_111, %cond3A_112 : i32
      scf.if %cond3A_113 {
        %add3A_115 = arith.constant 4 : i32
        %add3A_116 = arith.addi %add3A_100, %add3A_115 : i32
        %dma_start3A_117 = arith.constant 0 : i32
        %dma_start3A_118 = tpu.memref_slice %arg7[%add3A_116, %dma_start3A_117] : memref<160x128xi32, #tpu.memory_space<vmem>> -> memref<1x128xi32, #tpu.memory_space<vmem>>
        %dma_start3A_119 = tpu.memref_squeeze %dma_start3A_118 : memref<1x128xi32, #tpu.memory_space<vmem>> -> memref<128xi32, #tpu.memory_space<vmem>>
        %dma_start3A_120 = arith.constant 0 : i32
        %dma_start3A_121 = arith.constant 0 : i32
        %dma_start3A_122 = tpu.memref_slice %arg2[%dma_start3A_120, %dma_start3A_121] : memref<20480x64xf32, #tpu.memory_space<hbm>> -> memref<20480x64xf32, #tpu.memory_space<hbm>>
        tpu.enqueue_indirect_dma source(%dma_start3A_122 : memref<20480x64xf32, #tpu.memory_space<hbm>>) target(%arg13 : memref<128x64xf32, #tpu.memory_space<vmem>>) offsets(%dma_start3A_119 : memref<128xi32, #tpu.memory_space<vmem>>) semaphore(%arg17 : memref<!tpu.dma_semaphore, #tpu.memory_space<semaphore_mem>>)
      } else {
      }
      %scan3A_114 = arith.constant 0 : i32
      scf.yield %scan3A_114 : i32
    }
    %scan3A_47 = arith.constant 40 : i32
    %barrier3A_48 = arith.constant 0 : index
    tpu.barrier barrier_id(%barrier3A_48)
    %mul3A = arith.constant 640 : i32
    %mul3A_49 = arith.muli %arg1, %mul3A : i32
    %mul3A_50 = arith.constant 10240 : i32
    %mul3A_51 = arith.muli %arg0, %mul3A_50 : i32
    %mul3A_52 = arith.constant 640 : i32
    %mul3A_53 = arith.muli %arg1, %mul3A_52 : i32
    %add3A = arith.addi %mul3A_51, %mul3A_53 : i32
    "tpu.region"() ({
      %run_scoped3A = tpu.sem_alloc : memref<!tpu.dma_semaphore, #tpu.memory_space<semaphore_mem>>
      %dma_start3A_54 = arith.constant 0 : i32
      %dma_start3A_55 = tpu.memref_slice %arg5[%add3A, %dma_start3A_54] : memref<20480x64xf32, #tpu.memory_space<hbm>> -> memref<640x64xf32, #tpu.memory_space<hbm>>
      %dma_start3A_56 = arith.constant 0 : i32
      %dma_start3A_57 = tpu.memref_slice %arg9[%mul3A_49, %dma_start3A_56] : memref<10240x64xf32, #tpu.memory_space<vmem_shared>> -> memref<640x64xf32, #tpu.memory_space<vmem_shared>>
      tpu.enqueue_dma source(%dma_start3A_57 : memref<640x64xf32, #tpu.memory_space<vmem_shared>>) target(%dma_start3A_55 : memref<640x64xf32, #tpu.memory_space<hbm>>) target_semaphore(%run_scoped3A : memref<!tpu.dma_semaphore, #tpu.memory_space<semaphore_mem>>)
      %dma_wait3A = arith.constant 0 : i32
      %dma_wait3A_58 = tpu.memref_slice %arg5[%add3A, %dma_wait3A] : memref<20480x64xf32, #tpu.memory_space<hbm>> -> memref<640x64xf32, #tpu.memory_space<hbm>>
      %dma_wait3A_59 = arith.constant 0 : i32
      %dma_wait3A_60 = tpu.memref_slice %arg9[%mul3A_49, %dma_wait3A_59] : memref<10240x64xf32, #tpu.memory_space<vmem_shared>> -> memref<640x64xf32, #tpu.memory_space<vmem_shared>>
      tpu.wait_dma2 semaphore(%run_scoped3A : memref<!tpu.dma_semaphore, #tpu.memory_space<semaphore_mem>>) src(%dma_wait3A_60 : memref<640x64xf32, #tpu.memory_space<vmem_shared>>) dst(%dma_wait3A_58 : memref<640x64xf32, #tpu.memory_space<hbm>>)
      tpu.yield
    }) : () -> ()
    return
  }
}

module attributes {stable_mosaic.version = 14 : i64} {
  func.func @_kdeg(%arg0: memref<32x80x128xf32, #tpu.memory_space<vmem>>, %arg1: memref<80x128xf32, #tpu.memory_space<vmem>>) attributes {dimension_semantics = [], scalar_prefetch = 0 : i64, scratch_operands = 0 : i64, tpu.core_type = #tpu.core_type<tc>} {
    %get3A = arith.constant 0 : index
    %get3A_0 = arith.constant 0 : index
    %get3A_1 = arith.constant 0 : index
    %get3A_2 = vector.load %arg0[%get3A, %get3A_0, %get3A_1] : memref<32x80x128xf32, #tpu.memory_space<vmem>>, vector<32x80x128xf32>
    %reduce_sum3A = arith.constant dense<0.000000e+00> : vector<80x128xf32>
    %reduce_sum3A_3 = vector.multi_reduction <add>, %get3A_2, %reduce_sum3A [0] : vector<32x80x128xf32> to vector<80x128xf32>
    %add3A = arith.constant 1.000000e+00 : f32
    %add3A_4 = vector.broadcast %add3A : f32 to vector<80x128xf32>
    %add3A_5 = arith.addf %reduce_sum3A_3, %add3A_4 : vector<80x128xf32>
    %rsqrt3A = math.rsqrt %add3A_5 : vector<80x128xf32>
    %swap3A = arith.constant 0 : index
    %swap3A_6 = arith.constant 0 : index
    %swap3A_7 = vector.load %arg1[%swap3A, %swap3A_6] : memref<80x128xf32, #tpu.memory_space<vmem>>, vector<80x128xf32>
    tpu.vector_store %arg1[%swap3A, %swap3A_6], %rsqrt3A {strides = array<i32>} : memref<80x128xf32, #tpu.memory_space<vmem>>, vector<80x128xf32>,
    return
  }
}

module attributes {stable_mosaic.version = 14 : i64} {
  func.func @_k0(%arg0: i32, %arg1: memref<2x1024x64xf32, #tpu.memory_space<vmem>>, %arg2: memref<1024x64xf32, #tpu.memory_space<vmem>>, %arg3: memref<2x1024x64xf32, #tpu.memory_space<vmem>>) attributes {dimension_semantics = [#tpu.dimension_semantics<parallel>], iteration_bounds = array<i64: 10>, scalar_prefetch = 0 : i64, scratch_operands = 0 : i64, tpu.core_type = #tpu.core_type<tc>, window_params = [{transform_indices = @transform_0, window_bounds = array<i64: 2, 1024, 64>}, {transform_indices = @transform_1, window_bounds = array<i64: 1024, 64>}, {transform_indices = @transform_2, window_bounds = array<i64: 2, 1024, 64>}]} {
    %get3A = arith.constant 0 : index
    %get3A_0 = arith.constant 0 : index
    %get3A_1 = vector.load %arg2[%get3A, %get3A_0] : memref<1024x64xf32, #tpu.memory_space<vmem>>, vector<1024x64xf32>
    %get3A_2 = arith.constant 0 : index
    %get3A_3 = arith.constant 0 : index
    %get3A_4 = arith.constant 0 : index
    %get3A_5 = vector.load %arg1[%get3A_2, %get3A_3, %get3A_4] : memref<2x1024x64xf32, #tpu.memory_space<vmem>>, vector<1x1024x64xf32>
    %get3A_6 = vector.shape_cast %get3A_5 : vector<1x1024x64xf32> to vector<1024x64xf32>
    %mul3A = arith.mulf %get3A_6, %get3A_1 : vector<1024x64xf32>
    %swap3A = arith.constant 0 : index
    %swap3A_7 = arith.constant 0 : index
    %swap3A_8 = arith.constant 0 : index
    %swap3A_9 = vector.load %arg3[%swap3A, %swap3A_7, %swap3A_8] : memref<2x1024x64xf32, #tpu.memory_space<vmem>>, vector<1x1024x64xf32>
    %swap3A_10 = vector.shape_cast %swap3A_9 : vector<1x1024x64xf32> to vector<1024x64xf32>
    %swap3A_11 = vector.shape_cast %mul3A : vector<1024x64xf32> to vector<1x1024x64xf32>
    tpu.vector_store %arg3[%swap3A, %swap3A_7, %swap3A_8], %swap3A_11 {strides = array<i32>} : memref<2x1024x64xf32, #tpu.memory_space<vmem>>, vector<1x1024x64xf32>,
    %get3A_12 = arith.constant 1 : index
    %get3A_13 = arith.constant 0 : index
    %get3A_14 = arith.constant 0 : index
    %get3A_15 = vector.load %arg1[%get3A_12, %get3A_13, %get3A_14] : memref<2x1024x64xf32, #tpu.memory_space<vmem>>, vector<1x1024x64xf32>
    %get3A_16 = vector.shape_cast %get3A_15 : vector<1x1024x64xf32> to vector<1024x64xf32>
    %mul3A_17 = arith.mulf %get3A_16, %get3A_1 : vector<1024x64xf32>
    %swap3A_18 = arith.constant 1 : index
    %swap3A_19 = arith.constant 0 : index
    %swap3A_20 = arith.constant 0 : index
    %swap3A_21 = vector.load %arg3[%swap3A_18, %swap3A_19, %swap3A_20] : memref<2x1024x64xf32, #tpu.memory_space<vmem>>, vector<1x1024x64xf32>
    %swap3A_22 = vector.shape_cast %swap3A_21 : vector<1x1024x64xf32> to vector<1024x64xf32>
    %swap3A_23 = vector.shape_cast %mul3A_17 : vector<1024x64xf32> to vector<1x1024x64xf32>
    tpu.vector_store %arg3[%swap3A_18, %swap3A_19, %swap3A_20], %swap3A_23 {strides = array<i32>} : memref<2x1024x64xf32, #tpu.memory_space<vmem>>, vector<1x1024x64xf32>,
    return
  }
  func.func @transform_0(%arg0: i32) -> (i32, i32, i32) {
    %c0_i32 = arith.constant 0 : i32
    %c0_i32_0 = arith.constant 0 : i32
    %c0_i32_1 = arith.constant 0 : i32
    return %c0_i32, %arg0, %c0_i32_0 : i32, i32, i32
  }
  func.func @transform_1(%arg0: i32) -> (i32, i32) {
    %c0_i32 = arith.constant 0 : i32
    %c0_i32_0 = arith.constant 0 : i32
    return %arg0, %c0_i32 : i32, i32
  }
  func.func @transform_2(%arg0: i32) -> (i32, i32, i32) {
    %c0_i32 = arith.constant 0 : i32
    %c0_i32_0 = arith.constant 0 : i32
    %c0_i32_1 = arith.constant 0 : i32
    return %c0_i32, %arg0, %c0_i32_0 : i32, i32, i32
  }
}

module attributes {stable_mosaic.version = 14 : i64} {
  func.func @_k12(%arg0: i32, %arg1: memref<2x1024x64xf32, #tpu.memory_space<vmem>>, %arg2: memref<2x1024x64xf32, #tpu.memory_space<vmem>>, %arg3: memref<1024x64xf32, #tpu.memory_space<vmem>>, %arg4: memref<128x512xf32, #tpu.memory_space<vmem>>, %arg5: memref<1x512xf32, #tpu.memory_space<vmem>>, %arg6: memref<4x512x64xf32, #tpu.memory_space<vmem>>, %arg7: memref<2x1024x64xf32, #tpu.memory_space<vmem>>, %arg8: memref<2x1024x64xf32, #tpu.memory_space<vmem>>) attributes {dimension_semantics = [#tpu.dimension_semantics<parallel>], iteration_bounds = array<i64: 10>, scalar_prefetch = 0 : i64, scratch_operands = 0 : i64, tpu.core_type = #tpu.core_type<tc>, window_params = [{transform_indices = @transform_0, window_bounds = array<i64: 2, 1024, 64>}, {transform_indices = @transform_1, window_bounds = array<i64: 2, 1024, 64>}, {transform_indices = @transform_2, window_bounds = array<i64: 1024, 64>}, {pipeline_mode = #tpu.pipeline_mode<synchronous>, transform_indices = @transform_3, window_bounds = array<i64: 128, 512>}, {pipeline_mode = #tpu.pipeline_mode<synchronous>, transform_indices = @transform_4, window_bounds = array<i64: 1, 512>}, {pipeline_mode = #tpu.pipeline_mode<synchronous>, transform_indices = @transform_5, window_bounds = array<i64: 4, 512, 64>}, {transform_indices = @transform_6, window_bounds = array<i64: 2, 1024, 64>}, {transform_indices = @transform_7, window_bounds = array<i64: 2, 1024, 64>}]} {
    %get3A = arith.constant 0 : index
    %get3A_0 = arith.constant 0 : index
    %get3A_1 = vector.load %arg3[%get3A, %get3A_0] : memref<1024x64xf32, #tpu.memory_space<vmem>>, vector<1024x64xf32>
    %get3A_2 = arith.constant 0 : index
    %get3A_3 = arith.constant 0 : index
    %get3A_4 = arith.constant 0 : index
    %get3A_5 = vector.load %arg1[%get3A_2, %get3A_3, %get3A_4] : memref<2x1024x64xf32, #tpu.memory_space<vmem>>, vector<1x1024x64xf32>
    %get3A_6 = vector.shape_cast %get3A_5 : vector<1x1024x64xf32> to vector<1024x64xf32>
    %get3A_7 = arith.constant 0 : index
    %get3A_8 = arith.constant 0 : index
    %get3A_9 = arith.constant 0 : index
    %get3A_10 = vector.load %arg2[%get3A_7, %get3A_8, %get3A_9] : memref<2x1024x64xf32, #tpu.memory_space<vmem>>, vector<1x1024x64xf32>
    %get3A_11 = vector.shape_cast %get3A_10 : vector<1x1024x64xf32> to vector<1024x64xf32>
    %add3A = arith.addf %get3A_6, %get3A_11 : vector<1024x64xf32>
    %mul3A = arith.mulf %add3A, %get3A_1 : vector<1024x64xf32>
    %get3A_12 = arith.constant 1 : index
    %get3A_13 = arith.constant 0 : index
    %get3A_14 = arith.constant 0 : index
    %get3A_15 = vector.load %arg1[%get3A_12, %get3A_13, %get3A_14] : memref<2x1024x64xf32, #tpu.memory_space<vmem>>, vector<1x1024x64xf32>
    %get3A_16 = vector.shape_cast %get3A_15 : vector<1x1024x64xf32> to vector<1024x64xf32>
    %get3A_17 = arith.constant 1 : index
    %get3A_18 = arith.constant 0 : index
    %get3A_19 = arith.constant 0 : index
    %get3A_20 = vector.load %arg2[%get3A_17, %get3A_18, %get3A_19] : memref<2x1024x64xf32, #tpu.memory_space<vmem>>, vector<1x1024x64xf32>
    %get3A_21 = vector.shape_cast %get3A_20 : vector<1x1024x64xf32> to vector<1024x64xf32>
    %add3A_22 = arith.addf %get3A_16, %get3A_21 : vector<1024x64xf32>
    %mul3A_23 = arith.mulf %add3A_22, %get3A_1 : vector<1024x64xf32>
    %get3A_24 = arith.constant 0 : index
    %get3A_25 = arith.constant 0 : index
    %get3A_26 = vector.load %arg4[%get3A_24, %get3A_25] : memref<128x512xf32, #tpu.memory_space<vmem>>, vector<64x512xf32>
    %dot_general3A = arith.constant dense<0.000000e+00> : vector<1024x512xf32>
    %dot_general3A_27 = tpu.matmul %mul3A, %get3A_26, %dot_general3A {dimension_numbers = #tpu.dot_dimension_numbers<[1], [0], [0], [1], [0, 0, 1, 1], [], []>, transpose_lhs_hint = false} : vector<1024x64xf32>, vector<64x512xf32>, vector<1024x512xf32> -> vector<1024x512xf32>
    %get3A_28 = arith.constant 64 : index
    %get3A_29 = arith.constant 0 : index
    %get3A_30 = vector.load %arg4[%get3A_28, %get3A_29] : memref<128x512xf32, #tpu.memory_space<vmem>>, vector<64x512xf32>
    %dot_general3A_31 = arith.constant dense<0.000000e+00> : vector<1024x512xf32>
    %dot_general3A_32 = tpu.matmul %mul3A_23, %get3A_30, %dot_general3A_31 {dimension_numbers = #tpu.dot_dimension_numbers<[1], [0], [0], [1], [0, 0, 1, 1], [], []>, transpose_lhs_hint = false} : vector<1024x64xf32>, vector<64x512xf32>, vector<1024x512xf32> -> vector<1024x512xf32>
    %add3A_33 = arith.addf %dot_general3A_27, %dot_general3A_32 : vector<1024x512xf32>
    %get3A_34 = arith.constant 0 : index
    %get3A_35 = arith.constant 0 : index
    %get3A_36 = vector.load %arg5[%get3A_34, %get3A_35] : memref<1x512xf32, #tpu.memory_space<vmem>>, vector<1x512xf32>
    %add3A_37 = vector.broadcast %get3A_36 : vector<1x512xf32> to vector<1024x512xf32>
    %add3A_38 = arith.addf %add3A_33, %add3A_37 : vector<1024x512xf32>
    %max3A = arith.constant 0.000000e+00 : f32
    %max3A_39 = vector.broadcast %max3A : f32 to vector<1024x512xf32>
    %max3A_40 = arith.maximumf %add3A_38, %max3A_39 : vector<1024x512xf32>
    %get3A_41 = arith.constant 0 : index
    %get3A_42 = arith.constant 0 : index
    %get3A_43 = arith.constant 0 : index
    %get3A_44 = vector.load %arg6[%get3A_41, %get3A_42, %get3A_43] : memref<4x512x64xf32, #tpu.memory_space<vmem>>, vector<1x512x64xf32>
    %get3A_45 = vector.shape_cast %get3A_44 : vector<1x512x64xf32> to vector<512x64xf32>
    %dot_general3A_46 = arith.constant dense<0.000000e+00> : vector<1024x64xf32>
    %dot_general3A_47 = tpu.matmul %max3A_40, %get3A_45, %dot_general3A_46 {dimension_numbers = #tpu.dot_dimension_numbers<[1], [0], [0], [1], [0, 0, 1, 1], [], []>, transpose_lhs_hint = false} : vector<1024x512xf32>, vector<512x64xf32>, vector<1024x64xf32> -> vector<1024x64xf32>
    %mul3A_48 = arith.mulf %dot_general3A_47, %get3A_1 : vector<1024x64xf32>
    %swap3A = arith.constant 0 : index
    %swap3A_49 = arith.constant 0 : index
    %swap3A_50 = arith.constant 0 : index
    %swap3A_51 = vector.load %arg7[%swap3A, %swap3A_49, %swap3A_50] : memref<2x1024x64xf32, #tpu.memory_space<vmem>>, vector<1x1024x64xf32>
    %swap3A_52 = vector.shape_cast %swap3A_51 : vector<1x1024x64xf32> to vector<1024x64xf32>
    %swap3A_53 = vector.shape_cast %mul3A_48 : vector<1024x64xf32> to vector<1x1024x64xf32>
    tpu.vector_store %arg7[%swap3A, %swap3A_49, %swap3A_50], %swap3A_53 {strides = array<i32>} : memref<2x1024x64xf32, #tpu.memory_space<vmem>>, vector<1x1024x64xf32>,
    %get3A_54 = arith.constant 1 : index
    %get3A_55 = arith.constant 0 : index
    %get3A_56 = arith.constant 0 : index
    %get3A_57 = vector.load %arg6[%get3A_54, %get3A_55, %get3A_56] : memref<4x512x64xf32, #tpu.memory_space<vmem>>, vector<1x512x64xf32>
    %get3A_58 = vector.shape_cast %get3A_57 : vector<1x512x64xf32> to vector<512x64xf32>
    %dot_general3A_59 = arith.constant dense<0.000000e+00> : vector<1024x64xf32>
    %dot_general3A_60 = tpu.matmul %max3A_40, %get3A_58, %dot_general3A_59 {dimension_numbers = #tpu.dot_dimension_numbers<[1], [0], [0], [1], [0, 0, 1, 1], [], []>, transpose_lhs_hint = false} : vector<1024x512xf32>, vector<512x64xf32>, vector<1024x64xf32> -> vector<1024x64xf32>
    %mul3A_61 = arith.mulf %dot_general3A_60, %get3A_1 : vector<1024x64xf32>
    %swap3A_62 = arith.constant 1 : index
    %swap3A_63 = arith.constant 0 : index
    %swap3A_64 = arith.constant 0 : index
    %swap3A_65 = vector.load %arg7[%swap3A_62, %swap3A_63, %swap3A_64] : memref<2x1024x64xf32, #tpu.memory_space<vmem>>, vector<1x1024x64xf32>
    %swap3A_66 = vector.shape_cast %swap3A_65 : vector<1x1024x64xf32> to vector<1024x64xf32>
    %swap3A_67 = vector.shape_cast %mul3A_61 : vector<1024x64xf32> to vector<1x1024x64xf32>
    tpu.vector_store %arg7[%swap3A_62, %swap3A_63, %swap3A_64], %swap3A_67 {strides = array<i32>} : memref<2x1024x64xf32, #tpu.memory_space<vmem>>, vector<1x1024x64xf32>,
    %get3A_68 = arith.constant 2 : index
    %get3A_69 = arith.constant 0 : index
    %get3A_70 = arith.constant 0 : index
    %get3A_71 = vector.load %arg6[%get3A_68, %get3A_69, %get3A_70] : memref<4x512x64xf32, #tpu.memory_space<vmem>>, vector<1x512x64xf32>
    %get3A_72 = vector.shape_cast %get3A_71 : vector<1x512x64xf32> to vector<512x64xf32>
    %dot_general3A_73 = arith.constant dense<0.000000e+00> : vector<1024x64xf32>
    %dot_general3A_74 = tpu.matmul %max3A_40, %get3A_72, %dot_general3A_73 {dimension_numbers = #tpu.dot_dimension_numbers<[1], [0], [0], [1], [0, 0, 1, 1], [], []>, transpose_lhs_hint = false} : vector<1024x512xf32>, vector<512x64xf32>, vector<1024x64xf32> -> vector<1024x64xf32>
    %mul3A_75 = arith.mulf %dot_general3A_74, %get3A_1 : vector<1024x64xf32>
    %swap3A_76 = arith.constant 0 : index
    %swap3A_77 = arith.constant 0 : index
    %swap3A_78 = arith.constant 0 : index
    %swap3A_79 = vector.load %arg8[%swap3A_76, %swap3A_77, %swap3A_78] : memref<2x1024x64xf32, #tpu.memory_space<vmem>>, vector<1x1024x64xf32>
    %swap3A_80 = vector.shape_cast %swap3A_79 : vector<1x1024x64xf32> to vector<1024x64xf32>
    %swap3A_81 = vector.shape_cast %mul3A_75 : vector<1024x64xf32> to vector<1x1024x64xf32>
    tpu.vector_store %arg8[%swap3A_76, %swap3A_77, %swap3A_78], %swap3A_81 {strides = array<i32>} : memref<2x1024x64xf32, #tpu.memory_space<vmem>>, vector<1x1024x64xf32>,
    %get3A_82 = arith.constant 3 : index
    %get3A_83 = arith.constant 0 : index
    %get3A_84 = arith.constant 0 : index
    %get3A_85 = vector.load %arg6[%get3A_82, %get3A_83, %get3A_84] : memref<4x512x64xf32, #tpu.memory_space<vmem>>, vector<1x512x64xf32>
    %get3A_86 = vector.shape_cast %get3A_85 : vector<1x512x64xf32> to vector<512x64xf32>
    %dot_general3A_87 = arith.constant dense<0.000000e+00> : vector<1024x64xf32>
    %dot_general3A_88 = tpu.matmul %max3A_40, %get3A_86, %dot_general3A_87 {dimension_numbers = #tpu.dot_dimension_numbers<[1], [0], [0], [1], [0, 0, 1, 1], [], []>, transpose_lhs_hint = false} : vector<1024x512xf32>, vector<512x64xf32>, vector<1024x64xf32> -> vector<1024x64xf32>
    %mul3A_89 = arith.mulf %dot_general3A_88, %get3A_1 : vector<1024x64xf32>
    %swap3A_90 = arith.constant 1 : index
    %swap3A_91 = arith.constant 0 : index
    %swap3A_92 = arith.constant 0 : index
    %swap3A_93 = vector.load %arg8[%swap3A_90, %swap3A_91, %swap3A_92] : memref<2x1024x64xf32, #tpu.memory_space<vmem>>, vector<1x1024x64xf32>
    %swap3A_94 = vector.shape_cast %swap3A_93 : vector<1x1024x64xf32> to vector<1024x64xf32>
    %swap3A_95 = vector.shape_cast %mul3A_89 : vector<1024x64xf32> to vector<1x1024x64xf32>
    tpu.vector_store %arg8[%swap3A_90, %swap3A_91, %swap3A_92], %swap3A_95 {strides = array<i32>} : memref<2x1024x64xf32, #tpu.memory_space<vmem>>, vector<1x1024x64xf32>,
    return
  }
  func.func @transform_0(%arg0: i32) -> (i32, i32, i32) {
    %c0_i32 = arith.constant 0 : i32
    %c0_i32_0 = arith.constant 0 : i32
    %c0_i32_1 = arith.constant 0 : i32
    return %c0_i32, %arg0, %c0_i32_0 : i32, i32, i32
  }
  func.func @transform_1(%arg0: i32) -> (i32, i32, i32) {
    %c0_i32 = arith.constant 0 : i32
    %c0_i32_0 = arith.constant 0 : i32
    %c0_i32_1 = arith.constant 0 : i32
    return %c0_i32, %arg0, %c0_i32_0 : i32, i32, i32
  }
  func.func @transform_2(%arg0: i32) -> (i32, i32) {
    %c0_i32 = arith.constant 0 : i32
    %c0_i32_0 = arith.constant 0 : i32
    return %arg0, %c0_i32 : i32, i32
  }
  func.func @transform_3(%arg0: i32) -> (i32, i32) {
    %c0_i32 = arith.constant 0 : i32
    %c0_i32_0 = arith.constant 0 : i32
    %c0_i32_1 = arith.constant 0 : i32
    return %c0_i32, %c0_i32_0 : i32, i32
  }
  func.func @transform_4(%arg0: i32) -> (i32, i32) {
    %c0_i32 = arith.constant 0 : i32
    %c0_i32_0 = arith.constant 0 : i32
    %c0_i32_1 = arith.constant 0 : i32
    return %c0_i32, %c0_i32_0 : i32, i32
  }
  func.func @transform_5(%arg0: i32) -> (i32, i32, i32) {
    %c0_i32 = arith.constant 0 : i32
    %c0_i32_0 = arith.constant 0 : i32
    %c0_i32_1 = arith.constant 0 : i32
    %c0_i32_2 = arith.constant 0 : i32
    return %c0_i32, %c0_i32_0, %c0_i32_1 : i32, i32, i32
  }
  func.func @transform_6(%arg0: i32) -> (i32, i32, i32) {
    %c0_i32 = arith.constant 0 : i32
    %c0_i32_0 = arith.constant 0 : i32
    %c0_i32_1 = arith.constant 0 : i32
    return %c0_i32, %arg0, %c0_i32_0 : i32, i32, i32
  }
  func.func @transform_7(%arg0: i32) -> (i32, i32, i32) {
    %c0_i32 = arith.constant 0 : i32
    %c0_i32_0 = arith.constant 0 : i32
    %c0_i32_1 = arith.constant 0 : i32
    return %c0_i32, %arg0, %c0_i32_0 : i32, i32, i32
  }
}

module attributes {stable_mosaic.version = 14 : i64} {
  func.func @_k23(%arg0: i32, %arg1: memref<2x1024x64xf32, #tpu.memory_space<vmem>>, %arg2: memref<2x1024x64xf32, #tpu.memory_space<vmem>>, %arg3: memref<2x1024x64xf32, #tpu.memory_space<vmem>>, %arg4: memref<2x1024x64xf32, #tpu.memory_space<vmem>>, %arg5: memref<1024x64xf32, #tpu.memory_space<vmem>>, %arg6: memref<4x1x64xf32, #tpu.memory_space<vmem>>, %arg7: memref<4x2x64x64xf32, #tpu.memory_space<vmem>>, %arg8: memref<2x1024x64xf32, #tpu.memory_space<vmem>>) attributes {dimension_semantics = [#tpu.dimension_semantics<parallel>], iteration_bounds = array<i64: 10>, scalar_prefetch = 0 : i64, scratch_operands = 0 : i64, tpu.core_type = #tpu.core_type<tc>, window_params = [{transform_indices = @transform_0, window_bounds = array<i64: 2, 1024, 64>}, {transform_indices = @transform_1, window_bounds = array<i64: 2, 1024, 64>}, {transform_indices = @transform_2, window_bounds = array<i64: 2, 1024, 64>}, {transform_indices = @transform_3, window_bounds = array<i64: 2, 1024, 64>}, {transform_indices = @transform_4, window_bounds = array<i64: 1024, 64>}, {pipeline_mode = #tpu.pipeline_mode<synchronous>, transform_indices = @transform_5, window_bounds = array<i64: 4, 1, 64>}, {pipeline_mode = #tpu.pipeline_mode<synchronous>, transform_indices = @transform_6, window_bounds = array<i64: 4, 2, 64, 64>}, {transform_indices = @transform_7, window_bounds = array<i64: 2, 1024, 64>}]} {
    %get3A = arith.constant 0 : index
    %get3A_0 = arith.constant 0 : index
    %get3A_1 = vector.load %arg5[%get3A, %get3A_0] : memref<1024x64xf32, #tpu.memory_space<vmem>>, vector<1024x64xf32>
    %get3A_2 = arith.constant 0 : index
    %get3A_3 = arith.constant 0 : index
    %get3A_4 = arith.constant 0 : index
    %get3A_5 = vector.load %arg1[%get3A_2, %get3A_3, %get3A_4] : memref<2x1024x64xf32, #tpu.memory_space<vmem>>, vector<1x1024x64xf32>
    %get3A_6 = vector.shape_cast %get3A_5 : vector<1x1024x64xf32> to vector<1024x64xf32>
    %get3A_7 = arith.constant 0 : index
    %get3A_8 = arith.constant 0 : index
    %get3A_9 = arith.constant 0 : index
    %get3A_10 = vector.load %arg3[%get3A_7, %get3A_8, %get3A_9] : memref<2x1024x64xf32, #tpu.memory_space<vmem>>, vector<1x1024x64xf32>
    %get3A_11 = vector.shape_cast %get3A_10 : vector<1x1024x64xf32> to vector<1024x64xf32>
    %add3A = arith.addf %get3A_6, %get3A_11 : vector<1024x64xf32>
    %mul3A = arith.mulf %add3A, %get3A_1 : vector<1024x64xf32>
    %get3A_12 = arith.constant 0 : index
    %get3A_13 = arith.constant 0 : index
    %get3A_14 = arith.constant 0 : index
    %get3A_15 = vector.load %arg6[%get3A_12, %get3A_13, %get3A_14] : memref<4x1x64xf32, #tpu.memory_space<vmem>>, vector<1x1x64xf32>
    %get3A_16 = vector.shape_cast %get3A_15 : vector<1x1x64xf32> to vector<1x64xf32>
    %add3A_17 = vector.broadcast %get3A_16 : vector<1x64xf32> to vector<1024x64xf32>
    %add3A_18 = arith.addf %mul3A, %add3A_17 : vector<1024x64xf32>
    %max3A = arith.constant 0.000000e+00 : f32
    %max3A_19 = vector.broadcast %max3A : f32 to vector<1024x64xf32>
    %max3A_20 = arith.maximumf %add3A_18, %max3A_19 : vector<1024x64xf32>
    %get3A_21 = arith.constant 1 : index
    %get3A_22 = arith.constant 0 : index
    %get3A_23 = arith.constant 0 : index
    %get3A_24 = vector.load %arg1[%get3A_21, %get3A_22, %get3A_23] : memref<2x1024x64xf32, #tpu.memory_space<vmem>>, vector<1x1024x64xf32>
    %get3A_25 = vector.shape_cast %get3A_24 : vector<1x1024x64xf32> to vector<1024x64xf32>
    %get3A_26 = arith.constant 1 : index
    %get3A_27 = arith.constant 0 : index
    %get3A_28 = arith.constant 0 : index
    %get3A_29 = vector.load %arg3[%get3A_26, %get3A_27, %get3A_28] : memref<2x1024x64xf32, #tpu.memory_space<vmem>>, vector<1x1024x64xf32>
    %get3A_30 = vector.shape_cast %get3A_29 : vector<1x1024x64xf32> to vector<1024x64xf32>
    %add3A_31 = arith.addf %get3A_25, %get3A_30 : vector<1024x64xf32>
    %mul3A_32 = arith.mulf %add3A_31, %get3A_1 : vector<1024x64xf32>
    %get3A_33 = arith.constant 1 : index
    %get3A_34 = arith.constant 0 : index
    %get3A_35 = arith.constant 0 : index
    %get3A_36 = vector.load %arg6[%get3A_33, %get3A_34, %get3A_35] : memref<4x1x64xf32, #tpu.memory_space<vmem>>, vector<1x1x64xf32>
    %get3A_37 = vector.shape_cast %get3A_36 : vector<1x1x64xf32> to vector<1x64xf32>
    %add3A_38 = vector.broadcast %get3A_37 : vector<1x64xf32> to vector<1024x64xf32>
    %add3A_39 = arith.addf %mul3A_32, %add3A_38 : vector<1024x64xf32>
    %max3A_40 = arith.constant 0.000000e+00 : f32
    %max3A_41 = vector.broadcast %max3A_40 : f32 to vector<1024x64xf32>
    %max3A_42 = arith.maximumf %add3A_39, %max3A_41 : vector<1024x64xf32>
    %get3A_43 = arith.constant 0 : index
    %get3A_44 = arith.constant 0 : index
    %get3A_45 = arith.constant 0 : index
    %get3A_46 = vector.load %arg2[%get3A_43, %get3A_44, %get3A_45] : memref<2x1024x64xf32, #tpu.memory_space<vmem>>, vector<1x1024x64xf32>
    %get3A_47 = vector.shape_cast %get3A_46 : vector<1x1024x64xf32> to vector<1024x64xf32>
    %get3A_48 = arith.constant 0 : index
    %get3A_49 = arith.constant 0 : index
    %get3A_50 = arith.constant 0 : index
    %get3A_51 = vector.load %arg4[%get3A_48, %get3A_49, %get3A_50] : memref<2x1024x64xf32, #tpu.memory_space<vmem>>, vector<1x1024x64xf32>
    %get3A_52 = vector.shape_cast %get3A_51 : vector<1x1024x64xf32> to vector<1024x64xf32>
    %add3A_53 = arith.addf %get3A_47, %get3A_52 : vector<1024x64xf32>
    %mul3A_54 = arith.mulf %add3A_53, %get3A_1 : vector<1024x64xf32>
    %get3A_55 = arith.constant 2 : index
    %get3A_56 = arith.constant 0 : index
    %get3A_57 = arith.constant 0 : index
    %get3A_58 = vector.load %arg6[%get3A_55, %get3A_56, %get3A_57] : memref<4x1x64xf32, #tpu.memory_space<vmem>>, vector<1x1x64xf32>
    %get3A_59 = vector.shape_cast %get3A_58 : vector<1x1x64xf32> to vector<1x64xf32>
    %add3A_60 = vector.broadcast %get3A_59 : vector<1x64xf32> to vector<1024x64xf32>
    %add3A_61 = arith.addf %mul3A_54, %add3A_60 : vector<1024x64xf32>
    %max3A_62 = arith.constant 0.000000e+00 : f32
    %max3A_63 = vector.broadcast %max3A_62 : f32 to vector<1024x64xf32>
    %max3A_64 = arith.maximumf %add3A_61, %max3A_63 : vector<1024x64xf32>
    %get3A_65 = arith.constant 1 : index
    %get3A_66 = arith.constant 0 : index
    %get3A_67 = arith.constant 0 : index
    %get3A_68 = vector.load %arg2[%get3A_65, %get3A_66, %get3A_67] : memref<2x1024x64xf32, #tpu.memory_space<vmem>>, vector<1x1024x64xf32>
    %get3A_69 = vector.shape_cast %get3A_68 : vector<1x1024x64xf32> to vector<1024x64xf32>
    %get3A_70 = arith.constant 1 : index
    %get3A_71 = arith.constant 0 : index
    %get3A_72 = arith.constant 0 : index
    %get3A_73 = vector.load %arg4[%get3A_70, %get3A_71, %get3A_72] : memref<2x1024x64xf32, #tpu.memory_space<vmem>>, vector<1x1024x64xf32>
    %get3A_74 = vector.shape_cast %get3A_73 : vector<1x1024x64xf32> to vector<1024x64xf32>
    %add3A_75 = arith.addf %get3A_69, %get3A_74 : vector<1024x64xf32>
    %mul3A_76 = arith.mulf %add3A_75, %get3A_1 : vector<1024x64xf32>
    %get3A_77 = arith.constant 3 : index
    %get3A_78 = arith.constant 0 : index
    %get3A_79 = arith.constant 0 : index
    %get3A_80 = vector.load %arg6[%get3A_77, %get3A_78, %get3A_79] : memref<4x1x64xf32, #tpu.memory_space<vmem>>, vector<1x1x64xf32>
    %get3A_81 = vector.shape_cast %get3A_80 : vector<1x1x64xf32> to vector<1x64xf32>
    %add3A_82 = vector.broadcast %get3A_81 : vector<1x64xf32> to vector<1024x64xf32>
    %add3A_83 = arith.addf %mul3A_76, %add3A_82 : vector<1024x64xf32>
    %max3A_84 = arith.constant 0.000000e+00 : f32
    %max3A_85 = vector.broadcast %max3A_84 : f32 to vector<1024x64xf32>
    %max3A_86 = arith.maximumf %add3A_83, %max3A_85 : vector<1024x64xf32>
    %get3A_87 = arith.constant 0 : index
    %get3A_88 = arith.constant 0 : index
    %get3A_89 = arith.constant 0 : index
    %get3A_90 = arith.constant 0 : index
    %get3A_91 = vector.load %arg7[%get3A_87, %get3A_88, %get3A_89, %get3A_90] : memref<4x2x64x64xf32, #tpu.memory_space<vmem>>, vector<1x1x64x64xf32>
    %get3A_92 = vector.shape_cast %get3A_91 : vector<1x1x64x64xf32> to vector<64x64xf32>
    %dot_general3A = arith.constant dense<0.000000e+00> : vector<1024x64xf32>
    %dot_general3A_93 = tpu.matmul %max3A_20, %get3A_92, %dot_general3A {dimension_numbers = #tpu.dot_dimension_numbers<[1], [0], [0], [1], [0, 0, 1, 1], [], []>, transpose_lhs_hint = false} : vector<1024x64xf32>, vector<64x64xf32>, vector<1024x64xf32> -> vector<1024x64xf32>
    %add3A_94 = arith.constant 0.000000e+00 : f32
    %add3A_95 = vector.broadcast %add3A_94 : f32 to vector<1024x64xf32>
    %add3A_96 = arith.addf %add3A_95, %dot_general3A_93 : vector<1024x64xf32>
    %get3A_97 = arith.constant 1 : index
    %get3A_98 = arith.constant 0 : index
    %get3A_99 = arith.constant 0 : index
    %get3A_100 = arith.constant 0 : index
    %get3A_101 = vector.load %arg7[%get3A_97, %get3A_98, %get3A_99, %get3A_100] : memref<4x2x64x64xf32, #tpu.memory_space<vmem>>, vector<1x1x64x64xf32>
    %get3A_102 = vector.shape_cast %get3A_101 : vector<1x1x64x64xf32> to vector<64x64xf32>
    %dot_general3A_103 = arith.constant dense<0.000000e+00> : vector<1024x64xf32>
    %dot_general3A_104 = tpu.matmul %max3A_42, %get3A_102, %dot_general3A_103 {dimension_numbers = #tpu.dot_dimension_numbers<[1], [0], [0], [1], [0, 0, 1, 1], [], []>, transpose_lhs_hint = false} : vector<1024x64xf32>, vector<64x64xf32>, vector<1024x64xf32> -> vector<1024x64xf32>
    %add3A_105 = arith.addf %add3A_96, %dot_general3A_104 : vector<1024x64xf32>
    %get3A_106 = arith.constant 2 : index
    %get3A_107 = arith.constant 0 : index
    %get3A_108 = arith.constant 0 : index
    %get3A_109 = arith.constant 0 : index
    %get3A_110 = vector.load %arg7[%get3A_106, %get3A_107, %get3A_108, %get3A_109] : memref<4x2x64x64xf32, #tpu.memory_space<vmem>>, vector<1x1x64x64xf32>
    %get3A_111 = vector.shape_cast %get3A_110 : vector<1x1x64x64xf32> to vector<64x64xf32>
    %dot_general3A_112 = arith.constant dense<0.000000e+00> : vector<1024x64xf32>
    %dot_general3A_113 = tpu.matmul %max3A_64, %get3A_111, %dot_general3A_112 {dimension_numbers = #tpu.dot_dimension_numbers<[1], [0], [0], [1], [0, 0, 1, 1], [], []>, transpose_lhs_hint = false} : vector<1024x64xf32>, vector<64x64xf32>, vector<1024x64xf32> -> vector<1024x64xf32>
    %add3A_114 = arith.addf %add3A_105, %dot_general3A_113 : vector<1024x64xf32>
    %get3A_115 = arith.constant 3 : index
    %get3A_116 = arith.constant 0 : index
    %get3A_117 = arith.constant 0 : index
    %get3A_118 = arith.constant 0 : index
    %get3A_119 = vector.load %arg7[%get3A_115, %get3A_116, %get3A_117, %get3A_118] : memref<4x2x64x64xf32, #tpu.memory_space<vmem>>, vector<1x1x64x64xf32>
    %get3A_120 = vector.shape_cast %get3A_119 : vector<1x1x64x64xf32> to vector<64x64xf32>
    %dot_general3A_121 = arith.constant dense<0.000000e+00> : vector<1024x64xf32>
    %dot_general3A_122 = tpu.matmul %max3A_86, %get3A_120, %dot_general3A_121 {dimension_numbers = #tpu.dot_dimension_numbers<[1], [0], [0], [1], [0, 0, 1, 1], [], []>, transpose_lhs_hint = false} : vector<1024x64xf32>, vector<64x64xf32>, vector<1024x64xf32> -> vector<1024x64xf32>
    %add3A_123 = arith.addf %add3A_114, %dot_general3A_122 : vector<1024x64xf32>
    %mul3A_124 = arith.mulf %add3A_123, %get3A_1 : vector<1024x64xf32>
    %swap3A = arith.constant 0 : index
    %swap3A_125 = arith.constant 0 : index
    %swap3A_126 = arith.constant 0 : index
    %swap3A_127 = vector.load %arg8[%swap3A, %swap3A_125, %swap3A_126] : memref<2x1024x64xf32, #tpu.memory_space<vmem>>, vector<1x1024x64xf32>
    %swap3A_128 = vector.shape_cast %swap3A_127 : vector<1x1024x64xf32> to vector<1024x64xf32>
    %swap3A_129 = vector.shape_cast %mul3A_124 : vector<1024x64xf32> to vector<1x1024x64xf32>
    tpu.vector_store %arg8[%swap3A, %swap3A_125, %swap3A_126], %swap3A_129 {strides = array<i32>} : memref<2x1024x64xf32, #tpu.memory_space<vmem>>, vector<1x1024x64xf32>,
    %get3A_130 = arith.constant 0 : index
    %get3A_131 = arith.constant 1 : index
    %get3A_132 = arith.constant 0 : index
    %get3A_133 = arith.constant 0 : index
    %get3A_134 = vector.load %arg7[%get3A_130, %get3A_131, %get3A_132, %get3A_133] : memref<4x2x64x64xf32, #tpu.memory_space<vmem>>, vector<1x1x64x64xf32>
    %get3A_135 = vector.shape_cast %get3A_134 : vector<1x1x64x64xf32> to vector<64x64xf32>
    %dot_general3A_136 = arith.constant dense<0.000000e+00> : vector<1024x64xf32>
    %dot_general3A_137 = tpu.matmul %max3A_20, %get3A_135, %dot_general3A_136 {dimension_numbers = #tpu.dot_dimension_numbers<[1], [0], [0], [1], [0, 0, 1, 1], [], []>, transpose_lhs_hint = false} : vector<1024x64xf32>, vector<64x64xf32>, vector<1024x64xf32> -> vector<1024x64xf32>
    %add3A_138 = arith.constant 0.000000e+00 : f32
    %add3A_139 = vector.broadcast %add3A_138 : f32 to vector<1024x64xf32>
    %add3A_140 = arith.addf %add3A_139, %dot_general3A_137 : vector<1024x64xf32>
    %get3A_141 = arith.constant 1 : index
    %get3A_142 = arith.constant 1 : index
    %get3A_143 = arith.constant 0 : index
    %get3A_144 = arith.constant 0 : index
    %get3A_145 = vector.load %arg7[%get3A_141, %get3A_142, %get3A_143, %get3A_144] : memref<4x2x64x64xf32, #tpu.memory_space<vmem>>, vector<1x1x64x64xf32>
    %get3A_146 = vector.shape_cast %get3A_145 : vector<1x1x64x64xf32> to vector<64x64xf32>
    %dot_general3A_147 = arith.constant dense<0.000000e+00> : vector<1024x64xf32>
    %dot_general3A_148 = tpu.matmul %max3A_42, %get3A_146, %dot_general3A_147 {dimension_numbers = #tpu.dot_dimension_numbers<[1], [0], [0], [1], [0, 0, 1, 1], [], []>, transpose_lhs_hint = false} : vector<1024x64xf32>, vector<64x64xf32>, vector<1024x64xf32> -> vector<1024x64xf32>
    %add3A_149 = arith.addf %add3A_140, %dot_general3A_148 : vector<1024x64xf32>
    %get3A_150 = arith.constant 2 : index
    %get3A_151 = arith.constant 1 : index
    %get3A_152 = arith.constant 0 : index
    %get3A_153 = arith.constant 0 : index
    %get3A_154 = vector.load %arg7[%get3A_150, %get3A_151, %get3A_152, %get3A_153] : memref<4x2x64x64xf32, #tpu.memory_space<vmem>>, vector<1x1x64x64xf32>
    %get3A_155 = vector.shape_cast %get3A_154 : vector<1x1x64x64xf32> to vector<64x64xf32>
    %dot_general3A_156 = arith.constant dense<0.000000e+00> : vector<1024x64xf32>
    %dot_general3A_157 = tpu.matmul %max3A_64, %get3A_155, %dot_general3A_156 {dimension_numbers = #tpu.dot_dimension_numbers<[1], [0], [0], [1], [0, 0, 1, 1], [], []>, transpose_lhs_hint = false} : vector<1024x64xf32>, vector<64x64xf32>, vector<1024x64xf32> -> vector<1024x64xf32>
    %add3A_158 = arith.addf %add3A_149, %dot_general3A_157 : vector<1024x64xf32>
    %get3A_159 = arith.constant 3 : index
    %get3A_160 = arith.constant 1 : index
    %get3A_161 = arith.constant 0 : index
    %get3A_162 = arith.constant 0 : index
    %get3A_163 = vector.load %arg7[%get3A_159, %get3A_160, %get3A_161, %get3A_162] : memref<4x2x64x64xf32, #tpu.memory_space<vmem>>, vector<1x1x64x64xf32>
    %get3A_164 = vector.shape_cast %get3A_163 : vector<1x1x64x64xf32> to vector<64x64xf32>
    %dot_general3A_165 = arith.constant dense<0.000000e+00> : vector<1024x64xf32>
    %dot_general3A_166 = tpu.matmul %max3A_86, %get3A_164, %dot_general3A_165 {dimension_numbers = #tpu.dot_dimension_numbers<[1], [0], [0], [1], [0, 0, 1, 1], [], []>, transpose_lhs_hint = false} : vector<1024x64xf32>, vector<64x64xf32>, vector<1024x64xf32> -> vector<1024x64xf32>
    %add3A_167 = arith.addf %add3A_158, %dot_general3A_166 : vector<1024x64xf32>
    %mul3A_168 = arith.mulf %add3A_167, %get3A_1 : vector<1024x64xf32>
    %swap3A_169 = arith.constant 1 : index
    %swap3A_170 = arith.constant 0 : index
    %swap3A_171 = arith.constant 0 : index
    %swap3A_172 = vector.load %arg8[%swap3A_169, %swap3A_170, %swap3A_171] : memref<2x1024x64xf32, #tpu.memory_space<vmem>>, vector<1x1024x64xf32>
    %swap3A_173 = vector.shape_cast %swap3A_172 : vector<1x1024x64xf32> to vector<1024x64xf32>
    %swap3A_174 = vector.shape_cast %mul3A_168 : vector<1024x64xf32> to vector<1x1024x64xf32>
    tpu.vector_store %arg8[%swap3A_169, %swap3A_170, %swap3A_171], %swap3A_174 {strides = array<i32>} : memref<2x1024x64xf32, #tpu.memory_space<vmem>>, vector<1x1024x64xf32>,
    return
  }
  func.func @transform_0(%arg0: i32) -> (i32, i32, i32) {
    %c0_i32 = arith.constant 0 : i32
    %c0_i32_0 = arith.constant 0 : i32
    %c0_i32_1 = arith.constant 0 : i32
    return %c0_i32, %arg0, %c0_i32_0 : i32, i32, i32
  }
  func.func @transform_1(%arg0: i32) -> (i32, i32, i32) {
    %c0_i32 = arith.constant 0 : i32
    %c0_i32_0 = arith.constant 0 : i32
    %c0_i32_1 = arith.constant 0 : i32
    return %c0_i32, %arg0, %c0_i32_0 : i32, i32, i32
  }
  func.func @transform_2(%arg0: i32) -> (i32, i32, i32) {
    %c0_i32 = arith.constant 0 : i32
    %c0_i32_0 = arith.constant 0 : i32
    %c0_i32_1 = arith.constant 0 : i32
    return %c0_i32, %arg0, %c0_i32_0 : i32, i32, i32
  }
  func.func @transform_3(%arg0: i32) -> (i32, i32, i32) {
    %c0_i32 = arith.constant 0 : i32
    %c0_i32_0 = arith.constant 0 : i32
    %c0_i32_1 = arith.constant 0 : i32
    return %c0_i32, %arg0, %c0_i32_0 : i32, i32, i32
  }
  func.func @transform_4(%arg0: i32) -> (i32, i32) {
    %c0_i32 = arith.constant 0 : i32
    %c0_i32_0 = arith.constant 0 : i32
    return %arg0, %c0_i32 : i32, i32
  }
  func.func @transform_5(%arg0: i32) -> (i32, i32, i32) {
    %c0_i32 = arith.constant 0 : i32
    %c0_i32_0 = arith.constant 0 : i32
    %c0_i32_1 = arith.constant 0 : i32
    %c0_i32_2 = arith.constant 0 : i32
    return %c0_i32, %c0_i32_0, %c0_i32_1 : i32, i32, i32
  }
  func.func @transform_6(%arg0: i32) -> (i32, i32, i32, i32) {
    %c0_i32 = arith.constant 0 : i32
    %c0_i32_0 = arith.constant 0 : i32
    %c0_i32_1 = arith.constant 0 : i32
    %c0_i32_2 = arith.constant 0 : i32
    %c0_i32_3 = arith.constant 0 : i32
    return %c0_i32, %c0_i32_0, %c0_i32_1, %c0_i32_2 : i32, i32, i32, i32
  }
  func.func @transform_7(%arg0: i32) -> (i32, i32, i32) {
    %c0_i32 = arith.constant 0 : i32
    %c0_i32_0 = arith.constant 0 : i32
    %c0_i32_1 = arith.constant 0 : i32
    return %c0_i32, %arg0, %c0_i32_0 : i32, i32, i32
  }
}

module attributes {stable_mosaic.version = 14 : i64} {
  func.func @_k34(%arg0: i32, %arg1: memref<2x1024x64xf32, #tpu.memory_space<vmem>>, %arg2: memref<2x1024x64xf32, #tpu.memory_space<vmem>>, %arg3: memref<1024x64xf32, #tpu.memory_space<vmem>>, %arg4: memref<2x1x64xf32, #tpu.memory_space<vmem>>, %arg5: memref<2x1024x64xf32, #tpu.memory_space<vmem>>) attributes {dimension_semantics = [#tpu.dimension_semantics<parallel>], iteration_bounds = array<i64: 10>, scalar_prefetch = 0 : i64, scratch_operands = 0 : i64, tpu.core_type = #tpu.core_type<tc>, window_params = [{transform_indices = @transform_0, window_bounds = array<i64: 2, 1024, 64>}, {transform_indices = @transform_1, window_bounds = array<i64: 2, 1024, 64>}, {transform_indices = @transform_2, window_bounds = array<i64: 1024, 64>}, {pipeline_mode = #tpu.pipeline_mode<synchronous>, transform_indices = @transform_3, window_bounds = array<i64: 2, 1, 64>}, {transform_indices = @transform_4, window_bounds = array<i64: 2, 1024, 64>}]} {
    %get3A = arith.constant 0 : index
    %get3A_0 = arith.constant 0 : index
    %get3A_1 = vector.load %arg3[%get3A, %get3A_0] : memref<1024x64xf32, #tpu.memory_space<vmem>>, vector<1024x64xf32>
    %get3A_2 = arith.constant 0 : index
    %get3A_3 = arith.constant 0 : index
    %get3A_4 = arith.constant 0 : index
    %get3A_5 = vector.load %arg1[%get3A_2, %get3A_3, %get3A_4] : memref<2x1024x64xf32, #tpu.memory_space<vmem>>, vector<1x1024x64xf32>
    %get3A_6 = vector.shape_cast %get3A_5 : vector<1x1024x64xf32> to vector<1024x64xf32>
    %get3A_7 = arith.constant 0 : index
    %get3A_8 = arith.constant 0 : index
    %get3A_9 = arith.constant 0 : index
    %get3A_10 = vector.load %arg2[%get3A_7, %get3A_8, %get3A_9] : memref<2x1024x64xf32, #tpu.memory_space<vmem>>, vector<1x1024x64xf32>
    %get3A_11 = vector.shape_cast %get3A_10 : vector<1x1024x64xf32> to vector<1024x64xf32>
    %add3A = arith.addf %get3A_6, %get3A_11 : vector<1024x64xf32>
    %mul3A = arith.mulf %add3A, %get3A_1 : vector<1024x64xf32>
    %get3A_12 = arith.constant 0 : index
    %get3A_13 = arith.constant 0 : index
    %get3A_14 = arith.constant 0 : index
    %get3A_15 = vector.load %arg4[%get3A_12, %get3A_13, %get3A_14] : memref<2x1x64xf32, #tpu.memory_space<vmem>>, vector<1x1x64xf32>
    %get3A_16 = vector.shape_cast %get3A_15 : vector<1x1x64xf32> to vector<1x64xf32>
    %add3A_17 = vector.broadcast %get3A_16 : vector<1x64xf32> to vector<1024x64xf32>
    %add3A_18 = arith.addf %mul3A, %add3A_17 : vector<1024x64xf32>
    %max3A = arith.constant 0.000000e+00 : f32
    %max3A_19 = vector.broadcast %max3A : f32 to vector<1024x64xf32>
    %max3A_20 = arith.maximumf %add3A_18, %max3A_19 : vector<1024x64xf32>
    %mul3A_21 = arith.mulf %max3A_20, %get3A_1 : vector<1024x64xf32>
    %swap3A = arith.constant 0 : index
    %swap3A_22 = arith.constant 0 : index
    %swap3A_23 = arith.constant 0 : index
    %swap3A_24 = vector.load %arg5[%swap3A, %swap3A_22, %swap3A_23] : memref<2x1024x64xf32, #tpu.memory_space<vmem>>, vector<1x1024x64xf32>
    %swap3A_25 = vector.shape_cast %swap3A_24 : vector<1x1024x64xf32> to vector<1024x64xf32>
    %swap3A_26 = vector.shape_cast %mul3A_21 : vector<1024x64xf32> to vector<1x1024x64xf32>
    tpu.vector_store %arg5[%swap3A, %swap3A_22, %swap3A_23], %swap3A_26 {strides = array<i32>} : memref<2x1024x64xf32, #tpu.memory_space<vmem>>, vector<1x1024x64xf32>,
    %get3A_27 = arith.constant 1 : index
    %get3A_28 = arith.constant 0 : index
    %get3A_29 = arith.constant 0 : index
    %get3A_30 = vector.load %arg1[%get3A_27, %get3A_28, %get3A_29] : memref<2x1024x64xf32, #tpu.memory_space<vmem>>, vector<1x1024x64xf32>
    %get3A_31 = vector.shape_cast %get3A_30 : vector<1x1024x64xf32> to vector<1024x64xf32>
    %get3A_32 = arith.constant 1 : index
    %get3A_33 = arith.constant 0 : index
    %get3A_34 = arith.constant 0 : index
    %get3A_35 = vector.load %arg2[%get3A_32, %get3A_33, %get3A_34] : memref<2x1024x64xf32, #tpu.memory_space<vmem>>, vector<1x1024x64xf32>
    %get3A_36 = vector.shape_cast %get3A_35 : vector<1x1024x64xf32> to vector<1024x64xf32>
    %add3A_37 = arith.addf %get3A_31, %get3A_36 : vector<1024x64xf32>
    %mul3A_38 = arith.mulf %add3A_37, %get3A_1 : vector<1024x64xf32>
    %get3A_39 = arith.constant 1 : index
    %get3A_40 = arith.constant 0 : index
    %get3A_41 = arith.constant 0 : index
    %get3A_42 = vector.load %arg4[%get3A_39, %get3A_40, %get3A_41] : memref<2x1x64xf32, #tpu.memory_space<vmem>>, vector<1x1x64xf32>
    %get3A_43 = vector.shape_cast %get3A_42 : vector<1x1x64xf32> to vector<1x64xf32>
    %add3A_44 = vector.broadcast %get3A_43 : vector<1x64xf32> to vector<1024x64xf32>
    %add3A_45 = arith.addf %mul3A_38, %add3A_44 : vector<1024x64xf32>
    %max3A_46 = arith.constant 0.000000e+00 : f32
    %max3A_47 = vector.broadcast %max3A_46 : f32 to vector<1024x64xf32>
    %max3A_48 = arith.maximumf %add3A_45, %max3A_47 : vector<1024x64xf32>
    %mul3A_49 = arith.mulf %max3A_48, %get3A_1 : vector<1024x64xf32>
    %swap3A_50 = arith.constant 1 : index
    %swap3A_51 = arith.constant 0 : index
    %swap3A_52 = arith.constant 0 : index
    %swap3A_53 = vector.load %arg5[%swap3A_50, %swap3A_51, %swap3A_52] : memref<2x1024x64xf32, #tpu.memory_space<vmem>>, vector<1x1024x64xf32>
    %swap3A_54 = vector.shape_cast %swap3A_53 : vector<1x1024x64xf32> to vector<1024x64xf32>
    %swap3A_55 = vector.shape_cast %mul3A_49 : vector<1024x64xf32> to vector<1x1024x64xf32>
    tpu.vector_store %arg5[%swap3A_50, %swap3A_51, %swap3A_52], %swap3A_55 {strides = array<i32>} : memref<2x1024x64xf32, #tpu.memory_space<vmem>>, vector<1x1024x64xf32>,
    return
  }
  func.func @transform_0(%arg0: i32) -> (i32, i32, i32) {
    %c0_i32 = arith.constant 0 : i32
    %c0_i32_0 = arith.constant 0 : i32
    %c0_i32_1 = arith.constant 0 : i32
    return %c0_i32, %arg0, %c0_i32_0 : i32, i32, i32
  }
  func.func @transform_1(%arg0: i32) -> (i32, i32, i32) {
    %c0_i32 = arith.constant 0 : i32
    %c0_i32_0 = arith.constant 0 : i32
    %c0_i32_1 = arith.constant 0 : i32
    return %c0_i32, %arg0, %c0_i32_0 : i32, i32, i32
  }
  func.func @transform_2(%arg0: i32) -> (i32, i32) {
    %c0_i32 = arith.constant 0 : i32
    %c0_i32_0 = arith.constant 0 : i32
    return %arg0, %c0_i32 : i32, i32
  }
  func.func @transform_3(%arg0: i32) -> (i32, i32, i32) {
    %c0_i32 = arith.constant 0 : i32
    %c0_i32_0 = arith.constant 0 : i32
    %c0_i32_1 = arith.constant 0 : i32
    %c0_i32_2 = arith.constant 0 : i32
    return %c0_i32, %c0_i32_0, %c0_i32_1 : i32, i32, i32
  }
  func.func @transform_4(%arg0: i32) -> (i32, i32, i32) {
    %c0_i32 = arith.constant 0 : i32
    %c0_i32_0 = arith.constant 0 : i32
    %c0_i32_1 = arith.constant 0 : i32
    return %c0_i32, %arg0, %c0_i32_0 : i32, i32, i32
  }
}

module attributes {stable_mosaic.version = 14 : i64} {
  func.func @_k4(%arg0: i32, %arg1: memref<2x1024x64xf32, #tpu.memory_space<vmem>>, %arg2: memref<2x1024x64xf32, #tpu.memory_space<vmem>>, %arg3: memref<1024x64xf32, #tpu.memory_space<vmem>>, %arg4: memref<128x200xf32, #tpu.memory_space<vmem>>, %arg5: memref<1x200xf32, #tpu.memory_space<vmem>>, %arg6: memref<1x200xf32, #tpu.memory_space<vmem>>) attributes {dimension_semantics = [#tpu.dimension_semantics<arbitrary>], iteration_bounds = array<i64: 10>, scalar_prefetch = 0 : i64, scratch_operands = 0 : i64, tpu.core_type = #tpu.core_type<tc>, window_params = [{transform_indices = @transform_0, window_bounds = array<i64: 2, 1024, 64>}, {transform_indices = @transform_1, window_bounds = array<i64: 2, 1024, 64>}, {transform_indices = @transform_2, window_bounds = array<i64: 1024, 64>}, {pipeline_mode = #tpu.pipeline_mode<synchronous>, transform_indices = @transform_3, window_bounds = array<i64: 128, 200>}, {pipeline_mode = #tpu.pipeline_mode<synchronous>, transform_indices = @transform_4, window_bounds = array<i64: 1, 200>}, {pipeline_mode = #tpu.pipeline_mode<synchronous>, transform_indices = @transform_5, window_bounds = array<i64: 1, 200>}]} {
    %get3A = arith.constant 0 : index
    %get3A_0 = arith.constant 0 : index
    %get3A_1 = vector.load %arg3[%get3A, %get3A_0] : memref<1024x64xf32, #tpu.memory_space<vmem>>, vector<1024x64xf32>
    %get3A_2 = arith.constant 0 : index
    %get3A_3 = arith.constant 0 : index
    %get3A_4 = arith.constant 0 : index
    %get3A_5 = vector.load %arg1[%get3A_2, %get3A_3, %get3A_4] : memref<2x1024x64xf32, #tpu.memory_space<vmem>>, vector<1x1024x64xf32>
    %get3A_6 = vector.shape_cast %get3A_5 : vector<1x1024x64xf32> to vector<1024x64xf32>
    %get3A_7 = arith.constant 0 : index
    %get3A_8 = arith.constant 0 : index
    %get3A_9 = arith.constant 0 : index
    %get3A_10 = vector.load %arg2[%get3A_7, %get3A_8, %get3A_9] : memref<2x1024x64xf32, #tpu.memory_space<vmem>>, vector<1x1024x64xf32>
    %get3A_11 = vector.shape_cast %get3A_10 : vector<1x1024x64xf32> to vector<1024x64xf32>
    %add3A = arith.addf %get3A_6, %get3A_11 : vector<1024x64xf32>
    %mul3A = arith.mulf %add3A, %get3A_1 : vector<1024x64xf32>
    %get3A_12 = arith.constant 1 : index
    %get3A_13 = arith.constant 0 : index
    %get3A_14 = arith.constant 0 : index
    %get3A_15 = vector.load %arg1[%get3A_12, %get3A_13, %get3A_14] : memref<2x1024x64xf32, #tpu.memory_space<vmem>>, vector<1x1024x64xf32>
    %get3A_16 = vector.shape_cast %get3A_15 : vector<1x1024x64xf32> to vector<1024x64xf32>
    %get3A_17 = arith.constant 1 : index
    %get3A_18 = arith.constant 0 : index
    %get3A_19 = arith.constant 0 : index
    %get3A_20 = vector.load %arg2[%get3A_17, %get3A_18, %get3A_19] : memref<2x1024x64xf32, #tpu.memory_space<vmem>>, vector<1x1024x64xf32>
    %get3A_21 = vector.shape_cast %get3A_20 : vector<1x1024x64xf32> to vector<1024x64xf32>
    %add3A_22 = arith.addf %get3A_16, %get3A_21 : vector<1024x64xf32>
    %mul3A_23 = arith.mulf %add3A_22, %get3A_1 : vector<1024x64xf32>
    %get3A_24 = arith.constant 0 : index
    %get3A_25 = arith.constant 0 : index
    %get3A_26 = vector.load %arg4[%get3A_24, %get3A_25] : memref<128x200xf32, #tpu.memory_space<vmem>>, vector<64x200xf32>
    %dot_general3A = arith.constant dense<0.000000e+00> : vector<1024x200xf32>
    %dot_general3A_27 = tpu.matmul %mul3A, %get3A_26, %dot_general3A {dimension_numbers = #tpu.dot_dimension_numbers<[1], [0], [0], [1], [0, 0, 1, 1], [], []>, transpose_lhs_hint = false} : vector<1024x64xf32>, vector<64x200xf32>, vector<1024x200xf32> -> vector<1024x200xf32>
    %get3A_28 = arith.constant 64 : index
    %get3A_29 = arith.constant 0 : index
    %get3A_30 = vector.load %arg4[%get3A_28, %get3A_29] : memref<128x200xf32, #tpu.memory_space<vmem>>, vector<64x200xf32>
    %dot_general3A_31 = arith.constant dense<0.000000e+00> : vector<1024x200xf32>
    %dot_general3A_32 = tpu.matmul %mul3A_23, %get3A_30, %dot_general3A_31 {dimension_numbers = #tpu.dot_dimension_numbers<[1], [0], [0], [1], [0, 0, 1, 1], [], []>, transpose_lhs_hint = false} : vector<1024x64xf32>, vector<64x200xf32>, vector<1024x200xf32> -> vector<1024x200xf32>
    %add3A_33 = arith.addf %dot_general3A_27, %dot_general3A_32 : vector<1024x200xf32>
    %get3A_34 = arith.constant 0 : index
    %get3A_35 = arith.constant 0 : index
    %get3A_36 = vector.load %arg5[%get3A_34, %get3A_35] : memref<1x200xf32, #tpu.memory_space<vmem>>, vector<1x200xf32>
    %add3A_37 = vector.broadcast %get3A_36 : vector<1x200xf32> to vector<1024x200xf32>
    %add3A_38 = arith.addf %add3A_33, %add3A_37 : vector<1024x200xf32>
    %max3A = arith.constant 0.000000e+00 : f32
    %max3A_39 = vector.broadcast %max3A : f32 to vector<1024x200xf32>
    %max3A_40 = arith.maximumf %add3A_38, %max3A_39 : vector<1024x200xf32>
    %mul3A_41 = arith.constant 1024 : i32
    %mul3A_42 = arith.muli %arg0, %mul3A_41 : i32
    %iota3A = tpu.iota {dimensions = array<i32: 0>} : vector<1024x1xi32>
    %add3A_43 = vector.broadcast %mul3A_42 : i32 to vector<1024x1xi32>
    %add3A_44 = arith.addi %add3A_43, %iota3A : vector<1024x1xi32>
    %lt3A = arith.constant 10000 : i32
    %lt3A_45 = vector.broadcast %lt3A : i32 to vector<1024x1xi32>
    %lt3A_46 = arith.cmpi slt, %add3A_44, %lt3A_45 : vector<1024x1xi32>
    %jit3A = arith.constant 0.000000e+00 : f32
    %broadcast_in_dim3A = vector.shape_cast %lt3A_46 : vector<1024x1xi1> to vector<1024x1xi1>
    %broadcast_in_dim3A_47 = vector.broadcast %broadcast_in_dim3A : vector<1024x1xi1> to vector<1024x200xi1>
    %broadcast_in_dim3A_48 = vector.broadcast %jit3A : f32 to vector<1024x200xf32>
    %select_n3A = arith.select %broadcast_in_dim3A_47, %max3A_40, %broadcast_in_dim3A_48 : vector<1024x200xi1>, vector<1024x200xf32>
    %reduce_sum3A = arith.constant dense<0.000000e+00> : vector<200xf32>
    %reduce_sum3A_49 = vector.multi_reduction <add>, %select_n3A, %reduce_sum3A [0] : vector<1024x200xf32> to vector<200xf32>
    %broadcast_in_dim3A_50 = vector.shape_cast %reduce_sum3A_49 : vector<200xf32> to vector<1x200xf32>
    %mul3A_51 = arith.constant 9.99999974E-5 : f32
    %mul3A_52 = vector.broadcast %mul3A_51 : f32 to vector<1x200xf32>
    %mul3A_53 = arith.mulf %broadcast_in_dim3A_50, %mul3A_52 : vector<1x200xf32>
    %eq3A = arith.constant 0 : i32
    %eq3A_54 = arith.cmpi eq, %arg0, %eq3A : i32
    %convert_element_type3A = arith.extui %eq3A_54 : i1 to i32
    %cond3A = arith.constant 0 : i32
    %cond3A_55 = arith.cmpi ne, %convert_element_type3A, %cond3A : i32
    scf.if %cond3A_55 {
      %swap3A = arith.constant 0 : index
      %swap3A_60 = arith.constant 0 : index
      %swap3A_61 = vector.load %arg6[%swap3A, %swap3A_60] : memref<1x200xf32, #tpu.memory_space<vmem>>, vector<1x200xf32>
      tpu.vector_store %arg6[%swap3A, %swap3A_60], %mul3A_53 {strides = array<i32>} : memref<1x200xf32, #tpu.memory_space<vmem>>, vector<1x200xf32>,
    } else {
    }
    %gt3A = arith.constant 0 : i32
    %gt3A_56 = arith.cmpi sgt, %arg0, %gt3A : i32
    %convert_element_type3A_57 = arith.extui %gt3A_56 : i1 to i32
    %cond3A_58 = arith.constant 0 : i32
    %cond3A_59 = arith.cmpi ne, %convert_element_type3A_57, %cond3A_58 : i32
    scf.if %cond3A_59 {
      %get3A_60 = arith.constant 0 : index
      %get3A_61 = arith.constant 0 : index
      %get3A_62 = vector.load %arg6[%get3A_60, %get3A_61] : memref<1x200xf32, #tpu.memory_space<vmem>>, vector<1x200xf32>
      %add3A_63 = arith.addf %get3A_62, %mul3A_53 : vector<1x200xf32>
      %swap3A = arith.constant 0 : index
      %swap3A_64 = arith.constant 0 : index
      %swap3A_65 = vector.load %arg6[%swap3A, %swap3A_64] : memref<1x200xf32, #tpu.memory_space<vmem>>, vector<1x200xf32>
      tpu.vector_store %arg6[%swap3A, %swap3A_64], %add3A_63 {strides = array<i32>} : memref<1x200xf32, #tpu.memory_space<vmem>>, vector<1x200xf32>,
    } else {
    }
    return
  }
  func.func @transform_0(%arg0: i32) -> (i32, i32, i32) {
    %c0_i32 = arith.constant 0 : i32
    %c0_i32_0 = arith.constant 0 : i32
    %c0_i32_1 = arith.constant 0 : i32
    return %c0_i32, %arg0, %c0_i32_0 : i32, i32, i32
  }
  func.func @transform_1(%arg0: i32) -> (i32, i32, i32) {
    %c0_i32 = arith.constant 0 : i32
    %c0_i32_0 = arith.constant 0 : i32
    %c0_i32_1 = arith.constant 0 : i32
    return %c0_i32, %arg0, %c0_i32_0 : i32, i32, i32
  }
  func.func @transform_2(%arg0: i32) -> (i32, i32) {
    %c0_i32 = arith.constant 0 : i32
    %c0_i32_0 = arith.constant 0 : i32
    return %arg0, %c0_i32 : i32, i32
  }
  func.func @transform_3(%arg0: i32) -> (i32, i32) {
    %c0_i32 = arith.constant 0 : i32
    %c0_i32_0 = arith.constant 0 : i32
    %c0_i32_1 = arith.constant 0 : i32
    return %c0_i32, %c0_i32_0 : i32, i32
  }
  func.func @transform_4(%arg0: i32) -> (i32, i32) {
    %c0_i32 = arith.constant 0 : i32
    %c0_i32_0 = arith.constant 0 : i32
    %c0_i32_1 = arith.constant 0 : i32
    return %c0_i32, %c0_i32_0 : i32, i32
  }
  func.func @transform_5(%arg0: i32) -> (i32, i32) {
    %c0_i32 = arith.constant 0 : i32
    %c0_i32_0 = arith.constant 0 : i32
    %c0_i32_1 = arith.constant 0 : i32
    return %c0_i32, %c0_i32_0 : i32, i32
  }
}

</mosaic_0001>

<sc_bundles>
// kernel: kernel.14.cloned.1.call-start
scs
__scs_entry_jumppad:
0x0: {  	(pc) =	sbr.rel $0x88, $3  }
0x1: {  	(tag) =	ssettag $0x0;
	lr =	simm.s32 $0x1  }
0x2: {  	[smem:$0x3F97] =	sst lr;
	_ =	strace $0xD0000000  }
0x3: {  	_ = 	snop  }
0x4: {  	_ = 	snop  }
0x5: {  	_ = 	snop  }
0x6: {  	_ = 	snop  }
0x7: {  	_ = 	snop  }
__scs_overlays_trampoline_lowered:
0x8: {  	[smem:$0x3FA6] =	sst s0  }
0x9: {  	[smem:$0x3FA7] =	sst s1  }
0xa: {  	[smem:$0x3FA8] =	sst s2  }
0xb: {  	[smem:$0x3FA9] =	sst s3  }
0xc: {  	[smem:$0x3FAA] =	sst s4  }
0xd: {  	[smem:$0x3FAB] =	sst s5  }
0xe: {  	[smem:$0x3FAC] =	sst s6  }
0xf: {  	[smem:$0x3FAD] =	sst s7  }
0x10: {  	[smem:$0x3FAE] =	sst s8  }
0x11: {  	[smem:$0x3FAF] =	sst s9;
	s0 =	simm.s32 @!p0 $0x0  }
0x12: {  	s1 =	sld [smem:$0x3F95];
	s0 =	simm.s32 @p0 $0x1  }
0x13: {  	[smem:$0x3FB0] =	sst s0;
	s0 =	simm.s32 @!p1 $0x0  }
0x14: {  	s2 =	sld [smem:$0x3F94];
	s0 =	simm.s32 @p1 $0x1  }
0x15: {  	[smem:$0x3FB1] =	sst s0;
	s0 =	simm.s32 @!p2 $0x0  }
0x16: {  	s3 =	sld [smem:$0x3FDB];
	s0 =	simm.s32 @p2 $0x1  }
0x17: {  	s4 =	simm.s32 $0x1BF5;
	[smem:$0x3FB3] =	sst s0  }
0x18: {  	s0 =	sld [smem:$0x3F96];
	_ =	swait.ge [sflag:s4], $0x0  }
0x19: {  	s7 =	sld [smem:$0x3F97]  }
0x1a: {  	s8 =	sadd.s32 $0xFFFFE003, lr  }
0x1b: {  	s9 =	sadd.s32 $0xFFFFFEF7, lr;
	s5 =	simm.s32 $0xFFFFFFFF;
	p2 =	slt.u32 s8, $0xFFFFF086  }
0x1c: {  	p1 =	slt.u32 s9, $0xF7A;
	s5 =	simm.s32 @!p2 $0x0  }
0x1d: {  	s5 =	simm.s32 @p1 $0x1;
	p0 =	seq.s32 s7, s2  }
0x1e: {  	s7 =	smul.u32 @!p0 $0xF7A, s2;
	p2 =	seq.s32 @!p0 s5, $0x0  }
0x1f: {  	s9 =	smul.u32 $0xF7A, s1;
	s8 =	simm.s32 @!p0 $0x1BF5;
	p2 =	por !p2, p0  }
0x20: {  	[sflag:s8] =	ssyncset.s32 @!p0 $0xFFFFF086;
	s6 =	sadd.s32 @!p0 s3, s7;
	s7 =	simm.s32 @!p0 $0x108  }
0x21: {  	s3 =	sadd.s32 s3, s9;
	s6 =	sadd.s32 @!p0 $0x88, s6;
	s7 =	simm.s32 @p2 $0x1082  }
0x22: {  	[simem:s7], [sflag:s8] =	dma.local @!p0 [hbm:s6], $0xF7A  }
0x23: {  	s9 =	sor.u32 $0xD0000000, s2;
	s6 =	simm.s32 $0x108;
	_ =	swait.ge @!p0 [sflag:s8], $0x0  }
0x24: {  	s3 =	sadd.s32 $0x88, s3;
	s6 =	simm.s32 @!p1 $0x1082;
	[sflag:s4] =	ssyncset.s32 $0xFFFFF086  }
0x25: {  	[simem:s6], [sflag:s4] =	dma.local [hbm:s3], $0xF7A  }
0x26: {  	[smem:$0x3F97] =	sst s1;
	(tag) =	ssettag s2;
	_ =	strace s9  }
0x27: {  	s1 =	sld [smem:$0x3FA7]  }
0x28: {  	s2 =	sld [smem:$0x3FA8]  }
0x29: {  	s4 =	sld [smem:$0x3FAA]  }
0x2a: {  	p0 =	seq.s32 s5, $0x0;
	s5 =	sld [smem:$0x3FAB]  }
0x2b: {  	s6 =	sld [smem:$0x3FAC]  }
0x2c: {  	s7 =	sld [smem:$0x3FAD]  }
0x2d: {  	s3 =	simm.s32 $0x108;
	s8 =	sld [smem:$0x3FAE]  }
0x2e: {  	s3 =	simm.s32 @!p0 $0x1082;
	s9 =	sld [smem:$0x3FAF]  }
0x2f: {  	lr =	sadd.s32 s0, s3;
	s0 =	sld [smem:$0x3FA6]  }
0x30: {  	s3 =	sld [smem:$0x3FA9]  }
0x31: {  	[smem:$0x3FB2] =	sst s10  }
0x32: {  	s10 =	sld [smem:$0x3FB0];
	_ =	sdelay $0x3  }
0x33: {  	p0 =	seq.s32 s10, $0x1;
	s10 =	sld [smem:$0x3FB2];
	_ =	sdelay $0x3  }
0x34: {  	[smem:$0x3FB2] =	sst s10  }
0x35: {  	s10 =	sld [smem:$0x3FB1];
	_ =	sdelay $0x3  }
0x36: {  	p1 =	seq.s32 s10, $0x1;
	s10 =	sld [smem:$0x3FB2];
	_ =	sdelay $0x3  }
0x37: {  	[smem:$0x3FB2] =	sst s10  }
0x38: {  	s10 =	sld [smem:$0x3FB3]  }
0x39: {  	_ = 	snop;
	(pc) =	sbr.ind lr, $3  }
0x3a: {  	_ = 	snop  }
0x3b: {  	_ = 	snop  }
0x3c: {  	p2 =	seq.s32 s10, $0x1;
	s10 =	sld [smem:$0x3FB2]  }
0x3d: {  	_ =	shalt  }
0x3e: {  	_ =	shalt  }
0x3f: {  	_ =	shalt  }
0x40: {  	_ =	shalt  }
0x41: {  	_ =	shalt  }
0x42: {  	_ =	shalt  }
0x43: {  	_ =	shalt  }
0x44: {  	_ =	shalt  }
0x45: {  	_ =	shalt  }
0x46: {  	_ =	shalt  }
0x47: {  	_ =	shalt  }
0x48: {  	_ =	shalt  }
0x49: {  	_ =	shalt  }
0x4a: {  	_ =	shalt  }
0x4b: {  	_ =	shalt  }
0x4c: {  	_ =	shalt  }
0x4d: {  	_ =	shalt  }
0x4e: {  	_ =	shalt  }
0x4f: {  	_ =	shalt  }
0x50: {  	_ =	shalt  }
0x51: {  	_ =	shalt  }
0x52: {  	_ =	shalt  }
0x53: {  	_ =	shalt  }
0x54: {  	_ =	shalt  }
0x55: {  	_ =	shalt  }
0x56: {  	_ =	shalt  }
0x57: {  	_ =	shalt  }
0x58: {  	_ =	shalt  }
0x59: {  	_ =	shalt  }
0x5a: {  	_ =	shalt  }
0x5b: {  	_ =	shalt  }
0x5c: {  	_ =	shalt  }
0x5d: {  	_ =	shalt  }
0x5e: {  	_ =	shalt  }
0x5f: {  	_ =	shalt  }
0x60: {  	_ =	shalt  }
0x61: {  	_ =	shalt  }
0x62: {  	_ =	shalt  }
0x63: {  	_ =	shalt  }
0x64: {  	_ =	shalt  }
0x65: {  	_ =	shalt  }
0x66: {  	_ =	shalt  }
0x67: {  	_ =	shalt  }
0x68: {  	_ =	shalt  }
0x69: {  	_ =	shalt  }
0x6a: {  	_ =	shalt  }
0x6b: {  	_ =	shalt  }
0x6c: {  	_ =	shalt  }
0x6d: {  	_ =	shalt  }
0x6e: {  	_ =	shalt  }
0x6f: {  	_ =	shalt  }
0x70: {  	_ =	shalt  }
0x71: {  	_ =	shalt  }
0x72: {  	_ =	shalt  }
0x73: {  	_ =	shalt  }
0x74: {  	_ =	shalt  }
0x75: {  	_ =	shalt  }
0x76: {  	_ =	shalt  }
0x77: {  	_ =	shalt  }
0x78: {  	_ =	shalt  }
0x79: {  	_ =	shalt  }
0x7a: {  	_ =	shalt  }
0x7b: {  	_ =	shalt  }
0x7c: {  	_ =	shalt  }
0x7d: {  	_ =	shalt  }
0x7e: {  	_ =	shalt  }
0x7f: {  	_ =	shalt  }
0x80: {  	_ =	shalt  }
0x81: {  	_ =	shalt  }
0x82: {  	_ =	shalt  }
0x83: {  	_ =	shalt  }
0x84: {  	_ =	shalt  }
0x85: {  	_ =	shalt  }
0x86: {  	_ =	shalt  }
0x87: {  	_ =	shalt  }
.Lfunc_end0:
.L_simem_size_0:
called_computation_lowered:
.L_overlay_start_0:
0x88: {  	s2 =	sld [smem:$0x3FD9]  }
0x89: {  	s3 =	sld [smem:$0x3FFE];
	_ =	sdelay $0x1  }
0x8a: {  	s1 =	srdreg.scid  }
0x8b: {  	s0 =	sand.u32 $0x1, s1  }
0x8c: {  	s16 =	sshll.u32 s0, $0xA;
	s2 =	sadd.s32 s3, s2  }
0x8d: {  	s2 =	sadd.s32 s2, s16  }
0x8e: {  	[smem:$0x3FBE] =	sst s2  }
0x8f: {  	_ = 	snop  }
0x90: {  	(tm) =	ssettm $0x1  }
0x91: {  	s17 =	sld [smem:$0x3FFB];
	_ =	sdelay $0x3  }
0x92: {  	_ =	strace s17  }
0x93: {  	s2 =	sld [smem:$0x3FFC];
	_ =	sdelay $0x3  }
0x94: {  	_ =	strace s2  }
0x95: {  	s2 =	sld [smem:$0x3FFD];
	_ =	sdelay $0x3  }
0x96: {  	_ =	strace s2  }
0x97: {  	_ =	strace $0x8FFFFFFF  }
0x98: {  	s18 =	sld [smem:$0x3FDB];
	_ =	sdelay $0x1  }
0x99: {  	s19 =	simm.s32 $_scs_section_size  }
0x9a: {  	s4 =	simm.s32 $_size__tile_overlayer_lowered;
	s5 =	simm.s32 $_tile_overlayer_lowered  }
0x9b: {  	s22 =	simm.s32 $0x1BFF;
	s21 =	sshll.u32 s5, $0x1;
	s2 =	sadd.s32 s19, s18  }
0x9c: {  	s6 =	simm.s32 $0x0;
	s20 =	sshll.u32 s4, $0x1;
	s4 =	sadd.s32 s21, s2  }
0x9d: {  	[timem:s6], [sflag:s22] =	dma.local [hbm:s4], s20  }
0x9e: {  	_ =	swait.ge [sflag:s22], s20  }
0x9f: {  	s3 =	ssub.s32 $0x0, s20;
	[sflag:s22] =	ssyncset.done $0x0  }
0xa0: {  	[sflag:s22] =	ssyncadd.s32 s3;
	_ =	sdelay $0x1  }
0xa1: {  	s23 =	simm.s32 $0x1B8B  }
0xa2: {  	_ =	swait.ge [sflag:s23], $0x1  }
0xa3: {  	[sflag:s23] =	ssyncset.done $0x0  }
0xa4: {  	s25 =	simm.s32 $0x1B8E;
	s24 =	sld [smem:$0x3FFE];
	[sflag:s23] =	ssyncadd.s32 $0xFFFFFFFF  }
0xa5: {  	s26 =	simm.s32 $execute0_lowered;
	[smem:$0x3FD2] =	sst s25  }
0xa6: {  	s4 =	sshll.u32 s26, $0x1;
	_ =	strace $0x80000046;
	[dreg:$0x1] =	wrdreg $0xFFFFFFFF  }
0xa7: {  	s28 =	simm.s32 $_size_execute0_lowered;
	s2 =	sadd.s32 s2, s4;
	[dreg:$0x0] =	wrdreg $0x0  }
0xa8: {  	s4 =	sshll.u32 s28, $0x1;
	[dreg:$0x2] =	wrdreg s2  }
0xa9: {  	[dreg:$0x3] =	wrdreg s4  }
0xaa: {  	[dreg:$0x4] =	wrdreg $0xC0  }
0xab: {  	_ =	task [dreg:s6], $0x5FFFF  }
0xac: {  	[dreg:$0x1] =	wrdreg $0xFFFFFFFF  }
0xad: {  	[dreg:$0x0] =	wrdreg $0x60  }
0xae: {  	[dreg:$0x2] =	wrdreg s24  }
0xaf: {  	[dreg:$0x3] =	wrdreg $0x9  }
0xb0: {  	_ =	task.clear_ibuf [dreg:s6], $0x4FFFF;
	_ =	strace $0x90000046  }
0xb1: {  	s29 =	simm.s32 $0x9;
	_ =	strace $0x80000048  }
0xb2: {  	_ =	swait.ge [sflag:s29], $0x1  }
0xb3: {  	[sflag:s29] =	ssyncadd.s32 $0xFFFFFFFF  }
0xb4: {  	_ =	strace $0x90000048  }
0xb5: {  	_ =	sfence  }
0xb6: {  	s30 =	sld [smem:$0x0];
	_ =	sdelay $0x2  }
0xb7: {  	s31 =	sshll.u32 s1, $0xD;
	s1 =	sshrl.u32 s1, $0x2  }
0xb8: {  	s3 =	sand.u32 $0x4000, s31;
	s1 =	sadd.s32 s1, s30  }
0xb9: {  	s0 =	sor.u32 s3, s0;
	s1 =	sshll.u32 s1, $0x11  }
0xba: {  	s0 =	sor.u32 s1, s0  }
0xbb: {  	s0 =	sadd.s32 $0x8F2B, s0  }
0xbc: {  	[sflag:s0] =	ssyncadd.remote.s32 $0x1  }
0xbd: {  	_ =	sfence.sel $0xFFFF  }
0xbe: {  	[dreg:$0x0] =	wrdreg $0xFFFFFFFF;
	(pc) =	sbr.abs _section_cstart, $3  }
0xbf: {  	[dreg:$0x1] =	wrdreg $0xFFFFFFFF  }
0xc0: {  	_ =	task.clear_ibuf [dreg:s6], $0x2FFFF;
	_ =	strace $0x9FFFFFFF  }
0xc1: {  	(tm) =	ssettm $0x7FFFFFFF  }
tec
execute0_lowered:
.L_overlay_start_1:
0x0: {  	(tag) =	ssettag $0x1  }
0x1: {  	s0 =	srdreg.scid  }
0x2: {  	s3 =	sand.u32 $0x1, s0  }
0x3: {  	s4 =	rddreg [dreg:$0x0];
	s0 =	stileid.u32;
	s1 =	sshll.u32 s3, $0x4  }
0x4: {  	s2 =	simm.s32 $0x0;
	s8 =	simm.s32 $0x1;
	s1 =	sor.u32 s0, s1  }
0x5: {  	s9 =	simm.s32 $0x2780;
	s10 =	simm.s32 $0x0;
	s5 =	sshrl.u32 s1, $0x3  }
0x6: {  	[smem:$0x7FF] =	sst s2;
	s7 =	sshll.u32 s0, $0x7;
	s6 =	smul.u32 $0x13C00, s5  }
0x7: {  	s3 =	ssub.s32 $0x2, s3;
	s7 =	sand.u32 $0x380, s7;
	s5 =	smul.u32 $0x14000, s5  }
0x8: {  	s31 =	sshrl.u32 s3, $0x1;
	s1 =	rddreg [dreg:$0x1];
	s6 =	sor.u32 s7, s6  }
0x9: {  	_ =	strace $0x80000047;
	s5 =	sor.u32 s7, s5;
	s6 =	sshrl.u32 s6, $0x3  }
0xa: {  	s7 =	simm.s32 $0x400;
	s5 =	sshrl.u32 s5, $0x3;
	s6 =	sadd.s32 s6, s4  }
0xb: {  	s4 =	sadd.s32 s5, s4;
	s5 =	ssub.s32 s3, s31;
	s3 =	sadd.s32 $0x3400, s6  }
0xc: {  	v0 =	vimm.f32 $0.0e+00;
	v1 =	vimm.f32 $1.000000000e+00;
	s4 =	sadd.s32 $0xD200, s4;
	s5 =	smax.u32 s5, $0x1;
	s6 =	simm.s32 $0x80  }
.LBB2_1:
0xd: {  	[tilespmem:s2], [sflag:$0x1] =	stream.strided.gather [hbm4b:s3+s6], $0x2780, s7, s6, $0x38;
	[tilespmem:$0x4F80] =	vst v63  }
0xe: {  	_ =	swait.ge [sflag:s8], $0x2780  }
0xf: {  	[sflag:s8] =	ssyncset.done $0x0  }
0x10: {  	s11 =	simm.s32 $0x0;
	[sflag:s8] =	ssyncadd.s32 $0xFFFFD880  }
.LBB2_2:
0x11: {  	p0 =	sne.s32 s11, $0x9FC0  }
.Ltmp0:
0x12: {  	_ = 	snop;
	(pc) =	sbr.rel @p0 .LBB2_2-.Ltmp0, $3  }
0x13: {  	_ =	sdelay $0x1  }
0x14: {  	s12 =	sshra.s32 s11, $0x2  }
0x15: {  	s11 =	sadd.s32 $0x40, s11;
	[tilespmem:s12+$0x2780] =	vst v0  }
0x16: {  	s12 =	simm.s32 $0x0;
	s11 =	simm.s32 $0x40  }
.LBB2_4:
0x17: {  	p0 =	sne.s32 s11, $0x9C00;
	v2 =	vld [tilespmem:s12+$0x0];
	_ =	sdelay $0x3  }
.Ltmp1:
0x18: {  	(pc) =	sbr.rel @p0 .LBB2_4-.Ltmp1, $2  }
0x19: {  	_ =	sdelay $0x2  }
0x1a: {  	s12 =	sshra.s32 s11, $0x2;
	s11 =	sadd.s32 $0x40, s11;
	[tilespmem:v2+s9+$0x0] =	vst.idx.add.f32.msk $0xffff, v1  }
0x1b: {  	v2 =	vld [tilespmem:s12+$0x0];
	_ =	sdelay $0x5  }
0x1c: {  	s10 =	sadd.s32 $0x1, s10  }
0x1d: {  	p0 =	sne.s32 s10, s5  }
.Ltmp2:
0x1e: {  	[tilespmem:v2+s9+$0x0] =	vst.idx.add.f32.msk $0xffff, v1;
	(pc) =	sbr.rel @p0 .LBB2_1-.Ltmp2, $4  }
0x1f: {  	[hbm4b:s4+s6] =	stream.strided.scatter [tilespmem:s9], [sflag:$0x1], $0x2800, s7, s6, $0x38;
	[tilespmem:$0x4F80] =	vst v63  }
0x20: {  	_ =	swait.ge [sflag:s8], $0x2800  }
0x21: {  	[sflag:s8] =	ssyncset.done $0x0  }
0x22: {  	[sflag:s8] =	ssyncadd.s32 $0xFFFFD800  }
0x23: {  	_ =	sfence.sel $0x180000  }
0x24: {  	[bflag:$0x0] =	sbarrier.arrive $0xFFFF  }
0x25: {  	p0 =	sne.s32 s0, $0x0;
	_ =	strace $0x90000047  }
0x26: {  	s0 =	sadd.s32 @!p0 $0x100000, s1;
	[bflag:$0x2] =	sbarrier.arrive $0xFFFF  }
0x27: {  	[sflag:s0] =	ssyncadd.tile.s32 @!p0 $0x1;
	_ =	shalt  }
.Lfunc_end2:
_tile_overlayer_lowered:
.L_overlay_start_2:
0x28: {  	(tag) =	ssettag $0x2  }
0x29: {  	s0 =	rddreg [dreg:$0x0];
	s2 =	stileid.u32  }
0x2a: {  	s1 =	rddreg [dreg:$0x1];
	p0 =	sne.s32 s2, $0x0  }
0x2b: {  	s3 =	rddreg [dreg:$0x2];
	[bflag:$0x3] =	sbarrier.arrive $0xFFFF;
	s2 =	simm.s32 @!p0 $0x1C01  }
0x2c: {  	[timem:s3], [sflag:s2] =	dma.local @!p0 [hbm:s0], s1  }
0x2d: {  	s0 =	simm.s32 @!p0 $0x1  }
0x2e: {  	_ =	swait.ge @!p0 [sflag:s0], s1  }
0x2f: {  	s1 =	ssub.s32 @!p0 $0x0, s1;
	[sflag:s0] =	ssyncset.done @!p0 $0x0  }
0x30: {  	[sflag:s0] =	ssyncadd.s32 @!p0 s1  }
0x31: {  	[bflag:$0x3] =	sbarrier.arrive $0xFFFF  }
0x32: {  	_ =	shalt  }

// kernel: kernel.17.cloned.1.call-start
scs
__scs_entry_jumppad:
0x0: {  	(pc) =	sbr.rel $0x88, $3  }
0x1: {  	(tag) =	ssettag $0x0;
	lr =	simm.s32 $0x1  }
0x2: {  	[smem:$0x3F97] =	sst lr;
	_ =	strace $0xD0000000  }
0x3: {  	_ = 	snop  }
0x4: {  	_ = 	snop  }
0x5: {  	_ = 	snop  }
0x6: {  	_ = 	snop  }
0x7: {  	_ = 	snop  }
__scs_overlays_trampoline_lowered:
0x8: {  	[smem:$0x3FA6] =	sst s0  }
0x9: {  	[smem:$0x3FA7] =	sst s1  }
0xa: {  	[smem:$0x3FA8] =	sst s2  }
0xb: {  	[smem:$0x3FA9] =	sst s3  }
0xc: {  	[smem:$0x3FAA] =	sst s4  }
0xd: {  	[smem:$0x3FAB] =	sst s5  }
0xe: {  	[smem:$0x3FAC] =	sst s6  }
0xf: {  	[smem:$0x3FAD] =	sst s7  }
0x10: {  	[smem:$0x3FAE] =	sst s8  }
0x11: {  	[smem:$0x3FAF] =	sst s9;
	s0 =	simm.s32 @!p0 $0x0  }
0x12: {  	s1 =	sld [smem:$0x3F95];
	s0 =	simm.s32 @p0 $0x1  }
0x13: {  	[smem:$0x3FB0] =	sst s0;
	s0 =	simm.s32 @!p1 $0x0  }
0x14: {  	s2 =	sld [smem:$0x3F94];
	s0 =	simm.s32 @p1 $0x1  }
0x15: {  	[smem:$0x3FB1] =	sst s0;
	s0 =	simm.s32 @!p2 $0x0  }
0x16: {  	s3 =	sld [smem:$0x3FDB];
	s0 =	simm.s32 @p2 $0x1  }
0x17: {  	s4 =	simm.s32 $0x1BF5;
	[smem:$0x3FB3] =	sst s0  }
0x18: {  	s0 =	sld [smem:$0x3F96];
	_ =	swait.ge [sflag:s4], $0x0  }
0x19: {  	s7 =	sld [smem:$0x3F97]  }
0x1a: {  	s8 =	sadd.s32 $0xFFFFE003, lr  }
0x1b: {  	s9 =	sadd.s32 $0xFFFFFEF7, lr;
	s5 =	simm.s32 $0xFFFFFFFF;
	p2 =	slt.u32 s8, $0xFFFFF086  }
0x1c: {  	p1 =	slt.u32 s9, $0xF7A;
	s5 =	simm.s32 @!p2 $0x0  }
0x1d: {  	s5 =	simm.s32 @p1 $0x1;
	p0 =	seq.s32 s7, s2  }
0x1e: {  	s7 =	smul.u32 @!p0 $0xF7A, s2;
	p2 =	seq.s32 @!p0 s5, $0x0  }
0x1f: {  	s9 =	smul.u32 $0xF7A, s1;
	s8 =	simm.s32 @!p0 $0x1BF5;
	p2 =	por !p2, p0  }
0x20: {  	[sflag:s8] =	ssyncset.s32 @!p0 $0xFFFFF086;
	s6 =	sadd.s32 @!p0 s3, s7;
	s7 =	simm.s32 @!p0 $0x108  }
0x21: {  	s3 =	sadd.s32 s3, s9;
	s6 =	sadd.s32 @!p0 $0x88, s6;
	s7 =	simm.s32 @p2 $0x1082  }
0x22: {  	[simem:s7], [sflag:s8] =	dma.local @!p0 [hbm:s6], $0xF7A  }
0x23: {  	s9 =	sor.u32 $0xD0000000, s2;
	s6 =	simm.s32 $0x108;
	_ =	swait.ge @!p0 [sflag:s8], $0x0  }
0x24: {  	s3 =	sadd.s32 $0x88, s3;
	s6 =	simm.s32 @!p1 $0x1082;
	[sflag:s4] =	ssyncset.s32 $0xFFFFF086  }
0x25: {  	[simem:s6], [sflag:s4] =	dma.local [hbm:s3], $0xF7A  }
0x26: {  	[smem:$0x3F97] =	sst s1;
	(tag) =	ssettag s2;
	_ =	strace s9  }
0x27: {  	s1 =	sld [smem:$0x3FA7]  }
0x28: {  	s2 =	sld [smem:$0x3FA8]  }
0x29: {  	s4 =	sld [smem:$0x3FAA]  }
0x2a: {  	p0 =	seq.s32 s5, $0x0;
	s5 =	sld [smem:$0x3FAB]  }
0x2b: {  	s6 =	sld [smem:$0x3FAC]  }
0x2c: {  	s7 =	sld [smem:$0x3FAD]  }
0x2d: {  	s3 =	simm.s32 $0x108;
	s8 =	sld [smem:$0x3FAE]  }
0x2e: {  	s3 =	simm.s32 @!p0 $0x1082;
	s9 =	sld [smem:$0x3FAF]  }
0x2f: {  	lr =	sadd.s32 s0, s3;
	s0 =	sld [smem:$0x3FA6]  }
0x30: {  	s3 =	sld [smem:$0x3FA9]  }
0x31: {  	[smem:$0x3FB2] =	sst s10  }
0x32: {  	s10 =	sld [smem:$0x3FB0];
	_ =	sdelay $0x3  }
0x33: {  	p0 =	seq.s32 s10, $0x1;
	s10 =	sld [smem:$0x3FB2];
	_ =	sdelay $0x3  }
0x34: {  	[smem:$0x3FB2] =	sst s10  }
0x35: {  	s10 =	sld [smem:$0x3FB1];
	_ =	sdelay $0x3  }
0x36: {  	p1 =	seq.s32 s10, $0x1;
	s10 =	sld [smem:$0x3FB2];
	_ =	sdelay $0x3  }
0x37: {  	[smem:$0x3FB2] =	sst s10  }
0x38: {  	s10 =	sld [smem:$0x3FB3]  }
0x39: {  	_ = 	snop;
	(pc) =	sbr.ind lr, $3  }
0x3a: {  	_ = 	snop  }
0x3b: {  	_ = 	snop  }
0x3c: {  	p2 =	seq.s32 s10, $0x1;
	s10 =	sld [smem:$0x3FB2]  }
0x3d: {  	_ =	shalt  }
0x3e: {  	_ =	shalt  }
0x3f: {  	_ =	shalt  }
0x40: {  	_ =	shalt  }
0x41: {  	_ =	shalt  }
0x42: {  	_ =	shalt  }
0x43: {  	_ =	shalt  }
0x44: {  	_ =	shalt  }
0x45: {  	_ =	shalt  }
0x46: {  	_ =	shalt  }
0x47: {  	_ =	shalt  }
0x48: {  	_ =	shalt  }
0x49: {  	_ =	shalt  }
0x4a: {  	_ =	shalt  }
0x4b: {  	_ =	shalt  }
0x4c: {  	_ =	shalt  }
0x4d: {  	_ =	shalt  }
0x4e: {  	_ =	shalt  }
0x4f: {  	_ =	shalt  }
0x50: {  	_ =	shalt  }
0x51: {  	_ =	shalt  }
0x52: {  	_ =	shalt  }
0x53: {  	_ =	shalt  }
0x54: {  	_ =	shalt  }
0x55: {  	_ =	shalt  }
0x56: {  	_ =	shalt  }
0x57: {  	_ =	shalt  }
0x58: {  	_ =	shalt  }
0x59: {  	_ =	shalt  }
0x5a: {  	_ =	shalt  }
0x5b: {  	_ =	shalt  }
0x5c: {  	_ =	shalt  }
0x5d: {  	_ =	shalt  }
0x5e: {  	_ =	shalt  }
0x5f: {  	_ =	shalt  }
0x60: {  	_ =	shalt  }
0x61: {  	_ =	shalt  }
0x62: {  	_ =	shalt  }
0x63: {  	_ =	shalt  }
0x64: {  	_ =	shalt  }
0x65: {  	_ =	shalt  }
0x66: {  	_ =	shalt  }
0x67: {  	_ =	shalt  }
0x68: {  	_ =	shalt  }
0x69: {  	_ =	shalt  }
0x6a: {  	_ =	shalt  }
0x6b: {  	_ =	shalt  }
0x6c: {  	_ =	shalt  }
0x6d: {  	_ =	shalt  }
0x6e: {  	_ =	shalt  }
0x6f: {  	_ =	shalt  }
0x70: {  	_ =	shalt  }
0x71: {  	_ =	shalt  }
0x72: {  	_ =	shalt  }
0x73: {  	_ =	shalt  }
0x74: {  	_ =	shalt  }
0x75: {  	_ =	shalt  }
0x76: {  	_ =	shalt  }
0x77: {  	_ =	shalt  }
0x78: {  	_ =	shalt  }
0x79: {  	_ =	shalt  }
0x7a: {  	_ =	shalt  }
0x7b: {  	_ =	shalt  }
0x7c: {  	_ =	shalt  }
0x7d: {  	_ =	shalt  }
0x7e: {  	_ =	shalt  }
0x7f: {  	_ =	shalt  }
0x80: {  	_ =	shalt  }
0x81: {  	_ =	shalt  }
0x82: {  	_ =	shalt  }
0x83: {  	_ =	shalt  }
0x84: {  	_ =	shalt  }
0x85: {  	_ =	shalt  }
0x86: {  	_ =	shalt  }
0x87: {  	_ =	shalt  }
.Lfunc_end0:
.L_simem_size_0:
called_computation.1_lowered:
.L_overlay_start_0:
0x88: {  	s2 =	sld [smem:$0x3FD9]  }
0x89: {  	s3 =	sld [smem:$0x3FFE];
	_ =	sdelay $0x1  }
0x8a: {  	s1 =	srdreg.scid  }
0x8b: {  	s0 =	sand.u32 $0x1, s1  }
0x8c: {  	s16 =	sshll.u32 s0, $0xA;
	s2 =	sadd.s32 s3, s2  }
0x8d: {  	s2 =	sadd.s32 s2, s16  }
0x8e: {  	[smem:$0x3FBE] =	sst s2  }
0x8f: {  	_ = 	snop  }
0x90: {  	(tm) =	ssettm $0x1  }
0x91: {  	s17 =	sld [smem:$0x3FFB];
	_ =	sdelay $0x3  }
0x92: {  	_ =	strace s17  }
0x93: {  	s2 =	sld [smem:$0x3FFC];
	_ =	sdelay $0x3  }
0x94: {  	_ =	strace s2  }
0x95: {  	s2 =	sld [smem:$0x3FFD];
	_ =	sdelay $0x3  }
0x96: {  	_ =	strace s2  }
0x97: {  	_ =	strace $0x8FFFFFFF  }
0x98: {  	s18 =	sld [smem:$0x3FDB];
	_ =	sdelay $0x1  }
0x99: {  	s19 =	simm.s32 $_scs_section_size  }
0x9a: {  	s4 =	simm.s32 $_size__tile_overlayer_lowered;
	s5 =	simm.s32 $_tile_overlayer_lowered  }
0x9b: {  	s22 =	simm.s32 $0x1BFF;
	s21 =	sshll.u32 s5, $0x1;
	s2 =	sadd.s32 s19, s18  }
0x9c: {  	s6 =	simm.s32 $0x0;
	s20 =	sshll.u32 s4, $0x1;
	s4 =	sadd.s32 s21, s2  }
0x9d: {  	[timem:s6], [sflag:s22] =	dma.local [hbm:s4], s20  }
0x9e: {  	_ =	swait.ge [sflag:s22], s20  }
0x9f: {  	s3 =	ssub.s32 $0x0, s20;
	[sflag:s22] =	ssyncset.done $0x0  }
0xa0: {  	[sflag:s22] =	ssyncadd.s32 s3;
	_ =	sdelay $0x1  }
0xa1: {  	s23 =	simm.s32 $0x1B8B  }
0xa2: {  	_ =	swait.ge [sflag:s23], $0x1  }
0xa3: {  	[sflag:s23] =	ssyncset.done $0x0  }
0xa4: {  	s25 =	simm.s32 $0x1B8E;
	s24 =	sld [smem:$0x3FFE];
	[sflag:s23] =	ssyncadd.s32 $0xFFFFFFFF  }
0xa5: {  	s26 =	simm.s32 $execute0_lowered;
	[smem:$0x3FD2] =	sst s25  }
0xa6: {  	s4 =	sshll.u32 s26, $0x1;
	_ =	strace $0x80000049;
	[dreg:$0x1] =	wrdreg $0xFFFFFFFF  }
0xa7: {  	s28 =	simm.s32 $_size_execute0_lowered;
	s2 =	sadd.s32 s2, s4;
	[dreg:$0x0] =	wrdreg $0x0  }
0xa8: {  	s4 =	sshll.u32 s28, $0x1;
	[dreg:$0x2] =	wrdreg s2  }
0xa9: {  	[dreg:$0x3] =	wrdreg s4  }
0xaa: {  	[dreg:$0x4] =	wrdreg $0xC0  }
0xab: {  	_ =	task [dreg:s6], $0x5FFFF  }
0xac: {  	[dreg:$0x1] =	wrdreg $0xFFFFFFFF  }
0xad: {  	[dreg:$0x0] =	wrdreg $0x60  }
0xae: {  	[dreg:$0x2] =	wrdreg s24  }
0xaf: {  	[dreg:$0x3] =	wrdreg $0xC0000  }
0xb0: {  	[dreg:$0x4] =	wrdreg $0x9  }
0xb1: {  	_ =	task.clear_ibuf [dreg:s6], $0x5FFFF;
	_ =	strace $0x90000049  }
0xb2: {  	s29 =	simm.s32 $0x9;
	_ =	strace $0x8000004B  }
0xb3: {  	_ =	swait.ge [sflag:s29], $0x1  }
0xb4: {  	[sflag:s29] =	ssyncadd.s32 $0xFFFFFFFF  }
0xb5: {  	_ =	strace $0x9000004B  }
0xb6: {  	_ =	sfence  }
0xb7: {  	s30 =	sld [smem:$0x0];
	_ =	sdelay $0x2  }
0xb8: {  	s31 =	sshll.u32 s1, $0xD;
	s1 =	sshrl.u32 s1, $0x2  }
0xb9: {  	s3 =	sand.u32 $0x4000, s31;
	s1 =	sadd.s32 s1, s30  }
0xba: {  	s0 =	sor.u32 s3, s0;
	s1 =	sshll.u32 s1, $0x11  }
0xbb: {  	s0 =	sor.u32 s1, s0  }
0xbc: {  	s0 =	sadd.s32 $0x8F2B, s0  }
0xbd: {  	[sflag:s0] =	ssyncadd.remote.s32 $0x1  }
0xbe: {  	_ =	sfence.sel $0xFFFF  }
0xbf: {  	[dreg:$0x0] =	wrdreg $0xFFFFFFFF;
	(pc) =	sbr.abs _section_cstart, $3  }
0xc0: {  	[dreg:$0x1] =	wrdreg $0xFFFFFFFF  }
0xc1: {  	_ =	task.clear_ibuf [dreg:s6], $0x2FFFF;
	_ =	strace $0x9FFFFFFF  }
0xc2: {  	(tm) =	ssettm $0x7FFFFFFF  }
0xc3: {  	_ =	shalt  }
tec
execute0_lowered:
.L_overlay_start_1:
0x0: {  	(tag) =	ssettag $0x1  }
0x1: {  	s0 =	rddreg [dreg:$0x0];
	s1 =	srdreg.scid  }
0x2: {  	s9 =	stileid.u32;
	s2 =	rddreg [dreg:$0x1];
	s3 =	simm.s32 $0x0  }
0x3: {  	s14 =	simm.s32 $0x5000;
	s15 =	simm.s32 $0x5;
	s16 =	simm.s32 $0xA000  }
0x4: {  	s17 =	simm.s32 $0x80;
	s18 =	simm.s32 $0x16000;
	s20 =	simm.s32 $0x18000  }
0x5: {  	s22 =	simm.s32 $0x1A000;
	s24 =	simm.s32 $0x1C000;
	s5 =	smul.u32 $0x5000, s9  }
0x6: {  	s25 =	simm.s32 $0x1;
	s28 =	simm.s32 $0x3;
	s8 =	smul.u32 $0x1400, s9  }
0x7: {  	s29 =	simm.s32 $0x4;
	s1 =	sand.u32 $0x1, s1;
	s9 =	smul.u32 $0x28000, s9  }
0x8: {  	s31 =	simm.s32 $0x4E80;
	s19 =	simm.s32 $0x0;
	s4 =	smul.u32 $0x50000, s1  }
0x9: {  	[smem:$0x7FF] =	sst s3;
	s7 =	smul.u32 $0x14000, s1;
	s1 =	ssub.s32 $0x2, s1  }
0xa: {  	_ =	strace $0x8000004A;
	s26 =	sshrl.u32 s1, $0x1;
	s30 =	sshrl.u32 s9, $0x2  }
0xb: {  	s6 =	sadd.s32 s5, s4;
	s4 =	sadd.s32 $0x85200, s0;
	s5 =	sshrl.u32 s5, $0x3  }
0xc: {  	s7 =	sadd.s32 s8, s7;
	s1 =	ssub.s32 s1, s26;
	s26 =	simm.s32 $0x2  }
0xd: {  	s6 =	sshrl.u32 s6, $0x3;
	s10 =	sadd.s32 s5, s0;
	s9 =	smax.u32 s1, $0x1  }
0xe: {  	s1 =	simm.s32 $0x4F00;
	s6 =	sadd.s32 s6, s0;
	s0 =	sadd.s32 s7, s0  }
0xf: {  	s7 =	sadd.s32 s30, s2;
	s5 =	sadd.s32 $0x71200, s6;
	s6 =	sadd.s32 $0x67200, s10  }
0x10: {  	s8 =	sadd.s32 $0xAD200, s0;
	s10 =	sadd.s32 $0x2000, s7;
	s11 =	sadd.s32 $0x4000, s7  }
0x11: {  	v0 =	vimm.f32 $0.0e+00;
	s12 =	sadd.s32 $0x6000, s7;
	s13 =	sadd.s32 $0x8000, s7;
	s0 =	simm.s32 $0x4F80  }
.LBB2_1:
0x12: {  	[tilespmem:s14], [sflag:$0x5] =	stream.linear.gather [hbm4b:s5+s3], $0x5000, $0x38;
	[tilespmem:$0x1E000] =	vst v63  }
0x13: {  	_ =	swait.ge [sflag:s15], $0x5000  }
0x14: {  	[sflag:s15] =	ssyncset.done $0x0  }
0x15: {  	[sflag:s15] =	ssyncadd.s32 $0xFFFFB000  }
0x16: {  	[tilespmem:s3], [sflag:$0x5] =	stream.linear.gather [hbm4b:s6+s3], $0x5000, $0x38;
	[tilespmem:$0x1E000] =	vst v63  }
0x17: {  	_ =	swait.ge [sflag:s15], $0x5000  }
0x18: {  	[sflag:s15] =	ssyncset.done $0x0  }
0x19: {  	s23 =	simm.s32 $0x100;
	s21 =	simm.s32 $0x0;
	[sflag:s15] =	ssyncadd.s32 $0xFFFFB000  }
.LBB2_2:
0x1a: {  	p0 =	sne.s32 s23, $0x7F00;
	[tilespmem:s21+$0xA030] =	vst v0;
	s30 =	smov.u32 s23;
	s23 =	sadd.s32 $0x100, s23  }
.Ltmp0:
0x1b: {  	[tilespmem:s21+$0xA020] =	vst v0;
	(pc) =	sbr.rel @p0 .LBB2_2-.Ltmp0, $3  }
0x1c: {  	[tilespmem:s21+$0xA000] =	vst v0  }
0x1d: {  	[tilespmem:s21+$0xA010] =	vst v0;
	_ =	sdelay $0x1  }
0x1e: {  	s21 =	sshra.s32 s30, $0x2  }
0x1f: {  	[tilespmem:s21+$0xA030] =	vst v0  }
0x20: {  	[tilespmem:s21+$0xA020] =	vst v0  }
0x21: {  	[tilespmem:s21+$0xA000] =	vst v0  }
0x22: {  	[tilespmem:s21+$0xA010] =	vst v0  }
0x23: {  	[spmem:s7] =	stream.linear.scatter [tilespmem:s16], [sflag:$0x5], $0x2000, $0x38;
	[tilespmem:$0x1E000] =	vst v63  }
0x24: {  	_ =	swait.ge [sflag:s15], $0x2000  }
0x25: {  	[sflag:s15] =	ssyncset.done $0x0  }
0x26: {  	[sflag:s15] =	ssyncadd.s32 $0xFFFFE000  }
0x27: {  	[spmem:s10] =	stream.linear.scatter [tilespmem:s16], [sflag:$0x5], $0x2000, $0x38;
	[tilespmem:$0x1E000] =	vst v63  }
0x28: {  	_ =	swait.ge [sflag:s15], $0x2000  }
0x29: {  	[sflag:s15] =	ssyncset.done $0x0  }
0x2a: {  	[sflag:s15] =	ssyncadd.s32 $0xFFFFE000  }
0x2b: {  	[spmem:s11] =	stream.linear.scatter [tilespmem:s16], [sflag:$0x5], $0x2000, $0x38;
	[tilespmem:$0x1E000] =	vst v63  }
0x2c: {  	_ =	swait.ge [sflag:s15], $0x2000  }
0x2d: {  	[sflag:s15] =	ssyncset.done $0x0  }
0x2e: {  	[sflag:s15] =	ssyncadd.s32 $0xFFFFE000  }
0x2f: {  	[spmem:s12] =	stream.linear.scatter [tilespmem:s16], [sflag:$0x5], $0x2000, $0x38;
	[tilespmem:$0x1E000] =	vst v63  }
0x30: {  	_ =	swait.ge [sflag:s15], $0x2000  }
0x31: {  	[sflag:s15] =	ssyncset.done $0x0  }
0x32: {  	[sflag:s15] =	ssyncadd.s32 $0xFFFFE000  }
0x33: {  	[spmem:s13] =	stream.linear.scatter [tilespmem:s16], [sflag:$0x5], $0x2000, $0x38;
	[tilespmem:$0x1E000] =	vst v63  }
0x34: {  	_ =	swait.ge [sflag:s15], $0x2000  }
0x35: {  	[sflag:s15] =	ssyncset.done $0x0  }
0x36: {  	[sflag:s15] =	ssyncadd.s32 $0xFFFFE000  }
0x37: {  	[bflag:$0x0] =	sbarrier.arrive $0xFFFF  }
0x38: {  	[tilespmem:s18], [sflag:$0x1] =	stream.indirect.gather [hbm4b:s4+s17], $0x40, s14, s17, $0xb8;
	[tilespmem:$0x1E000] =	vst v63  }
0x39: {  	s23 =	simm.s32 $0x5080  }
0x3a: {  	[tilespmem:s20], [sflag:$0x2] =	stream.indirect.gather [hbm4b:s4+s17], $0x40, s23, s17, $0xb8;
	[tilespmem:$0x1E000] =	vst v63  }
0x3b: {  	s30 =	simm.s32 $0x5100  }
0x3c: {  	[tilespmem:s22], [sflag:$0x3] =	stream.indirect.gather [hbm4b:s4+s17], $0x40, s30, s17, $0xb8;
	[tilespmem:$0x1E000] =	vst v63  }
0x3d: {  	s23 =	simm.s32 $0x5180  }
0x3e: {  	[tilespmem:s24], [sflag:$0x4] =	stream.indirect.gather [hbm4b:s4+s17], $0x40, s23, s17, $0xb8;
	[tilespmem:$0x1E000] =	vst v63  }
0x3f: {  	_ =	swait.ge [sflag:s25], $0x2000  }
0x40: {  	[sflag:s25] =	ssyncset.done $0x0  }
0x41: {  	s30 =	simm.s32 $0x0;
	[sflag:s25] =	ssyncadd.s32 $0xFFFFE000  }
0x42: {  	[spmem:s2] =	stream.indirect.scatter.add.f32 [tilespmem:s18], [sflag:$0x5], $0x40, s30, s17, $0xb8;
	[tilespmem:$0x1E000] =	vst v63  }
0x43: {  	_ =	swait.ge [sflag:s15], $0x2000  }
0x44: {  	[sflag:s15] =	ssyncset.done $0x0  }
0x45: {  	s23 =	simm.s32 $0x5200;
	[sflag:s15] =	ssyncadd.s32 $0xFFFFE000  }
0x46: {  	[tilespmem:s18], [sflag:$0x1] =	stream.indirect.gather [hbm4b:s4+s17], $0x40, s23, s17, $0xb8;
	[tilespmem:$0x1E000] =	vst v63  }
0x47: {  	_ =	swait.ge [sflag:s26], $0x2000  }
0x48: {  	[sflag:s26] =	ssyncset.done $0x0  }
0x49: {  	s30 =	simm.s32 $0x80;
	[sflag:s26] =	ssyncadd.s32 $0xFFFFE000  }
0x4a: {  	[spmem:s2] =	stream.indirect.scatter.add.f32 [tilespmem:s20], [sflag:$0x5], $0x40, s30, s17, $0xb8;
	[tilespmem:$0x1E000] =	vst v63  }
0x4b: {  	_ =	swait.ge [sflag:s15], $0x2000  }
0x4c: {  	[sflag:s15] =	ssyncset.done $0x0  }
0x4d: {  	s23 =	simm.s32 $0x5280;
	[sflag:s15] =	ssyncadd.s32 $0xFFFFE000  }
0x4e: {  	[tilespmem:s20], [sflag:$0x2] =	stream.indirect.gather [hbm4b:s4+s17], $0x40, s23, s17, $0xb8;
	[tilespmem:$0x1E000] =	vst v63  }
0x4f: {  	_ =	swait.ge [sflag:s28], $0x2000  }
0x50: {  	[sflag:s28] =	ssyncset.done $0x0  }
0x51: {  	s30 =	simm.s32 $0x100;
	[sflag:s28] =	ssyncadd.s32 $0xFFFFE000  }
0x52: {  	[spmem:s2] =	stream.indirect.scatter.add.f32 [tilespmem:s22], [sflag:$0x5], $0x40, s30, s17, $0xb8;
	[tilespmem:$0x1E000] =	vst v63  }
0x53: {  	_ =	swait.ge [sflag:s15], $0x2000  }
0x54: {  	[sflag:s15] =	ssyncset.done $0x0  }
0x55: {  	s23 =	simm.s32 $0x5300;
	[sflag:s15] =	ssyncadd.s32 $0xFFFFE000  }
0x56: {  	[tilespmem:s22], [sflag:$0x3] =	stream.indirect.gather [hbm4b:s4+s17], $0x40, s23, s17, $0xb8;
	[tilespmem:$0x1E000] =	vst v63  }
0x57: {  	_ =	swait.ge [sflag:s29], $0x2000  }
0x58: {  	[sflag:s29] =	ssyncset.done $0x0  }
0x59: {  	s30 =	simm.s32 $0x180;
	[sflag:s29] =	ssyncadd.s32 $0xFFFFE000  }
0x5a: {  	[spmem:s2] =	stream.indirect.scatter.add.f32 [tilespmem:s24], [sflag:$0x5], $0x40, s30, s17, $0xb8;
	[tilespmem:$0x1E000] =	vst v63  }
0x5b: {  	_ =	swait.ge [sflag:s15], $0x2000  }
0x5c: {  	[sflag:s15] =	ssyncset.done $0x0  }
0x5d: {  	s21 =	simm.s32 $0x800;
	s23 =	simm.s32 $0x5380;
	[sflag:s15] =	ssyncadd.s32 $0xFFFFE000  }
.LBB2_4:
0x5e: {  	[tilespmem:s24], [sflag:$0x4] =	stream.indirect.gather [hbm4b:s4+s17], $0x40, s23, s17, $0xb8;
	[tilespmem:$0x1E000] =	vst v63  }
0x5f: {  	s23 =	smov.u32 s21  }
0x60: {  	p0 =	sne.s32 s21, $0x13000;
	s21 =	sadd.s32 $0x800, s21;
	_ =	swait.ge [sflag:s25], $0x2000  }
0x61: {  	[sflag:s25] =	ssyncset.done $0x0  }
0x62: {  	s23 =	sshra.s32 s23, $0x2;
	[sflag:s25] =	ssyncadd.s32 $0xFFFFE000  }
0x63: {  	[spmem:s2] =	stream.indirect.scatter.add.f32 [tilespmem:s18], [sflag:$0x5], $0x40, s23, s17, $0xb8;
	[tilespmem:$0x1E000] =	vst v63  }
0x64: {  	_ =	swait.ge [sflag:s15], $0x2000  }
0x65: {  	[sflag:s15] =	ssyncset.done $0x0  }
0x66: {  	s30 =	sadd.s32 $0x5200, s23;
	[sflag:s15] =	ssyncadd.s32 $0xFFFFE000  }
0x67: {  	[tilespmem:s18], [sflag:$0x1] =	stream.indirect.gather [hbm4b:s4+s17], $0x40, s30, s17, $0xb8;
	[tilespmem:$0x1E000] =	vst v63  }
0x68: {  	_ =	swait.ge [sflag:s26], $0x2000  }
0x69: {  	[sflag:s26] =	ssyncset.done $0x0  }
0x6a: {  	s30 =	sadd.s32 $0x80, s23;
	[sflag:s26] =	ssyncadd.s32 $0xFFFFE000  }
0x6b: {  	[spmem:s2] =	stream.indirect.scatter.add.f32 [tilespmem:s20], [sflag:$0x5], $0x40, s30, s17, $0xb8;
	[tilespmem:$0x1E000] =	vst v63  }
0x6c: {  	_ =	swait.ge [sflag:s15], $0x2000  }
0x6d: {  	[sflag:s15] =	ssyncset.done $0x0  }
0x6e: {  	s30 =	sadd.s32 $0x5280, s23;
	[sflag:s15] =	ssyncadd.s32 $0xFFFFE000  }
0x6f: {  	[tilespmem:s20], [sflag:$0x2] =	stream.indirect.gather [hbm4b:s4+s17], $0x40, s30, s17, $0xb8;
	[tilespmem:$0x1E000] =	vst v63  }
0x70: {  	_ =	swait.ge [sflag:s28], $0x2000  }
0x71: {  	[sflag:s28] =	ssyncset.done $0x0  }
0x72: {  	s30 =	sadd.s32 $0x100, s23;
	[sflag:s28] =	ssyncadd.s32 $0xFFFFE000  }
0x73: {  	[spmem:s2] =	stream.indirect.scatter.add.f32 [tilespmem:s22], [sflag:$0x5], $0x40, s30, s17, $0xb8;
	[tilespmem:$0x1E000] =	vst v63  }
0x74: {  	_ =	swait.ge [sflag:s15], $0x2000  }
0x75: {  	[sflag:s15] =	ssyncset.done $0x0  }
0x76: {  	s30 =	sadd.s32 $0x5300, s23;
	[sflag:s15] =	ssyncadd.s32 $0xFFFFE000  }
0x77: {  	[tilespmem:s22], [sflag:$0x3] =	stream.indirect.gather [hbm4b:s4+s17], $0x40, s30, s17, $0xb8;
	[tilespmem:$0x1E000] =	vst v63  }
0x78: {  	_ =	swait.ge [sflag:s29], $0x2000  }
0x79: {  	[sflag:s29] =	ssyncset.done $0x0  }
.Ltmp1:
0x7a: {  	s30 =	sadd.s32 $0x180, s23;
	[sflag:s29] =	ssyncadd.s32 $0xFFFFE000;
	(pc) =	sbr.rel @p0 .LBB2_4-.Ltmp1, $4  }
0x7b: {  	[spmem:s2] =	stream.indirect.scatter.add.f32 [tilespmem:s24], [sflag:$0x5], $0x40, s30, s17, $0xb8;
	[tilespmem:$0x1E000] =	vst v63  }
0x7c: {  	_ =	swait.ge [sflag:s15], $0x2000  }
0x7d: {  	[sflag:s15] =	ssyncset.done $0x0  }
0x7e: {  	s23 =	sadd.s32 $0x5380, s23;
	[sflag:s15] =	ssyncadd.s32 $0xFFFFE000  }
0x7f: {  	[tilespmem:s24], [sflag:$0x4] =	stream.indirect.gather [hbm4b:s4+s17], $0x40, s23, s17, $0xb8;
	[tilespmem:$0x1E000] =	vst v63  }
0x80: {  	_ =	swait.ge [sflag:s25], $0x2000  }
0x81: {  	[sflag:s25] =	ssyncset.done $0x0  }
0x82: {  	s21 =	simm.s32 $0x4E00;
	[sflag:s25] =	ssyncadd.s32 $0xFFFFE000  }
0x83: {  	[spmem:s2] =	stream.indirect.scatter.add.f32 [tilespmem:s18], [sflag:$0x5], $0x40, s21, s17, $0xb8;
	[tilespmem:$0x1E000] =	vst v63  }
0x84: {  	_ =	swait.ge [sflag:s15], $0x2000  }
0x85: {  	[sflag:s15] =	ssyncset.done $0x0  }
0x86: {  	[sflag:s15] =	ssyncadd.s32 $0xFFFFE000  }
0x87: {  	_ =	swait.ge [sflag:s26], $0x2000  }
0x88: {  	[sflag:s26] =	ssyncset.done $0x0  }
0x89: {  	[sflag:s26] =	ssyncadd.s32 $0xFFFFE000  }
0x8a: {  	[spmem:s2] =	stream.indirect.scatter.add.f32 [tilespmem:s20], [sflag:$0x5], $0x40, s31, s17, $0xb8;
	[tilespmem:$0x1E000] =	vst v63  }
0x8b: {  	_ =	swait.ge [sflag:s15], $0x2000  }
0x8c: {  	[sflag:s15] =	ssyncset.done $0x0  }
0x8d: {  	[sflag:s15] =	ssyncadd.s32 $0xFFFFE000  }
0x8e: {  	_ =	swait.ge [sflag:s28], $0x2000  }
0x8f: {  	[sflag:s28] =	ssyncset.done $0x0  }
0x90: {  	[sflag:s28] =	ssyncadd.s32 $0xFFFFE000  }
0x91: {  	[spmem:s2] =	stream.indirect.scatter.add.f32 [tilespmem:s22], [sflag:$0x5], $0x40, s1, s17, $0xb8;
	[tilespmem:$0x1E000] =	vst v63  }
0x92: {  	_ =	swait.ge [sflag:s15], $0x2000  }
0x93: {  	[sflag:s15] =	ssyncset.done $0x0  }
0x94: {  	[sflag:s15] =	ssyncadd.s32 $0xFFFFE000  }
0x95: {  	_ =	swait.ge [sflag:s29], $0x2000  }
0x96: {  	[sflag:s29] =	ssyncset.done $0x0  }
0x97: {  	[sflag:s29] =	ssyncadd.s32 $0xFFFFE000  }
0x98: {  	[spmem:s2] =	stream.indirect.scatter.add.f32 [tilespmem:s24], [sflag:$0x5], $0x40, s0, s17, $0xb8;
	[tilespmem:$0x1E000] =	vst v63  }
0x99: {  	s23 =	stileid.u32;
	_ =	swait.ge [sflag:s15], $0x2000  }
0x9a: {  	s30 =	sshrl.u32 s7, $0x3;
	s19 =	sadd.s32 $0x1, s19;
	[sflag:s15] =	ssyncset.done $0x0  }
0x9b: {  	p0 =	sne.s32 s19, s9;
	s21 =	sshll.u32 s23, $0x6;
	[sflag:s15] =	ssyncadd.s32 $0xFFFFE000  }
.Ltmp2:
0x9c: {  	s21 =	sor.u32 $0x1C05, s21;
	[bflag:$0x0] =	sbarrier.arrive $0xFFFF;
	(pc) =	sbr.rel @p0 .LBB2_1-.Ltmp2, $4  }
0x9d: {  	[hbm:s8], [sflag:s21] =	dma.local [spmem:s30], $0x1400  }
0x9e: {  	_ =	swait.ge [sflag:s15], $0x1400  }
0x9f: {  	[sflag:s15] =	ssyncset.done $0x0  }
0xa0: {  	[sflag:s15] =	ssyncadd.s32 $0xFFFFEC00  }
0xa1: {  	_ =	sfence.sel $0x180000  }
0xa2: {  	[bflag:$0x0] =	sbarrier.arrive $0xFFFF  }
0xa3: {  	_ =	strace $0x9000004A  }
0xa4: {  	s0 =	stileid.u32;
	[bflag:$0x2] =	sbarrier.arrive $0xFFFF  }
0xa5: {  	p0 =	sne.s32 s0, $0x0;
	s0 =	rddreg [dreg:$0x2]  }
0xa6: {  	s0 =	sadd.s32 @!p0 $0x100000, s0  }
0xa7: {  	[sflag:s0] =	ssyncadd.tile.s32 @!p0 $0x1;
	_ =	shalt  }
.Lfunc_end2:
_tile_overlayer_lowered:
.L_overlay_start_2:
0xa8: {  	(tag) =	ssettag $0x2  }
0xa9: {  	s0 =	rddreg [dreg:$0x0];
	s2 =	stileid.u32  }
0xaa: {  	s1 =	rddreg [dreg:$0x1];
	p0 =	sne.s32 s2, $0x0  }
0xab: {  	s3 =	rddreg [dreg:$0x2];
	[bflag:$0x3] =	sbarrier.arrive $0xFFFF;
	s2 =	simm.s32 @!p0 $0x1C05  }
0xac: {  	[timem:s3], [sflag:s2] =	dma.local @!p0 [hbm:s0], s1  }
0xad: {  	s0 =	simm.s32 @!p0 $0x5  }
0xae: {  	_ =	swait.ge @!p0 [sflag:s0], s1  }
0xaf: {  	s1 =	ssub.s32 @!p0 $0x0, s1;
	[sflag:s0] =	ssyncset.done @!p0 $0x0  }
0xb0: {  	[sflag:s0] =	ssyncadd.s32 @!p0 s1  }
0xb1: {  	[bflag:$0x3] =	sbarrier.arrive $0xFFFF  }
0xb2: {  	_ =	shalt  }

// kernel: kernel.20.cloned.1.call-start
scs
__scs_entry_jumppad:
0x0: {  	(pc) =	sbr.rel $0x88, $3  }
0x1: {  	(tag) =	ssettag $0x0;
	lr =	simm.s32 $0x1  }
0x2: {  	[smem:$0x3F97] =	sst lr;
	_ =	strace $0xD0000000  }
0x3: {  	_ = 	snop  }
0x4: {  	_ = 	snop  }
0x5: {  	_ = 	snop  }
0x6: {  	_ = 	snop  }
0x7: {  	_ = 	snop  }
__scs_overlays_trampoline_lowered:
0x8: {  	[smem:$0x3FA6] =	sst s0  }
0x9: {  	[smem:$0x3FA7] =	sst s1  }
0xa: {  	[smem:$0x3FA8] =	sst s2  }
0xb: {  	[smem:$0x3FA9] =	sst s3  }
0xc: {  	[smem:$0x3FAA] =	sst s4  }
0xd: {  	[smem:$0x3FAB] =	sst s5  }
0xe: {  	[smem:$0x3FAC] =	sst s6  }
0xf: {  	[smem:$0x3FAD] =	sst s7  }
0x10: {  	[smem:$0x3FAE] =	sst s8  }
0x11: {  	[smem:$0x3FAF] =	sst s9;
	s0 =	simm.s32 @!p0 $0x0  }
0x12: {  	s1 =	sld [smem:$0x3F95];
	s0 =	simm.s32 @p0 $0x1  }
0x13: {  	[smem:$0x3FB0] =	sst s0;
	s0 =	simm.s32 @!p1 $0x0  }
0x14: {  	s2 =	sld [smem:$0x3F94];
	s0 =	simm.s32 @p1 $0x1  }
0x15: {  	[smem:$0x3FB1] =	sst s0;
	s0 =	simm.s32 @!p2 $0x0  }
0x16: {  	s3 =	sld [smem:$0x3FDB];
	s0 =	simm.s32 @p2 $0x1  }
0x17: {  	s4 =	simm.s32 $0x1BF5;
	[smem:$0x3FB3] =	sst s0  }
0x18: {  	s0 =	sld [smem:$0x3F96];
	_ =	swait.ge [sflag:s4], $0x0  }
0x19: {  	s7 =	sld [smem:$0x3F97]  }
0x1a: {  	s8 =	sadd.s32 $0xFFFFE003, lr  }
0x1b: {  	s9 =	sadd.s32 $0xFFFFFEF7, lr;
	s5 =	simm.s32 $0xFFFFFFFF;
	p2 =	slt.u32 s8, $0xFFFFF086  }
0x1c: {  	p1 =	slt.u32 s9, $0xF7A;
	s5 =	simm.s32 @!p2 $0x0  }
0x1d: {  	s5 =	simm.s32 @p1 $0x1;
	p0 =	seq.s32 s7, s2  }
0x1e: {  	s7 =	smul.u32 @!p0 $0xF7A, s2;
	p2 =	seq.s32 @!p0 s5, $0x0  }
0x1f: {  	s9 =	smul.u32 $0xF7A, s1;
	s8 =	simm.s32 @!p0 $0x1BF5;
	p2 =	por !p2, p0  }
0x20: {  	[sflag:s8] =	ssyncset.s32 @!p0 $0xFFFFF086;
	s6 =	sadd.s32 @!p0 s3, s7;
	s7 =	simm.s32 @!p0 $0x108  }
0x21: {  	s3 =	sadd.s32 s3, s9;
	s6 =	sadd.s32 @!p0 $0x88, s6;
	s7 =	simm.s32 @p2 $0x1082  }
0x22: {  	[simem:s7], [sflag:s8] =	dma.local @!p0 [hbm:s6], $0xF7A  }
0x23: {  	s9 =	sor.u32 $0xD0000000, s2;
	s6 =	simm.s32 $0x108;
	_ =	swait.ge @!p0 [sflag:s8], $0x0  }
0x24: {  	s3 =	sadd.s32 $0x88, s3;
	s6 =	simm.s32 @!p1 $0x1082;
	[sflag:s4] =	ssyncset.s32 $0xFFFFF086  }
0x25: {  	[simem:s6], [sflag:s4] =	dma.local [hbm:s3], $0xF7A  }
0x26: {  	[smem:$0x3F97] =	sst s1;
	(tag) =	ssettag s2;
	_ =	strace s9  }
0x27: {  	s1 =	sld [smem:$0x3FA7]  }
0x28: {  	s2 =	sld [smem:$0x3FA8]  }
0x29: {  	s4 =	sld [smem:$0x3FAA]  }
0x2a: {  	p0 =	seq.s32 s5, $0x0;
	s5 =	sld [smem:$0x3FAB]  }
0x2b: {  	s6 =	sld [smem:$0x3FAC]  }
0x2c: {  	s7 =	sld [smem:$0x3FAD]  }
0x2d: {  	s3 =	simm.s32 $0x108;
	s8 =	sld [smem:$0x3FAE]  }
0x2e: {  	s3 =	simm.s32 @!p0 $0x1082;
	s9 =	sld [smem:$0x3FAF]  }
0x2f: {  	lr =	sadd.s32 s0, s3;
	s0 =	sld [smem:$0x3FA6]  }
0x30: {  	s3 =	sld [smem:$0x3FA9]  }
0x31: {  	[smem:$0x3FB2] =	sst s10  }
0x32: {  	s10 =	sld [smem:$0x3FB0];
	_ =	sdelay $0x3  }
0x33: {  	p0 =	seq.s32 s10, $0x1;
	s10 =	sld [smem:$0x3FB2];
	_ =	sdelay $0x3  }
0x34: {  	[smem:$0x3FB2] =	sst s10  }
0x35: {  	s10 =	sld [smem:$0x3FB1];
	_ =	sdelay $0x3  }
0x36: {  	p1 =	seq.s32 s10, $0x1;
	s10 =	sld [smem:$0x3FB2];
	_ =	sdelay $0x3  }
0x37: {  	[smem:$0x3FB2] =	sst s10  }
0x38: {  	s10 =	sld [smem:$0x3FB3]  }
0x39: {  	_ = 	snop;
	(pc) =	sbr.ind lr, $3  }
0x3a: {  	_ = 	snop  }
0x3b: {  	_ = 	snop  }
0x3c: {  	p2 =	seq.s32 s10, $0x1;
	s10 =	sld [smem:$0x3FB2]  }
0x3d: {  	_ =	shalt  }
0x3e: {  	_ =	shalt  }
0x3f: {  	_ =	shalt  }
0x40: {  	_ =	shalt  }
0x41: {  	_ =	shalt  }
0x42: {  	_ =	shalt  }
0x43: {  	_ =	shalt  }
0x44: {  	_ =	shalt  }
0x45: {  	_ =	shalt  }
0x46: {  	_ =	shalt  }
0x47: {  	_ =	shalt  }
0x48: {  	_ =	shalt  }
0x49: {  	_ =	shalt  }
0x4a: {  	_ =	shalt  }
0x4b: {  	_ =	shalt  }
0x4c: {  	_ =	shalt  }
0x4d: {  	_ =	shalt  }
0x4e: {  	_ =	shalt  }
0x4f: {  	_ =	shalt  }
0x50: {  	_ =	shalt  }
0x51: {  	_ =	shalt  }
0x52: {  	_ =	shalt  }
0x53: {  	_ =	shalt  }
0x54: {  	_ =	shalt  }
0x55: {  	_ =	shalt  }
0x56: {  	_ =	shalt  }
0x57: {  	_ =	shalt  }
0x58: {  	_ =	shalt  }
0x59: {  	_ =	shalt  }
0x5a: {  	_ =	shalt  }
0x5b: {  	_ =	shalt  }
0x5c: {  	_ =	shalt  }
0x5d: {  	_ =	shalt  }
0x5e: {  	_ =	shalt  }
0x5f: {  	_ =	shalt  }
0x60: {  	_ =	shalt  }
0x61: {  	_ =	shalt  }
0x62: {  	_ =	shalt  }
0x63: {  	_ =	shalt  }
0x64: {  	_ =	shalt  }
0x65: {  	_ =	shalt  }
0x66: {  	_ =	shalt  }
0x67: {  	_ =	shalt  }
0x68: {  	_ =	shalt  }
0x69: {  	_ =	shalt  }
0x6a: {  	_ =	shalt  }
0x6b: {  	_ =	shalt  }
0x6c: {  	_ =	shalt  }
0x6d: {  	_ =	shalt  }
0x6e: {  	_ =	shalt  }
0x6f: {  	_ =	shalt  }
0x70: {  	_ =	shalt  }
0x71: {  	_ =	shalt  }
0x72: {  	_ =	shalt  }
0x73: {  	_ =	shalt  }
0x74: {  	_ =	shalt  }
0x75: {  	_ =	shalt  }
0x76: {  	_ =	shalt  }
0x77: {  	_ =	shalt  }
0x78: {  	_ =	shalt  }
0x79: {  	_ =	shalt  }
0x7a: {  	_ =	shalt  }
0x7b: {  	_ =	shalt  }
0x7c: {  	_ =	shalt  }
0x7d: {  	_ =	shalt  }
0x7e: {  	_ =	shalt  }
0x7f: {  	_ =	shalt  }
0x80: {  	_ =	shalt  }
0x81: {  	_ =	shalt  }
0x82: {  	_ =	shalt  }
0x83: {  	_ =	shalt  }
0x84: {  	_ =	shalt  }
0x85: {  	_ =	shalt  }
0x86: {  	_ =	shalt  }
0x87: {  	_ =	shalt  }
.Lfunc_end0:
.L_simem_size_0:
called_computation.2_lowered:
.L_overlay_start_0:
0x88: {  	s2 =	sld [smem:$0x3FD9]  }
0x89: {  	s3 =	sld [smem:$0x3FFE];
	_ =	sdelay $0x1  }
0x8a: {  	s1 =	srdreg.scid  }
0x8b: {  	s0 =	sand.u32 $0x1, s1  }
0x8c: {  	s17 =	sshll.u32 s0, $0xA;
	s2 =	sadd.s32 s3, s2  }
0x8d: {  	s2 =	sadd.s32 s2, s17  }
0x8e: {  	[smem:$0x3FBE] =	sst s2  }
0x8f: {  	_ = 	snop  }
0x90: {  	(tm) =	ssettm $0x1  }
0x91: {  	s18 =	sld [smem:$0x3FFB];
	_ =	sdelay $0x3  }
0x92: {  	_ =	strace s18  }
0x93: {  	s2 =	sld [smem:$0x3FFC];
	_ =	sdelay $0x3  }
0x94: {  	_ =	strace s2  }
0x95: {  	s2 =	sld [smem:$0x3FFD];
	_ =	sdelay $0x3  }
0x96: {  	_ =	strace s2  }
0x97: {  	_ =	strace $0x8FFFFFFF  }
0x98: {  	s19 =	sld [smem:$0x3FDB];
	_ =	sdelay $0x1  }
0x99: {  	s20 =	simm.s32 $_scs_section_size  }
0x9a: {  	s4 =	simm.s32 $_size__tile_overlayer_lowered;
	s5 =	simm.s32 $_tile_overlayer_lowered  }
0x9b: {  	s6 =	simm.s32 $0x1BFF;
	s21 =	sshll.u32 s5, $0x1;
	s3 =	sadd.s32 s20, s19  }
0x9c: {  	s22 =	simm.s32 $0x0;
	s4 =	sshll.u32 s4, $0x1;
	s5 =	sadd.s32 s21, s3  }
0x9d: {  	[timem:s22], [sflag:s6] =	dma.local [hbm:s5], s4  }
0x9e: {  	_ =	swait.ge [sflag:s6], s4  }
0x9f: {  	s4 =	ssub.s32 $0x0, s4;
	[sflag:s6] =	ssyncset.done $0x0  }
0xa0: {  	[sflag:s6] =	ssyncadd.s32 s4;
	_ =	sdelay $0x1  }
0xa1: {  	s23 =	simm.s32 $0x1B8B  }
0xa2: {  	_ =	swait.ge [sflag:s23], $0x1  }
0xa3: {  	[sflag:s23] =	ssyncset.done $0x0  }
0xa4: {  	[sflag:s23] =	ssyncadd.s32 $0xFFFFFFFF  }
0xa5: {  	s4 =	sld [smem:$0x0]  }
0xa6: {  	s5 =	sand.u32 $0xFFFFFFFE, s1  }
0xa7: {  	p0 =	sne.s32 s1, s5  }
0xa8: {  	s5 =	sshll.u32 @p0 s5, $0xE  }
0xa9: {  	s5 =	sadd.s32 @p0 $0x11B8D, s5;
	s6 =	sshll.u32 @p0 s4, $0x11  }
0xaa: {  	s5 =	sor.u32 @p0 s6, s5  }
0xab: {  	[sflag:s5] =	ssyncadd.remote.s32 @p0 $0x1;
	_ =	sdelay $0x1  }
0xac: {  	s5 =	simm.s32 @p0 $0x1B8D  }
0xad: {  	_ =	swait.eq @p0 [sflag:s5], $0x1  }
0xae: {  	[sflag:s5] =	ssyncadd.s32 @p0 $0xFFFFFFFF  }
0xaf: {  	s6 =	sshll.u32 @!p0 s1, $0xE  }
0xb0: {  	s6 =	sor.u32 @!p0 $0x4000, s6;
	s5 =	simm.s32 @!p0 $0x1B8D  }
0xb1: {  	s4 =	sshll.u32 @!p0 s4, $0x11;
	s6 =	sadd.s32 @!p0 $0x11B8D, s6;
	_ =	swait.eq @!p0 [sflag:s5], $0x1  }
0xb2: {  	s4 =	sor.u32 @!p0 s4, s6;
	[sflag:s5] =	ssyncadd.s32 @!p0 $0xFFFFFFFF  }
0xb3: {  	s25 =	simm.s32 $0x1B8E;
	s24 =	sld [smem:$0x3FFE];
	[sflag:s4] =	ssyncadd.remote.s32 @!p0 $0x1  }
0xb4: {  	s26 =	simm.s32 $execute0_lowered;
	[smem:$0x3FD2] =	sst s25  }
0xb5: {  	s5 =	sshll.u32 s26, $0x1;
	_ =	strace $0x8000004F;
	[dreg:$0x1] =	wrdreg $0xFFFFFFFF  }
0xb6: {  	s28 =	simm.s32 $_size_execute0_lowered;
	s3 =	sadd.s32 s3, s5;
	[dreg:$0x0] =	wrdreg $0x0  }
0xb7: {  	s5 =	sshll.u32 s28, $0x1;
	[dreg:$0x2] =	wrdreg s3  }
0xb8: {  	[dreg:$0x3] =	wrdreg s5  }
0xb9: {  	[dreg:$0x4] =	wrdreg $0xC0  }
0xba: {  	_ =	task [dreg:s22], $0x5FFFF  }
0xbb: {  	[dreg:$0x1] =	wrdreg $0xFFFFFFFF  }
0xbc: {  	[dreg:$0x0] =	wrdreg $0x60  }
0xbd: {  	[dreg:$0x2] =	wrdreg s24  }
0xbe: {  	[dreg:$0x3] =	wrdreg $0xC0000  }
0xbf: {  	[dreg:$0x4] =	wrdreg $0x9  }
0xc0: {  	_ =	task.clear_ibuf [dreg:s22], $0x5FFFF;
	_ =	strace $0x9000004F  }
0xc1: {  	s29 =	simm.s32 $0x9;
	_ =	strace $0x80000051  }
0xc2: {  	_ =	swait.ge [sflag:s29], $0x1  }
0xc3: {  	[sflag:s29] =	ssyncadd.s32 $0xFFFFFFFF  }
0xc4: {  	_ =	strace $0x90000051  }
0xc5: {  	_ =	sfence  }
0xc6: {  	s30 =	sld [smem:$0x0];
	_ =	sdelay $0x2  }
0xc7: {  	s31 =	sshll.u32 s1, $0xD;
	s1 =	sshrl.u32 s1, $0x2  }
0xc8: {  	s4 =	sand.u32 $0x4000, s31;
	s1 =	sadd.s32 s1, s30  }
0xc9: {  	s0 =	sor.u32 s4, s0;
	s1 =	sshll.u32 s1, $0x11  }
0xca: {  	s0 =	sor.u32 s1, s0  }
0xcb: {  	s0 =	sadd.s32 $0x8F2B, s0  }
0xcc: {  	[sflag:s0] =	ssyncadd.remote.s32 $0x1  }
0xcd: {  	_ =	sfence.sel $0xFFFF  }
0xce: {  	[dreg:$0x0] =	wrdreg $0xFFFFFFFF;
	(pc) =	sbr.abs _section_cstart, $3  }
0xcf: {  	[dreg:$0x1] =	wrdreg $0xFFFFFFFF  }
0xd0: {  	_ =	task.clear_ibuf [dreg:s22], $0x2FFFF;
	_ =	strace $0x9FFFFFFF  }
0xd1: {  	(tm) =	ssettm $0x7FFFFFFF  }
tec
execute0_lowered:
.L_overlay_start_1:
0x0: {  	(tag) =	ssettag $0x1  }
0x1: {  	s0 =	rddreg [dreg:$0x0];
	s1 =	srdreg.scid  }
0x2: {  	s9 =	stileid.u32;
	s2 =	rddreg [dreg:$0x1];
	s3 =	simm.s32 $0x0  }
0x3: {  	s14 =	simm.s32 $0x5000;
	s15 =	simm.s32 $0x5;
	s16 =	simm.s32 $0xA000  }
0x4: {  	s17 =	simm.s32 $0x80;
	s18 =	simm.s32 $0x16000;
	s20 =	simm.s32 $0x18000  }
0x5: {  	s22 =	simm.s32 $0x1A000;
	s24 =	simm.s32 $0x1C000;
	s5 =	smul.u32 $0x5000, s9  }
0x6: {  	s25 =	simm.s32 $0x1;
	s28 =	simm.s32 $0x3;
	s8 =	smul.u32 $0x1400, s9  }
0x7: {  	s29 =	simm.s32 $0x4;
	s1 =	sand.u32 $0x1, s1;
	s9 =	smul.u32 $0x28000, s9  }
0x8: {  	s31 =	simm.s32 $0x4E80;
	s19 =	simm.s32 $0x0;
	s4 =	smul.u32 $0x50000, s1  }
0x9: {  	[smem:$0x7FF] =	sst s3;
	s7 =	smul.u32 $0x14000, s1;
	s1 =	ssub.s32 $0x2, s1  }
0xa: {  	_ =	strace $0x80000050;
	s26 =	sshrl.u32 s1, $0x1;
	s30 =	sshrl.u32 s9, $0x2  }
0xb: {  	s6 =	sadd.s32 s5, s4;
	s4 =	sadd.s32 $0x125200, s0;
	s5 =	sshrl.u32 s5, $0x3  }
0xc: {  	s7 =	sadd.s32 s8, s7;
	s1 =	ssub.s32 s1, s26;
	s26 =	simm.s32 $0x2  }
0xd: {  	s6 =	sshrl.u32 s6, $0x3;
	s10 =	sadd.s32 s5, s0;
	s9 =	smax.u32 s1, $0x1  }
0xe: {  	s1 =	simm.s32 $0x4F00;
	s6 =	sadd.s32 s6, s0;
	s0 =	sadd.s32 s7, s0  }
0xf: {  	s7 =	sadd.s32 s30, s2;
	s5 =	sadd.s32 $0x71200, s6;
	s6 =	sadd.s32 $0x67200, s10  }
0x10: {  	s8 =	sadd.s32 $0x14D200, s0;
	s10 =	sadd.s32 $0x2000, s7;
	s11 =	sadd.s32 $0x4000, s7  }
0x11: {  	v0 =	vimm.f32 $0.0e+00;
	s12 =	sadd.s32 $0x6000, s7;
	s13 =	sadd.s32 $0x8000, s7;
	s0 =	simm.s32 $0x4F80  }
.LBB2_1:
0x12: {  	[tilespmem:s14], [sflag:$0x5] =	stream.linear.gather [hbm4b:s5+s3], $0x5000, $0x38;
	[tilespmem:$0x1E000] =	vst v63  }
0x13: {  	_ =	swait.ge [sflag:s15], $0x5000  }
0x14: {  	[sflag:s15] =	ssyncset.done $0x0  }
0x15: {  	[sflag:s15] =	ssyncadd.s32 $0xFFFFB000  }
0x16: {  	[tilespmem:s3], [sflag:$0x5] =	stream.linear.gather [hbm4b:s6+s3], $0x5000, $0x38;
	[tilespmem:$0x1E000] =	vst v63  }
0x17: {  	_ =	swait.ge [sflag:s15], $0x5000  }
0x18: {  	[sflag:s15] =	ssyncset.done $0x0  }
0x19: {  	s23 =	simm.s32 $0x100;
	s21 =	simm.s32 $0x0;
	[sflag:s15] =	ssyncadd.s32 $0xFFFFB000  }
.LBB2_2:
0x1a: {  	p0 =	sne.s32 s23, $0x7F00;
	[tilespmem:s21+$0xA030] =	vst v0;
	s30 =	smov.u32 s23;
	s23 =	sadd.s32 $0x100, s23  }
.Ltmp0:
0x1b: {  	[tilespmem:s21+$0xA020] =	vst v0;
	(pc) =	sbr.rel @p0 .LBB2_2-.Ltmp0, $3  }
0x1c: {  	[tilespmem:s21+$0xA000] =	vst v0  }
0x1d: {  	[tilespmem:s21+$0xA010] =	vst v0;
	_ =	sdelay $0x1  }
0x1e: {  	s21 =	sshra.s32 s30, $0x2  }
0x1f: {  	[tilespmem:s21+$0xA030] =	vst v0  }
0x20: {  	[tilespmem:s21+$0xA020] =	vst v0  }
0x21: {  	[tilespmem:s21+$0xA000] =	vst v0  }
0x22: {  	[tilespmem:s21+$0xA010] =	vst v0  }
0x23: {  	[spmem:s7] =	stream.linear.scatter [tilespmem:s16], [sflag:$0x5], $0x2000, $0x38;
	[tilespmem:$0x1E000] =	vst v63  }
0x24: {  	_ =	swait.ge [sflag:s15], $0x2000  }
0x25: {  	[sflag:s15] =	ssyncset.done $0x0  }
0x26: {  	[sflag:s15] =	ssyncadd.s32 $0xFFFFE000  }
0x27: {  	[spmem:s10] =	stream.linear.scatter [tilespmem:s16], [sflag:$0x5], $0x2000, $0x38;
	[tilespmem:$0x1E000] =	vst v63  }
0x28: {  	_ =	swait.ge [sflag:s15], $0x2000  }
0x29: {  	[sflag:s15] =	ssyncset.done $0x0  }
0x2a: {  	[sflag:s15] =	ssyncadd.s32 $0xFFFFE000  }
0x2b: {  	[spmem:s11] =	stream.linear.scatter [tilespmem:s16], [sflag:$0x5], $0x2000, $0x38;
	[tilespmem:$0x1E000] =	vst v63  }
0x2c: {  	_ =	swait.ge [sflag:s15], $0x2000  }
0x2d: {  	[sflag:s15] =	ssyncset.done $0x0  }
0x2e: {  	[sflag:s15] =	ssyncadd.s32 $0xFFFFE000  }
0x2f: {  	[spmem:s12] =	stream.linear.scatter [tilespmem:s16], [sflag:$0x5], $0x2000, $0x38;
	[tilespmem:$0x1E000] =	vst v63  }
0x30: {  	_ =	swait.ge [sflag:s15], $0x2000  }
0x31: {  	[sflag:s15] =	ssyncset.done $0x0  }
0x32: {  	[sflag:s15] =	ssyncadd.s32 $0xFFFFE000  }
0x33: {  	[spmem:s13] =	stream.linear.scatter [tilespmem:s16], [sflag:$0x5], $0x2000, $0x38;
	[tilespmem:$0x1E000] =	vst v63  }
0x34: {  	_ =	swait.ge [sflag:s15], $0x2000  }
0x35: {  	[sflag:s15] =	ssyncset.done $0x0  }
0x36: {  	[sflag:s15] =	ssyncadd.s32 $0xFFFFE000  }
0x37: {  	[bflag:$0x0] =	sbarrier.arrive $0xFFFF  }
0x38: {  	[tilespmem:s18], [sflag:$0x1] =	stream.indirect.gather [hbm4b:s4+s17], $0x40, s14, s17, $0xb8;
	[tilespmem:$0x1E000] =	vst v63  }
0x39: {  	s23 =	simm.s32 $0x5080  }
0x3a: {  	[tilespmem:s20], [sflag:$0x2] =	stream.indirect.gather [hbm4b:s4+s17], $0x40, s23, s17, $0xb8;
	[tilespmem:$0x1E000] =	vst v63  }
0x3b: {  	s30 =	simm.s32 $0x5100  }
0x3c: {  	[tilespmem:s22], [sflag:$0x3] =	stream.indirect.gather [hbm4b:s4+s17], $0x40, s30, s17, $0xb8;
	[tilespmem:$0x1E000] =	vst v63  }
0x3d: {  	s23 =	simm.s32 $0x5180  }
0x3e: {  	[tilespmem:s24], [sflag:$0x4] =	stream.indirect.gather [hbm4b:s4+s17], $0x40, s23, s17, $0xb8;
	[tilespmem:$0x1E000] =	vst v63  }
0x3f: {  	_ =	swait.ge [sflag:s25], $0x2000  }
0x40: {  	[sflag:s25] =	ssyncset.done $0x0  }
0x41: {  	s30 =	simm.s32 $0x0;
	[sflag:s25] =	ssyncadd.s32 $0xFFFFE000  }
0x42: {  	[spmem:s2] =	stream.indirect.scatter.add.f32 [tilespmem:s18], [sflag:$0x5], $0x40, s30, s17, $0xb8;
	[tilespmem:$0x1E000] =	vst v63  }
0x43: {  	_ =	swait.ge [sflag:s15], $0x2000  }
0x44: {  	[sflag:s15] =	ssyncset.done $0x0  }
0x45: {  	s23 =	simm.s32 $0x5200;
	[sflag:s15] =	ssyncadd.s32 $0xFFFFE000  }
0x46: {  	[tilespmem:s18], [sflag:$0x1] =	stream.indirect.gather [hbm4b:s4+s17], $0x40, s23, s17, $0xb8;
	[tilespmem:$0x1E000] =	vst v63  }
0x47: {  	_ =	swait.ge [sflag:s26], $0x2000  }
0x48: {  	[sflag:s26] =	ssyncset.done $0x0  }
0x49: {  	s30 =	simm.s32 $0x80;
	[sflag:s26] =	ssyncadd.s32 $0xFFFFE000  }
0x4a: {  	[spmem:s2] =	stream.indirect.scatter.add.f32 [tilespmem:s20], [sflag:$0x5], $0x40, s30, s17, $0xb8;
	[tilespmem:$0x1E000] =	vst v63  }
0x4b: {  	_ =	swait.ge [sflag:s15], $0x2000  }
0x4c: {  	[sflag:s15] =	ssyncset.done $0x0  }
0x4d: {  	s23 =	simm.s32 $0x5280;
	[sflag:s15] =	ssyncadd.s32 $0xFFFFE000  }
0x4e: {  	[tilespmem:s20], [sflag:$0x2] =	stream.indirect.gather [hbm4b:s4+s17], $0x40, s23, s17, $0xb8;
	[tilespmem:$0x1E000] =	vst v63  }
0x4f: {  	_ =	swait.ge [sflag:s28], $0x2000  }
0x50: {  	[sflag:s28] =	ssyncset.done $0x0  }
0x51: {  	s30 =	simm.s32 $0x100;
	[sflag:s28] =	ssyncadd.s32 $0xFFFFE000  }
0x52: {  	[spmem:s2] =	stream.indirect.scatter.add.f32 [tilespmem:s22], [sflag:$0x5], $0x40, s30, s17, $0xb8;
	[tilespmem:$0x1E000] =	vst v63  }
0x53: {  	_ =	swait.ge [sflag:s15], $0x2000  }
0x54: {  	[sflag:s15] =	ssyncset.done $0x0  }
0x55: {  	s23 =	simm.s32 $0x5300;
	[sflag:s15] =	ssyncadd.s32 $0xFFFFE000  }
0x56: {  	[tilespmem:s22], [sflag:$0x3] =	stream.indirect.gather [hbm4b:s4+s17], $0x40, s23, s17, $0xb8;
	[tilespmem:$0x1E000] =	vst v63  }
0x57: {  	_ =	swait.ge [sflag:s29], $0x2000  }
0x58: {  	[sflag:s29] =	ssyncset.done $0x0  }
0x59: {  	s30 =	simm.s32 $0x180;
	[sflag:s29] =	ssyncadd.s32 $0xFFFFE000  }
0x5a: {  	[spmem:s2] =	stream.indirect.scatter.add.f32 [tilespmem:s24], [sflag:$0x5], $0x40, s30, s17, $0xb8;
	[tilespmem:$0x1E000] =	vst v63  }
0x5b: {  	_ =	swait.ge [sflag:s15], $0x2000  }
0x5c: {  	[sflag:s15] =	ssyncset.done $0x0  }
0x5d: {  	s21 =	simm.s32 $0x800;
	s23 =	simm.s32 $0x5380;
	[sflag:s15] =	ssyncadd.s32 $0xFFFFE000  }
.LBB2_4:
0x5e: {  	[tilespmem:s24], [sflag:$0x4] =	stream.indirect.gather [hbm4b:s4+s17], $0x40, s23, s17, $0xb8;
	[tilespmem:$0x1E000] =	vst v63  }
0x5f: {  	s23 =	smov.u32 s21  }
0x60: {  	p0 =	sne.s32 s21, $0x13000;
	s21 =	sadd.s32 $0x800, s21;
	_ =	swait.ge [sflag:s25], $0x2000  }
0x61: {  	[sflag:s25] =	ssyncset.done $0x0  }
0x62: {  	s23 =	sshra.s32 s23, $0x2;
	[sflag:s25] =	ssyncadd.s32 $0xFFFFE000  }
0x63: {  	[spmem:s2] =	stream.indirect.scatter.add.f32 [tilespmem:s18], [sflag:$0x5], $0x40, s23, s17, $0xb8;
	[tilespmem:$0x1E000] =	vst v63  }
0x64: {  	_ =	swait.ge [sflag:s15], $0x2000  }
0x65: {  	[sflag:s15] =	ssyncset.done $0x0  }
0x66: {  	s30 =	sadd.s32 $0x5200, s23;
	[sflag:s15] =	ssyncadd.s32 $0xFFFFE000  }
0x67: {  	[tilespmem:s18], [sflag:$0x1] =	stream.indirect.gather [hbm4b:s4+s17], $0x40, s30, s17, $0xb8;
	[tilespmem:$0x1E000] =	vst v63  }
0x68: {  	_ =	swait.ge [sflag:s26], $0x2000  }
0x69: {  	[sflag:s26] =	ssyncset.done $0x0  }
0x6a: {  	s30 =	sadd.s32 $0x80, s23;
	[sflag:s26] =	ssyncadd.s32 $0xFFFFE000  }
0x6b: {  	[spmem:s2] =	stream.indirect.scatter.add.f32 [tilespmem:s20], [sflag:$0x5], $0x40, s30, s17, $0xb8;
	[tilespmem:$0x1E000] =	vst v63  }
0x6c: {  	_ =	swait.ge [sflag:s15], $0x2000  }
0x6d: {  	[sflag:s15] =	ssyncset.done $0x0  }
0x6e: {  	s30 =	sadd.s32 $0x5280, s23;
	[sflag:s15] =	ssyncadd.s32 $0xFFFFE000  }
0x6f: {  	[tilespmem:s20], [sflag:$0x2] =	stream.indirect.gather [hbm4b:s4+s17], $0x40, s30, s17, $0xb8;
	[tilespmem:$0x1E000] =	vst v63  }
0x70: {  	_ =	swait.ge [sflag:s28], $0x2000  }
0x71: {  	[sflag:s28] =	ssyncset.done $0x0  }
0x72: {  	s30 =	sadd.s32 $0x100, s23;
	[sflag:s28] =	ssyncadd.s32 $0xFFFFE000  }
0x73: {  	[spmem:s2] =	stream.indirect.scatter.add.f32 [tilespmem:s22], [sflag:$0x5], $0x40, s30, s17, $0xb8;
	[tilespmem:$0x1E000] =	vst v63  }
0x74: {  	_ =	swait.ge [sflag:s15], $0x2000  }
0x75: {  	[sflag:s15] =	ssyncset.done $0x0  }
0x76: {  	s30 =	sadd.s32 $0x5300, s23;
	[sflag:s15] =	ssyncadd.s32 $0xFFFFE000  }
0x77: {  	[tilespmem:s22], [sflag:$0x3] =	stream.indirect.gather [hbm4b:s4+s17], $0x40, s30, s17, $0xb8;
	[tilespmem:$0x1E000] =	vst v63  }
0x78: {  	_ =	swait.ge [sflag:s29], $0x2000  }
0x79: {  	[sflag:s29] =	ssyncset.done $0x0  }
.Ltmp1:
0x7a: {  	s30 =	sadd.s32 $0x180, s23;
	[sflag:s29] =	ssyncadd.s32 $0xFFFFE000;
	(pc) =	sbr.rel @p0 .LBB2_4-.Ltmp1, $4  }
0x7b: {  	[spmem:s2] =	stream.indirect.scatter.add.f32 [tilespmem:s24], [sflag:$0x5], $0x40, s30, s17, $0xb8;
	[tilespmem:$0x1E000] =	vst v63  }
0x7c: {  	_ =	swait.ge [sflag:s15], $0x2000  }
0x7d: {  	[sflag:s15] =	ssyncset.done $0x0  }
0x7e: {  	s23 =	sadd.s32 $0x5380, s23;
	[sflag:s15] =	ssyncadd.s32 $0xFFFFE000  }
0x7f: {  	[tilespmem:s24], [sflag:$0x4] =	stream.indirect.gather [hbm4b:s4+s17], $0x40, s23, s17, $0xb8;
	[tilespmem:$0x1E000] =	vst v63  }
0x80: {  	_ =	swait.ge [sflag:s25], $0x2000  }
0x81: {  	[sflag:s25] =	ssyncset.done $0x0  }
0x82: {  	s21 =	simm.s32 $0x4E00;
	[sflag:s25] =	ssyncadd.s32 $0xFFFFE000  }
0x83: {  	[spmem:s2] =	stream.indirect.scatter.add.f32 [tilespmem:s18], [sflag:$0x5], $0x40, s21, s17, $0xb8;
	[tilespmem:$0x1E000] =	vst v63  }
0x84: {  	_ =	swait.ge [sflag:s15], $0x2000  }
0x85: {  	[sflag:s15] =	ssyncset.done $0x0  }
0x86: {  	[sflag:s15] =	ssyncadd.s32 $0xFFFFE000  }
0x87: {  	_ =	swait.ge [sflag:s26], $0x2000  }
0x88: {  	[sflag:s26] =	ssyncset.done $0x0  }
0x89: {  	[sflag:s26] =	ssyncadd.s32 $0xFFFFE000  }
0x8a: {  	[spmem:s2] =	stream.indirect.scatter.add.f32 [tilespmem:s20], [sflag:$0x5], $0x40, s31, s17, $0xb8;
	[tilespmem:$0x1E000] =	vst v63  }
0x8b: {  	_ =	swait.ge [sflag:s15], $0x2000  }
0x8c: {  	[sflag:s15] =	ssyncset.done $0x0  }
0x8d: {  	[sflag:s15] =	ssyncadd.s32 $0xFFFFE000  }
0x8e: {  	_ =	swait.ge [sflag:s28], $0x2000  }
0x8f: {  	[sflag:s28] =	ssyncset.done $0x0  }
0x90: {  	[sflag:s28] =	ssyncadd.s32 $0xFFFFE000  }
0x91: {  	[spmem:s2] =	stream.indirect.scatter.add.f32 [tilespmem:s22], [sflag:$0x5], $0x40, s1, s17, $0xb8;
	[tilespmem:$0x1E000] =	vst v63  }
0x92: {  	_ =	swait.ge [sflag:s15], $0x2000  }
0x93: {  	[sflag:s15] =	ssyncset.done $0x0  }
0x94: {  	[sflag:s15] =	ssyncadd.s32 $0xFFFFE000  }
0x95: {  	_ =	swait.ge [sflag:s29], $0x2000  }
0x96: {  	[sflag:s29] =	ssyncset.done $0x0  }
0x97: {  	[sflag:s29] =	ssyncadd.s32 $0xFFFFE000  }
0x98: {  	[spmem:s2] =	stream.indirect.scatter.add.f32 [tilespmem:s24], [sflag:$0x5], $0x40, s0, s17, $0xb8;
	[tilespmem:$0x1E000] =	vst v63  }
0x99: {  	s23 =	stileid.u32;
	_ =	swait.ge [sflag:s15], $0x2000  }
0x9a: {  	s30 =	sshrl.u32 s7, $0x3;
	s19 =	sadd.s32 $0x1, s19;
	[sflag:s15] =	ssyncset.done $0x0  }
0x9b: {  	p0 =	sne.s32 s19, s9;
	s21 =	sshll.u32 s23, $0x6;
	[sflag:s15] =	ssyncadd.s32 $0xFFFFE000  }
.Ltmp2:
0x9c: {  	s21 =	sor.u32 $0x1C05, s21;
	[bflag:$0x0] =	sbarrier.arrive $0xFFFF;
	(pc) =	sbr.rel @p0 .LBB2_1-.Ltmp2, $4  }
0x9d: {  	[hbm:s8], [sflag:s21] =	dma.local [spmem:s30], $0x1400  }
0x9e: {  	_ =	swait.ge [sflag:s15], $0x1400  }
0x9f: {  	[sflag:s15] =	ssyncset.done $0x0  }
0xa0: {  	[sflag:s15] =	ssyncadd.s32 $0xFFFFEC00  }
0xa1: {  	_ =	sfence.sel $0x180000  }
0xa2: {  	[bflag:$0x0] =	sbarrier.arrive $0xFFFF  }
0xa3: {  	_ =	strace $0x90000050  }
0xa4: {  	s0 =	stileid.u32;
	[bflag:$0x2] =	sbarrier.arrive $0xFFFF  }
0xa5: {  	p0 =	sne.s32 s0, $0x0;
	s0 =	rddreg [dreg:$0x2]  }
0xa6: {  	s0 =	sadd.s32 @!p0 $0x100000, s0  }
0xa7: {  	[sflag:s0] =	ssyncadd.tile.s32 @!p0 $0x1;
	_ =	shalt  }
.Lfunc_end2:
_tile_overlayer_lowered:
.L_overlay_start_2:
0xa8: {  	(tag) =	ssettag $0x2  }
0xa9: {  	s0 =	rddreg [dreg:$0x0];
	s2 =	stileid.u32  }
0xaa: {  	s1 =	rddreg [dreg:$0x1];
	p0 =	sne.s32 s2, $0x0  }
0xab: {  	s3 =	rddreg [dreg:$0x2];
	[bflag:$0x3] =	sbarrier.arrive $0xFFFF;
	s2 =	simm.s32 @!p0 $0x1C05  }
0xac: {  	[timem:s3], [sflag:s2] =	dma.local @!p0 [hbm:s0], s1  }
0xad: {  	s0 =	simm.s32 @!p0 $0x5  }
0xae: {  	_ =	swait.ge @!p0 [sflag:s0], s1  }
0xaf: {  	s1 =	ssub.s32 @!p0 $0x0, s1;
	[sflag:s0] =	ssyncset.done @!p0 $0x0  }
0xb0: {  	[sflag:s0] =	ssyncadd.s32 @!p0 s1  }
0xb1: {  	[bflag:$0x3] =	sbarrier.arrive $0xFFFF  }
0xb2: {  	_ =	shalt  }

// kernel: kernel.23.cloned.1.call-start
scs
__scs_entry_jumppad:
0x0: {  	(pc) =	sbr.rel $0x88, $3  }
0x1: {  	(tag) =	ssettag $0x0;
	lr =	simm.s32 $0x1  }
0x2: {  	[smem:$0x3F97] =	sst lr;
	_ =	strace $0xD0000000  }
0x3: {  	_ = 	snop  }
0x4: {  	_ = 	snop  }
0x5: {  	_ = 	snop  }
0x6: {  	_ = 	snop  }
0x7: {  	_ = 	snop  }
__scs_overlays_trampoline_lowered:
0x8: {  	[smem:$0x3FA6] =	sst s0  }
0x9: {  	[smem:$0x3FA7] =	sst s1  }
0xa: {  	[smem:$0x3FA8] =	sst s2  }
0xb: {  	[smem:$0x3FA9] =	sst s3  }
0xc: {  	[smem:$0x3FAA] =	sst s4  }
0xd: {  	[smem:$0x3FAB] =	sst s5  }
0xe: {  	[smem:$0x3FAC] =	sst s6  }
0xf: {  	[smem:$0x3FAD] =	sst s7  }
0x10: {  	[smem:$0x3FAE] =	sst s8  }
0x11: {  	[smem:$0x3FAF] =	sst s9;
	s0 =	simm.s32 @!p0 $0x0  }
0x12: {  	s1 =	sld [smem:$0x3F95];
	s0 =	simm.s32 @p0 $0x1  }
0x13: {  	[smem:$0x3FB0] =	sst s0;
	s0 =	simm.s32 @!p1 $0x0  }
0x14: {  	s2 =	sld [smem:$0x3F94];
	s0 =	simm.s32 @p1 $0x1  }
0x15: {  	[smem:$0x3FB1] =	sst s0;
	s0 =	simm.s32 @!p2 $0x0  }
0x16: {  	s3 =	sld [smem:$0x3FDB];
	s0 =	simm.s32 @p2 $0x1  }
0x17: {  	s4 =	simm.s32 $0x1BF5;
	[smem:$0x3FB3] =	sst s0  }
0x18: {  	s0 =	sld [smem:$0x3F96];
	_ =	swait.ge [sflag:s4], $0x0  }
0x19: {  	s7 =	sld [smem:$0x3F97]  }
0x1a: {  	s8 =	sadd.s32 $0xFFFFE003, lr  }
0x1b: {  	s9 =	sadd.s32 $0xFFFFFEF7, lr;
	s5 =	simm.s32 $0xFFFFFFFF;
	p2 =	slt.u32 s8, $0xFFFFF086  }
0x1c: {  	p1 =	slt.u32 s9, $0xF7A;
	s5 =	simm.s32 @!p2 $0x0  }
0x1d: {  	s5 =	simm.s32 @p1 $0x1;
	p0 =	seq.s32 s7, s2  }
0x1e: {  	s7 =	smul.u32 @!p0 $0xF7A, s2;
	p2 =	seq.s32 @!p0 s5, $0x0  }
0x1f: {  	s9 =	smul.u32 $0xF7A, s1;
	s8 =	simm.s32 @!p0 $0x1BF5;
	p2 =	por !p2, p0  }
0x20: {  	[sflag:s8] =	ssyncset.s32 @!p0 $0xFFFFF086;
	s6 =	sadd.s32 @!p0 s3, s7;
	s7 =	simm.s32 @!p0 $0x108  }
0x21: {  	s3 =	sadd.s32 s3, s9;
	s6 =	sadd.s32 @!p0 $0x88, s6;
	s7 =	simm.s32 @p2 $0x1082  }
0x22: {  	[simem:s7], [sflag:s8] =	dma.local @!p0 [hbm:s6], $0xF7A  }
0x23: {  	s9 =	sor.u32 $0xD0000000, s2;
	s6 =	simm.s32 $0x108;
	_ =	swait.ge @!p0 [sflag:s8], $0x0  }
0x24: {  	s3 =	sadd.s32 $0x88, s3;
	s6 =	simm.s32 @!p1 $0x1082;
	[sflag:s4] =	ssyncset.s32 $0xFFFFF086  }
0x25: {  	[simem:s6], [sflag:s4] =	dma.local [hbm:s3], $0xF7A  }
0x26: {  	[smem:$0x3F97] =	sst s1;
	(tag) =	ssettag s2;
	_ =	strace s9  }
0x27: {  	s1 =	sld [smem:$0x3FA7]  }
0x28: {  	s2 =	sld [smem:$0x3FA8]  }
0x29: {  	s4 =	sld [smem:$0x3FAA]  }
0x2a: {  	p0 =	seq.s32 s5, $0x0;
	s5 =	sld [smem:$0x3FAB]  }
0x2b: {  	s6 =	sld [smem:$0x3FAC]  }
0x2c: {  	s7 =	sld [smem:$0x3FAD]  }
0x2d: {  	s3 =	simm.s32 $0x108;
	s8 =	sld [smem:$0x3FAE]  }
0x2e: {  	s3 =	simm.s32 @!p0 $0x1082;
	s9 =	sld [smem:$0x3FAF]  }
0x2f: {  	lr =	sadd.s32 s0, s3;
	s0 =	sld [smem:$0x3FA6]  }
0x30: {  	s3 =	sld [smem:$0x3FA9]  }
0x31: {  	[smem:$0x3FB2] =	sst s10  }
0x32: {  	s10 =	sld [smem:$0x3FB0];
	_ =	sdelay $0x3  }
0x33: {  	p0 =	seq.s32 s10, $0x1;
	s10 =	sld [smem:$0x3FB2];
	_ =	sdelay $0x3  }
0x34: {  	[smem:$0x3FB2] =	sst s10  }
0x35: {  	s10 =	sld [smem:$0x3FB1];
	_ =	sdelay $0x3  }
0x36: {  	p1 =	seq.s32 s10, $0x1;
	s10 =	sld [smem:$0x3FB2];
	_ =	sdelay $0x3  }
0x37: {  	[smem:$0x3FB2] =	sst s10  }
0x38: {  	s10 =	sld [smem:$0x3FB3]  }
0x39: {  	_ = 	snop;
	(pc) =	sbr.ind lr, $3  }
0x3a: {  	_ = 	snop  }
0x3b: {  	_ = 	snop  }
0x3c: {  	p2 =	seq.s32 s10, $0x1;
	s10 =	sld [smem:$0x3FB2]  }
0x3d: {  	_ =	shalt  }
0x3e: {  	_ =	shalt  }
0x3f: {  	_ =	shalt  }
0x40: {  	_ =	shalt  }
0x41: {  	_ =	shalt  }
0x42: {  	_ =	shalt  }
0x43: {  	_ =	shalt  }
0x44: {  	_ =	shalt  }
0x45: {  	_ =	shalt  }
0x46: {  	_ =	shalt  }
0x47: {  	_ =	shalt  }
0x48: {  	_ =	shalt  }
0x49: {  	_ =	shalt  }
0x4a: {  	_ =	shalt  }
0x4b: {  	_ =	shalt  }
0x4c: {  	_ =	shalt  }
0x4d: {  	_ =	shalt  }
0x4e: {  	_ =	shalt  }
0x4f: {  	_ =	shalt  }
0x50: {  	_ =	shalt  }
0x51: {  	_ =	shalt  }
0x52: {  	_ =	shalt  }
0x53: {  	_ =	shalt  }
0x54: {  	_ =	shalt  }
0x55: {  	_ =	shalt  }
0x56: {  	_ =	shalt  }
0x57: {  	_ =	shalt  }
0x58: {  	_ =	shalt  }
0x59: {  	_ =	shalt  }
0x5a: {  	_ =	shalt  }
0x5b: {  	_ =	shalt  }
0x5c: {  	_ =	shalt  }
0x5d: {  	_ =	shalt  }
0x5e: {  	_ =	shalt  }
0x5f: {  	_ =	shalt  }
0x60: {  	_ =	shalt  }
0x61: {  	_ =	shalt  }
0x62: {  	_ =	shalt  }
0x63: {  	_ =	shalt  }
0x64: {  	_ =	shalt  }
0x65: {  	_ =	shalt  }
0x66: {  	_ =	shalt  }
0x67: {  	_ =	shalt  }
0x68: {  	_ =	shalt  }
0x69: {  	_ =	shalt  }
0x6a: {  	_ =	shalt  }
0x6b: {  	_ =	shalt  }
0x6c: {  	_ =	shalt  }
0x6d: {  	_ =	shalt  }
0x6e: {  	_ =	shalt  }
0x6f: {  	_ =	shalt  }
0x70: {  	_ =	shalt  }
0x71: {  	_ =	shalt  }
0x72: {  	_ =	shalt  }
0x73: {  	_ =	shalt  }
0x74: {  	_ =	shalt  }
0x75: {  	_ =	shalt  }
0x76: {  	_ =	shalt  }
0x77: {  	_ =	shalt  }
0x78: {  	_ =	shalt  }
0x79: {  	_ =	shalt  }
0x7a: {  	_ =	shalt  }
0x7b: {  	_ =	shalt  }
0x7c: {  	_ =	shalt  }
0x7d: {  	_ =	shalt  }
0x7e: {  	_ =	shalt  }
0x7f: {  	_ =	shalt  }
0x80: {  	_ =	shalt  }
0x81: {  	_ =	shalt  }
0x82: {  	_ =	shalt  }
0x83: {  	_ =	shalt  }
0x84: {  	_ =	shalt  }
0x85: {  	_ =	shalt  }
0x86: {  	_ =	shalt  }
0x87: {  	_ =	shalt  }
.Lfunc_end0:
.L_simem_size_0:
called_computation.3_lowered:
.L_overlay_start_0:
0x88: {  	s2 =	sld [smem:$0x3FD9]  }
0x89: {  	s3 =	sld [smem:$0x3FFE];
	_ =	sdelay $0x1  }
0x8a: {  	s1 =	srdreg.scid  }
0x8b: {  	s0 =	sand.u32 $0x1, s1  }
0x8c: {  	s16 =	sshll.u32 s0, $0xA;
	s2 =	sadd.s32 s3, s2  }
0x8d: {  	s2 =	sadd.s32 s2, s16  }
0x8e: {  	[smem:$0x3FBE] =	sst s2  }
0x8f: {  	_ = 	snop  }
0x90: {  	(tm) =	ssettm $0x1  }
0x91: {  	s17 =	sld [smem:$0x3FFB];
	_ =	sdelay $0x3  }
0x92: {  	_ =	strace s17  }
0x93: {  	s2 =	sld [smem:$0x3FFC];
	_ =	sdelay $0x3  }
0x94: {  	_ =	strace s2  }
0x95: {  	s2 =	sld [smem:$0x3FFD];
	_ =	sdelay $0x3  }
0x96: {  	_ =	strace s2  }
0x97: {  	_ =	strace $0x8FFFFFFF  }
0x98: {  	s18 =	sld [smem:$0x3FDB];
	_ =	sdelay $0x1  }
0x99: {  	s19 =	simm.s32 $_scs_section_size  }
0x9a: {  	s4 =	simm.s32 $_size__tile_overlayer_lowered;
	s5 =	simm.s32 $_tile_overlayer_lowered  }
0x9b: {  	s22 =	simm.s32 $0x1BFF;
	s21 =	sshll.u32 s5, $0x1;
	s2 =	sadd.s32 s19, s18  }
0x9c: {  	s6 =	simm.s32 $0x0;
	s20 =	sshll.u32 s4, $0x1;
	s4 =	sadd.s32 s21, s2  }
0x9d: {  	[timem:s6], [sflag:s22] =	dma.local [hbm:s4], s20  }
0x9e: {  	_ =	swait.ge [sflag:s22], s20  }
0x9f: {  	s3 =	ssub.s32 $0x0, s20;
	[sflag:s22] =	ssyncset.done $0x0  }
0xa0: {  	[sflag:s22] =	ssyncadd.s32 s3;
	_ =	sdelay $0x1  }
0xa1: {  	s23 =	simm.s32 $0x1B8B  }
0xa2: {  	_ =	swait.ge [sflag:s23], $0x1  }
0xa3: {  	[sflag:s23] =	ssyncset.done $0x0  }
0xa4: {  	s25 =	simm.s32 $0x1B8E;
	s24 =	sld [smem:$0x3FFE];
	[sflag:s23] =	ssyncadd.s32 $0xFFFFFFFF  }
0xa5: {  	s26 =	simm.s32 $execute0_lowered;
	[smem:$0x3FD2] =	sst s25  }
0xa6: {  	s4 =	sshll.u32 s26, $0x1;
	_ =	strace $0x8000004C;
	[dreg:$0x1] =	wrdreg $0xFFFFFFFF  }
0xa7: {  	s28 =	simm.s32 $_size_execute0_lowered;
	s2 =	sadd.s32 s2, s4;
	[dreg:$0x0] =	wrdreg $0x0  }
0xa8: {  	s4 =	sshll.u32 s28, $0x1;
	[dreg:$0x2] =	wrdreg s2  }
0xa9: {  	[dreg:$0x3] =	wrdreg s4  }
0xaa: {  	[dreg:$0x4] =	wrdreg $0xC0  }
0xab: {  	_ =	task [dreg:s6], $0x5FFFF  }
0xac: {  	[dreg:$0x1] =	wrdreg $0xFFFFFFFF  }
0xad: {  	[dreg:$0x0] =	wrdreg $0x60  }
0xae: {  	[dreg:$0x2] =	wrdreg s24  }
0xaf: {  	[dreg:$0x3] =	wrdreg $0xC0000  }
0xb0: {  	[dreg:$0x4] =	wrdreg $0xA  }
0xb1: {  	_ =	task.clear_ibuf [dreg:s6], $0x5FFFF;
	_ =	strace $0x9000004C  }
0xb2: {  	s29 =	simm.s32 $0xA;
	_ =	strace $0x8000004E  }
0xb3: {  	_ =	swait.ge [sflag:s29], $0x1  }
0xb4: {  	[sflag:s29] =	ssyncadd.s32 $0xFFFFFFFF  }
0xb5: {  	_ =	strace $0x9000004E  }
0xb6: {  	_ =	sfence  }
0xb7: {  	s30 =	sld [smem:$0x0];
	_ =	sdelay $0x2  }
0xb8: {  	s31 =	sshll.u32 s1, $0xD;
	s1 =	sshrl.u32 s1, $0x2  }
0xb9: {  	s3 =	sand.u32 $0x4000, s31;
	s1 =	sadd.s32 s1, s30  }
0xba: {  	s0 =	sor.u32 s3, s0;
	s1 =	sshll.u32 s1, $0x11  }
0xbb: {  	s0 =	sor.u32 s1, s0  }
0xbc: {  	s0 =	sadd.s32 $0x8F2B, s0  }
0xbd: {  	[sflag:s0] =	ssyncadd.remote.s32 $0x1  }
0xbe: {  	_ =	sfence.sel $0xFFFF  }
0xbf: {  	[dreg:$0x0] =	wrdreg $0xFFFFFFFF;
	(pc) =	sbr.abs _section_cstart, $3  }
0xc0: {  	[dreg:$0x1] =	wrdreg $0xFFFFFFFF  }
0xc1: {  	_ =	task.clear_ibuf [dreg:s6], $0x2FFFF;
	_ =	strace $0x9FFFFFFF  }
0xc2: {  	(tm) =	ssettm $0x7FFFFFFF  }
0xc3: {  	_ =	shalt  }
tec
execute0_lowered:
.L_overlay_start_1:
0x0: {  	(tag) =	ssettag $0x1  }
0x1: {  	s0 =	rddreg [dreg:$0x0];
	s1 =	srdreg.scid  }
0x2: {  	s9 =	stileid.u32;
	s2 =	rddreg [dreg:$0x1];
	s3 =	simm.s32 $0x0  }
0x3: {  	s14 =	simm.s32 $0x5000;
	s15 =	simm.s32 $0x5;
	s16 =	simm.s32 $0xA000  }
0x4: {  	s17 =	simm.s32 $0x80;
	s18 =	simm.s32 $0x16000;
	s20 =	simm.s32 $0x18000  }
0x5: {  	s22 =	simm.s32 $0x1A000;
	s24 =	simm.s32 $0x1C000;
	s5 =	smul.u32 $0x5000, s9  }
0x6: {  	s25 =	simm.s32 $0x1;
	s28 =	simm.s32 $0x3;
	s8 =	smul.u32 $0x1400, s9  }
0x7: {  	s29 =	simm.s32 $0x4;
	s1 =	sand.u32 $0x1, s1;
	s9 =	smul.u32 $0x28000, s9  }
0x8: {  	s31 =	simm.s32 $0x4E80;
	s19 =	simm.s32 $0x0;
	s4 =	smul.u32 $0x50000, s1  }
0x9: {  	[smem:$0x7FF] =	sst s3;
	s7 =	smul.u32 $0x14000, s1;
	s1 =	ssub.s32 $0x2, s1  }
0xa: {  	_ =	strace $0x8000004D;
	s26 =	sshrl.u32 s1, $0x1;
	s30 =	sshrl.u32 s9, $0x2  }
0xb: {  	s6 =	sadd.s32 s5, s4;
	s4 =	sadd.s32 $0xD5200, s0;
	s5 =	sshrl.u32 s5, $0x3  }
0xc: {  	s7 =	sadd.s32 s8, s7;
	s1 =	ssub.s32 s1, s26;
	s26 =	simm.s32 $0x2  }
0xd: {  	s6 =	sshrl.u32 s6, $0x3;
	s10 =	sadd.s32 s5, s0;
	s9 =	smax.u32 s1, $0x1  }
0xe: {  	s1 =	simm.s32 $0x4F00;
	s6 =	sadd.s32 s6, s0;
	s0 =	sadd.s32 s7, s0  }
0xf: {  	s7 =	sadd.s32 s30, s2;
	s5 =	sadd.s32 $0x71200, s6;
	s6 =	sadd.s32 $0x67200, s10  }
0x10: {  	s8 =	sadd.s32 $0xFD200, s0;
	s10 =	sadd.s32 $0x2000, s7;
	s11 =	sadd.s32 $0x4000, s7  }
0x11: {  	v0 =	vimm.f32 $0.0e+00;
	s12 =	sadd.s32 $0x6000, s7;
	s13 =	sadd.s32 $0x8000, s7;
	s0 =	simm.s32 $0x4F80  }
.LBB2_1:
0x12: {  	[tilespmem:s14], [sflag:$0x5] =	stream.linear.gather [hbm4b:s5+s3], $0x5000, $0x38;
	[tilespmem:$0x1E000] =	vst v63  }
0x13: {  	_ =	swait.ge [sflag:s15], $0x5000  }
0x14: {  	[sflag:s15] =	ssyncset.done $0x0  }
0x15: {  	[sflag:s15] =	ssyncadd.s32 $0xFFFFB000  }
0x16: {  	[tilespmem:s3], [sflag:$0x5] =	stream.linear.gather [hbm4b:s6+s3], $0x5000, $0x38;
	[tilespmem:$0x1E000] =	vst v63  }
0x17: {  	_ =	swait.ge [sflag:s15], $0x5000  }
0x18: {  	[sflag:s15] =	ssyncset.done $0x0  }
0x19: {  	s23 =	simm.s32 $0x100;
	s21 =	simm.s32 $0x0;
	[sflag:s15] =	ssyncadd.s32 $0xFFFFB000  }
.LBB2_2:
0x1a: {  	p0 =	sne.s32 s23, $0x7F00;
	[tilespmem:s21+$0xA030] =	vst v0;
	s30 =	smov.u32 s23;
	s23 =	sadd.s32 $0x100, s23  }
.Ltmp0:
0x1b: {  	[tilespmem:s21+$0xA020] =	vst v0;
	(pc) =	sbr.rel @p0 .LBB2_2-.Ltmp0, $3  }
0x1c: {  	[tilespmem:s21+$0xA000] =	vst v0  }
0x1d: {  	[tilespmem:s21+$0xA010] =	vst v0;
	_ =	sdelay $0x1  }
0x1e: {  	s21 =	sshra.s32 s30, $0x2  }
0x1f: {  	[tilespmem:s21+$0xA030] =	vst v0  }
0x20: {  	[tilespmem:s21+$0xA020] =	vst v0  }
0x21: {  	[tilespmem:s21+$0xA000] =	vst v0  }
0x22: {  	[tilespmem:s21+$0xA010] =	vst v0  }
0x23: {  	[spmem:s7] =	stream.linear.scatter [tilespmem:s16], [sflag:$0x5], $0x2000, $0x38;
	[tilespmem:$0x1E000] =	vst v63  }
0x24: {  	_ =	swait.ge [sflag:s15], $0x2000  }
0x25: {  	[sflag:s15] =	ssyncset.done $0x0  }
0x26: {  	[sflag:s15] =	ssyncadd.s32 $0xFFFFE000  }
0x27: {  	[spmem:s10] =	stream.linear.scatter [tilespmem:s16], [sflag:$0x5], $0x2000, $0x38;
	[tilespmem:$0x1E000] =	vst v63  }
0x28: {  	_ =	swait.ge [sflag:s15], $0x2000  }
0x29: {  	[sflag:s15] =	ssyncset.done $0x0  }
0x2a: {  	[sflag:s15] =	ssyncadd.s32 $0xFFFFE000  }
0x2b: {  	[spmem:s11] =	stream.linear.scatter [tilespmem:s16], [sflag:$0x5], $0x2000, $0x38;
	[tilespmem:$0x1E000] =	vst v63  }
0x2c: {  	_ =	swait.ge [sflag:s15], $0x2000  }
0x2d: {  	[sflag:s15] =	ssyncset.done $0x0  }
0x2e: {  	[sflag:s15] =	ssyncadd.s32 $0xFFFFE000  }
0x2f: {  	[spmem:s12] =	stream.linear.scatter [tilespmem:s16], [sflag:$0x5], $0x2000, $0x38;
	[tilespmem:$0x1E000] =	vst v63  }
0x30: {  	_ =	swait.ge [sflag:s15], $0x2000  }
0x31: {  	[sflag:s15] =	ssyncset.done $0x0  }
0x32: {  	[sflag:s15] =	ssyncadd.s32 $0xFFFFE000  }
0x33: {  	[spmem:s13] =	stream.linear.scatter [tilespmem:s16], [sflag:$0x5], $0x2000, $0x38;
	[tilespmem:$0x1E000] =	vst v63  }
0x34: {  	_ =	swait.ge [sflag:s15], $0x2000  }
0x35: {  	[sflag:s15] =	ssyncset.done $0x0  }
0x36: {  	[sflag:s15] =	ssyncadd.s32 $0xFFFFE000  }
0x37: {  	[bflag:$0x0] =	sbarrier.arrive $0xFFFF  }
0x38: {  	[tilespmem:s18], [sflag:$0x1] =	stream.indirect.gather [hbm4b:s4+s17], $0x40, s14, s17, $0xb8;
	[tilespmem:$0x1E000] =	vst v63  }
0x39: {  	s23 =	simm.s32 $0x5080  }
0x3a: {  	[tilespmem:s20], [sflag:$0x2] =	stream.indirect.gather [hbm4b:s4+s17], $0x40, s23, s17, $0xb8;
	[tilespmem:$0x1E000] =	vst v63  }
0x3b: {  	s30 =	simm.s32 $0x5100  }
0x3c: {  	[tilespmem:s22], [sflag:$0x3] =	stream.indirect.gather [hbm4b:s4+s17], $0x40, s30, s17, $0xb8;
	[tilespmem:$0x1E000] =	vst v63  }
0x3d: {  	s23 =	simm.s32 $0x5180  }
0x3e: {  	[tilespmem:s24], [sflag:$0x4] =	stream.indirect.gather [hbm4b:s4+s17], $0x40, s23, s17, $0xb8;
	[tilespmem:$0x1E000] =	vst v63  }
0x3f: {  	_ =	swait.ge [sflag:s25], $0x2000  }
0x40: {  	[sflag:s25] =	ssyncset.done $0x0  }
0x41: {  	s30 =	simm.s32 $0x0;
	[sflag:s25] =	ssyncadd.s32 $0xFFFFE000  }
0x42: {  	[spmem:s2] =	stream.indirect.scatter.add.f32 [tilespmem:s18], [sflag:$0x5], $0x40, s30, s17, $0xb8;
	[tilespmem:$0x1E000] =	vst v63  }
0x43: {  	_ =	swait.ge [sflag:s15], $0x2000  }
0x44: {  	[sflag:s15] =	ssyncset.done $0x0  }
0x45: {  	s23 =	simm.s32 $0x5200;
	[sflag:s15] =	ssyncadd.s32 $0xFFFFE000  }
0x46: {  	[tilespmem:s18], [sflag:$0x1] =	stream.indirect.gather [hbm4b:s4+s17], $0x40, s23, s17, $0xb8;
	[tilespmem:$0x1E000] =	vst v63  }
0x47: {  	_ =	swait.ge [sflag:s26], $0x2000  }
0x48: {  	[sflag:s26] =	ssyncset.done $0x0  }
0x49: {  	s30 =	simm.s32 $0x80;
	[sflag:s26] =	ssyncadd.s32 $0xFFFFE000  }
0x4a: {  	[spmem:s2] =	stream.indirect.scatter.add.f32 [tilespmem:s20], [sflag:$0x5], $0x40, s30, s17, $0xb8;
	[tilespmem:$0x1E000] =	vst v63  }
0x4b: {  	_ =	swait.ge [sflag:s15], $0x2000  }
0x4c: {  	[sflag:s15] =	ssyncset.done $0x0  }
0x4d: {  	s23 =	simm.s32 $0x5280;
	[sflag:s15] =	ssyncadd.s32 $0xFFFFE000  }
0x4e: {  	[tilespmem:s20], [sflag:$0x2] =	stream.indirect.gather [hbm4b:s4+s17], $0x40, s23, s17, $0xb8;
	[tilespmem:$0x1E000] =	vst v63  }
0x4f: {  	_ =	swait.ge [sflag:s28], $0x2000  }
0x50: {  	[sflag:s28] =	ssyncset.done $0x0  }
0x51: {  	s30 =	simm.s32 $0x100;
	[sflag:s28] =	ssyncadd.s32 $0xFFFFE000  }
0x52: {  	[spmem:s2] =	stream.indirect.scatter.add.f32 [tilespmem:s22], [sflag:$0x5], $0x40, s30, s17, $0xb8;
	[tilespmem:$0x1E000] =	vst v63  }
0x53: {  	_ =	swait.ge [sflag:s15], $0x2000  }
0x54: {  	[sflag:s15] =	ssyncset.done $0x0  }
0x55: {  	s23 =	simm.s32 $0x5300;
	[sflag:s15] =	ssyncadd.s32 $0xFFFFE000  }
0x56: {  	[tilespmem:s22], [sflag:$0x3] =	stream.indirect.gather [hbm4b:s4+s17], $0x40, s23, s17, $0xb8;
	[tilespmem:$0x1E000] =	vst v63  }
0x57: {  	_ =	swait.ge [sflag:s29], $0x2000  }
0x58: {  	[sflag:s29] =	ssyncset.done $0x0  }
0x59: {  	s30 =	simm.s32 $0x180;
	[sflag:s29] =	ssyncadd.s32 $0xFFFFE000  }
0x5a: {  	[spmem:s2] =	stream.indirect.scatter.add.f32 [tilespmem:s24], [sflag:$0x5], $0x40, s30, s17, $0xb8;
	[tilespmem:$0x1E000] =	vst v63  }
0x5b: {  	_ =	swait.ge [sflag:s15], $0x2000  }
0x5c: {  	[sflag:s15] =	ssyncset.done $0x0  }
0x5d: {  	s21 =	simm.s32 $0x800;
	s23 =	simm.s32 $0x5380;
	[sflag:s15] =	ssyncadd.s32 $0xFFFFE000  }
.LBB2_4:
0x5e: {  	[tilespmem:s24], [sflag:$0x4] =	stream.indirect.gather [hbm4b:s4+s17], $0x40, s23, s17, $0xb8;
	[tilespmem:$0x1E000] =	vst v63  }
0x5f: {  	s23 =	smov.u32 s21  }
0x60: {  	p0 =	sne.s32 s21, $0x13000;
	s21 =	sadd.s32 $0x800, s21;
	_ =	swait.ge [sflag:s25], $0x2000  }
0x61: {  	[sflag:s25] =	ssyncset.done $0x0  }
0x62: {  	s23 =	sshra.s32 s23, $0x2;
	[sflag:s25] =	ssyncadd.s32 $0xFFFFE000  }
0x63: {  	[spmem:s2] =	stream.indirect.scatter.add.f32 [tilespmem:s18], [sflag:$0x5], $0x40, s23, s17, $0xb8;
	[tilespmem:$0x1E000] =	vst v63  }
0x64: {  	_ =	swait.ge [sflag:s15], $0x2000  }
0x65: {  	[sflag:s15] =	ssyncset.done $0x0  }
0x66: {  	s30 =	sadd.s32 $0x5200, s23;
	[sflag:s15] =	ssyncadd.s32 $0xFFFFE000  }
0x67: {  	[tilespmem:s18], [sflag:$0x1] =	stream.indirect.gather [hbm4b:s4+s17], $0x40, s30, s17, $0xb8;
	[tilespmem:$0x1E000] =	vst v63  }
0x68: {  	_ =	swait.ge [sflag:s26], $0x2000  }
0x69: {  	[sflag:s26] =	ssyncset.done $0x0  }
0x6a: {  	s30 =	sadd.s32 $0x80, s23;
	[sflag:s26] =	ssyncadd.s32 $0xFFFFE000  }
0x6b: {  	[spmem:s2] =	stream.indirect.scatter.add.f32 [tilespmem:s20], [sflag:$0x5], $0x40, s30, s17, $0xb8;
	[tilespmem:$0x1E000] =	vst v63  }
0x6c: {  	_ =	swait.ge [sflag:s15], $0x2000  }
0x6d: {  	[sflag:s15] =	ssyncset.done $0x0  }
0x6e: {  	s30 =	sadd.s32 $0x5280, s23;
	[sflag:s15] =	ssyncadd.s32 $0xFFFFE000  }
0x6f: {  	[tilespmem:s20], [sflag:$0x2] =	stream.indirect.gather [hbm4b:s4+s17], $0x40, s30, s17, $0xb8;
	[tilespmem:$0x1E000] =	vst v63  }
0x70: {  	_ =	swait.ge [sflag:s28], $0x2000  }
0x71: {  	[sflag:s28] =	ssyncset.done $0x0  }
0x72: {  	s30 =	sadd.s32 $0x100, s23;
	[sflag:s28] =	ssyncadd.s32 $0xFFFFE000  }
0x73: {  	[spmem:s2] =	stream.indirect.scatter.add.f32 [tilespmem:s22], [sflag:$0x5], $0x40, s30, s17, $0xb8;
	[tilespmem:$0x1E000] =	vst v63  }
0x74: {  	_ =	swait.ge [sflag:s15], $0x2000  }
0x75: {  	[sflag:s15] =	ssyncset.done $0x0  }
0x76: {  	s30 =	sadd.s32 $0x5300, s23;
	[sflag:s15] =	ssyncadd.s32 $0xFFFFE000  }
0x77: {  	[tilespmem:s22], [sflag:$0x3] =	stream.indirect.gather [hbm4b:s4+s17], $0x40, s30, s17, $0xb8;
	[tilespmem:$0x1E000] =	vst v63  }
0x78: {  	_ =	swait.ge [sflag:s29], $0x2000  }
0x79: {  	[sflag:s29] =	ssyncset.done $0x0  }
.Ltmp1:
0x7a: {  	s30 =	sadd.s32 $0x180, s23;
	[sflag:s29] =	ssyncadd.s32 $0xFFFFE000;
	(pc) =	sbr.rel @p0 .LBB2_4-.Ltmp1, $4  }
0x7b: {  	[spmem:s2] =	stream.indirect.scatter.add.f32 [tilespmem:s24], [sflag:$0x5], $0x40, s30, s17, $0xb8;
	[tilespmem:$0x1E000] =	vst v63  }
0x7c: {  	_ =	swait.ge [sflag:s15], $0x2000  }
0x7d: {  	[sflag:s15] =	ssyncset.done $0x0  }
0x7e: {  	s23 =	sadd.s32 $0x5380, s23;
	[sflag:s15] =	ssyncadd.s32 $0xFFFFE000  }
0x7f: {  	[tilespmem:s24], [sflag:$0x4] =	stream.indirect.gather [hbm4b:s4+s17], $0x40, s23, s17, $0xb8;
	[tilespmem:$0x1E000] =	vst v63  }
0x80: {  	_ =	swait.ge [sflag:s25], $0x2000  }
0x81: {  	[sflag:s25] =	ssyncset.done $0x0  }
0x82: {  	s21 =	simm.s32 $0x4E00;
	[sflag:s25] =	ssyncadd.s32 $0xFFFFE000  }
0x83: {  	[spmem:s2] =	stream.indirect.scatter.add.f32 [tilespmem:s18], [sflag:$0x5], $0x40, s21, s17, $0xb8;
	[tilespmem:$0x1E000] =	vst v63  }
0x84: {  	_ =	swait.ge [sflag:s15], $0x2000  }
0x85: {  	[sflag:s15] =	ssyncset.done $0x0  }
0x86: {  	[sflag:s15] =	ssyncadd.s32 $0xFFFFE000  }
0x87: {  	_ =	swait.ge [sflag:s26], $0x2000  }
0x88: {  	[sflag:s26] =	ssyncset.done $0x0  }
0x89: {  	[sflag:s26] =	ssyncadd.s32 $0xFFFFE000  }
0x8a: {  	[spmem:s2] =	stream.indirect.scatter.add.f32 [tilespmem:s20], [sflag:$0x5], $0x40, s31, s17, $0xb8;
	[tilespmem:$0x1E000] =	vst v63  }
0x8b: {  	_ =	swait.ge [sflag:s15], $0x2000  }
0x8c: {  	[sflag:s15] =	ssyncset.done $0x0  }
0x8d: {  	[sflag:s15] =	ssyncadd.s32 $0xFFFFE000  }
0x8e: {  	_ =	swait.ge [sflag:s28], $0x2000  }
0x8f: {  	[sflag:s28] =	ssyncset.done $0x0  }
0x90: {  	[sflag:s28] =	ssyncadd.s32 $0xFFFFE000  }
0x91: {  	[spmem:s2] =	stream.indirect.scatter.add.f32 [tilespmem:s22], [sflag:$0x5], $0x40, s1, s17, $0xb8;
	[tilespmem:$0x1E000] =	vst v63  }
0x92: {  	_ =	swait.ge [sflag:s15], $0x2000  }
0x93: {  	[sflag:s15] =	ssyncset.done $0x0  }
0x94: {  	[sflag:s15] =	ssyncadd.s32 $0xFFFFE000  }
0x95: {  	_ =	swait.ge [sflag:s29], $0x2000  }
0x96: {  	[sflag:s29] =	ssyncset.done $0x0  }
0x97: {  	[sflag:s29] =	ssyncadd.s32 $0xFFFFE000  }
0x98: {  	[spmem:s2] =	stream.indirect.scatter.add.f32 [tilespmem:s24], [sflag:$0x5], $0x40, s0, s17, $0xb8;
	[tilespmem:$0x1E000] =	vst v63  }
0x99: {  	s23 =	stileid.u32;
	_ =	swait.ge [sflag:s15], $0x2000  }
0x9a: {  	s30 =	sshrl.u32 s7, $0x3;
	s19 =	sadd.s32 $0x1, s19;
	[sflag:s15] =	ssyncset.done $0x0  }
0x9b: {  	p0 =	sne.s32 s19, s9;
	s21 =	sshll.u32 s23, $0x6;
	[sflag:s15] =	ssyncadd.s32 $0xFFFFE000  }
.Ltmp2:
0x9c: {  	s21 =	sor.u32 $0x1C05, s21;
	[bflag:$0x0] =	sbarrier.arrive $0xFFFF;
	(pc) =	sbr.rel @p0 .LBB2_1-.Ltmp2, $4  }
0x9d: {  	[hbm:s8], [sflag:s21] =	dma.local [spmem:s30], $0x1400  }
0x9e: {  	_ =	swait.ge [sflag:s15], $0x1400  }
0x9f: {  	[sflag:s15] =	ssyncset.done $0x0  }
0xa0: {  	[sflag:s15] =	ssyncadd.s32 $0xFFFFEC00  }
0xa1: {  	_ =	sfence.sel $0x180000  }
0xa2: {  	[bflag:$0x0] =	sbarrier.arrive $0xFFFF  }
0xa3: {  	_ =	strace $0x9000004D  }
0xa4: {  	s0 =	stileid.u32;
	[bflag:$0x2] =	sbarrier.arrive $0xFFFF  }
0xa5: {  	p0 =	sne.s32 s0, $0x0;
	s0 =	rddreg [dreg:$0x2]  }
0xa6: {  	s0 =	sadd.s32 @!p0 $0x100000, s0  }
0xa7: {  	[sflag:s0] =	ssyncadd.tile.s32 @!p0 $0x1;
	_ =	shalt  }
.Lfunc_end2:
_tile_overlayer_lowered:
.L_overlay_start_2:
0xa8: {  	(tag) =	ssettag $0x2  }
0xa9: {  	s0 =	rddreg [dreg:$0x0];
	s2 =	stileid.u32  }
0xaa: {  	s1 =	rddreg [dreg:$0x1];
	p0 =	sne.s32 s2, $0x0  }
0xab: {  	s3 =	rddreg [dreg:$0x2];
	[bflag:$0x3] =	sbarrier.arrive $0xFFFF;
	s2 =	simm.s32 @!p0 $0x1C05  }
0xac: {  	[timem:s3], [sflag:s2] =	dma.local @!p0 [hbm:s0], s1  }
0xad: {  	s0 =	simm.s32 @!p0 $0x5  }
0xae: {  	_ =	swait.ge @!p0 [sflag:s0], s1  }
0xaf: {  	s1 =	ssub.s32 @!p0 $0x0, s1;
	[sflag:s0] =	ssyncset.done @!p0 $0x0  }
0xb0: {  	[sflag:s0] =	ssyncadd.s32 @!p0 s1  }
0xb1: {  	[bflag:$0x3] =	sbarrier.arrive $0xFFFF  }
0xb2: {  	_ =	shalt  }

// kernel: kernel.26.cloned.1.call-start
scs
__scs_entry_jumppad:
0x0: {  	(pc) =	sbr.rel $0x88, $3  }
0x1: {  	(tag) =	ssettag $0x0;
	lr =	simm.s32 $0x1  }
0x2: {  	[smem:$0x3F97] =	sst lr;
	_ =	strace $0xD0000000  }
0x3: {  	_ = 	snop  }
0x4: {  	_ = 	snop  }
0x5: {  	_ = 	snop  }
0x6: {  	_ = 	snop  }
0x7: {  	_ = 	snop  }
__scs_overlays_trampoline_lowered:
0x8: {  	[smem:$0x3FA6] =	sst s0  }
0x9: {  	[smem:$0x3FA7] =	sst s1  }
0xa: {  	[smem:$0x3FA8] =	sst s2  }
0xb: {  	[smem:$0x3FA9] =	sst s3  }
0xc: {  	[smem:$0x3FAA] =	sst s4  }
0xd: {  	[smem:$0x3FAB] =	sst s5  }
0xe: {  	[smem:$0x3FAC] =	sst s6  }
0xf: {  	[smem:$0x3FAD] =	sst s7  }
0x10: {  	[smem:$0x3FAE] =	sst s8  }
0x11: {  	[smem:$0x3FAF] =	sst s9;
	s0 =	simm.s32 @!p0 $0x0  }
0x12: {  	s1 =	sld [smem:$0x3F95];
	s0 =	simm.s32 @p0 $0x1  }
0x13: {  	[smem:$0x3FB0] =	sst s0;
	s0 =	simm.s32 @!p1 $0x0  }
0x14: {  	s2 =	sld [smem:$0x3F94];
	s0 =	simm.s32 @p1 $0x1  }
0x15: {  	[smem:$0x3FB1] =	sst s0;
	s0 =	simm.s32 @!p2 $0x0  }
0x16: {  	s3 =	sld [smem:$0x3FDB];
	s0 =	simm.s32 @p2 $0x1  }
0x17: {  	s4 =	simm.s32 $0x1BF5;
	[smem:$0x3FB3] =	sst s0  }
0x18: {  	s0 =	sld [smem:$0x3F96];
	_ =	swait.ge [sflag:s4], $0x0  }
0x19: {  	s7 =	sld [smem:$0x3F97]  }
0x1a: {  	s8 =	sadd.s32 $0xFFFFE003, lr  }
0x1b: {  	s9 =	sadd.s32 $0xFFFFFEF7, lr;
	s5 =	simm.s32 $0xFFFFFFFF;
	p2 =	slt.u32 s8, $0xFFFFF086  }
0x1c: {  	p1 =	slt.u32 s9, $0xF7A;
	s5 =	simm.s32 @!p2 $0x0  }
0x1d: {  	s5 =	simm.s32 @p1 $0x1;
	p0 =	seq.s32 s7, s2  }
0x1e: {  	s7 =	smul.u32 @!p0 $0xF7A, s2;
	p2 =	seq.s32 @!p0 s5, $0x0  }
0x1f: {  	s9 =	smul.u32 $0xF7A, s1;
	s8 =	simm.s32 @!p0 $0x1BF5;
	p2 =	por !p2, p0  }
0x20: {  	[sflag:s8] =	ssyncset.s32 @!p0 $0xFFFFF086;
	s6 =	sadd.s32 @!p0 s3, s7;
	s7 =	simm.s32 @!p0 $0x108  }
0x21: {  	s3 =	sadd.s32 s3, s9;
	s6 =	sadd.s32 @!p0 $0x88, s6;
	s7 =	simm.s32 @p2 $0x1082  }
0x22: {  	[simem:s7], [sflag:s8] =	dma.local @!p0 [hbm:s6], $0xF7A  }
0x23: {  	s9 =	sor.u32 $0xD0000000, s2;
	s6 =	simm.s32 $0x108;
	_ =	swait.ge @!p0 [sflag:s8], $0x0  }
0x24: {  	s3 =	sadd.s32 $0x88, s3;
	s6 =	simm.s32 @!p1 $0x1082;
	[sflag:s4] =	ssyncset.s32 $0xFFFFF086  }
0x25: {  	[simem:s6], [sflag:s4] =	dma.local [hbm:s3], $0xF7A  }
0x26: {  	[smem:$0x3F97] =	sst s1;
	(tag) =	ssettag s2;
	_ =	strace s9  }
0x27: {  	s1 =	sld [smem:$0x3FA7]  }
0x28: {  	s2 =	sld [smem:$0x3FA8]  }
0x29: {  	s4 =	sld [smem:$0x3FAA]  }
0x2a: {  	p0 =	seq.s32 s5, $0x0;
	s5 =	sld [smem:$0x3FAB]  }
0x2b: {  	s6 =	sld [smem:$0x3FAC]  }
0x2c: {  	s7 =	sld [smem:$0x3FAD]  }
0x2d: {  	s3 =	simm.s32 $0x108;
	s8 =	sld [smem:$0x3FAE]  }
0x2e: {  	s3 =	simm.s32 @!p0 $0x1082;
	s9 =	sld [smem:$0x3FAF]  }
0x2f: {  	lr =	sadd.s32 s0, s3;
	s0 =	sld [smem:$0x3FA6]  }
0x30: {  	s3 =	sld [smem:$0x3FA9]  }
0x31: {  	[smem:$0x3FB2] =	sst s10  }
0x32: {  	s10 =	sld [smem:$0x3FB0];
	_ =	sdelay $0x3  }
0x33: {  	p0 =	seq.s32 s10, $0x1;
	s10 =	sld [smem:$0x3FB2];
	_ =	sdelay $0x3  }
0x34: {  	[smem:$0x3FB2] =	sst s10  }
0x35: {  	s10 =	sld [smem:$0x3FB1];
	_ =	sdelay $0x3  }
0x36: {  	p1 =	seq.s32 s10, $0x1;
	s10 =	sld [smem:$0x3FB2];
	_ =	sdelay $0x3  }
0x37: {  	[smem:$0x3FB2] =	sst s10  }
0x38: {  	s10 =	sld [smem:$0x3FB3]  }
0x39: {  	_ = 	snop;
	(pc) =	sbr.ind lr, $3  }
0x3a: {  	_ = 	snop  }
0x3b: {  	_ = 	snop  }
0x3c: {  	p2 =	seq.s32 s10, $0x1;
	s10 =	sld [smem:$0x3FB2]  }
0x3d: {  	_ =	shalt  }
0x3e: {  	_ =	shalt  }
0x3f: {  	_ =	shalt  }
0x40: {  	_ =	shalt  }
0x41: {  	_ =	shalt  }
0x42: {  	_ =	shalt  }
0x43: {  	_ =	shalt  }
0x44: {  	_ =	shalt  }
0x45: {  	_ =	shalt  }
0x46: {  	_ =	shalt  }
0x47: {  	_ =	shalt  }
0x48: {  	_ =	shalt  }
0x49: {  	_ =	shalt  }
0x4a: {  	_ =	shalt  }
0x4b: {  	_ =	shalt  }
0x4c: {  	_ =	shalt  }
0x4d: {  	_ =	shalt  }
0x4e: {  	_ =	shalt  }
0x4f: {  	_ =	shalt  }
0x50: {  	_ =	shalt  }
0x51: {  	_ =	shalt  }
0x52: {  	_ =	shalt  }
0x53: {  	_ =	shalt  }
0x54: {  	_ =	shalt  }
0x55: {  	_ =	shalt  }
0x56: {  	_ =	shalt  }
0x57: {  	_ =	shalt  }
0x58: {  	_ =	shalt  }
0x59: {  	_ =	shalt  }
0x5a: {  	_ =	shalt  }
0x5b: {  	_ =	shalt  }
0x5c: {  	_ =	shalt  }
0x5d: {  	_ =	shalt  }
0x5e: {  	_ =	shalt  }
0x5f: {  	_ =	shalt  }
0x60: {  	_ =	shalt  }
0x61: {  	_ =	shalt  }
0x62: {  	_ =	shalt  }
0x63: {  	_ =	shalt  }
0x64: {  	_ =	shalt  }
0x65: {  	_ =	shalt  }
0x66: {  	_ =	shalt  }
0x67: {  	_ =	shalt  }
0x68: {  	_ =	shalt  }
0x69: {  	_ =	shalt  }
0x6a: {  	_ =	shalt  }
0x6b: {  	_ =	shalt  }
0x6c: {  	_ =	shalt  }
0x6d: {  	_ =	shalt  }
0x6e: {  	_ =	shalt  }
0x6f: {  	_ =	shalt  }
0x70: {  	_ =	shalt  }
0x71: {  	_ =	shalt  }
0x72: {  	_ =	shalt  }
0x73: {  	_ =	shalt  }
0x74: {  	_ =	shalt  }
0x75: {  	_ =	shalt  }
0x76: {  	_ =	shalt  }
0x77: {  	_ =	shalt  }
0x78: {  	_ =	shalt  }
0x79: {  	_ =	shalt  }
0x7a: {  	_ =	shalt  }
0x7b: {  	_ =	shalt  }
0x7c: {  	_ =	shalt  }
0x7d: {  	_ =	shalt  }
0x7e: {  	_ =	shalt  }
0x7f: {  	_ =	shalt  }
0x80: {  	_ =	shalt  }
0x81: {  	_ =	shalt  }
0x82: {  	_ =	shalt  }
0x83: {  	_ =	shalt  }
0x84: {  	_ =	shalt  }
0x85: {  	_ =	shalt  }
0x86: {  	_ =	shalt  }
0x87: {  	_ =	shalt  }
.Lfunc_end0:
.L_simem_size_0:
called_computation.4_lowered:
.L_overlay_start_0:
0x88: {  	s2 =	sld [smem:$0x3FD9]  }
0x89: {  	s3 =	sld [smem:$0x3FFE];
	_ =	sdelay $0x1  }
0x8a: {  	s1 =	srdreg.scid  }
0x8b: {  	s0 =	sand.u32 $0x1, s1  }
0x8c: {  	s16 =	sshll.u32 s0, $0xA;
	s2 =	sadd.s32 s3, s2  }
0x8d: {  	s2 =	sadd.s32 s2, s16  }
0x8e: {  	[smem:$0x3FBE] =	sst s2  }
0x8f: {  	_ = 	snop  }
0x90: {  	(tm) =	ssettm $0x1  }
0x91: {  	s17 =	sld [smem:$0x3FFB];
	_ =	sdelay $0x3  }
0x92: {  	_ =	strace s17  }
0x93: {  	s2 =	sld [smem:$0x3FFC];
	_ =	sdelay $0x3  }
0x94: {  	_ =	strace s2  }
0x95: {  	s2 =	sld [smem:$0x3FFD];
	_ =	sdelay $0x3  }
0x96: {  	_ =	strace s2  }
0x97: {  	_ =	strace $0x8FFFFFFF  }
0x98: {  	s18 =	sld [smem:$0x3FDB];
	_ =	sdelay $0x1  }
0x99: {  	s19 =	simm.s32 $_scs_section_size  }
0x9a: {  	s4 =	simm.s32 $_size__tile_overlayer_lowered;
	s5 =	simm.s32 $_tile_overlayer_lowered  }
0x9b: {  	s22 =	simm.s32 $0x1BFF;
	s21 =	sshll.u32 s5, $0x1;
	s2 =	sadd.s32 s19, s18  }
0x9c: {  	s6 =	simm.s32 $0x0;
	s20 =	sshll.u32 s4, $0x1;
	s4 =	sadd.s32 s21, s2  }
0x9d: {  	[timem:s6], [sflag:s22] =	dma.local [hbm:s4], s20  }
0x9e: {  	_ =	swait.ge [sflag:s22], s20  }
0x9f: {  	s3 =	ssub.s32 $0x0, s20;
	[sflag:s22] =	ssyncset.done $0x0  }
0xa0: {  	[sflag:s22] =	ssyncadd.s32 s3;
	_ =	sdelay $0x1  }
0xa1: {  	s23 =	simm.s32 $0x1B8B  }
0xa2: {  	_ =	swait.ge [sflag:s23], $0x1  }
0xa3: {  	[sflag:s23] =	ssyncset.done $0x0  }
0xa4: {  	s25 =	simm.s32 $0x1B8E;
	s24 =	sld [smem:$0x3FFE];
	[sflag:s23] =	ssyncadd.s32 $0xFFFFFFFF  }
0xa5: {  	s26 =	simm.s32 $execute0_lowered;
	[smem:$0x3FD2] =	sst s25  }
0xa6: {  	s4 =	sshll.u32 s26, $0x1;
	_ =	strace $0x80000052;
	[dreg:$0x1] =	wrdreg $0xFFFFFFFF  }
0xa7: {  	s28 =	simm.s32 $_size_execute0_lowered;
	s2 =	sadd.s32 s2, s4;
	[dreg:$0x0] =	wrdreg $0x0  }
0xa8: {  	s4 =	sshll.u32 s28, $0x1;
	[dreg:$0x2] =	wrdreg s2  }
0xa9: {  	[dreg:$0x3] =	wrdreg s4  }
0xaa: {  	[dreg:$0x4] =	wrdreg $0xC0  }
0xab: {  	_ =	task [dreg:s6], $0x5FFFF  }
0xac: {  	[dreg:$0x1] =	wrdreg $0xFFFFFFFF  }
0xad: {  	[dreg:$0x0] =	wrdreg $0x60  }
0xae: {  	[dreg:$0x2] =	wrdreg s24  }
0xaf: {  	[dreg:$0x3] =	wrdreg $0xC0000  }
0xb0: {  	[dreg:$0x4] =	wrdreg $0x9  }
0xb1: {  	_ =	task.clear_ibuf [dreg:s6], $0x5FFFF;
	_ =	strace $0x90000052  }
0xb2: {  	s29 =	simm.s32 $0x9;
	_ =	strace $0x80000054  }
0xb3: {  	_ =	swait.ge [sflag:s29], $0x1  }
0xb4: {  	[sflag:s29] =	ssyncadd.s32 $0xFFFFFFFF  }
0xb5: {  	_ =	strace $0x90000054  }
0xb6: {  	_ =	sfence  }
0xb7: {  	s30 =	sld [smem:$0x0];
	_ =	sdelay $0x2  }
0xb8: {  	s31 =	sshll.u32 s1, $0xD;
	s1 =	sshrl.u32 s1, $0x2  }
0xb9: {  	s3 =	sand.u32 $0x4000, s31;
	s1 =	sadd.s32 s1, s30  }
0xba: {  	s0 =	sor.u32 s3, s0;
	s1 =	sshll.u32 s1, $0x11  }
0xbb: {  	s0 =	sor.u32 s1, s0  }
0xbc: {  	s0 =	sadd.s32 $0x8F2B, s0  }
0xbd: {  	[sflag:s0] =	ssyncadd.remote.s32 $0x1  }
0xbe: {  	_ =	sfence.sel $0xFFFF  }
0xbf: {  	[dreg:$0x0] =	wrdreg $0xFFFFFFFF;
	(pc) =	sbr.abs _section_cstart, $3  }
0xc0: {  	[dreg:$0x1] =	wrdreg $0xFFFFFFFF  }
0xc1: {  	_ =	task.clear_ibuf [dreg:s6], $0x2FFFF;
	_ =	strace $0x9FFFFFFF  }
0xc2: {  	(tm) =	ssettm $0x7FFFFFFF  }
0xc3: {  	_ =	shalt  }
tec
execute0_lowered:
.L_overlay_start_1:
0x0: {  	(tag) =	ssettag $0x1  }
0x1: {  	s0 =	rddreg [dreg:$0x0];
	s1 =	srdreg.scid  }
0x2: {  	s9 =	stileid.u32;
	s2 =	rddreg [dreg:$0x1];
	s3 =	simm.s32 $0x0  }
0x3: {  	s14 =	simm.s32 $0x5000;
	s15 =	simm.s32 $0x5;
	s16 =	simm.s32 $0xA000  }
0x4: {  	s17 =	simm.s32 $0x80;
	s18 =	simm.s32 $0x16000;
	s20 =	simm.s32 $0x18000  }
0x5: {  	s22 =	simm.s32 $0x1A000;
	s24 =	simm.s32 $0x1C000;
	s5 =	smul.u32 $0x5000, s9  }
0x6: {  	s25 =	simm.s32 $0x1;
	s28 =	simm.s32 $0x3;
	s8 =	smul.u32 $0x1400, s9  }
0x7: {  	s29 =	simm.s32 $0x4;
	s1 =	sand.u32 $0x1, s1;
	s9 =	smul.u32 $0x28000, s9  }
0x8: {  	s31 =	simm.s32 $0x4E80;
	s19 =	simm.s32 $0x0;
	s4 =	smul.u32 $0x50000, s1  }
0x9: {  	[smem:$0x7FF] =	sst s3;
	s7 =	smul.u32 $0x14000, s1;
	s1 =	ssub.s32 $0x2, s1  }
0xa: {  	_ =	strace $0x80000053;
	s26 =	sshrl.u32 s1, $0x1;
	s30 =	sshrl.u32 s9, $0x2  }
0xb: {  	s6 =	sadd.s32 s5, s4;
	s4 =	sadd.s32 $0x85200, s0;
	s5 =	sshrl.u32 s5, $0x3  }
0xc: {  	s7 =	sadd.s32 s8, s7;
	s1 =	ssub.s32 s1, s26;
	s26 =	simm.s32 $0x2  }
0xd: {  	s6 =	sshrl.u32 s6, $0x3;
	s10 =	sadd.s32 s5, s0;
	s9 =	smax.u32 s1, $0x1  }
0xe: {  	s1 =	simm.s32 $0x4F00;
	s6 =	sadd.s32 s6, s0;
	s0 =	sadd.s32 s7, s0  }
0xf: {  	s7 =	sadd.s32 s30, s2;
	s5 =	sadd.s32 $0x71200, s6;
	s6 =	sadd.s32 $0x67200, s10  }
0x10: {  	s8 =	sadd.s32 $0xAD200, s0;
	s10 =	sadd.s32 $0x2000, s7;
	s11 =	sadd.s32 $0x4000, s7  }
0x11: {  	v0 =	vimm.f32 $0.0e+00;
	s12 =	sadd.s32 $0x6000, s7;
	s13 =	sadd.s32 $0x8000, s7;
	s0 =	simm.s32 $0x4F80  }
.LBB2_1:
0x12: {  	[tilespmem:s14], [sflag:$0x5] =	stream.linear.gather [hbm4b:s5+s3], $0x5000, $0x38;
	[tilespmem:$0x1E000] =	vst v63  }
0x13: {  	_ =	swait.ge [sflag:s15], $0x5000  }
0x14: {  	[sflag:s15] =	ssyncset.done $0x0  }
0x15: {  	[sflag:s15] =	ssyncadd.s32 $0xFFFFB000  }
0x16: {  	[tilespmem:s3], [sflag:$0x5] =	stream.linear.gather [hbm4b:s6+s3], $0x5000, $0x38;
	[tilespmem:$0x1E000] =	vst v63  }
0x17: {  	_ =	swait.ge [sflag:s15], $0x5000  }
0x18: {  	[sflag:s15] =	ssyncset.done $0x0  }
0x19: {  	s23 =	simm.s32 $0x100;
	s21 =	simm.s32 $0x0;
	[sflag:s15] =	ssyncadd.s32 $0xFFFFB000  }
.LBB2_2:
0x1a: {  	p0 =	sne.s32 s23, $0x7F00;
	[tilespmem:s21+$0xA030] =	vst v0;
	s30 =	smov.u32 s23;
	s23 =	sadd.s32 $0x100, s23  }
.Ltmp0:
0x1b: {  	[tilespmem:s21+$0xA020] =	vst v0;
	(pc) =	sbr.rel @p0 .LBB2_2-.Ltmp0, $3  }
0x1c: {  	[tilespmem:s21+$0xA000] =	vst v0  }
0x1d: {  	[tilespmem:s21+$0xA010] =	vst v0;
	_ =	sdelay $0x1  }
0x1e: {  	s21 =	sshra.s32 s30, $0x2  }
0x1f: {  	[tilespmem:s21+$0xA030] =	vst v0  }
0x20: {  	[tilespmem:s21+$0xA020] =	vst v0  }
0x21: {  	[tilespmem:s21+$0xA000] =	vst v0  }
0x22: {  	[tilespmem:s21+$0xA010] =	vst v0  }
0x23: {  	[spmem:s7] =	stream.linear.scatter [tilespmem:s16], [sflag:$0x5], $0x2000, $0x38;
	[tilespmem:$0x1E000] =	vst v63  }
0x24: {  	_ =	swait.ge [sflag:s15], $0x2000  }
0x25: {  	[sflag:s15] =	ssyncset.done $0x0  }
0x26: {  	[sflag:s15] =	ssyncadd.s32 $0xFFFFE000  }
0x27: {  	[spmem:s10] =	stream.linear.scatter [tilespmem:s16], [sflag:$0x5], $0x2000, $0x38;
	[tilespmem:$0x1E000] =	vst v63  }
0x28: {  	_ =	swait.ge [sflag:s15], $0x2000  }
0x29: {  	[sflag:s15] =	ssyncset.done $0x0  }
0x2a: {  	[sflag:s15] =	ssyncadd.s32 $0xFFFFE000  }
0x2b: {  	[spmem:s11] =	stream.linear.scatter [tilespmem:s16], [sflag:$0x5], $0x2000, $0x38;
	[tilespmem:$0x1E000] =	vst v63  }
0x2c: {  	_ =	swait.ge [sflag:s15], $0x2000  }
0x2d: {  	[sflag:s15] =	ssyncset.done $0x0  }
0x2e: {  	[sflag:s15] =	ssyncadd.s32 $0xFFFFE000  }
0x2f: {  	[spmem:s12] =	stream.linear.scatter [tilespmem:s16], [sflag:$0x5], $0x2000, $0x38;
	[tilespmem:$0x1E000] =	vst v63  }
0x30: {  	_ =	swait.ge [sflag:s15], $0x2000  }
0x31: {  	[sflag:s15] =	ssyncset.done $0x0  }
0x32: {  	[sflag:s15] =	ssyncadd.s32 $0xFFFFE000  }
0x33: {  	[spmem:s13] =	stream.linear.scatter [tilespmem:s16], [sflag:$0x5], $0x2000, $0x38;
	[tilespmem:$0x1E000] =	vst v63  }
0x34: {  	_ =	swait.ge [sflag:s15], $0x2000  }
0x35: {  	[sflag:s15] =	ssyncset.done $0x0  }
0x36: {  	[sflag:s15] =	ssyncadd.s32 $0xFFFFE000  }
0x37: {  	[bflag:$0x0] =	sbarrier.arrive $0xFFFF  }
0x38: {  	[tilespmem:s18], [sflag:$0x1] =	stream.indirect.gather [hbm4b:s4+s17], $0x40, s14, s17, $0xb8;
	[tilespmem:$0x1E000] =	vst v63  }
0x39: {  	s23 =	simm.s32 $0x5080  }
0x3a: {  	[tilespmem:s20], [sflag:$0x2] =	stream.indirect.gather [hbm4b:s4+s17], $0x40, s23, s17, $0xb8;
	[tilespmem:$0x1E000] =	vst v63  }
0x3b: {  	s30 =	simm.s32 $0x5100  }
0x3c: {  	[tilespmem:s22], [sflag:$0x3] =	stream.indirect.gather [hbm4b:s4+s17], $0x40, s30, s17, $0xb8;
	[tilespmem:$0x1E000] =	vst v63  }
0x3d: {  	s23 =	simm.s32 $0x5180  }
0x3e: {  	[tilespmem:s24], [sflag:$0x4] =	stream.indirect.gather [hbm4b:s4+s17], $0x40, s23, s17, $0xb8;
	[tilespmem:$0x1E000] =	vst v63  }
0x3f: {  	_ =	swait.ge [sflag:s25], $0x2000  }
0x40: {  	[sflag:s25] =	ssyncset.done $0x0  }
0x41: {  	s30 =	simm.s32 $0x0;
	[sflag:s25] =	ssyncadd.s32 $0xFFFFE000  }
0x42: {  	[spmem:s2] =	stream.indirect.scatter.add.f32 [tilespmem:s18], [sflag:$0x5], $0x40, s30, s17, $0xb8;
	[tilespmem:$0x1E000] =	vst v63  }
0x43: {  	_ =	swait.ge [sflag:s15], $0x2000  }
0x44: {  	[sflag:s15] =	ssyncset.done $0x0  }
0x45: {  	s23 =	simm.s32 $0x5200;
	[sflag:s15] =	ssyncadd.s32 $0xFFFFE000  }
0x46: {  	[tilespmem:s18], [sflag:$0x1] =	stream.indirect.gather [hbm4b:s4+s17], $0x40, s23, s17, $0xb8;
	[tilespmem:$0x1E000] =	vst v63  }
0x47: {  	_ =	swait.ge [sflag:s26], $0x2000  }
0x48: {  	[sflag:s26] =	ssyncset.done $0x0  }
0x49: {  	s30 =	simm.s32 $0x80;
	[sflag:s26] =	ssyncadd.s32 $0xFFFFE000  }
0x4a: {  	[spmem:s2] =	stream.indirect.scatter.add.f32 [tilespmem:s20], [sflag:$0x5], $0x40, s30, s17, $0xb8;
	[tilespmem:$0x1E000] =	vst v63  }
0x4b: {  	_ =	swait.ge [sflag:s15], $0x2000  }
0x4c: {  	[sflag:s15] =	ssyncset.done $0x0  }
0x4d: {  	s23 =	simm.s32 $0x5280;
	[sflag:s15] =	ssyncadd.s32 $0xFFFFE000  }
0x4e: {  	[tilespmem:s20], [sflag:$0x2] =	stream.indirect.gather [hbm4b:s4+s17], $0x40, s23, s17, $0xb8;
	[tilespmem:$0x1E000] =	vst v63  }
0x4f: {  	_ =	swait.ge [sflag:s28], $0x2000  }
0x50: {  	[sflag:s28] =	ssyncset.done $0x0  }
0x51: {  	s30 =	simm.s32 $0x100;
	[sflag:s28] =	ssyncadd.s32 $0xFFFFE000  }
0x52: {  	[spmem:s2] =	stream.indirect.scatter.add.f32 [tilespmem:s22], [sflag:$0x5], $0x40, s30, s17, $0xb8;
	[tilespmem:$0x1E000] =	vst v63  }
0x53: {  	_ =	swait.ge [sflag:s15], $0x2000  }
0x54: {  	[sflag:s15] =	ssyncset.done $0x0  }
0x55: {  	s23 =	simm.s32 $0x5300;
	[sflag:s15] =	ssyncadd.s32 $0xFFFFE000  }
0x56: {  	[tilespmem:s22], [sflag:$0x3] =	stream.indirect.gather [hbm4b:s4+s17], $0x40, s23, s17, $0xb8;
	[tilespmem:$0x1E000] =	vst v63  }
0x57: {  	_ =	swait.ge [sflag:s29], $0x2000  }
0x58: {  	[sflag:s29] =	ssyncset.done $0x0  }
0x59: {  	s30 =	simm.s32 $0x180;
	[sflag:s29] =	ssyncadd.s32 $0xFFFFE000  }
0x5a: {  	[spmem:s2] =	stream.indirect.scatter.add.f32 [tilespmem:s24], [sflag:$0x5], $0x40, s30, s17, $0xb8;
	[tilespmem:$0x1E000] =	vst v63  }
0x5b: {  	_ =	swait.ge [sflag:s15], $0x2000  }
0x5c: {  	[sflag:s15] =	ssyncset.done $0x0  }
0x5d: {  	s21 =	simm.s32 $0x800;
	s23 =	simm.s32 $0x5380;
	[sflag:s15] =	ssyncadd.s32 $0xFFFFE000  }
.LBB2_4:
0x5e: {  	[tilespmem:s24], [sflag:$0x4] =	stream.indirect.gather [hbm4b:s4+s17], $0x40, s23, s17, $0xb8;
	[tilespmem:$0x1E000] =	vst v63  }
0x5f: {  	s23 =	smov.u32 s21  }
0x60: {  	p0 =	sne.s32 s21, $0x13000;
	s21 =	sadd.s32 $0x800, s21;
	_ =	swait.ge [sflag:s25], $0x2000  }
0x61: {  	[sflag:s25] =	ssyncset.done $0x0  }
0x62: {  	s23 =	sshra.s32 s23, $0x2;
	[sflag:s25] =	ssyncadd.s32 $0xFFFFE000  }
0x63: {  	[spmem:s2] =	stream.indirect.scatter.add.f32 [tilespmem:s18], [sflag:$0x5], $0x40, s23, s17, $0xb8;
	[tilespmem:$0x1E000] =	vst v63  }
0x64: {  	_ =	swait.ge [sflag:s15], $0x2000  }
0x65: {  	[sflag:s15] =	ssyncset.done $0x0  }
0x66: {  	s30 =	sadd.s32 $0x5200, s23;
	[sflag:s15] =	ssyncadd.s32 $0xFFFFE000  }
0x67: {  	[tilespmem:s18], [sflag:$0x1] =	stream.indirect.gather [hbm4b:s4+s17], $0x40, s30, s17, $0xb8;
	[tilespmem:$0x1E000] =	vst v63  }
0x68: {  	_ =	swait.ge [sflag:s26], $0x2000  }
0x69: {  	[sflag:s26] =	ssyncset.done $0x0  }
0x6a: {  	s30 =	sadd.s32 $0x80, s23;
	[sflag:s26] =	ssyncadd.s32 $0xFFFFE000  }
0x6b: {  	[spmem:s2] =	stream.indirect.scatter.add.f32 [tilespmem:s20], [sflag:$0x5], $0x40, s30, s17, $0xb8;
	[tilespmem:$0x1E000] =	vst v63  }
0x6c: {  	_ =	swait.ge [sflag:s15], $0x2000  }
0x6d: {  	[sflag:s15] =	ssyncset.done $0x0  }
0x6e: {  	s30 =	sadd.s32 $0x5280, s23;
	[sflag:s15] =	ssyncadd.s32 $0xFFFFE000  }
0x6f: {  	[tilespmem:s20], [sflag:$0x2] =	stream.indirect.gather [hbm4b:s4+s17], $0x40, s30, s17, $0xb8;
	[tilespmem:$0x1E000] =	vst v63  }
0x70: {  	_ =	swait.ge [sflag:s28], $0x2000  }
0x71: {  	[sflag:s28] =	ssyncset.done $0x0  }
0x72: {  	s30 =	sadd.s32 $0x100, s23;
	[sflag:s28] =	ssyncadd.s32 $0xFFFFE000  }
0x73: {  	[spmem:s2] =	stream.indirect.scatter.add.f32 [tilespmem:s22], [sflag:$0x5], $0x40, s30, s17, $0xb8;
	[tilespmem:$0x1E000] =	vst v63  }
0x74: {  	_ =	swait.ge [sflag:s15], $0x2000  }
0x75: {  	[sflag:s15] =	ssyncset.done $0x0  }
0x76: {  	s30 =	sadd.s32 $0x5300, s23;
	[sflag:s15] =	ssyncadd.s32 $0xFFFFE000  }
0x77: {  	[tilespmem:s22], [sflag:$0x3] =	stream.indirect.gather [hbm4b:s4+s17], $0x40, s30, s17, $0xb8;
	[tilespmem:$0x1E000] =	vst v63  }
0x78: {  	_ =	swait.ge [sflag:s29], $0x2000  }
0x79: {  	[sflag:s29] =	ssyncset.done $0x0  }
.Ltmp1:
0x7a: {  	s30 =	sadd.s32 $0x180, s23;
	[sflag:s29] =	ssyncadd.s32 $0xFFFFE000;
	(pc) =	sbr.rel @p0 .LBB2_4-.Ltmp1, $4  }
0x7b: {  	[spmem:s2] =	stream.indirect.scatter.add.f32 [tilespmem:s24], [sflag:$0x5], $0x40, s30, s17, $0xb8;
	[tilespmem:$0x1E000] =	vst v63  }
0x7c: {  	_ =	swait.ge [sflag:s15], $0x2000  }
0x7d: {  	[sflag:s15] =	ssyncset.done $0x0  }
0x7e: {  	s23 =	sadd.s32 $0x5380, s23;
	[sflag:s15] =	ssyncadd.s32 $0xFFFFE000  }
0x7f: {  	[tilespmem:s24], [sflag:$0x4] =	stream.indirect.gather [hbm4b:s4+s17], $0x40, s23, s17, $0xb8;
	[tilespmem:$0x1E000] =	vst v63  }
0x80: {  	_ =	swait.ge [sflag:s25], $0x2000  }
0x81: {  	[sflag:s25] =	ssyncset.done $0x0  }
0x82: {  	s21 =	simm.s32 $0x4E00;
	[sflag:s25] =	ssyncadd.s32 $0xFFFFE000  }
0x83: {  	[spmem:s2] =	stream.indirect.scatter.add.f32 [tilespmem:s18], [sflag:$0x5], $0x40, s21, s17, $0xb8;
	[tilespmem:$0x1E000] =	vst v63  }
0x84: {  	_ =	swait.ge [sflag:s15], $0x2000  }
0x85: {  	[sflag:s15] =	ssyncset.done $0x0  }
0x86: {  	[sflag:s15] =	ssyncadd.s32 $0xFFFFE000  }
0x87: {  	_ =	swait.ge [sflag:s26], $0x2000  }
0x88: {  	[sflag:s26] =	ssyncset.done $0x0  }
0x89: {  	[sflag:s26] =	ssyncadd.s32 $0xFFFFE000  }
0x8a: {  	[spmem:s2] =	stream.indirect.scatter.add.f32 [tilespmem:s20], [sflag:$0x5], $0x40, s31, s17, $0xb8;
	[tilespmem:$0x1E000] =	vst v63  }
0x8b: {  	_ =	swait.ge [sflag:s15], $0x2000  }
0x8c: {  	[sflag:s15] =	ssyncset.done $0x0  }
0x8d: {  	[sflag:s15] =	ssyncadd.s32 $0xFFFFE000  }
0x8e: {  	_ =	swait.ge [sflag:s28], $0x2000  }
0x8f: {  	[sflag:s28] =	ssyncset.done $0x0  }
0x90: {  	[sflag:s28] =	ssyncadd.s32 $0xFFFFE000  }
0x91: {  	[spmem:s2] =	stream.indirect.scatter.add.f32 [tilespmem:s22], [sflag:$0x5], $0x40, s1, s17, $0xb8;
	[tilespmem:$0x1E000] =	vst v63  }
0x92: {  	_ =	swait.ge [sflag:s15], $0x2000  }
0x93: {  	[sflag:s15] =	ssyncset.done $0x0  }
0x94: {  	[sflag:s15] =	ssyncadd.s32 $0xFFFFE000  }
0x95: {  	_ =	swait.ge [sflag:s29], $0x2000  }
0x96: {  	[sflag:s29] =	ssyncset.done $0x0  }
0x97: {  	[sflag:s29] =	ssyncadd.s32 $0xFFFFE000  }
0x98: {  	[spmem:s2] =	stream.indirect.scatter.add.f32 [tilespmem:s24], [sflag:$0x5], $0x40, s0, s17, $0xb8;
	[tilespmem:$0x1E000] =	vst v63  }
0x99: {  	s23 =	stileid.u32;
	_ =	swait.ge [sflag:s15], $0x2000  }
0x9a: {  	s30 =	sshrl.u32 s7, $0x3;
	s19 =	sadd.s32 $0x1, s19;
	[sflag:s15] =	ssyncset.done $0x0  }
0x9b: {  	p0 =	sne.s32 s19, s9;
	s21 =	sshll.u32 s23, $0x6;
	[sflag:s15] =	ssyncadd.s32 $0xFFFFE000  }
.Ltmp2:
0x9c: {  	s21 =	sor.u32 $0x1C05, s21;
	[bflag:$0x0] =	sbarrier.arrive $0xFFFF;
	(pc) =	sbr.rel @p0 .LBB2_1-.Ltmp2, $4  }
0x9d: {  	[hbm:s8], [sflag:s21] =	dma.local [spmem:s30], $0x1400  }
0x9e: {  	_ =	swait.ge [sflag:s15], $0x1400  }
0x9f: {  	[sflag:s15] =	ssyncset.done $0x0  }
0xa0: {  	[sflag:s15] =	ssyncadd.s32 $0xFFFFEC00  }
0xa1: {  	_ =	sfence.sel $0x180000  }
0xa2: {  	[bflag:$0x0] =	sbarrier.arrive $0xFFFF  }
0xa3: {  	_ =	strace $0x90000053  }
0xa4: {  	s0 =	stileid.u32;
	[bflag:$0x2] =	sbarrier.arrive $0xFFFF  }
0xa5: {  	p0 =	sne.s32 s0, $0x0;
	s0 =	rddreg [dreg:$0x2]  }
0xa6: {  	s0 =	sadd.s32 @!p0 $0x100000, s0  }
0xa7: {  	[sflag:s0] =	ssyncadd.tile.s32 @!p0 $0x1;
	_ =	shalt  }
.Lfunc_end2:
_tile_overlayer_lowered:
.L_overlay_start_2:
0xa8: {  	(tag) =	ssettag $0x2  }
0xa9: {  	s0 =	rddreg [dreg:$0x0];
	s2 =	stileid.u32  }
0xaa: {  	s1 =	rddreg [dreg:$0x1];
	p0 =	sne.s32 s2, $0x0  }
0xab: {  	s3 =	rddreg [dreg:$0x2];
	[bflag:$0x3] =	sbarrier.arrive $0xFFFF;
	s2 =	simm.s32 @!p0 $0x1C05  }
0xac: {  	[timem:s3], [sflag:s2] =	dma.local @!p0 [hbm:s0], s1  }
0xad: {  	s0 =	simm.s32 @!p0 $0x5  }
0xae: {  	_ =	swait.ge @!p0 [sflag:s0], s1  }
0xaf: {  	s1 =	ssub.s32 @!p0 $0x0, s1;
	[sflag:s0] =	ssyncset.done @!p0 $0x0  }
0xb0: {  	[sflag:s0] =	ssyncadd.s32 @!p0 s1  }
0xb1: {  	[bflag:$0x3] =	sbarrier.arrive $0xFFFF  }
0xb2: {  	_ =	shalt  }

// kernel: kernel.29.cloned.1.call-start
scs
__scs_entry_jumppad:
0x0: {  	(pc) =	sbr.rel $0x88, $3  }
0x1: {  	(tag) =	ssettag $0x0;
	lr =	simm.s32 $0x1  }
0x2: {  	[smem:$0x3F97] =	sst lr;
	_ =	strace $0xD0000000  }
0x3: {  	_ = 	snop  }
0x4: {  	_ = 	snop  }
0x5: {  	_ = 	snop  }
0x6: {  	_ = 	snop  }
0x7: {  	_ = 	snop  }
__scs_overlays_trampoline_lowered:
0x8: {  	[smem:$0x3FA6] =	sst s0  }
0x9: {  	[smem:$0x3FA7] =	sst s1  }
0xa: {  	[smem:$0x3FA8] =	sst s2  }
0xb: {  	[smem:$0x3FA9] =	sst s3  }
0xc: {  	[smem:$0x3FAA] =	sst s4  }
0xd: {  	[smem:$0x3FAB] =	sst s5  }
0xe: {  	[smem:$0x3FAC] =	sst s6  }
0xf: {  	[smem:$0x3FAD] =	sst s7  }
0x10: {  	[smem:$0x3FAE] =	sst s8  }
0x11: {  	[smem:$0x3FAF] =	sst s9;
	s0 =	simm.s32 @!p0 $0x0  }
0x12: {  	s1 =	sld [smem:$0x3F95];
	s0 =	simm.s32 @p0 $0x1  }
0x13: {  	[smem:$0x3FB0] =	sst s0;
	s0 =	simm.s32 @!p1 $0x0  }
0x14: {  	s2 =	sld [smem:$0x3F94];
	s0 =	simm.s32 @p1 $0x1  }
0x15: {  	[smem:$0x3FB1] =	sst s0;
	s0 =	simm.s32 @!p2 $0x0  }
0x16: {  	s3 =	sld [smem:$0x3FDB];
	s0 =	simm.s32 @p2 $0x1  }
0x17: {  	s4 =	simm.s32 $0x1BF5;
	[smem:$0x3FB3] =	sst s0  }
0x18: {  	s0 =	sld [smem:$0x3F96];
	_ =	swait.ge [sflag:s4], $0x0  }
0x19: {  	s7 =	sld [smem:$0x3F97]  }
0x1a: {  	s8 =	sadd.s32 $0xFFFFE003, lr  }
0x1b: {  	s9 =	sadd.s32 $0xFFFFFEF7, lr;
	s5 =	simm.s32 $0xFFFFFFFF;
	p2 =	slt.u32 s8, $0xFFFFF086  }
0x1c: {  	p1 =	slt.u32 s9, $0xF7A;
	s5 =	simm.s32 @!p2 $0x0  }
0x1d: {  	s5 =	simm.s32 @p1 $0x1;
	p0 =	seq.s32 s7, s2  }
0x1e: {  	s7 =	smul.u32 @!p0 $0xF7A, s2;
	p2 =	seq.s32 @!p0 s5, $0x0  }
0x1f: {  	s9 =	smul.u32 $0xF7A, s1;
	s8 =	simm.s32 @!p0 $0x1BF5;
	p2 =	por !p2, p0  }
0x20: {  	[sflag:s8] =	ssyncset.s32 @!p0 $0xFFFFF086;
	s6 =	sadd.s32 @!p0 s3, s7;
	s7 =	simm.s32 @!p0 $0x108  }
0x21: {  	s3 =	sadd.s32 s3, s9;
	s6 =	sadd.s32 @!p0 $0x88, s6;
	s7 =	simm.s32 @p2 $0x1082  }
0x22: {  	[simem:s7], [sflag:s8] =	dma.local @!p0 [hbm:s6], $0xF7A  }
0x23: {  	s9 =	sor.u32 $0xD0000000, s2;
	s6 =	simm.s32 $0x108;
	_ =	swait.ge @!p0 [sflag:s8], $0x0  }
0x24: {  	s3 =	sadd.s32 $0x88, s3;
	s6 =	simm.s32 @!p1 $0x1082;
	[sflag:s4] =	ssyncset.s32 $0xFFFFF086  }
0x25: {  	[simem:s6], [sflag:s4] =	dma.local [hbm:s3], $0xF7A  }
0x26: {  	[smem:$0x3F97] =	sst s1;
	(tag) =	ssettag s2;
	_ =	strace s9  }
0x27: {  	s1 =	sld [smem:$0x3FA7]  }
0x28: {  	s2 =	sld [smem:$0x3FA8]  }
0x29: {  	s4 =	sld [smem:$0x3FAA]  }
0x2a: {  	p0 =	seq.s32 s5, $0x0;
	s5 =	sld [smem:$0x3FAB]  }
0x2b: {  	s6 =	sld [smem:$0x3FAC]  }
0x2c: {  	s7 =	sld [smem:$0x3FAD]  }
0x2d: {  	s3 =	simm.s32 $0x108;
	s8 =	sld [smem:$0x3FAE]  }
0x2e: {  	s3 =	simm.s32 @!p0 $0x1082;
	s9 =	sld [smem:$0x3FAF]  }
0x2f: {  	lr =	sadd.s32 s0, s3;
	s0 =	sld [smem:$0x3FA6]  }
0x30: {  	s3 =	sld [smem:$0x3FA9]  }
0x31: {  	[smem:$0x3FB2] =	sst s10  }
0x32: {  	s10 =	sld [smem:$0x3FB0];
	_ =	sdelay $0x3  }
0x33: {  	p0 =	seq.s32 s10, $0x1;
	s10 =	sld [smem:$0x3FB2];
	_ =	sdelay $0x3  }
0x34: {  	[smem:$0x3FB2] =	sst s10  }
0x35: {  	s10 =	sld [smem:$0x3FB1];
	_ =	sdelay $0x3  }
0x36: {  	p1 =	seq.s32 s10, $0x1;
	s10 =	sld [smem:$0x3FB2];
	_ =	sdelay $0x3  }
0x37: {  	[smem:$0x3FB2] =	sst s10  }
0x38: {  	s10 =	sld [smem:$0x3FB3]  }
0x39: {  	_ = 	snop;
	(pc) =	sbr.ind lr, $3  }
0x3a: {  	_ = 	snop  }
0x3b: {  	_ = 	snop  }
0x3c: {  	p2 =	seq.s32 s10, $0x1;
	s10 =	sld [smem:$0x3FB2]  }
0x3d: {  	_ =	shalt  }
0x3e: {  	_ =	shalt  }
0x3f: {  	_ =	shalt  }
0x40: {  	_ =	shalt  }
0x41: {  	_ =	shalt  }
0x42: {  	_ =	shalt  }
0x43: {  	_ =	shalt  }
0x44: {  	_ =	shalt  }
0x45: {  	_ =	shalt  }
0x46: {  	_ =	shalt  }
0x47: {  	_ =	shalt  }
0x48: {  	_ =	shalt  }
0x49: {  	_ =	shalt  }
0x4a: {  	_ =	shalt  }
0x4b: {  	_ =	shalt  }
0x4c: {  	_ =	shalt  }
0x4d: {  	_ =	shalt  }
0x4e: {  	_ =	shalt  }
0x4f: {  	_ =	shalt  }
0x50: {  	_ =	shalt  }
0x51: {  	_ =	shalt  }
0x52: {  	_ =	shalt  }
0x53: {  	_ =	shalt  }
0x54: {  	_ =	shalt  }
0x55: {  	_ =	shalt  }
0x56: {  	_ =	shalt  }
0x57: {  	_ =	shalt  }
0x58: {  	_ =	shalt  }
0x59: {  	_ =	shalt  }
0x5a: {  	_ =	shalt  }
0x5b: {  	_ =	shalt  }
0x5c: {  	_ =	shalt  }
0x5d: {  	_ =	shalt  }
0x5e: {  	_ =	shalt  }
0x5f: {  	_ =	shalt  }
0x60: {  	_ =	shalt  }
0x61: {  	_ =	shalt  }
0x62: {  	_ =	shalt  }
0x63: {  	_ =	shalt  }
0x64: {  	_ =	shalt  }
0x65: {  	_ =	shalt  }
0x66: {  	_ =	shalt  }
0x67: {  	_ =	shalt  }
0x68: {  	_ =	shalt  }
0x69: {  	_ =	shalt  }
0x6a: {  	_ =	shalt  }
0x6b: {  	_ =	shalt  }
0x6c: {  	_ =	shalt  }
0x6d: {  	_ =	shalt  }
0x6e: {  	_ =	shalt  }
0x6f: {  	_ =	shalt  }
0x70: {  	_ =	shalt  }
0x71: {  	_ =	shalt  }
0x72: {  	_ =	shalt  }
0x73: {  	_ =	shalt  }
0x74: {  	_ =	shalt  }
0x75: {  	_ =	shalt  }
0x76: {  	_ =	shalt  }
0x77: {  	_ =	shalt  }
0x78: {  	_ =	shalt  }
0x79: {  	_ =	shalt  }
0x7a: {  	_ =	shalt  }
0x7b: {  	_ =	shalt  }
0x7c: {  	_ =	shalt  }
0x7d: {  	_ =	shalt  }
0x7e: {  	_ =	shalt  }
0x7f: {  	_ =	shalt  }
0x80: {  	_ =	shalt  }
0x81: {  	_ =	shalt  }
0x82: {  	_ =	shalt  }
0x83: {  	_ =	shalt  }
0x84: {  	_ =	shalt  }
0x85: {  	_ =	shalt  }
0x86: {  	_ =	shalt  }
0x87: {  	_ =	shalt  }
.Lfunc_end0:
.L_simem_size_0:
called_computation.5_lowered:
.L_overlay_start_0:
0x88: {  	s2 =	sld [smem:$0x3FD9]  }
0x89: {  	s3 =	sld [smem:$0x3FFE];
	_ =	sdelay $0x1  }
0x8a: {  	s1 =	srdreg.scid  }
0x8b: {  	s0 =	sand.u32 $0x1, s1  }
0x8c: {  	s16 =	sshll.u32 s0, $0xA;
	s2 =	sadd.s32 s3, s2  }
0x8d: {  	s2 =	sadd.s32 s2, s16  }
0x8e: {  	[smem:$0x3FBE] =	sst s2  }
0x8f: {  	_ = 	snop  }
0x90: {  	(tm) =	ssettm $0x1  }
0x91: {  	s17 =	sld [smem:$0x3FFB];
	_ =	sdelay $0x3  }
0x92: {  	_ =	strace s17  }
0x93: {  	s2 =	sld [smem:$0x3FFC];
	_ =	sdelay $0x3  }
0x94: {  	_ =	strace s2  }
0x95: {  	s2 =	sld [smem:$0x3FFD];
	_ =	sdelay $0x3  }
0x96: {  	_ =	strace s2  }
0x97: {  	_ =	strace $0x8FFFFFFF  }
0x98: {  	s18 =	sld [smem:$0x3FDB];
	_ =	sdelay $0x1  }
0x99: {  	s19 =	simm.s32 $_scs_section_size  }
0x9a: {  	s4 =	simm.s32 $_size__tile_overlayer_lowered;
	s5 =	simm.s32 $_tile_overlayer_lowered  }
0x9b: {  	s22 =	simm.s32 $0x1BFF;
	s21 =	sshll.u32 s5, $0x1;
	s2 =	sadd.s32 s19, s18  }
0x9c: {  	s6 =	simm.s32 $0x0;
	s20 =	sshll.u32 s4, $0x1;
	s4 =	sadd.s32 s21, s2  }
0x9d: {  	[timem:s6], [sflag:s22] =	dma.local [hbm:s4], s20  }
0x9e: {  	_ =	swait.ge [sflag:s22], s20  }
0x9f: {  	s3 =	ssub.s32 $0x0, s20;
	[sflag:s22] =	ssyncset.done $0x0  }
0xa0: {  	[sflag:s22] =	ssyncadd.s32 s3;
	_ =	sdelay $0x1  }
0xa1: {  	s23 =	simm.s32 $0x1B8B  }
0xa2: {  	_ =	swait.ge [sflag:s23], $0x1  }
0xa3: {  	[sflag:s23] =	ssyncset.done $0x0  }
0xa4: {  	s25 =	simm.s32 $0x1B8E;
	s24 =	sld [smem:$0x3FFE];
	[sflag:s23] =	ssyncadd.s32 $0xFFFFFFFF  }
0xa5: {  	s26 =	simm.s32 $execute0_lowered;
	[smem:$0x3FD2] =	sst s25  }
0xa6: {  	s4 =	sshll.u32 s26, $0x1;
	_ =	strace $0x80000055;
	[dreg:$0x1] =	wrdreg $0xFFFFFFFF  }
0xa7: {  	s28 =	simm.s32 $_size_execute0_lowered;
	s2 =	sadd.s32 s2, s4;
	[dreg:$0x0] =	wrdreg $0x0  }
0xa8: {  	s4 =	sshll.u32 s28, $0x1;
	[dreg:$0x2] =	wrdreg s2  }
0xa9: {  	[dreg:$0x3] =	wrdreg s4  }
0xaa: {  	[dreg:$0x4] =	wrdreg $0xC0  }
0xab: {  	_ =	task [dreg:s6], $0x5FFFF  }
0xac: {  	[dreg:$0x1] =	wrdreg $0xFFFFFFFF  }
0xad: {  	[dreg:$0x0] =	wrdreg $0x60  }
0xae: {  	[dreg:$0x2] =	wrdreg s24  }
0xaf: {  	[dreg:$0x3] =	wrdreg $0xC0000  }
0xb0: {  	[dreg:$0x4] =	wrdreg $0x9  }
0xb1: {  	_ =	task.clear_ibuf [dreg:s6], $0x5FFFF;
	_ =	strace $0x90000055  }
0xb2: {  	s29 =	simm.s32 $0x9;
	_ =	strace $0x80000057  }
0xb3: {  	_ =	swait.ge [sflag:s29], $0x1  }
0xb4: {  	[sflag:s29] =	ssyncadd.s32 $0xFFFFFFFF  }
0xb5: {  	_ =	strace $0x90000057  }
0xb6: {  	_ =	sfence  }
0xb7: {  	s30 =	sld [smem:$0x0];
	_ =	sdelay $0x2  }
0xb8: {  	s31 =	sshll.u32 s1, $0xD;
	s1 =	sshrl.u32 s1, $0x2  }
0xb9: {  	s3 =	sand.u32 $0x4000, s31;
	s1 =	sadd.s32 s1, s30  }
0xba: {  	s0 =	sor.u32 s3, s0;
	s1 =	sshll.u32 s1, $0x11  }
0xbb: {  	s0 =	sor.u32 s1, s0  }
0xbc: {  	s0 =	sadd.s32 $0x8F2B, s0  }
0xbd: {  	[sflag:s0] =	ssyncadd.remote.s32 $0x1  }
0xbe: {  	_ =	sfence.sel $0xFFFF  }
0xbf: {  	[dreg:$0x0] =	wrdreg $0xFFFFFFFF;
	(pc) =	sbr.abs _section_cstart, $3  }
0xc0: {  	[dreg:$0x1] =	wrdreg $0xFFFFFFFF  }
0xc1: {  	_ =	task.clear_ibuf [dreg:s6], $0x2FFFF;
	_ =	strace $0x9FFFFFFF  }
0xc2: {  	(tm) =	ssettm $0x7FFFFFFF  }
0xc3: {  	_ =	shalt  }
tec
execute0_lowered:
.L_overlay_start_1:
0x0: {  	(tag) =	ssettag $0x1  }
0x1: {  	s0 =	rddreg [dreg:$0x0];
	s1 =	srdreg.scid  }
0x2: {  	s9 =	stileid.u32;
	s2 =	rddreg [dreg:$0x1];
	s3 =	simm.s32 $0x0  }
0x3: {  	s14 =	simm.s32 $0x5000;
	s15 =	simm.s32 $0x5;
	s16 =	simm.s32 $0xA000  }
0x4: {  	s17 =	simm.s32 $0x80;
	s18 =	simm.s32 $0x16000;
	s20 =	simm.s32 $0x18000  }
0x5: {  	s22 =	simm.s32 $0x1A000;
	s24 =	simm.s32 $0x1C000;
	s5 =	smul.u32 $0x5000, s9  }
0x6: {  	s25 =	simm.s32 $0x1;
	s28 =	simm.s32 $0x3;
	s8 =	smul.u32 $0x1400, s9  }
0x7: {  	s29 =	simm.s32 $0x4;
	s1 =	sand.u32 $0x1, s1;
	s9 =	smul.u32 $0x28000, s9  }
0x8: {  	s31 =	simm.s32 $0x4E80;
	s19 =	simm.s32 $0x0;
	s4 =	smul.u32 $0x50000, s1  }
0x9: {  	[smem:$0x7FF] =	sst s3;
	s7 =	smul.u32 $0x14000, s1;
	s1 =	ssub.s32 $0x2, s1  }
0xa: {  	_ =	strace $0x80000056;
	s26 =	sshrl.u32 s1, $0x1;
	s30 =	sshrl.u32 s9, $0x2  }
0xb: {  	s6 =	sadd.s32 s5, s4;
	s4 =	sadd.s32 $0x85200, s0;
	s5 =	sshrl.u32 s5, $0x3  }
0xc: {  	s7 =	sadd.s32 s8, s7;
	s1 =	ssub.s32 s1, s26;
	s26 =	simm.s32 $0x2  }
0xd: {  	s6 =	sshrl.u32 s6, $0x3;
	s10 =	sadd.s32 s5, s0;
	s9 =	smax.u32 s1, $0x1  }
0xe: {  	s1 =	simm.s32 $0x4F00;
	s6 =	sadd.s32 s6, s0;
	s0 =	sadd.s32 s7, s0  }
0xf: {  	s7 =	sadd.s32 s30, s2;
	s5 =	sadd.s32 $0x71200, s6;
	s6 =	sadd.s32 $0x67200, s10  }
0x10: {  	s8 =	sadd.s32 $0xAD200, s0;
	s10 =	sadd.s32 $0x2000, s7;
	s11 =	sadd.s32 $0x4000, s7  }
0x11: {  	v0 =	vimm.f32 $0.0e+00;
	s12 =	sadd.s32 $0x6000, s7;
	s13 =	sadd.s32 $0x8000, s7;
	s0 =	simm.s32 $0x4F80  }
.LBB2_1:
0x12: {  	[tilespmem:s14], [sflag:$0x5] =	stream.linear.gather [hbm4b:s5+s3], $0x5000, $0x38;
	[tilespmem:$0x1E000] =	vst v63  }
0x13: {  	_ =	swait.ge [sflag:s15], $0x5000  }
0x14: {  	[sflag:s15] =	ssyncset.done $0x0  }
0x15: {  	[sflag:s15] =	ssyncadd.s32 $0xFFFFB000  }
0x16: {  	[tilespmem:s3], [sflag:$0x5] =	stream.linear.gather [hbm4b:s6+s3], $0x5000, $0x38;
	[tilespmem:$0x1E000] =	vst v63  }
0x17: {  	_ =	swait.ge [sflag:s15], $0x5000  }
0x18: {  	[sflag:s15] =	ssyncset.done $0x0  }
0x19: {  	s23 =	simm.s32 $0x100;
	s21 =	simm.s32 $0x0;
	[sflag:s15] =	ssyncadd.s32 $0xFFFFB000  }
.LBB2_2:
0x1a: {  	p0 =	sne.s32 s23, $0x7F00;
	[tilespmem:s21+$0xA030] =	vst v0;
	s30 =	smov.u32 s23;
	s23 =	sadd.s32 $0x100, s23  }
.Ltmp0:
0x1b: {  	[tilespmem:s21+$0xA020] =	vst v0;
	(pc) =	sbr.rel @p0 .LBB2_2-.Ltmp0, $3  }
0x1c: {  	[tilespmem:s21+$0xA000] =	vst v0  }
0x1d: {  	[tilespmem:s21+$0xA010] =	vst v0;
	_ =	sdelay $0x1  }
0x1e: {  	s21 =	sshra.s32 s30, $0x2  }
0x1f: {  	[tilespmem:s21+$0xA030] =	vst v0  }
0x20: {  	[tilespmem:s21+$0xA020] =	vst v0  }
0x21: {  	[tilespmem:s21+$0xA000] =	vst v0  }
0x22: {  	[tilespmem:s21+$0xA010] =	vst v0  }
0x23: {  	[spmem:s7] =	stream.linear.scatter [tilespmem:s16], [sflag:$0x5], $0x2000, $0x38;
	[tilespmem:$0x1E000] =	vst v63  }
0x24: {  	_ =	swait.ge [sflag:s15], $0x2000  }
0x25: {  	[sflag:s15] =	ssyncset.done $0x0  }
0x26: {  	[sflag:s15] =	ssyncadd.s32 $0xFFFFE000  }
0x27: {  	[spmem:s10] =	stream.linear.scatter [tilespmem:s16], [sflag:$0x5], $0x2000, $0x38;
	[tilespmem:$0x1E000] =	vst v63  }
0x28: {  	_ =	swait.ge [sflag:s15], $0x2000  }
0x29: {  	[sflag:s15] =	ssyncset.done $0x0  }
0x2a: {  	[sflag:s15] =	ssyncadd.s32 $0xFFFFE000  }
0x2b: {  	[spmem:s11] =	stream.linear.scatter [tilespmem:s16], [sflag:$0x5], $0x2000, $0x38;
	[tilespmem:$0x1E000] =	vst v63  }
0x2c: {  	_ =	swait.ge [sflag:s15], $0x2000  }
0x2d: {  	[sflag:s15] =	ssyncset.done $0x0  }
0x2e: {  	[sflag:s15] =	ssyncadd.s32 $0xFFFFE000  }
0x2f: {  	[spmem:s12] =	stream.linear.scatter [tilespmem:s16], [sflag:$0x5], $0x2000, $0x38;
	[tilespmem:$0x1E000] =	vst v63  }
0x30: {  	_ =	swait.ge [sflag:s15], $0x2000  }
0x31: {  	[sflag:s15] =	ssyncset.done $0x0  }
0x32: {  	[sflag:s15] =	ssyncadd.s32 $0xFFFFE000  }
0x33: {  	[spmem:s13] =	stream.linear.scatter [tilespmem:s16], [sflag:$0x5], $0x2000, $0x38;
	[tilespmem:$0x1E000] =	vst v63  }
0x34: {  	_ =	swait.ge [sflag:s15], $0x2000  }
0x35: {  	[sflag:s15] =	ssyncset.done $0x0  }
0x36: {  	[sflag:s15] =	ssyncadd.s32 $0xFFFFE000  }
0x37: {  	[bflag:$0x0] =	sbarrier.arrive $0xFFFF  }
0x38: {  	[tilespmem:s18], [sflag:$0x1] =	stream.indirect.gather [hbm4b:s4+s17], $0x40, s14, s17, $0xb8;
	[tilespmem:$0x1E000] =	vst v63  }
0x39: {  	s23 =	simm.s32 $0x5080  }
0x3a: {  	[tilespmem:s20], [sflag:$0x2] =	stream.indirect.gather [hbm4b:s4+s17], $0x40, s23, s17, $0xb8;
	[tilespmem:$0x1E000] =	vst v63  }
0x3b: {  	s30 =	simm.s32 $0x5100  }
0x3c: {  	[tilespmem:s22], [sflag:$0x3] =	stream.indirect.gather [hbm4b:s4+s17], $0x40, s30, s17, $0xb8;
	[tilespmem:$0x1E000] =	vst v63  }
0x3d: {  	s23 =	simm.s32 $0x5180  }
0x3e: {  	[tilespmem:s24], [sflag:$0x4] =	stream.indirect.gather [hbm4b:s4+s17], $0x40, s23, s17, $0xb8;
	[tilespmem:$0x1E000] =	vst v63  }
0x3f: {  	_ =	swait.ge [sflag:s25], $0x2000  }
0x40: {  	[sflag:s25] =	ssyncset.done $0x0  }
0x41: {  	s30 =	simm.s32 $0x0;
	[sflag:s25] =	ssyncadd.s32 $0xFFFFE000  }
0x42: {  	[spmem:s2] =	stream.indirect.scatter.add.f32 [tilespmem:s18], [sflag:$0x5], $0x40, s30, s17, $0xb8;
	[tilespmem:$0x1E000] =	vst v63  }
0x43: {  	_ =	swait.ge [sflag:s15], $0x2000  }
0x44: {  	[sflag:s15] =	ssyncset.done $0x0  }
0x45: {  	s23 =	simm.s32 $0x5200;
	[sflag:s15] =	ssyncadd.s32 $0xFFFFE000  }
0x46: {  	[tilespmem:s18], [sflag:$0x1] =	stream.indirect.gather [hbm4b:s4+s17], $0x40, s23, s17, $0xb8;
	[tilespmem:$0x1E000] =	vst v63  }
0x47: {  	_ =	swait.ge [sflag:s26], $0x2000  }
0x48: {  	[sflag:s26] =	ssyncset.done $0x0  }
0x49: {  	s30 =	simm.s32 $0x80;
	[sflag:s26] =	ssyncadd.s32 $0xFFFFE000  }
0x4a: {  	[spmem:s2] =	stream.indirect.scatter.add.f32 [tilespmem:s20], [sflag:$0x5], $0x40, s30, s17, $0xb8;
	[tilespmem:$0x1E000] =	vst v63  }
0x4b: {  	_ =	swait.ge [sflag:s15], $0x2000  }
0x4c: {  	[sflag:s15] =	ssyncset.done $0x0  }
0x4d: {  	s23 =	simm.s32 $0x5280;
	[sflag:s15] =	ssyncadd.s32 $0xFFFFE000  }
0x4e: {  	[tilespmem:s20], [sflag:$0x2] =	stream.indirect.gather [hbm4b:s4+s17], $0x40, s23, s17, $0xb8;
	[tilespmem:$0x1E000] =	vst v63  }
0x4f: {  	_ =	swait.ge [sflag:s28], $0x2000  }
0x50: {  	[sflag:s28] =	ssyncset.done $0x0  }
0x51: {  	s30 =	simm.s32 $0x100;
	[sflag:s28] =	ssyncadd.s32 $0xFFFFE000  }
0x52: {  	[spmem:s2] =	stream.indirect.scatter.add.f32 [tilespmem:s22], [sflag:$0x5], $0x40, s30, s17, $0xb8;
	[tilespmem:$0x1E000] =	vst v63  }
0x53: {  	_ =	swait.ge [sflag:s15], $0x2000  }
0x54: {  	[sflag:s15] =	ssyncset.done $0x0  }
0x55: {  	s23 =	simm.s32 $0x5300;
	[sflag:s15] =	ssyncadd.s32 $0xFFFFE000  }
0x56: {  	[tilespmem:s22], [sflag:$0x3] =	stream.indirect.gather [hbm4b:s4+s17], $0x40, s23, s17, $0xb8;
	[tilespmem:$0x1E000] =	vst v63  }
0x57: {  	_ =	swait.ge [sflag:s29], $0x2000  }
0x58: {  	[sflag:s29] =	ssyncset.done $0x0  }
0x59: {  	s30 =	simm.s32 $0x180;
	[sflag:s29] =	ssyncadd.s32 $0xFFFFE000  }
0x5a: {  	[spmem:s2] =	stream.indirect.scatter.add.f32 [tilespmem:s24], [sflag:$0x5], $0x40, s30, s17, $0xb8;
	[tilespmem:$0x1E000] =	vst v63  }
0x5b: {  	_ =	swait.ge [sflag:s15], $0x2000  }
0x5c: {  	[sflag:s15] =	ssyncset.done $0x0  }
0x5d: {  	s21 =	simm.s32 $0x800;
	s23 =	simm.s32 $0x5380;
	[sflag:s15] =	ssyncadd.s32 $0xFFFFE000  }
.LBB2_4:
0x5e: {  	[tilespmem:s24], [sflag:$0x4] =	stream.indirect.gather [hbm4b:s4+s17], $0x40, s23, s17, $0xb8;
	[tilespmem:$0x1E000] =	vst v63  }
0x5f: {  	s23 =	smov.u32 s21  }
0x60: {  	p0 =	sne.s32 s21, $0x13000;
	s21 =	sadd.s32 $0x800, s21;
	_ =	swait.ge [sflag:s25], $0x2000  }
0x61: {  	[sflag:s25] =	ssyncset.done $0x0  }
0x62: {  	s23 =	sshra.s32 s23, $0x2;
	[sflag:s25] =	ssyncadd.s32 $0xFFFFE000  }
0x63: {  	[spmem:s2] =	stream.indirect.scatter.add.f32 [tilespmem:s18], [sflag:$0x5], $0x40, s23, s17, $0xb8;
	[tilespmem:$0x1E000] =	vst v63  }
0x64: {  	_ =	swait.ge [sflag:s15], $0x2000  }
0x65: {  	[sflag:s15] =	ssyncset.done $0x0  }
0x66: {  	s30 =	sadd.s32 $0x5200, s23;
	[sflag:s15] =	ssyncadd.s32 $0xFFFFE000  }
0x67: {  	[tilespmem:s18], [sflag:$0x1] =	stream.indirect.gather [hbm4b:s4+s17], $0x40, s30, s17, $0xb8;
	[tilespmem:$0x1E000] =	vst v63  }
0x68: {  	_ =	swait.ge [sflag:s26], $0x2000  }
0x69: {  	[sflag:s26] =	ssyncset.done $0x0  }
0x6a: {  	s30 =	sadd.s32 $0x80, s23;
	[sflag:s26] =	ssyncadd.s32 $0xFFFFE000  }
0x6b: {  	[spmem:s2] =	stream.indirect.scatter.add.f32 [tilespmem:s20], [sflag:$0x5], $0x40, s30, s17, $0xb8;
	[tilespmem:$0x1E000] =	vst v63  }
0x6c: {  	_ =	swait.ge [sflag:s15], $0x2000  }
0x6d: {  	[sflag:s15] =	ssyncset.done $0x0  }
0x6e: {  	s30 =	sadd.s32 $0x5280, s23;
	[sflag:s15] =	ssyncadd.s32 $0xFFFFE000  }
0x6f: {  	[tilespmem:s20], [sflag:$0x2] =	stream.indirect.gather [hbm4b:s4+s17], $0x40, s30, s17, $0xb8;
	[tilespmem:$0x1E000] =	vst v63  }
0x70: {  	_ =	swait.ge [sflag:s28], $0x2000  }
0x71: {  	[sflag:s28] =	ssyncset.done $0x0  }
0x72: {  	s30 =	sadd.s32 $0x100, s23;
	[sflag:s28] =	ssyncadd.s32 $0xFFFFE000  }
0x73: {  	[spmem:s2] =	stream.indirect.scatter.add.f32 [tilespmem:s22], [sflag:$0x5], $0x40, s30, s17, $0xb8;
	[tilespmem:$0x1E000] =	vst v63  }
0x74: {  	_ =	swait.ge [sflag:s15], $0x2000  }
0x75: {  	[sflag:s15] =	ssyncset.done $0x0  }
0x76: {  	s30 =	sadd.s32 $0x5300, s23;
	[sflag:s15] =	ssyncadd.s32 $0xFFFFE000  }
0x77: {  	[tilespmem:s22], [sflag:$0x3] =	stream.indirect.gather [hbm4b:s4+s17], $0x40, s30, s17, $0xb8;
	[tilespmem:$0x1E000] =	vst v63  }
0x78: {  	_ =	swait.ge [sflag:s29], $0x2000  }
0x79: {  	[sflag:s29] =	ssyncset.done $0x0  }
.Ltmp1:
0x7a: {  	s30 =	sadd.s32 $0x180, s23;
	[sflag:s29] =	ssyncadd.s32 $0xFFFFE000;
	(pc) =	sbr.rel @p0 .LBB2_4-.Ltmp1, $4  }
0x7b: {  	[spmem:s2] =	stream.indirect.scatter.add.f32 [tilespmem:s24], [sflag:$0x5], $0x40, s30, s17, $0xb8;
	[tilespmem:$0x1E000] =	vst v63  }
0x7c: {  	_ =	swait.ge [sflag:s15], $0x2000  }
0x7d: {  	[sflag:s15] =	ssyncset.done $0x0  }
0x7e: {  	s23 =	sadd.s32 $0x5380, s23;
	[sflag:s15] =	ssyncadd.s32 $0xFFFFE000  }
0x7f: {  	[tilespmem:s24], [sflag:$0x4] =	stream.indirect.gather [hbm4b:s4+s17], $0x40, s23, s17, $0xb8;
	[tilespmem:$0x1E000] =	vst v63  }
0x80: {  	_ =	swait.ge [sflag:s25], $0x2000  }
0x81: {  	[sflag:s25] =	ssyncset.done $0x0  }
0x82: {  	s21 =	simm.s32 $0x4E00;
	[sflag:s25] =	ssyncadd.s32 $0xFFFFE000  }
0x83: {  	[spmem:s2] =	stream.indirect.scatter.add.f32 [tilespmem:s18], [sflag:$0x5], $0x40, s21, s17, $0xb8;
	[tilespmem:$0x1E000] =	vst v63  }
0x84: {  	_ =	swait.ge [sflag:s15], $0x2000  }
0x85: {  	[sflag:s15] =	ssyncset.done $0x0  }
0x86: {  	[sflag:s15] =	ssyncadd.s32 $0xFFFFE000  }
0x87: {  	_ =	swait.ge [sflag:s26], $0x2000  }
0x88: {  	[sflag:s26] =	ssyncset.done $0x0  }
0x89: {  	[sflag:s26] =	ssyncadd.s32 $0xFFFFE000  }
0x8a: {  	[spmem:s2] =	stream.indirect.scatter.add.f32 [tilespmem:s20], [sflag:$0x5], $0x40, s31, s17, $0xb8;
	[tilespmem:$0x1E000] =	vst v63  }
0x8b: {  	_ =	swait.ge [sflag:s15], $0x2000  }
0x8c: {  	[sflag:s15] =	ssyncset.done $0x0  }
0x8d: {  	[sflag:s15] =	ssyncadd.s32 $0xFFFFE000  }
0x8e: {  	_ =	swait.ge [sflag:s28], $0x2000  }
0x8f: {  	[sflag:s28] =	ssyncset.done $0x0  }
0x90: {  	[sflag:s28] =	ssyncadd.s32 $0xFFFFE000  }
0x91: {  	[spmem:s2] =	stream.indirect.scatter.add.f32 [tilespmem:s22], [sflag:$0x5], $0x40, s1, s17, $0xb8;
	[tilespmem:$0x1E000] =	vst v63  }
0x92: {  	_ =	swait.ge [sflag:s15], $0x2000  }
0x93: {  	[sflag:s15] =	ssyncset.done $0x0  }
0x94: {  	[sflag:s15] =	ssyncadd.s32 $0xFFFFE000  }
0x95: {  	_ =	swait.ge [sflag:s29], $0x2000  }
0x96: {  	[sflag:s29] =	ssyncset.done $0x0  }
0x97: {  	[sflag:s29] =	ssyncadd.s32 $0xFFFFE000  }
0x98: {  	[spmem:s2] =	stream.indirect.scatter.add.f32 [tilespmem:s24], [sflag:$0x5], $0x40, s0, s17, $0xb8;
	[tilespmem:$0x1E000] =	vst v63  }
0x99: {  	s23 =	stileid.u32;
	_ =	swait.ge [sflag:s15], $0x2000  }
0x9a: {  	s30 =	sshrl.u32 s7, $0x3;
	s19 =	sadd.s32 $0x1, s19;
	[sflag:s15] =	ssyncset.done $0x0  }
0x9b: {  	p0 =	sne.s32 s19, s9;
	s21 =	sshll.u32 s23, $0x6;
	[sflag:s15] =	ssyncadd.s32 $0xFFFFE000  }
.Ltmp2:
0x9c: {  	s21 =	sor.u32 $0x1C05, s21;
	[bflag:$0x0] =	sbarrier.arrive $0xFFFF;
	(pc) =	sbr.rel @p0 .LBB2_1-.Ltmp2, $4  }
0x9d: {  	[hbm:s8], [sflag:s21] =	dma.local [spmem:s30], $0x1400  }
0x9e: {  	_ =	swait.ge [sflag:s15], $0x1400  }
0x9f: {  	[sflag:s15] =	ssyncset.done $0x0  }
0xa0: {  	[sflag:s15] =	ssyncadd.s32 $0xFFFFEC00  }
0xa1: {  	_ =	sfence.sel $0x180000  }
0xa2: {  	[bflag:$0x0] =	sbarrier.arrive $0xFFFF  }
0xa3: {  	_ =	strace $0x90000056  }
0xa4: {  	s0 =	stileid.u32;
	[bflag:$0x2] =	sbarrier.arrive $0xFFFF  }
0xa5: {  	p0 =	sne.s32 s0, $0x0;
	s0 =	rddreg [dreg:$0x2]  }
0xa6: {  	s0 =	sadd.s32 @!p0 $0x100000, s0  }
0xa7: {  	[sflag:s0] =	ssyncadd.tile.s32 @!p0 $0x1;
	_ =	shalt  }
.Lfunc_end2:
_tile_overlayer_lowered:
.L_overlay_start_2:
0xa8: {  	(tag) =	ssettag $0x2  }
0xa9: {  	s0 =	rddreg [dreg:$0x0];
	s2 =	stileid.u32  }
0xaa: {  	s1 =	rddreg [dreg:$0x1];
	p0 =	sne.s32 s2, $0x0  }
0xab: {  	s3 =	rddreg [dreg:$0x2];
	[bflag:$0x3] =	sbarrier.arrive $0xFFFF;
	s2 =	simm.s32 @!p0 $0x1C05  }
0xac: {  	[timem:s3], [sflag:s2] =	dma.local @!p0 [hbm:s0], s1  }
0xad: {  	s0 =	simm.s32 @!p0 $0x5  }
0xae: {  	_ =	swait.ge @!p0 [sflag:s0], s1  }
0xaf: {  	s1 =	ssub.s32 @!p0 $0x0, s1;
	[sflag:s0] =	ssyncset.done @!p0 $0x0  }
0xb0: {  	[sflag:s0] =	ssyncadd.s32 @!p0 s1  }
0xb1: {  	[bflag:$0x3] =	sbarrier.arrive $0xFFFF  }
0xb2: {  	_ =	shalt  }

</sc_bundles>
